<compile_context>
chip_gen: v7x
topology: tpu7x:2x2x1
jax: 0.10.2.dev20260603
libtpu: 0.0.44.dev20260713+nightly
codegen_flags: <defaults>
</compile_context>

<pallas_src>
import functools

import jax
import jax.numpy as jnp
from jax import lax
from jax.experimental import pallas as pl
from jax.experimental.pallas import tpu as pltpu
from jax.experimental.pallas import tpu_sc as plsc

_NW = 32


def _sc_gather(xyzTf, idxP, distP, b0, bh):
    B, N3 = xyzTf.shape
    N = N3 // 3
    K = idxP.shape[1]
    KPW = (bh * K) // _NW
    WPB = _NW // bh
    NV = N // 16
    mesh = plsc.VectorSubcoreMesh(core_axis_name="c", subcore_axis_name="s")

    @functools.partial(
        pl.kernel,
        mesh=mesh,
        compiler_params=pltpu.CompilerParams(needs_layout_passes=False),
        out_type=jax.ShapeDtypeStruct((bh, K, 4 * N), jnp.float32),
        scratch_types=[
            pltpu.VMEM((3 * N,), jnp.float32),
            pltpu.VMEM((N,), jnp.int32),
            pltpu.VMEM((4 * N,), jnp.float32),
        ],
    )
    def k(xyzT_hbm, idx_hbm, dist_hbm, out_hbm, xyz_v, idx_v, f4_v):
        wid = lax.axis_index("s") * 2 + lax.axis_index("c")
        bl = wid // WPB
        k0 = (wid % WPB) * KPW
        pltpu.sync_copy(xyzT_hbm.at[b0 + bl], xyz_v)
        for dk in range(KPW):
            kk = k0 + dk
            pltpu.sync_copy(idx_hbm.at[b0 + bl, kk], idx_v)
            pltpu.sync_copy(dist_hbm.at[b0 + bl, kk], f4_v.at[pl.ds(3 * N, N)])

            def body(i, carry):
                iv = idx_v[pl.ds(i * 16, 16)]
                for c in range(3):
                    g = plsc.load_gather(xyz_v, [iv + (c * N)])
                    f4_v[pl.ds(c * N + i * 16, 16)] = g
                return carry

            lax.fori_loop(0, NV, body, 0)
            pltpu.sync_copy(f4_v, out_hbm.at[bl, kk])

    return k(xyzTf, idxP, distP)


def _cct_body(xyz_ref, at_ref, b1_ref, out_ref):
    out_ref[0] = jnp.dot(at_ref[...], xyz_ref[0],
                         preferred_element_type=jnp.float32) + b1_ref[...]


def _cct(xyzT, AT, b1col):
    B, _, N = xyzT.shape
    dim = AT.shape[0]
    return pl.pallas_call(
        _cct_body,
        grid=(B,),
        in_specs=[
            pl.BlockSpec((1, 3, N), lambda b: (b, 0, 0)),
            pl.BlockSpec((dim, 3), lambda b: (0, 0)),
            pl.BlockSpec((dim, 1), lambda b: (0, 0)),
        ],
        out_specs=pl.BlockSpec((1, dim, N), lambda b: (b, 0, 0)),
        out_shape=jax.ShapeDtypeStruct((B, dim, N), jnp.float32),
    )(xyzT, AT, b1col)


_KB = 16


def _mlp_body(f4_ref, cct_ref, wn_ref, w2_ref, b2_ref, out_ref):
    cct = cct_ref[0]
    for j in range(_KB):
        ht = jnp.dot(wn_ref[...], f4_ref[0, j],
                     preferred_element_type=jnp.float32) + cct
        ht = jnp.maximum(ht, 0.0).astype(jnp.bfloat16)
        out_ref[0, j] = jnp.dot(w2_ref[...], ht,
                                preferred_element_type=jnp.float32) + b2_ref[...]


def _mlp_alias_body(f4_ref, cct_ref, wn_ref, w2_ref, b2_ref, buf_ref, out_ref):
    _mlp_body(f4_ref, cct_ref, wn_ref, w2_ref, b2_ref, out_ref)


def _mlp(F4h, CcT, Wxn4T, W2T, b2col, b0, buf=None):
    bh, K, N4 = F4h.shape
    N = N4 // 4
    B = CcT.shape[0]
    dim = W2T.shape[0]
    F4h = F4h.reshape(bh, K, 4, N)
    in_specs = [
        pl.BlockSpec((1, _KB, 4, N), lambda b, k: (b, k, 0, 0)),
        pl.BlockSpec((1, dim, N), lambda b, k: (b0 + b, 0, 0)),
        pl.BlockSpec((dim, 4), lambda b, k: (0, 0)),
        pl.BlockSpec((dim, dim), lambda b, k: (0, 0)),
        pl.BlockSpec((dim, 1), lambda b, k: (0, 0)),
    ]
    args = [F4h, CcT, Wxn4T, W2T, b2col]
    kwargs = {}
    body = _mlp_body
    if buf is not None:
        in_specs.append(pl.BlockSpec(memory_space=pl.MemorySpace.ANY))
        args.append(buf)
        kwargs["input_output_aliases"] = {5: 0}
        body = _mlp_alias_body
    return pl.pallas_call(
        body,
        grid=(bh, K // _KB),
        in_specs=in_specs,
        out_specs=pl.BlockSpec((1, _KB, dim, N),
                               lambda b, k: (b0 + b, k, 0, 0)),
        out_shape=jax.ShapeDtypeStruct((B, K, dim, N), jnp.float32),
        **kwargs,
    )(*args)


def kernel(xyz, idx, dist, W1, b1, W2, b2, num_neighbors=16):
    B, N, K = idx.shape
    xyzT = jnp.transpose(xyz, (0, 2, 1))
    xyzTf = xyzT.reshape(B, 3 * N)
    idxP = jnp.transpose(idx, (0, 2, 1))
    distP = jnp.transpose(dist, (0, 2, 1))
    A = W1[0:3] + W1[6:9]
    Bm = W1[3:6] - W1[6:9]
    AT = A.T
    Wxn4T = jnp.concatenate([Bm.T, W1[9:10].T], axis=1)
    b1col = b1[:, None]
    b2col = b2[:, None]
    W2T = W2.T.astype(jnp.bfloat16)
    nsplit = 4
    bh = B // nsplit
    F4s = [_sc_gather(xyzTf, idxP, distP, s * bh, bh) for s in range(nsplit)]
    CcT = _cct(xyzT, AT, b1col)
    buf = _mlp(F4s[0], CcT, Wxn4T, W2T, b2col, 0)
    for s in range(1, nsplit):
        buf = _mlp(F4s[s], CcT, Wxn4T, W2T, b2col, s * bh, buf)
    return jnp.transpose(buf, (0, 3, 1, 2))

# --- scband reference (transcript-rebuilt; emitter-appended) ---
"""Pipeline reference for scband-point-position-embedding-76656576299160 (READ-ONLY COPY).

The authoritative reference and input builder live on the scoring server;
editing this copy changes nothing except your own understanding.
"""

import jax, jax.numpy as jnp
import numpy as np


def setup_inputs(seed: int = 0) -> dict:
    key = jax.random.key(seed)
    k1, k2, k3, k4, k5 = jax.random.split(key, 5)
    B, N, K = 16, 4096, 16
    dim, hidden_dim = 64, 64
    xyz = jax.random.normal(k1, (B, N, 3), dtype=jnp.float32)
    idx = jax.random.randint(k2, (B, N, K), 0, N, dtype=jnp.int32)
    dist = jax.random.uniform(k3, (B, N, K), dtype=jnp.float32)
    W1 = jax.random.normal(k4, (10, hidden_dim), dtype=jnp.float32) * 0.1
    b1 = jnp.zeros((hidden_dim,), dtype=jnp.float32)
    W2 = jax.random.normal(k5, (hidden_dim, dim), dtype=jnp.float32) * 0.1
    b2 = jnp.zeros((dim,), dtype=jnp.float32)
    return {"xyz": xyz, "idx": idx, "dist": dist,
            "W1": W1, "b1": b1, "W2": W2, "b2": b2,
            "num_neighbors": 16}


def reference(xyz, idx, dist, W1, b1, W2, b2, num_neighbors=16):
    # xyz: [B, N, 3]; idx: [B, N, K]; dist: [B, N, K] (global sth2.dist in torch)
    B, N, K = idx.shape
    extended_idx = jnp.broadcast_to(idx[:, None, :, :], (B, 3, N, K))
    extended_xyz = jnp.broadcast_to(
        jnp.transpose(xyz, (0, 2, 1))[:, :, :, None], (B, 3, N, K))
    # torch.gather(extended_xyz, 2, extended_idx)
    neighbors = jnp.take_along_axis(extended_xyz, extended_idx, axis=2)
    concat = jnp.concatenate(
        [extended_xyz, neighbors, extended_xyz - neighbors, dist[:, None, :, :]],
        axis=1).astype(jnp.float32)  # [B, 10, N, K]
    h = jnp.transpose(concat, (0, 2, 3, 1))  # [B, N, K, 10]
    h = jnp.maximum(jnp.dot(h, W1) + b1, 0.0)
    out = jnp.dot(h, W2) + b2  # [B, N, K, dim]
    return out

if __name__ == "__main__":
    import jax
    _d = setup_inputs()
    print(jax.jit(kernel)(*tuple(_d.values())))

</pallas_src>

<mosaic_0001>
#map = affine_map<(d0, d1) -> (0, 0)>
#map1 = affine_map<(d0, d1) -> (0, 0, 0)>
module attributes {stable_mosaic.version = 14 : i64} {
  func.func @k(%arg0: i32, %arg1: i32, %arg2: memref<16x12288xf32, #tpu.memory_space<hbm>>, %arg3: memref<16x16x4096xi32, #tpu.memory_space<hbm>>, %arg4: memref<16x16x4096xf32, #tpu.memory_space<hbm>>, %arg5: memref<4x16x16384xf32, #tpu.memory_space<hbm>>, %arg6: memref<12288xf32, #tpu.memory_space<vmem>>, %arg7: memref<4096xi32, #tpu.memory_space<vmem>>, %arg8: memref<16384xf32, #tpu.memory_space<vmem>>) attributes {dimension_semantics = [#tpu.dimension_semantics<core_parallel>, #tpu.dimension_semantics<subcore_parallel>], iteration_bounds = array<i64: 2, 16>, scalar_prefetch = 0 : i64, scratch_operands = 3 : i64, tpu.core_type = #tpu.core_type<sc_vector_subcore>, window_params = [{transform_indices = #map}, {transform_indices = #map1}, {transform_indices = #map1}, {transform_indices = #map1}]} {
    %mul3A = arith.constant 2 : i32
    %mul3A_0 = arith.muli %arg1, %mul3A : i32
    %add3A = arith.addi %mul3A_0, %arg0 : i32
    %jit3A = arith.constant 8 : i32
    %div3A = arith.divsi %add3A, %jit3A : i32
    %sign3A = arith.constant 0 : i32
    %sign3A_1 = arith.cmpi sgt, %add3A, %sign3A : i32
    %sign3A_2 = arith.extui %sign3A_1 : i1 to i32
    %sign3A_3 = arith.constant 0 : i32
    %sign3A_4 = arith.cmpi slt, %add3A, %sign3A_3 : i32
    %sign3A_5 = arith.extui %sign3A_4 : i1 to i32
    %sign3A_6 = arith.subi %sign3A_2, %sign3A_5 : i32
    %sign3A_7 = arith.constant 0 : i32
    %sign3A_8 = arith.cmpi sgt, %jit3A, %sign3A_7 : i32
    %sign3A_9 = arith.extui %sign3A_8 : i1 to i32
    %sign3A_10 = arith.constant 0 : i32
    %sign3A_11 = arith.cmpi slt, %jit3A, %sign3A_10 : i32
    %sign3A_12 = arith.extui %sign3A_11 : i1 to i32
    %sign3A_13 = arith.subi %sign3A_9, %sign3A_12 : i32
    %ne3A = arith.cmpi ne, %sign3A_6, %sign3A_13 : i32
    %rem3A = arith.remsi %add3A, %jit3A : i32
    %ne3A_14 = arith.constant 0 : i32
    %ne3A_15 = arith.cmpi ne, %rem3A, %ne3A_14 : i32
    %and3A = arith.andi %ne3A, %ne3A_15 : i1
    %sub3A = arith.constant 1 : i32
    %sub3A_16 = arith.subi %div3A, %sub3A : i32
    %select_n3A = arith.select %and3A, %sub3A_16, %div3A : i32
    %jit3A_17 = arith.constant 8 : i32
    %eq3A = arith.constant 0 : i32
    %eq3A_18 = arith.cmpi eq, %jit3A_17, %eq3A : i32
    %jit3A_19 = arith.constant 1 : i32
    %select_n3A_20 = arith.select %eq3A_18, %jit3A_19, %jit3A_17 : i32
    %rem3A_21 = arith.remsi %add3A, %select_n3A_20 : i32
    %ne3A_22 = arith.constant 0 : i32
    %ne3A_23 = arith.cmpi ne, %rem3A_21, %ne3A_22 : i32
    %lt3A = arith.constant 0 : i32
    %lt3A_24 = arith.cmpi slt, %rem3A_21, %lt3A : i32
    %lt3A_25 = arith.constant 0 : i32
    %lt3A_26 = arith.cmpi slt, %select_n3A_20, %lt3A_25 : i32
    %ne3A_27 = arith.xori %lt3A_24, %lt3A_26 : i1
    %and3A_28 = arith.andi %ne3A_27, %ne3A_23 : i1
    %add3A_29 = arith.addi %rem3A_21, %select_n3A_20 : i32
    %select_n3A_30 = arith.select %and3A_28, %add3A_29, %rem3A_21 : i32
    %mul3A_31 = arith.constant 2 : i32
    %mul3A_32 = arith.muli %select_n3A_30, %mul3A_31 : i32
    %add3A_33 = arith.constant 0 : i32
    %add3A_34 = arith.addi %add3A_33, %select_n3A : i32
    "tpu.region"() ({
      %run_scoped3A = tpu.sem_alloc : memref<!tpu.dma_semaphore, #tpu.memory_space<semaphore_mem>>
      %dma_start3A = arith.constant 0 : i32
      %dma_start3A_58 = tpu.memref_slice %arg2[%add3A_34, %dma_start3A] : memref<16x12288xf32, #tpu.memory_space<hbm>> -> memref<1x12288xf32, #tpu.memory_space<hbm>>
      %dma_start3A_59 = tpu.memref_squeeze %dma_start3A_58 : memref<1x12288xf32, #tpu.memory_space<hbm>> -> memref<12288xf32, #tpu.memory_space<hbm>>
      %dma_start3A_60 = arith.constant 0 : i32
      %dma_start3A_61 = tpu.memref_slice %arg2[%add3A_34, %dma_start3A_60] : memref<16x12288xf32, #tpu.memory_space<hbm>> -> memref<1x12288xf32, #tpu.memory_space<hbm>>
      %dma_start3A_62 = tpu.memref_squeeze %dma_start3A_61 : memref<1x12288xf32, #tpu.memory_space<hbm>> -> memref<12288xf32, #tpu.memory_space<hbm>>
      tpu.enqueue_dma source(%dma_start3A_62 : memref<12288xf32, #tpu.memory_space<hbm>>) target(%arg6 : memref<12288xf32, #tpu.memory_space<vmem>>) target_semaphore(%run_scoped3A : memref<!tpu.dma_semaphore, #tpu.memory_space<semaphore_mem>>)
      %dma_wait3A = arith.constant 0 : i32
      %dma_wait3A_63 = tpu.memref_slice %arg2[%add3A_34, %dma_wait3A] : memref<16x12288xf32, #tpu.memory_space<hbm>> -> memref<1x12288xf32, #tpu.memory_space<hbm>>
      %dma_wait3A_64 = tpu.memref_squeeze %dma_wait3A_63 : memref<1x12288xf32, #tpu.memory_space<hbm>> -> memref<12288xf32, #tpu.memory_space<hbm>>
      %dma_wait3A_65 = arith.constant 0 : i32
      %dma_wait3A_66 = tpu.memref_slice %arg2[%add3A_34, %dma_wait3A_65] : memref<16x12288xf32, #tpu.memory_space<hbm>> -> memref<1x12288xf32, #tpu.memory_space<hbm>>
      %dma_wait3A_67 = tpu.memref_squeeze %dma_wait3A_66 : memref<1x12288xf32, #tpu.memory_space<hbm>> -> memref<12288xf32, #tpu.memory_space<hbm>>
      tpu.wait_dma2 semaphore(%run_scoped3A : memref<!tpu.dma_semaphore, #tpu.memory_space<semaphore_mem>>) src(%dma_wait3A_67 : memref<12288xf32, #tpu.memory_space<hbm>>) dst(%arg6 : memref<12288xf32, #tpu.memory_space<vmem>>)
      tpu.yield
    }) : () -> ()
    %add3A_35 = arith.constant 0 : i32
    %add3A_36 = arith.addi %mul3A_32, %add3A_35 : i32
    %add3A_37 = arith.constant 0 : i32
    %add3A_38 = arith.addi %add3A_37, %select_n3A : i32
    "tpu.region"() ({
      %run_scoped3A = tpu.sem_alloc : memref<!tpu.dma_semaphore, #tpu.memory_space<semaphore_mem>>
      %dma_start3A = arith.constant 0 : i32
      %dma_start3A_58 = tpu.memref_slice %arg3[%add3A_38, %add3A_36, %dma_start3A] : memref<16x16x4096xi32, #tpu.memory_space<hbm>> -> memref<1x1x4096xi32, #tpu.memory_space<hbm>>
      %dma_start3A_59 = tpu.memref_squeeze %dma_start3A_58 : memref<1x1x4096xi32, #tpu.memory_space<hbm>> -> memref<4096xi32, #tpu.memory_space<hbm>>
      %dma_start3A_60 = arith.constant 0 : i32
      %dma_start3A_61 = tpu.memref_slice %arg3[%add3A_38, %add3A_36, %dma_start3A_60] : memref<16x16x4096xi32, #tpu.memory_space<hbm>> -> memref<1x1x4096xi32, #tpu.memory_space<hbm>>
      %dma_start3A_62 = tpu.memref_squeeze %dma_start3A_61 : memref<1x1x4096xi32, #tpu.memory_space<hbm>> -> memref<4096xi32, #tpu.memory_space<hbm>>
      tpu.enqueue_dma source(%dma_start3A_62 : memref<4096xi32, #tpu.memory_space<hbm>>) target(%arg7 : memref<4096xi32, #tpu.memory_space<vmem>>) target_semaphore(%run_scoped3A : memref<!tpu.dma_semaphore, #tpu.memory_space<semaphore_mem>>)
      %dma_wait3A = arith.constant 0 : i32
      %dma_wait3A_63 = tpu.memref_slice %arg3[%add3A_38, %add3A_36, %dma_wait3A] : memref<16x16x4096xi32, #tpu.memory_space<hbm>> -> memref<1x1x4096xi32, #tpu.memory_space<hbm>>
      %dma_wait3A_64 = tpu.memref_squeeze %dma_wait3A_63 : memref<1x1x4096xi32, #tpu.memory_space<hbm>> -> memref<4096xi32, #tpu.memory_space<hbm>>
      %dma_wait3A_65 = arith.constant 0 : i32
      %dma_wait3A_66 = tpu.memref_slice %arg3[%add3A_38, %add3A_36, %dma_wait3A_65] : memref<16x16x4096xi32, #tpu.memory_space<hbm>> -> memref<1x1x4096xi32, #tpu.memory_space<hbm>>
      %dma_wait3A_67 = tpu.memref_squeeze %dma_wait3A_66 : memref<1x1x4096xi32, #tpu.memory_space<hbm>> -> memref<4096xi32, #tpu.memory_space<hbm>>
      tpu.wait_dma2 semaphore(%run_scoped3A : memref<!tpu.dma_semaphore, #tpu.memory_space<semaphore_mem>>) src(%dma_wait3A_67 : memref<4096xi32, #tpu.memory_space<hbm>>) dst(%arg7 : memref<4096xi32, #tpu.memory_space<vmem>>)
      tpu.yield
    }) : () -> ()
    %add3A_39 = arith.constant 0 : i32
    %add3A_40 = arith.addi %add3A_39, %select_n3A : i32
    "tpu.region"() ({
      %run_scoped3A = tpu.sem_alloc : memref<!tpu.dma_semaphore, #tpu.memory_space<semaphore_mem>>
      %dma_start3A = arith.constant 12288 : i32
      %dma_start3A_58 = tpu.memref_slice %arg8[%dma_start3A] : memref<16384xf32, #tpu.memory_space<vmem>> -> memref<4096xf32, #tpu.memory_space<vmem>>
      %dma_start3A_59 = arith.constant 0 : i32
      %dma_start3A_60 = tpu.memref_slice %arg4[%add3A_40, %add3A_36, %dma_start3A_59] : memref<16x16x4096xf32, #tpu.memory_space<hbm>> -> memref<1x1x4096xf32, #tpu.memory_space<hbm>>
      %dma_start3A_61 = tpu.memref_squeeze %dma_start3A_60 : memref<1x1x4096xf32, #tpu.memory_space<hbm>> -> memref<4096xf32, #tpu.memory_space<hbm>>
      %dma_start3A_62 = arith.constant 12288 : i32
      %dma_start3A_63 = tpu.memref_slice %arg8[%dma_start3A_62] : memref<16384xf32, #tpu.memory_space<vmem>> -> memref<4096xf32, #tpu.memory_space<vmem>>
      %dma_start3A_64 = arith.constant 0 : i32
      %dma_start3A_65 = tpu.memref_slice %arg4[%add3A_40, %add3A_36, %dma_start3A_64] : memref<16x16x4096xf32, #tpu.memory_space<hbm>> -> memref<1x1x4096xf32, #tpu.memory_space<hbm>>
      %dma_start3A_66 = tpu.memref_squeeze %dma_start3A_65 : memref<1x1x4096xf32, #tpu.memory_space<hbm>> -> memref<4096xf32, #tpu.memory_space<hbm>>
      tpu.enqueue_dma source(%dma_start3A_66 : memref<4096xf32, #tpu.memory_space<hbm>>) target(%dma_start3A_63 : memref<4096xf32, #tpu.memory_space<vmem>>) target_semaphore(%run_scoped3A : memref<!tpu.dma_semaphore, #tpu.memory_space<semaphore_mem>>)
      %dma_wait3A = arith.constant 12288 : i32
      %dma_wait3A_67 = tpu.memref_slice %arg8[%dma_wait3A] : memref<16384xf32, #tpu.memory_space<vmem>> -> memref<4096xf32, #tpu.memory_space<vmem>>
      %dma_wait3A_68 = arith.constant 0 : i32
      %dma_wait3A_69 = tpu.memref_slice %arg4[%add3A_40, %add3A_36, %dma_wait3A_68] : memref<16x16x4096xf32, #tpu.memory_space<hbm>> -> memref<1x1x4096xf32, #tpu.memory_space<hbm>>
      %dma_wait3A_70 = tpu.memref_squeeze %dma_wait3A_69 : memref<1x1x4096xf32, #tpu.memory_space<hbm>> -> memref<4096xf32, #tpu.memory_space<hbm>>
      %dma_wait3A_71 = arith.constant 12288 : i32
      %dma_wait3A_72 = tpu.memref_slice %arg8[%dma_wait3A_71] : memref<16384xf32, #tpu.memory_space<vmem>> -> memref<4096xf32, #tpu.memory_space<vmem>>
      %dma_wait3A_73 = arith.constant 0 : i32
      %dma_wait3A_74 = tpu.memref_slice %arg4[%add3A_40, %add3A_36, %dma_wait3A_73] : memref<16x16x4096xf32, #tpu.memory_space<hbm>> -> memref<1x1x4096xf32, #tpu.memory_space<hbm>>
      %dma_wait3A_75 = tpu.memref_squeeze %dma_wait3A_74 : memref<1x1x4096xf32, #tpu.memory_space<hbm>> -> memref<4096xf32, #tpu.memory_space<hbm>>
      tpu.wait_dma2 semaphore(%run_scoped3A : memref<!tpu.dma_semaphore, #tpu.memory_space<semaphore_mem>>) src(%dma_wait3A_75 : memref<4096xf32, #tpu.memory_space<hbm>>) dst(%dma_wait3A_72 : memref<4096xf32, #tpu.memory_space<vmem>>)
      tpu.yield
    }) : () -> ()
    %scan3A = arith.constant 0 : i32
    %scan3A_41 = arith.constant 0 : i32
    %scan3A_42 = arith.constant 256 : i32
    %scan3A_43 = arith.addi %scan3A_41, %scan3A_42 : i32
    %scan3A_44 = arith.constant 1 : i32
    scf.for %scan3A_58 = %scan3A_41 to %scan3A_43 step %scan3A_44  : i32 {
      %mul3A_59 = arith.constant 16 : i32
      %mul3A_60 = arith.muli %scan3A_58, %mul3A_59 : i32
      %get3A = arith.index_cast %mul3A_60 : i32 to index
      %get3A_61 = tpu.vector_load %arg7[%get3A] {strides = array<i32>} : memref<4096xi32, #tpu.memory_space<vmem>>, vector<16xi32>,
      %add3A_62 = arith.constant 0 : i32
      %add3A_63 = vector.broadcast %add3A_62 : i32 to vector<16xi32>
      %add3A_64 = arith.addi %get3A_61, %add3A_63 : vector<16xi32>
      %gather3A = tpu.vector_load_idx %arg6[%add3A_64] : memref<12288xf32, #tpu.memory_space<vmem>>[vector<16xi32>], vector<16xf32>,
      %mul3A_65 = arith.constant 16 : i32
      %mul3A_66 = arith.muli %scan3A_58, %mul3A_65 : i32
      %add3A_67 = arith.constant 0 : i32
      %add3A_68 = arith.addi %add3A_67, %mul3A_66 : i32
      %swap3A = arith.index_cast %add3A_68 : i32 to index
      %swap3A_69 = tpu.vector_load %arg8[%swap3A] {strides = array<i32>} : memref<16384xf32, #tpu.memory_space<vmem>>, vector<16xf32>,
      tpu.vector_store %arg8[%swap3A], %gather3A {strides = array<i32>} : memref<16384xf32, #tpu.memory_space<vmem>>, vector<16xf32>,
      %add3A_70 = arith.constant 4096 : i32
      %add3A_71 = vector.broadcast %add3A_70 : i32 to vector<16xi32>
      %add3A_72 = arith.addi %get3A_61, %add3A_71 : vector<16xi32>
      %gather3A_73 = tpu.vector_load_idx %arg6[%add3A_72] : memref<12288xf32, #tpu.memory_space<vmem>>[vector<16xi32>], vector<16xf32>,
      %mul3A_74 = arith.constant 16 : i32
      %mul3A_75 = arith.muli %scan3A_58, %mul3A_74 : i32
      %add3A_76 = arith.constant 4096 : i32
      %add3A_77 = arith.addi %add3A_76, %mul3A_75 : i32
      %swap3A_78 = arith.index_cast %add3A_77 : i32 to index
      %swap3A_79 = tpu.vector_load %arg8[%swap3A_78] {strides = array<i32>} : memref<16384xf32, #tpu.memory_space<vmem>>, vector<16xf32>,
      tpu.vector_store %arg8[%swap3A_78], %gather3A_73 {strides = array<i32>} : memref<16384xf32, #tpu.memory_space<vmem>>, vector<16xf32>,
      %add3A_80 = arith.constant 8192 : i32
      %add3A_81 = vector.broadcast %add3A_80 : i32 to vector<16xi32>
      %add3A_82 = arith.addi %get3A_61, %add3A_81 : vector<16xi32>
      %gather3A_83 = tpu.vector_load_idx %arg6[%add3A_82] : memref<12288xf32, #tpu.memory_space<vmem>>[vector<16xi32>], vector<16xf32>,
      %mul3A_84 = arith.constant 16 : i32
      %mul3A_85 = arith.muli %scan3A_58, %mul3A_84 : i32
      %add3A_86 = arith.constant 8192 : i32
      %add3A_87 = arith.addi %add3A_86, %mul3A_85 : i32
      %swap3A_88 = arith.index_cast %add3A_87 : i32 to index
      %swap3A_89 = tpu.vector_load %arg8[%swap3A_88] {strides = array<i32>} : memref<16384xf32, #tpu.memory_space<vmem>>, vector<16xf32>,
      tpu.vector_store %arg8[%swap3A_88], %gather3A_83 {strides = array<i32>} : memref<16384xf32, #tpu.memory_space<vmem>>, vector<16xf32>,
    }
    %scan3A_45 = arith.constant 256 : i32
    "tpu.region"() ({
      %run_scoped3A = tpu.sem_alloc : memref<!tpu.dma_semaphore, #tpu.memory_space<semaphore_mem>>
      %dma_start3A = arith.constant 0 : i32
      %dma_start3A_58 = tpu.memref_slice %arg5[%select_n3A, %add3A_36, %dma_start3A] : memref<4x16x16384xf32, #tpu.memory_space<hbm>> -> memref<1x1x16384xf32, #tpu.memory_space<hbm>>
      %dma_start3A_59 = tpu.memref_squeeze %dma_start3A_58 : memref<1x1x16384xf32, #tpu.memory_space<hbm>> -> memref<16384xf32, #tpu.memory_space<hbm>>
      %dma_start3A_60 = arith.constant 0 : i32
      %dma_start3A_61 = tpu.memref_slice %arg5[%select_n3A, %add3A_36, %dma_start3A_60] : memref<4x16x16384xf32, #tpu.memory_space<hbm>> -> memref<1x1x16384xf32, #tpu.memory_space<hbm>>
      %dma_start3A_62 = tpu.memref_squeeze %dma_start3A_61 : memref<1x1x16384xf32, #tpu.memory_space<hbm>> -> memref<16384xf32, #tpu.memory_space<hbm>>
      tpu.enqueue_dma source(%arg8 : memref<16384xf32, #tpu.memory_space<vmem>>) target(%dma_start3A_62 : memref<16384xf32, #tpu.memory_space<hbm>>) target_semaphore(%run_scoped3A : memref<!tpu.dma_semaphore, #tpu.memory_space<semaphore_mem>>)
      %dma_wait3A = arith.constant 0 : i32
      %dma_wait3A_63 = tpu.memref_slice %arg5[%select_n3A, %add3A_36, %dma_wait3A] : memref<4x16x16384xf32, #tpu.memory_space<hbm>> -> memref<1x1x16384xf32, #tpu.memory_space<hbm>>
      %dma_wait3A_64 = tpu.memref_squeeze %dma_wait3A_63 : memref<1x1x16384xf32, #tpu.memory_space<hbm>> -> memref<16384xf32, #tpu.memory_space<hbm>>
      %dma_wait3A_65 = arith.constant 0 : i32
      %dma_wait3A_66 = tpu.memref_slice %arg5[%select_n3A, %add3A_36, %dma_wait3A_65] : memref<4x16x16384xf32, #tpu.memory_space<hbm>> -> memref<1x1x16384xf32, #tpu.memory_space<hbm>>
      %dma_wait3A_67 = tpu.memref_squeeze %dma_wait3A_66 : memref<1x1x16384xf32, #tpu.memory_space<hbm>> -> memref<16384xf32, #tpu.memory_space<hbm>>
      tpu.wait_dma2 semaphore(%run_scoped3A : memref<!tpu.dma_semaphore, #tpu.memory_space<semaphore_mem>>) src(%arg8 : memref<16384xf32, #tpu.memory_space<vmem>>) dst(%dma_wait3A_67 : memref<16384xf32, #tpu.memory_space<hbm>>)
      tpu.yield
    }) : () -> ()
    %add3A_46 = arith.constant 1 : i32
    %add3A_47 = arith.addi %mul3A_32, %add3A_46 : i32
    %add3A_48 = arith.constant 0 : i32
    %add3A_49 = arith.addi %add3A_48, %select_n3A : i32
    "tpu.region"() ({
      %run_scoped3A = tpu.sem_alloc : memref<!tpu.dma_semaphore, #tpu.memory_space<semaphore_mem>>
      %dma_start3A = arith.constant 0 : i32
      %dma_start3A_58 = tpu.memref_slice %arg3[%add3A_49, %add3A_47, %dma_start3A] : memref<16x16x4096xi32, #tpu.memory_space<hbm>> -> memref<1x1x4096xi32, #tpu.memory_space<hbm>>
      %dma_start3A_59 = tpu.memref_squeeze %dma_start3A_58 : memref<1x1x4096xi32, #tpu.memory_space<hbm>> -> memref<4096xi32, #tpu.memory_space<hbm>>
      %dma_start3A_60 = arith.constant 0 : i32
      %dma_start3A_61 = tpu.memref_slice %arg3[%add3A_49, %add3A_47, %dma_start3A_60] : memref<16x16x4096xi32, #tpu.memory_space<hbm>> -> memref<1x1x4096xi32, #tpu.memory_space<hbm>>
      %dma_start3A_62 = tpu.memref_squeeze %dma_start3A_61 : memref<1x1x4096xi32, #tpu.memory_space<hbm>> -> memref<4096xi32, #tpu.memory_space<hbm>>
      tpu.enqueue_dma source(%dma_start3A_62 : memref<4096xi32, #tpu.memory_space<hbm>>) target(%arg7 : memref<4096xi32, #tpu.memory_space<vmem>>) target_semaphore(%run_scoped3A : memref<!tpu.dma_semaphore, #tpu.memory_space<semaphore_mem>>)
      %dma_wait3A = arith.constant 0 : i32
      %dma_wait3A_63 = tpu.memref_slice %arg3[%add3A_49, %add3A_47, %dma_wait3A] : memref<16x16x4096xi32, #tpu.memory_space<hbm>> -> memref<1x1x4096xi32, #tpu.memory_space<hbm>>
      %dma_wait3A_64 = tpu.memref_squeeze %dma_wait3A_63 : memref<1x1x4096xi32, #tpu.memory_space<hbm>> -> memref<4096xi32, #tpu.memory_space<hbm>>
      %dma_wait3A_65 = arith.constant 0 : i32
      %dma_wait3A_66 = tpu.memref_slice %arg3[%add3A_49, %add3A_47, %dma_wait3A_65] : memref<16x16x4096xi32, #tpu.memory_space<hbm>> -> memref<1x1x4096xi32, #tpu.memory_space<hbm>>
      %dma_wait3A_67 = tpu.memref_squeeze %dma_wait3A_66 : memref<1x1x4096xi32, #tpu.memory_space<hbm>> -> memref<4096xi32, #tpu.memory_space<hbm>>
      tpu.wait_dma2 semaphore(%run_scoped3A : memref<!tpu.dma_semaphore, #tpu.memory_space<semaphore_mem>>) src(%dma_wait3A_67 : memref<4096xi32, #tpu.memory_space<hbm>>) dst(%arg7 : memref<4096xi32, #tpu.memory_space<vmem>>)
      tpu.yield
    }) : () -> ()
    %add3A_50 = arith.constant 0 : i32
    %add3A_51 = arith.addi %add3A_50, %select_n3A : i32
    "tpu.region"() ({
      %run_scoped3A = tpu.sem_alloc : memref<!tpu.dma_semaphore, #tpu.memory_space<semaphore_mem>>
      %dma_start3A = arith.constant 12288 : i32
      %dma_start3A_58 = tpu.memref_slice %arg8[%dma_start3A] : memref<16384xf32, #tpu.memory_space<vmem>> -> memref<4096xf32, #tpu.memory_space<vmem>>
      %dma_start3A_59 = arith.constant 0 : i32
      %dma_start3A_60 = tpu.memref_slice %arg4[%add3A_51, %add3A_47, %dma_start3A_59] : memref<16x16x4096xf32, #tpu.memory_space<hbm>> -> memref<1x1x4096xf32, #tpu.memory_space<hbm>>
      %dma_start3A_61 = tpu.memref_squeeze %dma_start3A_60 : memref<1x1x4096xf32, #tpu.memory_space<hbm>> -> memref<4096xf32, #tpu.memory_space<hbm>>
      %dma_start3A_62 = arith.constant 12288 : i32
      %dma_start3A_63 = tpu.memref_slice %arg8[%dma_start3A_62] : memref<16384xf32, #tpu.memory_space<vmem>> -> memref<4096xf32, #tpu.memory_space<vmem>>
      %dma_start3A_64 = arith.constant 0 : i32
      %dma_start3A_65 = tpu.memref_slice %arg4[%add3A_51, %add3A_47, %dma_start3A_64] : memref<16x16x4096xf32, #tpu.memory_space<hbm>> -> memref<1x1x4096xf32, #tpu.memory_space<hbm>>
      %dma_start3A_66 = tpu.memref_squeeze %dma_start3A_65 : memref<1x1x4096xf32, #tpu.memory_space<hbm>> -> memref<4096xf32, #tpu.memory_space<hbm>>
      tpu.enqueue_dma source(%dma_start3A_66 : memref<4096xf32, #tpu.memory_space<hbm>>) target(%dma_start3A_63 : memref<4096xf32, #tpu.memory_space<vmem>>) target_semaphore(%run_scoped3A : memref<!tpu.dma_semaphore, #tpu.memory_space<semaphore_mem>>)
      %dma_wait3A = arith.constant 12288 : i32
      %dma_wait3A_67 = tpu.memref_slice %arg8[%dma_wait3A] : memref<16384xf32, #tpu.memory_space<vmem>> -> memref<4096xf32, #tpu.memory_space<vmem>>
      %dma_wait3A_68 = arith.constant 0 : i32
      %dma_wait3A_69 = tpu.memref_slice %arg4[%add3A_51, %add3A_47, %dma_wait3A_68] : memref<16x16x4096xf32, #tpu.memory_space<hbm>> -> memref<1x1x4096xf32, #tpu.memory_space<hbm>>
      %dma_wait3A_70 = tpu.memref_squeeze %dma_wait3A_69 : memref<1x1x4096xf32, #tpu.memory_space<hbm>> -> memref<4096xf32, #tpu.memory_space<hbm>>
      %dma_wait3A_71 = arith.constant 12288 : i32
      %dma_wait3A_72 = tpu.memref_slice %arg8[%dma_wait3A_71] : memref<16384xf32, #tpu.memory_space<vmem>> -> memref<4096xf32, #tpu.memory_space<vmem>>
      %dma_wait3A_73 = arith.constant 0 : i32
      %dma_wait3A_74 = tpu.memref_slice %arg4[%add3A_51, %add3A_47, %dma_wait3A_73] : memref<16x16x4096xf32, #tpu.memory_space<hbm>> -> memref<1x1x4096xf32, #tpu.memory_space<hbm>>
      %dma_wait3A_75 = tpu.memref_squeeze %dma_wait3A_74 : memref<1x1x4096xf32, #tpu.memory_space<hbm>> -> memref<4096xf32, #tpu.memory_space<hbm>>
      tpu.wait_dma2 semaphore(%run_scoped3A : memref<!tpu.dma_semaphore, #tpu.memory_space<semaphore_mem>>) src(%dma_wait3A_75 : memref<4096xf32, #tpu.memory_space<hbm>>) dst(%dma_wait3A_72 : memref<4096xf32, #tpu.memory_space<vmem>>)
      tpu.yield
    }) : () -> ()
    %scan3A_52 = arith.constant 0 : i32
    %scan3A_53 = arith.constant 0 : i32
    %scan3A_54 = arith.constant 256 : i32
    %scan3A_55 = arith.addi %scan3A_53, %scan3A_54 : i32
    %scan3A_56 = arith.constant 1 : i32
    scf.for %scan3A_58 = %scan3A_53 to %scan3A_55 step %scan3A_56  : i32 {
      %mul3A_59 = arith.constant 16 : i32
      %mul3A_60 = arith.muli %scan3A_58, %mul3A_59 : i32
      %get3A = arith.index_cast %mul3A_60 : i32 to index
      %get3A_61 = tpu.vector_load %arg7[%get3A] {strides = array<i32>} : memref<4096xi32, #tpu.memory_space<vmem>>, vector<16xi32>,
      %add3A_62 = arith.constant 0 : i32
      %add3A_63 = vector.broadcast %add3A_62 : i32 to vector<16xi32>
      %add3A_64 = arith.addi %get3A_61, %add3A_63 : vector<16xi32>
      %gather3A = tpu.vector_load_idx %arg6[%add3A_64] : memref<12288xf32, #tpu.memory_space<vmem>>[vector<16xi32>], vector<16xf32>,
      %mul3A_65 = arith.constant 16 : i32
      %mul3A_66 = arith.muli %scan3A_58, %mul3A_65 : i32
      %add3A_67 = arith.constant 0 : i32
      %add3A_68 = arith.addi %add3A_67, %mul3A_66 : i32
      %swap3A = arith.index_cast %add3A_68 : i32 to index
      %swap3A_69 = tpu.vector_load %arg8[%swap3A] {strides = array<i32>} : memref<16384xf32, #tpu.memory_space<vmem>>, vector<16xf32>,
      tpu.vector_store %arg8[%swap3A], %gather3A {strides = array<i32>} : memref<16384xf32, #tpu.memory_space<vmem>>, vector<16xf32>,
      %add3A_70 = arith.constant 4096 : i32
      %add3A_71 = vector.broadcast %add3A_70 : i32 to vector<16xi32>
      %add3A_72 = arith.addi %get3A_61, %add3A_71 : vector<16xi32>
      %gather3A_73 = tpu.vector_load_idx %arg6[%add3A_72] : memref<12288xf32, #tpu.memory_space<vmem>>[vector<16xi32>], vector<16xf32>,
      %mul3A_74 = arith.constant 16 : i32
      %mul3A_75 = arith.muli %scan3A_58, %mul3A_74 : i32
      %add3A_76 = arith.constant 4096 : i32
      %add3A_77 = arith.addi %add3A_76, %mul3A_75 : i32
      %swap3A_78 = arith.index_cast %add3A_77 : i32 to index
      %swap3A_79 = tpu.vector_load %arg8[%swap3A_78] {strides = array<i32>} : memref<16384xf32, #tpu.memory_space<vmem>>, vector<16xf32>,
      tpu.vector_store %arg8[%swap3A_78], %gather3A_73 {strides = array<i32>} : memref<16384xf32, #tpu.memory_space<vmem>>, vector<16xf32>,
      %add3A_80 = arith.constant 8192 : i32
      %add3A_81 = vector.broadcast %add3A_80 : i32 to vector<16xi32>
      %add3A_82 = arith.addi %get3A_61, %add3A_81 : vector<16xi32>
      %gather3A_83 = tpu.vector_load_idx %arg6[%add3A_82] : memref<12288xf32, #tpu.memory_space<vmem>>[vector<16xi32>], vector<16xf32>,
      %mul3A_84 = arith.constant 16 : i32
      %mul3A_85 = arith.muli %scan3A_58, %mul3A_84 : i32
      %add3A_86 = arith.constant 8192 : i32
      %add3A_87 = arith.addi %add3A_86, %mul3A_85 : i32
      %swap3A_88 = arith.index_cast %add3A_87 : i32 to index
      %swap3A_89 = tpu.vector_load %arg8[%swap3A_88] {strides = array<i32>} : memref<16384xf32, #tpu.memory_space<vmem>>, vector<16xf32>,
      tpu.vector_store %arg8[%swap3A_88], %gather3A_83 {strides = array<i32>} : memref<16384xf32, #tpu.memory_space<vmem>>, vector<16xf32>,
    }
    %scan3A_57 = arith.constant 256 : i32
    "tpu.region"() ({
      %run_scoped3A = tpu.sem_alloc : memref<!tpu.dma_semaphore, #tpu.memory_space<semaphore_mem>>
      %dma_start3A = arith.constant 0 : i32
      %dma_start3A_58 = tpu.memref_slice %arg5[%select_n3A, %add3A_47, %dma_start3A] : memref<4x16x16384xf32, #tpu.memory_space<hbm>> -> memref<1x1x16384xf32, #tpu.memory_space<hbm>>
      %dma_start3A_59 = tpu.memref_squeeze %dma_start3A_58 : memref<1x1x16384xf32, #tpu.memory_space<hbm>> -> memref<16384xf32, #tpu.memory_space<hbm>>
      %dma_start3A_60 = arith.constant 0 : i32
      %dma_start3A_61 = tpu.memref_slice %arg5[%select_n3A, %add3A_47, %dma_start3A_60] : memref<4x16x16384xf32, #tpu.memory_space<hbm>> -> memref<1x1x16384xf32, #tpu.memory_space<hbm>>
      %dma_start3A_62 = tpu.memref_squeeze %dma_start3A_61 : memref<1x1x16384xf32, #tpu.memory_space<hbm>> -> memref<16384xf32, #tpu.memory_space<hbm>>
      tpu.enqueue_dma source(%arg8 : memref<16384xf32, #tpu.memory_space<vmem>>) target(%dma_start3A_62 : memref<16384xf32, #tpu.memory_space<hbm>>) target_semaphore(%run_scoped3A : memref<!tpu.dma_semaphore, #tpu.memory_space<semaphore_mem>>)
      %dma_wait3A = arith.constant 0 : i32
      %dma_wait3A_63 = tpu.memref_slice %arg5[%select_n3A, %add3A_47, %dma_wait3A] : memref<4x16x16384xf32, #tpu.memory_space<hbm>> -> memref<1x1x16384xf32, #tpu.memory_space<hbm>>
      %dma_wait3A_64 = tpu.memref_squeeze %dma_wait3A_63 : memref<1x1x16384xf32, #tpu.memory_space<hbm>> -> memref<16384xf32, #tpu.memory_space<hbm>>
      %dma_wait3A_65 = arith.constant 0 : i32
      %dma_wait3A_66 = tpu.memref_slice %arg5[%select_n3A, %add3A_47, %dma_wait3A_65] : memref<4x16x16384xf32, #tpu.memory_space<hbm>> -> memref<1x1x16384xf32, #tpu.memory_space<hbm>>
      %dma_wait3A_67 = tpu.memref_squeeze %dma_wait3A_66 : memref<1x1x16384xf32, #tpu.memory_space<hbm>> -> memref<16384xf32, #tpu.memory_space<hbm>>
      tpu.wait_dma2 semaphore(%run_scoped3A : memref<!tpu.dma_semaphore, #tpu.memory_space<semaphore_mem>>) src(%arg8 : memref<16384xf32, #tpu.memory_space<vmem>>) dst(%dma_wait3A_67 : memref<16384xf32, #tpu.memory_space<hbm>>)
      tpu.yield
    }) : () -> ()
    return
  }
}

#map = affine_map<(d0, d1) -> (0, 0)>
#map1 = affine_map<(d0, d1) -> (0, 0, 0)>
module attributes {stable_mosaic.version = 14 : i64} {
  func.func @k(%arg0: i32, %arg1: i32, %arg2: memref<16x12288xf32, #tpu.memory_space<hbm>>, %arg3: memref<16x16x4096xi32, #tpu.memory_space<hbm>>, %arg4: memref<16x16x4096xf32, #tpu.memory_space<hbm>>, %arg5: memref<4x16x16384xf32, #tpu.memory_space<hbm>>, %arg6: memref<12288xf32, #tpu.memory_space<vmem>>, %arg7: memref<4096xi32, #tpu.memory_space<vmem>>, %arg8: memref<16384xf32, #tpu.memory_space<vmem>>) attributes {dimension_semantics = [#tpu.dimension_semantics<core_parallel>, #tpu.dimension_semantics<subcore_parallel>], iteration_bounds = array<i64: 2, 16>, scalar_prefetch = 0 : i64, scratch_operands = 3 : i64, tpu.core_type = #tpu.core_type<sc_vector_subcore>, window_params = [{transform_indices = #map}, {transform_indices = #map1}, {transform_indices = #map1}, {transform_indices = #map1}]} {
    %mul3A = arith.constant 2 : i32
    %mul3A_0 = arith.muli %arg1, %mul3A : i32
    %add3A = arith.addi %mul3A_0, %arg0 : i32
    %jit3A = arith.constant 8 : i32
    %div3A = arith.divsi %add3A, %jit3A : i32
    %sign3A = arith.constant 0 : i32
    %sign3A_1 = arith.cmpi sgt, %add3A, %sign3A : i32
    %sign3A_2 = arith.extui %sign3A_1 : i1 to i32
    %sign3A_3 = arith.constant 0 : i32
    %sign3A_4 = arith.cmpi slt, %add3A, %sign3A_3 : i32
    %sign3A_5 = arith.extui %sign3A_4 : i1 to i32
    %sign3A_6 = arith.subi %sign3A_2, %sign3A_5 : i32
    %sign3A_7 = arith.constant 0 : i32
    %sign3A_8 = arith.cmpi sgt, %jit3A, %sign3A_7 : i32
    %sign3A_9 = arith.extui %sign3A_8 : i1 to i32
    %sign3A_10 = arith.constant 0 : i32
    %sign3A_11 = arith.cmpi slt, %jit3A, %sign3A_10 : i32
    %sign3A_12 = arith.extui %sign3A_11 : i1 to i32
    %sign3A_13 = arith.subi %sign3A_9, %sign3A_12 : i32
    %ne3A = arith.cmpi ne, %sign3A_6, %sign3A_13 : i32
    %rem3A = arith.remsi %add3A, %jit3A : i32
    %ne3A_14 = arith.constant 0 : i32
    %ne3A_15 = arith.cmpi ne, %rem3A, %ne3A_14 : i32
    %and3A = arith.andi %ne3A, %ne3A_15 : i1
    %sub3A = arith.constant 1 : i32
    %sub3A_16 = arith.subi %div3A, %sub3A : i32
    %select_n3A = arith.select %and3A, %sub3A_16, %div3A : i32
    %jit3A_17 = arith.constant 8 : i32
    %eq3A = arith.constant 0 : i32
    %eq3A_18 = arith.cmpi eq, %jit3A_17, %eq3A : i32
    %jit3A_19 = arith.constant 1 : i32
    %select_n3A_20 = arith.select %eq3A_18, %jit3A_19, %jit3A_17 : i32
    %rem3A_21 = arith.remsi %add3A, %select_n3A_20 : i32
    %ne3A_22 = arith.constant 0 : i32
    %ne3A_23 = arith.cmpi ne, %rem3A_21, %ne3A_22 : i32
    %lt3A = arith.constant 0 : i32
    %lt3A_24 = arith.cmpi slt, %rem3A_21, %lt3A : i32
    %lt3A_25 = arith.constant 0 : i32
    %lt3A_26 = arith.cmpi slt, %select_n3A_20, %lt3A_25 : i32
    %ne3A_27 = arith.xori %lt3A_24, %lt3A_26 : i1
    %and3A_28 = arith.andi %ne3A_27, %ne3A_23 : i1
    %add3A_29 = arith.addi %rem3A_21, %select_n3A_20 : i32
    %select_n3A_30 = arith.select %and3A_28, %add3A_29, %rem3A_21 : i32
    %mul3A_31 = arith.constant 2 : i32
    %mul3A_32 = arith.muli %select_n3A_30, %mul3A_31 : i32
    %add3A_33 = arith.constant 8 : i32
    %add3A_34 = arith.addi %add3A_33, %select_n3A : i32
    "tpu.region"() ({
      %run_scoped3A = tpu.sem_alloc : memref<!tpu.dma_semaphore, #tpu.memory_space<semaphore_mem>>
      %dma_start3A = arith.constant 0 : i32
      %dma_start3A_58 = tpu.memref_slice %arg2[%add3A_34, %dma_start3A] : memref<16x12288xf32, #tpu.memory_space<hbm>> -> memref<1x12288xf32, #tpu.memory_space<hbm>>
      %dma_start3A_59 = tpu.memref_squeeze %dma_start3A_58 : memref<1x12288xf32, #tpu.memory_space<hbm>> -> memref<12288xf32, #tpu.memory_space<hbm>>
      %dma_start3A_60 = arith.constant 0 : i32
      %dma_start3A_61 = tpu.memref_slice %arg2[%add3A_34, %dma_start3A_60] : memref<16x12288xf32, #tpu.memory_space<hbm>> -> memref<1x12288xf32, #tpu.memory_space<hbm>>
      %dma_start3A_62 = tpu.memref_squeeze %dma_start3A_61 : memref<1x12288xf32, #tpu.memory_space<hbm>> -> memref<12288xf32, #tpu.memory_space<hbm>>
      tpu.enqueue_dma source(%dma_start3A_62 : memref<12288xf32, #tpu.memory_space<hbm>>) target(%arg6 : memref<12288xf32, #tpu.memory_space<vmem>>) target_semaphore(%run_scoped3A : memref<!tpu.dma_semaphore, #tpu.memory_space<semaphore_mem>>)
      %dma_wait3A = arith.constant 0 : i32
      %dma_wait3A_63 = tpu.memref_slice %arg2[%add3A_34, %dma_wait3A] : memref<16x12288xf32, #tpu.memory_space<hbm>> -> memref<1x12288xf32, #tpu.memory_space<hbm>>
      %dma_wait3A_64 = tpu.memref_squeeze %dma_wait3A_63 : memref<1x12288xf32, #tpu.memory_space<hbm>> -> memref<12288xf32, #tpu.memory_space<hbm>>
      %dma_wait3A_65 = arith.constant 0 : i32
      %dma_wait3A_66 = tpu.memref_slice %arg2[%add3A_34, %dma_wait3A_65] : memref<16x12288xf32, #tpu.memory_space<hbm>> -> memref<1x12288xf32, #tpu.memory_space<hbm>>
      %dma_wait3A_67 = tpu.memref_squeeze %dma_wait3A_66 : memref<1x12288xf32, #tpu.memory_space<hbm>> -> memref<12288xf32, #tpu.memory_space<hbm>>
      tpu.wait_dma2 semaphore(%run_scoped3A : memref<!tpu.dma_semaphore, #tpu.memory_space<semaphore_mem>>) src(%dma_wait3A_67 : memref<12288xf32, #tpu.memory_space<hbm>>) dst(%arg6 : memref<12288xf32, #tpu.memory_space<vmem>>)
      tpu.yield
    }) : () -> ()
    %add3A_35 = arith.constant 0 : i32
    %add3A_36 = arith.addi %mul3A_32, %add3A_35 : i32
    %add3A_37 = arith.constant 8 : i32
    %add3A_38 = arith.addi %add3A_37, %select_n3A : i32
    "tpu.region"() ({
      %run_scoped3A = tpu.sem_alloc : memref<!tpu.dma_semaphore, #tpu.memory_space<semaphore_mem>>
      %dma_start3A = arith.constant 0 : i32
      %dma_start3A_58 = tpu.memref_slice %arg3[%add3A_38, %add3A_36, %dma_start3A] : memref<16x16x4096xi32, #tpu.memory_space<hbm>> -> memref<1x1x4096xi32, #tpu.memory_space<hbm>>
      %dma_start3A_59 = tpu.memref_squeeze %dma_start3A_58 : memref<1x1x4096xi32, #tpu.memory_space<hbm>> -> memref<4096xi32, #tpu.memory_space<hbm>>
      %dma_start3A_60 = arith.constant 0 : i32
      %dma_start3A_61 = tpu.memref_slice %arg3[%add3A_38, %add3A_36, %dma_start3A_60] : memref<16x16x4096xi32, #tpu.memory_space<hbm>> -> memref<1x1x4096xi32, #tpu.memory_space<hbm>>
      %dma_start3A_62 = tpu.memref_squeeze %dma_start3A_61 : memref<1x1x4096xi32, #tpu.memory_space<hbm>> -> memref<4096xi32, #tpu.memory_space<hbm>>
      tpu.enqueue_dma source(%dma_start3A_62 : memref<4096xi32, #tpu.memory_space<hbm>>) target(%arg7 : memref<4096xi32, #tpu.memory_space<vmem>>) target_semaphore(%run_scoped3A : memref<!tpu.dma_semaphore, #tpu.memory_space<semaphore_mem>>)
      %dma_wait3A = arith.constant 0 : i32
      %dma_wait3A_63 = tpu.memref_slice %arg3[%add3A_38, %add3A_36, %dma_wait3A] : memref<16x16x4096xi32, #tpu.memory_space<hbm>> -> memref<1x1x4096xi32, #tpu.memory_space<hbm>>
      %dma_wait3A_64 = tpu.memref_squeeze %dma_wait3A_63 : memref<1x1x4096xi32, #tpu.memory_space<hbm>> -> memref<4096xi32, #tpu.memory_space<hbm>>
      %dma_wait3A_65 = arith.constant 0 : i32
      %dma_wait3A_66 = tpu.memref_slice %arg3[%add3A_38, %add3A_36, %dma_wait3A_65] : memref<16x16x4096xi32, #tpu.memory_space<hbm>> -> memref<1x1x4096xi32, #tpu.memory_space<hbm>>
      %dma_wait3A_67 = tpu.memref_squeeze %dma_wait3A_66 : memref<1x1x4096xi32, #tpu.memory_space<hbm>> -> memref<4096xi32, #tpu.memory_space<hbm>>
      tpu.wait_dma2 semaphore(%run_scoped3A : memref<!tpu.dma_semaphore, #tpu.memory_space<semaphore_mem>>) src(%dma_wait3A_67 : memref<4096xi32, #tpu.memory_space<hbm>>) dst(%arg7 : memref<4096xi32, #tpu.memory_space<vmem>>)
      tpu.yield
    }) : () -> ()
    %add3A_39 = arith.constant 8 : i32
    %add3A_40 = arith.addi %add3A_39, %select_n3A : i32
    "tpu.region"() ({
      %run_scoped3A = tpu.sem_alloc : memref<!tpu.dma_semaphore, #tpu.memory_space<semaphore_mem>>
      %dma_start3A = arith.constant 12288 : i32
      %dma_start3A_58 = tpu.memref_slice %arg8[%dma_start3A] : memref<16384xf32, #tpu.memory_space<vmem>> -> memref<4096xf32, #tpu.memory_space<vmem>>
      %dma_start3A_59 = arith.constant 0 : i32
      %dma_start3A_60 = tpu.memref_slice %arg4[%add3A_40, %add3A_36, %dma_start3A_59] : memref<16x16x4096xf32, #tpu.memory_space<hbm>> -> memref<1x1x4096xf32, #tpu.memory_space<hbm>>
      %dma_start3A_61 = tpu.memref_squeeze %dma_start3A_60 : memref<1x1x4096xf32, #tpu.memory_space<hbm>> -> memref<4096xf32, #tpu.memory_space<hbm>>
      %dma_start3A_62 = arith.constant 12288 : i32
      %dma_start3A_63 = tpu.memref_slice %arg8[%dma_start3A_62] : memref<16384xf32, #tpu.memory_space<vmem>> -> memref<4096xf32, #tpu.memory_space<vmem>>
      %dma_start3A_64 = arith.constant 0 : i32
      %dma_start3A_65 = tpu.memref_slice %arg4[%add3A_40, %add3A_36, %dma_start3A_64] : memref<16x16x4096xf32, #tpu.memory_space<hbm>> -> memref<1x1x4096xf32, #tpu.memory_space<hbm>>
      %dma_start3A_66 = tpu.memref_squeeze %dma_start3A_65 : memref<1x1x4096xf32, #tpu.memory_space<hbm>> -> memref<4096xf32, #tpu.memory_space<hbm>>
      tpu.enqueue_dma source(%dma_start3A_66 : memref<4096xf32, #tpu.memory_space<hbm>>) target(%dma_start3A_63 : memref<4096xf32, #tpu.memory_space<vmem>>) target_semaphore(%run_scoped3A : memref<!tpu.dma_semaphore, #tpu.memory_space<semaphore_mem>>)
      %dma_wait3A = arith.constant 12288 : i32
      %dma_wait3A_67 = tpu.memref_slice %arg8[%dma_wait3A] : memref<16384xf32, #tpu.memory_space<vmem>> -> memref<4096xf32, #tpu.memory_space<vmem>>
      %dma_wait3A_68 = arith.constant 0 : i32
      %dma_wait3A_69 = tpu.memref_slice %arg4[%add3A_40, %add3A_36, %dma_wait3A_68] : memref<16x16x4096xf32, #tpu.memory_space<hbm>> -> memref<1x1x4096xf32, #tpu.memory_space<hbm>>
      %dma_wait3A_70 = tpu.memref_squeeze %dma_wait3A_69 : memref<1x1x4096xf32, #tpu.memory_space<hbm>> -> memref<4096xf32, #tpu.memory_space<hbm>>
      %dma_wait3A_71 = arith.constant 12288 : i32
      %dma_wait3A_72 = tpu.memref_slice %arg8[%dma_wait3A_71] : memref<16384xf32, #tpu.memory_space<vmem>> -> memref<4096xf32, #tpu.memory_space<vmem>>
      %dma_wait3A_73 = arith.constant 0 : i32
      %dma_wait3A_74 = tpu.memref_slice %arg4[%add3A_40, %add3A_36, %dma_wait3A_73] : memref<16x16x4096xf32, #tpu.memory_space<hbm>> -> memref<1x1x4096xf32, #tpu.memory_space<hbm>>
      %dma_wait3A_75 = tpu.memref_squeeze %dma_wait3A_74 : memref<1x1x4096xf32, #tpu.memory_space<hbm>> -> memref<4096xf32, #tpu.memory_space<hbm>>
      tpu.wait_dma2 semaphore(%run_scoped3A : memref<!tpu.dma_semaphore, #tpu.memory_space<semaphore_mem>>) src(%dma_wait3A_75 : memref<4096xf32, #tpu.memory_space<hbm>>) dst(%dma_wait3A_72 : memref<4096xf32, #tpu.memory_space<vmem>>)
      tpu.yield
    }) : () -> ()
    %scan3A = arith.constant 0 : i32
    %scan3A_41 = arith.constant 0 : i32
    %scan3A_42 = arith.constant 256 : i32
    %scan3A_43 = arith.addi %scan3A_41, %scan3A_42 : i32
    %scan3A_44 = arith.constant 1 : i32
    scf.for %scan3A_58 = %scan3A_41 to %scan3A_43 step %scan3A_44  : i32 {
      %mul3A_59 = arith.constant 16 : i32
      %mul3A_60 = arith.muli %scan3A_58, %mul3A_59 : i32
      %get3A = arith.index_cast %mul3A_60 : i32 to index
      %get3A_61 = tpu.vector_load %arg7[%get3A] {strides = array<i32>} : memref<4096xi32, #tpu.memory_space<vmem>>, vector<16xi32>,
      %add3A_62 = arith.constant 0 : i32
      %add3A_63 = vector.broadcast %add3A_62 : i32 to vector<16xi32>
      %add3A_64 = arith.addi %get3A_61, %add3A_63 : vector<16xi32>
      %gather3A = tpu.vector_load_idx %arg6[%add3A_64] : memref<12288xf32, #tpu.memory_space<vmem>>[vector<16xi32>], vector<16xf32>,
      %mul3A_65 = arith.constant 16 : i32
      %mul3A_66 = arith.muli %scan3A_58, %mul3A_65 : i32
      %add3A_67 = arith.constant 0 : i32
      %add3A_68 = arith.addi %add3A_67, %mul3A_66 : i32
      %swap3A = arith.index_cast %add3A_68 : i32 to index
      %swap3A_69 = tpu.vector_load %arg8[%swap3A] {strides = array<i32>} : memref<16384xf32, #tpu.memory_space<vmem>>, vector<16xf32>,
      tpu.vector_store %arg8[%swap3A], %gather3A {strides = array<i32>} : memref<16384xf32, #tpu.memory_space<vmem>>, vector<16xf32>,
      %add3A_70 = arith.constant 4096 : i32
      %add3A_71 = vector.broadcast %add3A_70 : i32 to vector<16xi32>
      %add3A_72 = arith.addi %get3A_61, %add3A_71 : vector<16xi32>
      %gather3A_73 = tpu.vector_load_idx %arg6[%add3A_72] : memref<12288xf32, #tpu.memory_space<vmem>>[vector<16xi32>], vector<16xf32>,
      %mul3A_74 = arith.constant 16 : i32
      %mul3A_75 = arith.muli %scan3A_58, %mul3A_74 : i32
      %add3A_76 = arith.constant 4096 : i32
      %add3A_77 = arith.addi %add3A_76, %mul3A_75 : i32
      %swap3A_78 = arith.index_cast %add3A_77 : i32 to index
      %swap3A_79 = tpu.vector_load %arg8[%swap3A_78] {strides = array<i32>} : memref<16384xf32, #tpu.memory_space<vmem>>, vector<16xf32>,
      tpu.vector_store %arg8[%swap3A_78], %gather3A_73 {strides = array<i32>} : memref<16384xf32, #tpu.memory_space<vmem>>, vector<16xf32>,
      %add3A_80 = arith.constant 8192 : i32
      %add3A_81 = vector.broadcast %add3A_80 : i32 to vector<16xi32>
      %add3A_82 = arith.addi %get3A_61, %add3A_81 : vector<16xi32>
      %gather3A_83 = tpu.vector_load_idx %arg6[%add3A_82] : memref<12288xf32, #tpu.memory_space<vmem>>[vector<16xi32>], vector<16xf32>,
      %mul3A_84 = arith.constant 16 : i32
      %mul3A_85 = arith.muli %scan3A_58, %mul3A_84 : i32
      %add3A_86 = arith.constant 8192 : i32
      %add3A_87 = arith.addi %add3A_86, %mul3A_85 : i32
      %swap3A_88 = arith.index_cast %add3A_87 : i32 to index
      %swap3A_89 = tpu.vector_load %arg8[%swap3A_88] {strides = array<i32>} : memref<16384xf32, #tpu.memory_space<vmem>>, vector<16xf32>,
      tpu.vector_store %arg8[%swap3A_88], %gather3A_83 {strides = array<i32>} : memref<16384xf32, #tpu.memory_space<vmem>>, vector<16xf32>,
    }
    %scan3A_45 = arith.constant 256 : i32
    "tpu.region"() ({
      %run_scoped3A = tpu.sem_alloc : memref<!tpu.dma_semaphore, #tpu.memory_space<semaphore_mem>>
      %dma_start3A = arith.constant 0 : i32
      %dma_start3A_58 = tpu.memref_slice %arg5[%select_n3A, %add3A_36, %dma_start3A] : memref<4x16x16384xf32, #tpu.memory_space<hbm>> -> memref<1x1x16384xf32, #tpu.memory_space<hbm>>
      %dma_start3A_59 = tpu.memref_squeeze %dma_start3A_58 : memref<1x1x16384xf32, #tpu.memory_space<hbm>> -> memref<16384xf32, #tpu.memory_space<hbm>>
      %dma_start3A_60 = arith.constant 0 : i32
      %dma_start3A_61 = tpu.memref_slice %arg5[%select_n3A, %add3A_36, %dma_start3A_60] : memref<4x16x16384xf32, #tpu.memory_space<hbm>> -> memref<1x1x16384xf32, #tpu.memory_space<hbm>>
      %dma_start3A_62 = tpu.memref_squeeze %dma_start3A_61 : memref<1x1x16384xf32, #tpu.memory_space<hbm>> -> memref<16384xf32, #tpu.memory_space<hbm>>
      tpu.enqueue_dma source(%arg8 : memref<16384xf32, #tpu.memory_space<vmem>>) target(%dma_start3A_62 : memref<16384xf32, #tpu.memory_space<hbm>>) target_semaphore(%run_scoped3A : memref<!tpu.dma_semaphore, #tpu.memory_space<semaphore_mem>>)
      %dma_wait3A = arith.constant 0 : i32
      %dma_wait3A_63 = tpu.memref_slice %arg5[%select_n3A, %add3A_36, %dma_wait3A] : memref<4x16x16384xf32, #tpu.memory_space<hbm>> -> memref<1x1x16384xf32, #tpu.memory_space<hbm>>
      %dma_wait3A_64 = tpu.memref_squeeze %dma_wait3A_63 : memref<1x1x16384xf32, #tpu.memory_space<hbm>> -> memref<16384xf32, #tpu.memory_space<hbm>>
      %dma_wait3A_65 = arith.constant 0 : i32
      %dma_wait3A_66 = tpu.memref_slice %arg5[%select_n3A, %add3A_36, %dma_wait3A_65] : memref<4x16x16384xf32, #tpu.memory_space<hbm>> -> memref<1x1x16384xf32, #tpu.memory_space<hbm>>
      %dma_wait3A_67 = tpu.memref_squeeze %dma_wait3A_66 : memref<1x1x16384xf32, #tpu.memory_space<hbm>> -> memref<16384xf32, #tpu.memory_space<hbm>>
      tpu.wait_dma2 semaphore(%run_scoped3A : memref<!tpu.dma_semaphore, #tpu.memory_space<semaphore_mem>>) src(%arg8 : memref<16384xf32, #tpu.memory_space<vmem>>) dst(%dma_wait3A_67 : memref<16384xf32, #tpu.memory_space<hbm>>)
      tpu.yield
    }) : () -> ()
    %add3A_46 = arith.constant 1 : i32
    %add3A_47 = arith.addi %mul3A_32, %add3A_46 : i32
    %add3A_48 = arith.constant 8 : i32
    %add3A_49 = arith.addi %add3A_48, %select_n3A : i32
    "tpu.region"() ({
      %run_scoped3A = tpu.sem_alloc : memref<!tpu.dma_semaphore, #tpu.memory_space<semaphore_mem>>
      %dma_start3A = arith.constant 0 : i32
      %dma_start3A_58 = tpu.memref_slice %arg3[%add3A_49, %add3A_47, %dma_start3A] : memref<16x16x4096xi32, #tpu.memory_space<hbm>> -> memref<1x1x4096xi32, #tpu.memory_space<hbm>>
      %dma_start3A_59 = tpu.memref_squeeze %dma_start3A_58 : memref<1x1x4096xi32, #tpu.memory_space<hbm>> -> memref<4096xi32, #tpu.memory_space<hbm>>
      %dma_start3A_60 = arith.constant 0 : i32
      %dma_start3A_61 = tpu.memref_slice %arg3[%add3A_49, %add3A_47, %dma_start3A_60] : memref<16x16x4096xi32, #tpu.memory_space<hbm>> -> memref<1x1x4096xi32, #tpu.memory_space<hbm>>
      %dma_start3A_62 = tpu.memref_squeeze %dma_start3A_61 : memref<1x1x4096xi32, #tpu.memory_space<hbm>> -> memref<4096xi32, #tpu.memory_space<hbm>>
      tpu.enqueue_dma source(%dma_start3A_62 : memref<4096xi32, #tpu.memory_space<hbm>>) target(%arg7 : memref<4096xi32, #tpu.memory_space<vmem>>) target_semaphore(%run_scoped3A : memref<!tpu.dma_semaphore, #tpu.memory_space<semaphore_mem>>)
      %dma_wait3A = arith.constant 0 : i32
      %dma_wait3A_63 = tpu.memref_slice %arg3[%add3A_49, %add3A_47, %dma_wait3A] : memref<16x16x4096xi32, #tpu.memory_space<hbm>> -> memref<1x1x4096xi32, #tpu.memory_space<hbm>>
      %dma_wait3A_64 = tpu.memref_squeeze %dma_wait3A_63 : memref<1x1x4096xi32, #tpu.memory_space<hbm>> -> memref<4096xi32, #tpu.memory_space<hbm>>
      %dma_wait3A_65 = arith.constant 0 : i32
      %dma_wait3A_66 = tpu.memref_slice %arg3[%add3A_49, %add3A_47, %dma_wait3A_65] : memref<16x16x4096xi32, #tpu.memory_space<hbm>> -> memref<1x1x4096xi32, #tpu.memory_space<hbm>>
      %dma_wait3A_67 = tpu.memref_squeeze %dma_wait3A_66 : memref<1x1x4096xi32, #tpu.memory_space<hbm>> -> memref<4096xi32, #tpu.memory_space<hbm>>
      tpu.wait_dma2 semaphore(%run_scoped3A : memref<!tpu.dma_semaphore, #tpu.memory_space<semaphore_mem>>) src(%dma_wait3A_67 : memref<4096xi32, #tpu.memory_space<hbm>>) dst(%arg7 : memref<4096xi32, #tpu.memory_space<vmem>>)
      tpu.yield
    }) : () -> ()
    %add3A_50 = arith.constant 8 : i32
    %add3A_51 = arith.addi %add3A_50, %select_n3A : i32
    "tpu.region"() ({
      %run_scoped3A = tpu.sem_alloc : memref<!tpu.dma_semaphore, #tpu.memory_space<semaphore_mem>>
      %dma_start3A = arith.constant 12288 : i32
      %dma_start3A_58 = tpu.memref_slice %arg8[%dma_start3A] : memref<16384xf32, #tpu.memory_space<vmem>> -> memref<4096xf32, #tpu.memory_space<vmem>>
      %dma_start3A_59 = arith.constant 0 : i32
      %dma_start3A_60 = tpu.memref_slice %arg4[%add3A_51, %add3A_47, %dma_start3A_59] : memref<16x16x4096xf32, #tpu.memory_space<hbm>> -> memref<1x1x4096xf32, #tpu.memory_space<hbm>>
      %dma_start3A_61 = tpu.memref_squeeze %dma_start3A_60 : memref<1x1x4096xf32, #tpu.memory_space<hbm>> -> memref<4096xf32, #tpu.memory_space<hbm>>
      %dma_start3A_62 = arith.constant 12288 : i32
      %dma_start3A_63 = tpu.memref_slice %arg8[%dma_start3A_62] : memref<16384xf32, #tpu.memory_space<vmem>> -> memref<4096xf32, #tpu.memory_space<vmem>>
      %dma_start3A_64 = arith.constant 0 : i32
      %dma_start3A_65 = tpu.memref_slice %arg4[%add3A_51, %add3A_47, %dma_start3A_64] : memref<16x16x4096xf32, #tpu.memory_space<hbm>> -> memref<1x1x4096xf32, #tpu.memory_space<hbm>>
      %dma_start3A_66 = tpu.memref_squeeze %dma_start3A_65 : memref<1x1x4096xf32, #tpu.memory_space<hbm>> -> memref<4096xf32, #tpu.memory_space<hbm>>
      tpu.enqueue_dma source(%dma_start3A_66 : memref<4096xf32, #tpu.memory_space<hbm>>) target(%dma_start3A_63 : memref<4096xf32, #tpu.memory_space<vmem>>) target_semaphore(%run_scoped3A : memref<!tpu.dma_semaphore, #tpu.memory_space<semaphore_mem>>)
      %dma_wait3A = arith.constant 12288 : i32
      %dma_wait3A_67 = tpu.memref_slice %arg8[%dma_wait3A] : memref<16384xf32, #tpu.memory_space<vmem>> -> memref<4096xf32, #tpu.memory_space<vmem>>
      %dma_wait3A_68 = arith.constant 0 : i32
      %dma_wait3A_69 = tpu.memref_slice %arg4[%add3A_51, %add3A_47, %dma_wait3A_68] : memref<16x16x4096xf32, #tpu.memory_space<hbm>> -> memref<1x1x4096xf32, #tpu.memory_space<hbm>>
      %dma_wait3A_70 = tpu.memref_squeeze %dma_wait3A_69 : memref<1x1x4096xf32, #tpu.memory_space<hbm>> -> memref<4096xf32, #tpu.memory_space<hbm>>
      %dma_wait3A_71 = arith.constant 12288 : i32
      %dma_wait3A_72 = tpu.memref_slice %arg8[%dma_wait3A_71] : memref<16384xf32, #tpu.memory_space<vmem>> -> memref<4096xf32, #tpu.memory_space<vmem>>
      %dma_wait3A_73 = arith.constant 0 : i32
      %dma_wait3A_74 = tpu.memref_slice %arg4[%add3A_51, %add3A_47, %dma_wait3A_73] : memref<16x16x4096xf32, #tpu.memory_space<hbm>> -> memref<1x1x4096xf32, #tpu.memory_space<hbm>>
      %dma_wait3A_75 = tpu.memref_squeeze %dma_wait3A_74 : memref<1x1x4096xf32, #tpu.memory_space<hbm>> -> memref<4096xf32, #tpu.memory_space<hbm>>
      tpu.wait_dma2 semaphore(%run_scoped3A : memref<!tpu.dma_semaphore, #tpu.memory_space<semaphore_mem>>) src(%dma_wait3A_75 : memref<4096xf32, #tpu.memory_space<hbm>>) dst(%dma_wait3A_72 : memref<4096xf32, #tpu.memory_space<vmem>>)
      tpu.yield
    }) : () -> ()
    %scan3A_52 = arith.constant 0 : i32
    %scan3A_53 = arith.constant 0 : i32
    %scan3A_54 = arith.constant 256 : i32
    %scan3A_55 = arith.addi %scan3A_53, %scan3A_54 : i32
    %scan3A_56 = arith.constant 1 : i32
    scf.for %scan3A_58 = %scan3A_53 to %scan3A_55 step %scan3A_56  : i32 {
      %mul3A_59 = arith.constant 16 : i32
      %mul3A_60 = arith.muli %scan3A_58, %mul3A_59 : i32
      %get3A = arith.index_cast %mul3A_60 : i32 to index
      %get3A_61 = tpu.vector_load %arg7[%get3A] {strides = array<i32>} : memref<4096xi32, #tpu.memory_space<vmem>>, vector<16xi32>,
      %add3A_62 = arith.constant 0 : i32
      %add3A_63 = vector.broadcast %add3A_62 : i32 to vector<16xi32>
      %add3A_64 = arith.addi %get3A_61, %add3A_63 : vector<16xi32>
      %gather3A = tpu.vector_load_idx %arg6[%add3A_64] : memref<12288xf32, #tpu.memory_space<vmem>>[vector<16xi32>], vector<16xf32>,
      %mul3A_65 = arith.constant 16 : i32
      %mul3A_66 = arith.muli %scan3A_58, %mul3A_65 : i32
      %add3A_67 = arith.constant 0 : i32
      %add3A_68 = arith.addi %add3A_67, %mul3A_66 : i32
      %swap3A = arith.index_cast %add3A_68 : i32 to index
      %swap3A_69 = tpu.vector_load %arg8[%swap3A] {strides = array<i32>} : memref<16384xf32, #tpu.memory_space<vmem>>, vector<16xf32>,
      tpu.vector_store %arg8[%swap3A], %gather3A {strides = array<i32>} : memref<16384xf32, #tpu.memory_space<vmem>>, vector<16xf32>,
      %add3A_70 = arith.constant 4096 : i32
      %add3A_71 = vector.broadcast %add3A_70 : i32 to vector<16xi32>
      %add3A_72 = arith.addi %get3A_61, %add3A_71 : vector<16xi32>
      %gather3A_73 = tpu.vector_load_idx %arg6[%add3A_72] : memref<12288xf32, #tpu.memory_space<vmem>>[vector<16xi32>], vector<16xf32>,
      %mul3A_74 = arith.constant 16 : i32
      %mul3A_75 = arith.muli %scan3A_58, %mul3A_74 : i32
      %add3A_76 = arith.constant 4096 : i32
      %add3A_77 = arith.addi %add3A_76, %mul3A_75 : i32
      %swap3A_78 = arith.index_cast %add3A_77 : i32 to index
      %swap3A_79 = tpu.vector_load %arg8[%swap3A_78] {strides = array<i32>} : memref<16384xf32, #tpu.memory_space<vmem>>, vector<16xf32>,
      tpu.vector_store %arg8[%swap3A_78], %gather3A_73 {strides = array<i32>} : memref<16384xf32, #tpu.memory_space<vmem>>, vector<16xf32>,
      %add3A_80 = arith.constant 8192 : i32
      %add3A_81 = vector.broadcast %add3A_80 : i32 to vector<16xi32>
      %add3A_82 = arith.addi %get3A_61, %add3A_81 : vector<16xi32>
      %gather3A_83 = tpu.vector_load_idx %arg6[%add3A_82] : memref<12288xf32, #tpu.memory_space<vmem>>[vector<16xi32>], vector<16xf32>,
      %mul3A_84 = arith.constant 16 : i32
      %mul3A_85 = arith.muli %scan3A_58, %mul3A_84 : i32
      %add3A_86 = arith.constant 8192 : i32
      %add3A_87 = arith.addi %add3A_86, %mul3A_85 : i32
      %swap3A_88 = arith.index_cast %add3A_87 : i32 to index
      %swap3A_89 = tpu.vector_load %arg8[%swap3A_88] {strides = array<i32>} : memref<16384xf32, #tpu.memory_space<vmem>>, vector<16xf32>,
      tpu.vector_store %arg8[%swap3A_88], %gather3A_83 {strides = array<i32>} : memref<16384xf32, #tpu.memory_space<vmem>>, vector<16xf32>,
    }
    %scan3A_57 = arith.constant 256 : i32
    "tpu.region"() ({
      %run_scoped3A = tpu.sem_alloc : memref<!tpu.dma_semaphore, #tpu.memory_space<semaphore_mem>>
      %dma_start3A = arith.constant 0 : i32
      %dma_start3A_58 = tpu.memref_slice %arg5[%select_n3A, %add3A_47, %dma_start3A] : memref<4x16x16384xf32, #tpu.memory_space<hbm>> -> memref<1x1x16384xf32, #tpu.memory_space<hbm>>
      %dma_start3A_59 = tpu.memref_squeeze %dma_start3A_58 : memref<1x1x16384xf32, #tpu.memory_space<hbm>> -> memref<16384xf32, #tpu.memory_space<hbm>>
      %dma_start3A_60 = arith.constant 0 : i32
      %dma_start3A_61 = tpu.memref_slice %arg5[%select_n3A, %add3A_47, %dma_start3A_60] : memref<4x16x16384xf32, #tpu.memory_space<hbm>> -> memref<1x1x16384xf32, #tpu.memory_space<hbm>>
      %dma_start3A_62 = tpu.memref_squeeze %dma_start3A_61 : memref<1x1x16384xf32, #tpu.memory_space<hbm>> -> memref<16384xf32, #tpu.memory_space<hbm>>
      tpu.enqueue_dma source(%arg8 : memref<16384xf32, #tpu.memory_space<vmem>>) target(%dma_start3A_62 : memref<16384xf32, #tpu.memory_space<hbm>>) target_semaphore(%run_scoped3A : memref<!tpu.dma_semaphore, #tpu.memory_space<semaphore_mem>>)
      %dma_wait3A = arith.constant 0 : i32
      %dma_wait3A_63 = tpu.memref_slice %arg5[%select_n3A, %add3A_47, %dma_wait3A] : memref<4x16x16384xf32, #tpu.memory_space<hbm>> -> memref<1x1x16384xf32, #tpu.memory_space<hbm>>
      %dma_wait3A_64 = tpu.memref_squeeze %dma_wait3A_63 : memref<1x1x16384xf32, #tpu.memory_space<hbm>> -> memref<16384xf32, #tpu.memory_space<hbm>>
      %dma_wait3A_65 = arith.constant 0 : i32
      %dma_wait3A_66 = tpu.memref_slice %arg5[%select_n3A, %add3A_47, %dma_wait3A_65] : memref<4x16x16384xf32, #tpu.memory_space<hbm>> -> memref<1x1x16384xf32, #tpu.memory_space<hbm>>
      %dma_wait3A_67 = tpu.memref_squeeze %dma_wait3A_66 : memref<1x1x16384xf32, #tpu.memory_space<hbm>> -> memref<16384xf32, #tpu.memory_space<hbm>>
      tpu.wait_dma2 semaphore(%run_scoped3A : memref<!tpu.dma_semaphore, #tpu.memory_space<semaphore_mem>>) src(%arg8 : memref<16384xf32, #tpu.memory_space<vmem>>) dst(%dma_wait3A_67 : memref<16384xf32, #tpu.memory_space<hbm>>)
      tpu.yield
    }) : () -> ()
    return
  }
}

#map = affine_map<(d0, d1) -> (0, 0)>
#map1 = affine_map<(d0, d1) -> (0, 0, 0)>
module attributes {stable_mosaic.version = 14 : i64} {
  func.func @k(%arg0: i32, %arg1: i32, %arg2: memref<16x12288xf32, #tpu.memory_space<hbm>>, %arg3: memref<16x16x4096xi32, #tpu.memory_space<hbm>>, %arg4: memref<16x16x4096xf32, #tpu.memory_space<hbm>>, %arg5: memref<4x16x16384xf32, #tpu.memory_space<hbm>>, %arg6: memref<12288xf32, #tpu.memory_space<vmem>>, %arg7: memref<4096xi32, #tpu.memory_space<vmem>>, %arg8: memref<16384xf32, #tpu.memory_space<vmem>>) attributes {dimension_semantics = [#tpu.dimension_semantics<core_parallel>, #tpu.dimension_semantics<subcore_parallel>], iteration_bounds = array<i64: 2, 16>, scalar_prefetch = 0 : i64, scratch_operands = 3 : i64, tpu.core_type = #tpu.core_type<sc_vector_subcore>, window_params = [{transform_indices = #map}, {transform_indices = #map1}, {transform_indices = #map1}, {transform_indices = #map1}]} {
    %mul3A = arith.constant 2 : i32
    %mul3A_0 = arith.muli %arg1, %mul3A : i32
    %add3A = arith.addi %mul3A_0, %arg0 : i32
    %jit3A = arith.constant 8 : i32
    %div3A = arith.divsi %add3A, %jit3A : i32
    %sign3A = arith.constant 0 : i32
    %sign3A_1 = arith.cmpi sgt, %add3A, %sign3A : i32
    %sign3A_2 = arith.extui %sign3A_1 : i1 to i32
    %sign3A_3 = arith.constant 0 : i32
    %sign3A_4 = arith.cmpi slt, %add3A, %sign3A_3 : i32
    %sign3A_5 = arith.extui %sign3A_4 : i1 to i32
    %sign3A_6 = arith.subi %sign3A_2, %sign3A_5 : i32
    %sign3A_7 = arith.constant 0 : i32
    %sign3A_8 = arith.cmpi sgt, %jit3A, %sign3A_7 : i32
    %sign3A_9 = arith.extui %sign3A_8 : i1 to i32
    %sign3A_10 = arith.constant 0 : i32
    %sign3A_11 = arith.cmpi slt, %jit3A, %sign3A_10 : i32
    %sign3A_12 = arith.extui %sign3A_11 : i1 to i32
    %sign3A_13 = arith.subi %sign3A_9, %sign3A_12 : i32
    %ne3A = arith.cmpi ne, %sign3A_6, %sign3A_13 : i32
    %rem3A = arith.remsi %add3A, %jit3A : i32
    %ne3A_14 = arith.constant 0 : i32
    %ne3A_15 = arith.cmpi ne, %rem3A, %ne3A_14 : i32
    %and3A = arith.andi %ne3A, %ne3A_15 : i1
    %sub3A = arith.constant 1 : i32
    %sub3A_16 = arith.subi %div3A, %sub3A : i32
    %select_n3A = arith.select %and3A, %sub3A_16, %div3A : i32
    %jit3A_17 = arith.constant 8 : i32
    %eq3A = arith.constant 0 : i32
    %eq3A_18 = arith.cmpi eq, %jit3A_17, %eq3A : i32
    %jit3A_19 = arith.constant 1 : i32
    %select_n3A_20 = arith.select %eq3A_18, %jit3A_19, %jit3A_17 : i32
    %rem3A_21 = arith.remsi %add3A, %select_n3A_20 : i32
    %ne3A_22 = arith.constant 0 : i32
    %ne3A_23 = arith.cmpi ne, %rem3A_21, %ne3A_22 : i32
    %lt3A = arith.constant 0 : i32
    %lt3A_24 = arith.cmpi slt, %rem3A_21, %lt3A : i32
    %lt3A_25 = arith.constant 0 : i32
    %lt3A_26 = arith.cmpi slt, %select_n3A_20, %lt3A_25 : i32
    %ne3A_27 = arith.xori %lt3A_24, %lt3A_26 : i1
    %and3A_28 = arith.andi %ne3A_27, %ne3A_23 : i1
    %add3A_29 = arith.addi %rem3A_21, %select_n3A_20 : i32
    %select_n3A_30 = arith.select %and3A_28, %add3A_29, %rem3A_21 : i32
    %mul3A_31 = arith.constant 2 : i32
    %mul3A_32 = arith.muli %select_n3A_30, %mul3A_31 : i32
    %add3A_33 = arith.constant 4 : i32
    %add3A_34 = arith.addi %add3A_33, %select_n3A : i32
    "tpu.region"() ({
      %run_scoped3A = tpu.sem_alloc : memref<!tpu.dma_semaphore, #tpu.memory_space<semaphore_mem>>
      %dma_start3A = arith.constant 0 : i32
      %dma_start3A_58 = tpu.memref_slice %arg2[%add3A_34, %dma_start3A] : memref<16x12288xf32, #tpu.memory_space<hbm>> -> memref<1x12288xf32, #tpu.memory_space<hbm>>
      %dma_start3A_59 = tpu.memref_squeeze %dma_start3A_58 : memref<1x12288xf32, #tpu.memory_space<hbm>> -> memref<12288xf32, #tpu.memory_space<hbm>>
      %dma_start3A_60 = arith.constant 0 : i32
      %dma_start3A_61 = tpu.memref_slice %arg2[%add3A_34, %dma_start3A_60] : memref<16x12288xf32, #tpu.memory_space<hbm>> -> memref<1x12288xf32, #tpu.memory_space<hbm>>
      %dma_start3A_62 = tpu.memref_squeeze %dma_start3A_61 : memref<1x12288xf32, #tpu.memory_space<hbm>> -> memref<12288xf32, #tpu.memory_space<hbm>>
      tpu.enqueue_dma source(%dma_start3A_62 : memref<12288xf32, #tpu.memory_space<hbm>>) target(%arg6 : memref<12288xf32, #tpu.memory_space<vmem>>) target_semaphore(%run_scoped3A : memref<!tpu.dma_semaphore, #tpu.memory_space<semaphore_mem>>)
      %dma_wait3A = arith.constant 0 : i32
      %dma_wait3A_63 = tpu.memref_slice %arg2[%add3A_34, %dma_wait3A] : memref<16x12288xf32, #tpu.memory_space<hbm>> -> memref<1x12288xf32, #tpu.memory_space<hbm>>
      %dma_wait3A_64 = tpu.memref_squeeze %dma_wait3A_63 : memref<1x12288xf32, #tpu.memory_space<hbm>> -> memref<12288xf32, #tpu.memory_space<hbm>>
      %dma_wait3A_65 = arith.constant 0 : i32
      %dma_wait3A_66 = tpu.memref_slice %arg2[%add3A_34, %dma_wait3A_65] : memref<16x12288xf32, #tpu.memory_space<hbm>> -> memref<1x12288xf32, #tpu.memory_space<hbm>>
      %dma_wait3A_67 = tpu.memref_squeeze %dma_wait3A_66 : memref<1x12288xf32, #tpu.memory_space<hbm>> -> memref<12288xf32, #tpu.memory_space<hbm>>
      tpu.wait_dma2 semaphore(%run_scoped3A : memref<!tpu.dma_semaphore, #tpu.memory_space<semaphore_mem>>) src(%dma_wait3A_67 : memref<12288xf32, #tpu.memory_space<hbm>>) dst(%arg6 : memref<12288xf32, #tpu.memory_space<vmem>>)
      tpu.yield
    }) : () -> ()
    %add3A_35 = arith.constant 0 : i32
    %add3A_36 = arith.addi %mul3A_32, %add3A_35 : i32
    %add3A_37 = arith.constant 4 : i32
    %add3A_38 = arith.addi %add3A_37, %select_n3A : i32
    "tpu.region"() ({
      %run_scoped3A = tpu.sem_alloc : memref<!tpu.dma_semaphore, #tpu.memory_space<semaphore_mem>>
      %dma_start3A = arith.constant 0 : i32
      %dma_start3A_58 = tpu.memref_slice %arg3[%add3A_38, %add3A_36, %dma_start3A] : memref<16x16x4096xi32, #tpu.memory_space<hbm>> -> memref<1x1x4096xi32, #tpu.memory_space<hbm>>
      %dma_start3A_59 = tpu.memref_squeeze %dma_start3A_58 : memref<1x1x4096xi32, #tpu.memory_space<hbm>> -> memref<4096xi32, #tpu.memory_space<hbm>>
      %dma_start3A_60 = arith.constant 0 : i32
      %dma_start3A_61 = tpu.memref_slice %arg3[%add3A_38, %add3A_36, %dma_start3A_60] : memref<16x16x4096xi32, #tpu.memory_space<hbm>> -> memref<1x1x4096xi32, #tpu.memory_space<hbm>>
      %dma_start3A_62 = tpu.memref_squeeze %dma_start3A_61 : memref<1x1x4096xi32, #tpu.memory_space<hbm>> -> memref<4096xi32, #tpu.memory_space<hbm>>
      tpu.enqueue_dma source(%dma_start3A_62 : memref<4096xi32, #tpu.memory_space<hbm>>) target(%arg7 : memref<4096xi32, #tpu.memory_space<vmem>>) target_semaphore(%run_scoped3A : memref<!tpu.dma_semaphore, #tpu.memory_space<semaphore_mem>>)
      %dma_wait3A = arith.constant 0 : i32
      %dma_wait3A_63 = tpu.memref_slice %arg3[%add3A_38, %add3A_36, %dma_wait3A] : memref<16x16x4096xi32, #tpu.memory_space<hbm>> -> memref<1x1x4096xi32, #tpu.memory_space<hbm>>
      %dma_wait3A_64 = tpu.memref_squeeze %dma_wait3A_63 : memref<1x1x4096xi32, #tpu.memory_space<hbm>> -> memref<4096xi32, #tpu.memory_space<hbm>>
      %dma_wait3A_65 = arith.constant 0 : i32
      %dma_wait3A_66 = tpu.memref_slice %arg3[%add3A_38, %add3A_36, %dma_wait3A_65] : memref<16x16x4096xi32, #tpu.memory_space<hbm>> -> memref<1x1x4096xi32, #tpu.memory_space<hbm>>
      %dma_wait3A_67 = tpu.memref_squeeze %dma_wait3A_66 : memref<1x1x4096xi32, #tpu.memory_space<hbm>> -> memref<4096xi32, #tpu.memory_space<hbm>>
      tpu.wait_dma2 semaphore(%run_scoped3A : memref<!tpu.dma_semaphore, #tpu.memory_space<semaphore_mem>>) src(%dma_wait3A_67 : memref<4096xi32, #tpu.memory_space<hbm>>) dst(%arg7 : memref<4096xi32, #tpu.memory_space<vmem>>)
      tpu.yield
    }) : () -> ()
    %add3A_39 = arith.constant 4 : i32
    %add3A_40 = arith.addi %add3A_39, %select_n3A : i32
    "tpu.region"() ({
      %run_scoped3A = tpu.sem_alloc : memref<!tpu.dma_semaphore, #tpu.memory_space<semaphore_mem>>
      %dma_start3A = arith.constant 12288 : i32
      %dma_start3A_58 = tpu.memref_slice %arg8[%dma_start3A] : memref<16384xf32, #tpu.memory_space<vmem>> -> memref<4096xf32, #tpu.memory_space<vmem>>
      %dma_start3A_59 = arith.constant 0 : i32
      %dma_start3A_60 = tpu.memref_slice %arg4[%add3A_40, %add3A_36, %dma_start3A_59] : memref<16x16x4096xf32, #tpu.memory_space<hbm>> -> memref<1x1x4096xf32, #tpu.memory_space<hbm>>
      %dma_start3A_61 = tpu.memref_squeeze %dma_start3A_60 : memref<1x1x4096xf32, #tpu.memory_space<hbm>> -> memref<4096xf32, #tpu.memory_space<hbm>>
      %dma_start3A_62 = arith.constant 12288 : i32
      %dma_start3A_63 = tpu.memref_slice %arg8[%dma_start3A_62] : memref<16384xf32, #tpu.memory_space<vmem>> -> memref<4096xf32, #tpu.memory_space<vmem>>
      %dma_start3A_64 = arith.constant 0 : i32
      %dma_start3A_65 = tpu.memref_slice %arg4[%add3A_40, %add3A_36, %dma_start3A_64] : memref<16x16x4096xf32, #tpu.memory_space<hbm>> -> memref<1x1x4096xf32, #tpu.memory_space<hbm>>
      %dma_start3A_66 = tpu.memref_squeeze %dma_start3A_65 : memref<1x1x4096xf32, #tpu.memory_space<hbm>> -> memref<4096xf32, #tpu.memory_space<hbm>>
      tpu.enqueue_dma source(%dma_start3A_66 : memref<4096xf32, #tpu.memory_space<hbm>>) target(%dma_start3A_63 : memref<4096xf32, #tpu.memory_space<vmem>>) target_semaphore(%run_scoped3A : memref<!tpu.dma_semaphore, #tpu.memory_space<semaphore_mem>>)
      %dma_wait3A = arith.constant 12288 : i32
      %dma_wait3A_67 = tpu.memref_slice %arg8[%dma_wait3A] : memref<16384xf32, #tpu.memory_space<vmem>> -> memref<4096xf32, #tpu.memory_space<vmem>>
      %dma_wait3A_68 = arith.constant 0 : i32
      %dma_wait3A_69 = tpu.memref_slice %arg4[%add3A_40, %add3A_36, %dma_wait3A_68] : memref<16x16x4096xf32, #tpu.memory_space<hbm>> -> memref<1x1x4096xf32, #tpu.memory_space<hbm>>
      %dma_wait3A_70 = tpu.memref_squeeze %dma_wait3A_69 : memref<1x1x4096xf32, #tpu.memory_space<hbm>> -> memref<4096xf32, #tpu.memory_space<hbm>>
      %dma_wait3A_71 = arith.constant 12288 : i32
      %dma_wait3A_72 = tpu.memref_slice %arg8[%dma_wait3A_71] : memref<16384xf32, #tpu.memory_space<vmem>> -> memref<4096xf32, #tpu.memory_space<vmem>>
      %dma_wait3A_73 = arith.constant 0 : i32
      %dma_wait3A_74 = tpu.memref_slice %arg4[%add3A_40, %add3A_36, %dma_wait3A_73] : memref<16x16x4096xf32, #tpu.memory_space<hbm>> -> memref<1x1x4096xf32, #tpu.memory_space<hbm>>
      %dma_wait3A_75 = tpu.memref_squeeze %dma_wait3A_74 : memref<1x1x4096xf32, #tpu.memory_space<hbm>> -> memref<4096xf32, #tpu.memory_space<hbm>>
      tpu.wait_dma2 semaphore(%run_scoped3A : memref<!tpu.dma_semaphore, #tpu.memory_space<semaphore_mem>>) src(%dma_wait3A_75 : memref<4096xf32, #tpu.memory_space<hbm>>) dst(%dma_wait3A_72 : memref<4096xf32, #tpu.memory_space<vmem>>)
      tpu.yield
    }) : () -> ()
    %scan3A = arith.constant 0 : i32
    %scan3A_41 = arith.constant 0 : i32
    %scan3A_42 = arith.constant 256 : i32
    %scan3A_43 = arith.addi %scan3A_41, %scan3A_42 : i32
    %scan3A_44 = arith.constant 1 : i32
    scf.for %scan3A_58 = %scan3A_41 to %scan3A_43 step %scan3A_44  : i32 {
      %mul3A_59 = arith.constant 16 : i32
      %mul3A_60 = arith.muli %scan3A_58, %mul3A_59 : i32
      %get3A = arith.index_cast %mul3A_60 : i32 to index
      %get3A_61 = tpu.vector_load %arg7[%get3A] {strides = array<i32>} : memref<4096xi32, #tpu.memory_space<vmem>>, vector<16xi32>,
      %add3A_62 = arith.constant 0 : i32
      %add3A_63 = vector.broadcast %add3A_62 : i32 to vector<16xi32>
      %add3A_64 = arith.addi %get3A_61, %add3A_63 : vector<16xi32>
      %gather3A = tpu.vector_load_idx %arg6[%add3A_64] : memref<12288xf32, #tpu.memory_space<vmem>>[vector<16xi32>], vector<16xf32>,
      %mul3A_65 = arith.constant 16 : i32
      %mul3A_66 = arith.muli %scan3A_58, %mul3A_65 : i32
      %add3A_67 = arith.constant 0 : i32
      %add3A_68 = arith.addi %add3A_67, %mul3A_66 : i32
      %swap3A = arith.index_cast %add3A_68 : i32 to index
      %swap3A_69 = tpu.vector_load %arg8[%swap3A] {strides = array<i32>} : memref<16384xf32, #tpu.memory_space<vmem>>, vector<16xf32>,
      tpu.vector_store %arg8[%swap3A], %gather3A {strides = array<i32>} : memref<16384xf32, #tpu.memory_space<vmem>>, vector<16xf32>,
      %add3A_70 = arith.constant 4096 : i32
      %add3A_71 = vector.broadcast %add3A_70 : i32 to vector<16xi32>
      %add3A_72 = arith.addi %get3A_61, %add3A_71 : vector<16xi32>
      %gather3A_73 = tpu.vector_load_idx %arg6[%add3A_72] : memref<12288xf32, #tpu.memory_space<vmem>>[vector<16xi32>], vector<16xf32>,
      %mul3A_74 = arith.constant 16 : i32
      %mul3A_75 = arith.muli %scan3A_58, %mul3A_74 : i32
      %add3A_76 = arith.constant 4096 : i32
      %add3A_77 = arith.addi %add3A_76, %mul3A_75 : i32
      %swap3A_78 = arith.index_cast %add3A_77 : i32 to index
      %swap3A_79 = tpu.vector_load %arg8[%swap3A_78] {strides = array<i32>} : memref<16384xf32, #tpu.memory_space<vmem>>, vector<16xf32>,
      tpu.vector_store %arg8[%swap3A_78], %gather3A_73 {strides = array<i32>} : memref<16384xf32, #tpu.memory_space<vmem>>, vector<16xf32>,
      %add3A_80 = arith.constant 8192 : i32
      %add3A_81 = vector.broadcast %add3A_80 : i32 to vector<16xi32>
      %add3A_82 = arith.addi %get3A_61, %add3A_81 : vector<16xi32>
      %gather3A_83 = tpu.vector_load_idx %arg6[%add3A_82] : memref<12288xf32, #tpu.memory_space<vmem>>[vector<16xi32>], vector<16xf32>,
      %mul3A_84 = arith.constant 16 : i32
      %mul3A_85 = arith.muli %scan3A_58, %mul3A_84 : i32
      %add3A_86 = arith.constant 8192 : i32
      %add3A_87 = arith.addi %add3A_86, %mul3A_85 : i32
      %swap3A_88 = arith.index_cast %add3A_87 : i32 to index
      %swap3A_89 = tpu.vector_load %arg8[%swap3A_88] {strides = array<i32>} : memref<16384xf32, #tpu.memory_space<vmem>>, vector<16xf32>,
      tpu.vector_store %arg8[%swap3A_88], %gather3A_83 {strides = array<i32>} : memref<16384xf32, #tpu.memory_space<vmem>>, vector<16xf32>,
    }
    %scan3A_45 = arith.constant 256 : i32
    "tpu.region"() ({
      %run_scoped3A = tpu.sem_alloc : memref<!tpu.dma_semaphore, #tpu.memory_space<semaphore_mem>>
      %dma_start3A = arith.constant 0 : i32
      %dma_start3A_58 = tpu.memref_slice %arg5[%select_n3A, %add3A_36, %dma_start3A] : memref<4x16x16384xf32, #tpu.memory_space<hbm>> -> memref<1x1x16384xf32, #tpu.memory_space<hbm>>
      %dma_start3A_59 = tpu.memref_squeeze %dma_start3A_58 : memref<1x1x16384xf32, #tpu.memory_space<hbm>> -> memref<16384xf32, #tpu.memory_space<hbm>>
      %dma_start3A_60 = arith.constant 0 : i32
      %dma_start3A_61 = tpu.memref_slice %arg5[%select_n3A, %add3A_36, %dma_start3A_60] : memref<4x16x16384xf32, #tpu.memory_space<hbm>> -> memref<1x1x16384xf32, #tpu.memory_space<hbm>>
      %dma_start3A_62 = tpu.memref_squeeze %dma_start3A_61 : memref<1x1x16384xf32, #tpu.memory_space<hbm>> -> memref<16384xf32, #tpu.memory_space<hbm>>
      tpu.enqueue_dma source(%arg8 : memref<16384xf32, #tpu.memory_space<vmem>>) target(%dma_start3A_62 : memref<16384xf32, #tpu.memory_space<hbm>>) target_semaphore(%run_scoped3A : memref<!tpu.dma_semaphore, #tpu.memory_space<semaphore_mem>>)
      %dma_wait3A = arith.constant 0 : i32
      %dma_wait3A_63 = tpu.memref_slice %arg5[%select_n3A, %add3A_36, %dma_wait3A] : memref<4x16x16384xf32, #tpu.memory_space<hbm>> -> memref<1x1x16384xf32, #tpu.memory_space<hbm>>
      %dma_wait3A_64 = tpu.memref_squeeze %dma_wait3A_63 : memref<1x1x16384xf32, #tpu.memory_space<hbm>> -> memref<16384xf32, #tpu.memory_space<hbm>>
      %dma_wait3A_65 = arith.constant 0 : i32
      %dma_wait3A_66 = tpu.memref_slice %arg5[%select_n3A, %add3A_36, %dma_wait3A_65] : memref<4x16x16384xf32, #tpu.memory_space<hbm>> -> memref<1x1x16384xf32, #tpu.memory_space<hbm>>
      %dma_wait3A_67 = tpu.memref_squeeze %dma_wait3A_66 : memref<1x1x16384xf32, #tpu.memory_space<hbm>> -> memref<16384xf32, #tpu.memory_space<hbm>>
      tpu.wait_dma2 semaphore(%run_scoped3A : memref<!tpu.dma_semaphore, #tpu.memory_space<semaphore_mem>>) src(%arg8 : memref<16384xf32, #tpu.memory_space<vmem>>) dst(%dma_wait3A_67 : memref<16384xf32, #tpu.memory_space<hbm>>)
      tpu.yield
    }) : () -> ()
    %add3A_46 = arith.constant 1 : i32
    %add3A_47 = arith.addi %mul3A_32, %add3A_46 : i32
    %add3A_48 = arith.constant 4 : i32
    %add3A_49 = arith.addi %add3A_48, %select_n3A : i32
    "tpu.region"() ({
      %run_scoped3A = tpu.sem_alloc : memref<!tpu.dma_semaphore, #tpu.memory_space<semaphore_mem>>
      %dma_start3A = arith.constant 0 : i32
      %dma_start3A_58 = tpu.memref_slice %arg3[%add3A_49, %add3A_47, %dma_start3A] : memref<16x16x4096xi32, #tpu.memory_space<hbm>> -> memref<1x1x4096xi32, #tpu.memory_space<hbm>>
      %dma_start3A_59 = tpu.memref_squeeze %dma_start3A_58 : memref<1x1x4096xi32, #tpu.memory_space<hbm>> -> memref<4096xi32, #tpu.memory_space<hbm>>
      %dma_start3A_60 = arith.constant 0 : i32
      %dma_start3A_61 = tpu.memref_slice %arg3[%add3A_49, %add3A_47, %dma_start3A_60] : memref<16x16x4096xi32, #tpu.memory_space<hbm>> -> memref<1x1x4096xi32, #tpu.memory_space<hbm>>
      %dma_start3A_62 = tpu.memref_squeeze %dma_start3A_61 : memref<1x1x4096xi32, #tpu.memory_space<hbm>> -> memref<4096xi32, #tpu.memory_space<hbm>>
      tpu.enqueue_dma source(%dma_start3A_62 : memref<4096xi32, #tpu.memory_space<hbm>>) target(%arg7 : memref<4096xi32, #tpu.memory_space<vmem>>) target_semaphore(%run_scoped3A : memref<!tpu.dma_semaphore, #tpu.memory_space<semaphore_mem>>)
      %dma_wait3A = arith.constant 0 : i32
      %dma_wait3A_63 = tpu.memref_slice %arg3[%add3A_49, %add3A_47, %dma_wait3A] : memref<16x16x4096xi32, #tpu.memory_space<hbm>> -> memref<1x1x4096xi32, #tpu.memory_space<hbm>>
      %dma_wait3A_64 = tpu.memref_squeeze %dma_wait3A_63 : memref<1x1x4096xi32, #tpu.memory_space<hbm>> -> memref<4096xi32, #tpu.memory_space<hbm>>
      %dma_wait3A_65 = arith.constant 0 : i32
      %dma_wait3A_66 = tpu.memref_slice %arg3[%add3A_49, %add3A_47, %dma_wait3A_65] : memref<16x16x4096xi32, #tpu.memory_space<hbm>> -> memref<1x1x4096xi32, #tpu.memory_space<hbm>>
      %dma_wait3A_67 = tpu.memref_squeeze %dma_wait3A_66 : memref<1x1x4096xi32, #tpu.memory_space<hbm>> -> memref<4096xi32, #tpu.memory_space<hbm>>
      tpu.wait_dma2 semaphore(%run_scoped3A : memref<!tpu.dma_semaphore, #tpu.memory_space<semaphore_mem>>) src(%dma_wait3A_67 : memref<4096xi32, #tpu.memory_space<hbm>>) dst(%arg7 : memref<4096xi32, #tpu.memory_space<vmem>>)
      tpu.yield
    }) : () -> ()
    %add3A_50 = arith.constant 4 : i32
    %add3A_51 = arith.addi %add3A_50, %select_n3A : i32
    "tpu.region"() ({
      %run_scoped3A = tpu.sem_alloc : memref<!tpu.dma_semaphore, #tpu.memory_space<semaphore_mem>>
      %dma_start3A = arith.constant 12288 : i32
      %dma_start3A_58 = tpu.memref_slice %arg8[%dma_start3A] : memref<16384xf32, #tpu.memory_space<vmem>> -> memref<4096xf32, #tpu.memory_space<vmem>>
      %dma_start3A_59 = arith.constant 0 : i32
      %dma_start3A_60 = tpu.memref_slice %arg4[%add3A_51, %add3A_47, %dma_start3A_59] : memref<16x16x4096xf32, #tpu.memory_space<hbm>> -> memref<1x1x4096xf32, #tpu.memory_space<hbm>>
      %dma_start3A_61 = tpu.memref_squeeze %dma_start3A_60 : memref<1x1x4096xf32, #tpu.memory_space<hbm>> -> memref<4096xf32, #tpu.memory_space<hbm>>
      %dma_start3A_62 = arith.constant 12288 : i32
      %dma_start3A_63 = tpu.memref_slice %arg8[%dma_start3A_62] : memref<16384xf32, #tpu.memory_space<vmem>> -> memref<4096xf32, #tpu.memory_space<vmem>>
      %dma_start3A_64 = arith.constant 0 : i32
      %dma_start3A_65 = tpu.memref_slice %arg4[%add3A_51, %add3A_47, %dma_start3A_64] : memref<16x16x4096xf32, #tpu.memory_space<hbm>> -> memref<1x1x4096xf32, #tpu.memory_space<hbm>>
      %dma_start3A_66 = tpu.memref_squeeze %dma_start3A_65 : memref<1x1x4096xf32, #tpu.memory_space<hbm>> -> memref<4096xf32, #tpu.memory_space<hbm>>
      tpu.enqueue_dma source(%dma_start3A_66 : memref<4096xf32, #tpu.memory_space<hbm>>) target(%dma_start3A_63 : memref<4096xf32, #tpu.memory_space<vmem>>) target_semaphore(%run_scoped3A : memref<!tpu.dma_semaphore, #tpu.memory_space<semaphore_mem>>)
      %dma_wait3A = arith.constant 12288 : i32
      %dma_wait3A_67 = tpu.memref_slice %arg8[%dma_wait3A] : memref<16384xf32, #tpu.memory_space<vmem>> -> memref<4096xf32, #tpu.memory_space<vmem>>
      %dma_wait3A_68 = arith.constant 0 : i32
      %dma_wait3A_69 = tpu.memref_slice %arg4[%add3A_51, %add3A_47, %dma_wait3A_68] : memref<16x16x4096xf32, #tpu.memory_space<hbm>> -> memref<1x1x4096xf32, #tpu.memory_space<hbm>>
      %dma_wait3A_70 = tpu.memref_squeeze %dma_wait3A_69 : memref<1x1x4096xf32, #tpu.memory_space<hbm>> -> memref<4096xf32, #tpu.memory_space<hbm>>
      %dma_wait3A_71 = arith.constant 12288 : i32
      %dma_wait3A_72 = tpu.memref_slice %arg8[%dma_wait3A_71] : memref<16384xf32, #tpu.memory_space<vmem>> -> memref<4096xf32, #tpu.memory_space<vmem>>
      %dma_wait3A_73 = arith.constant 0 : i32
      %dma_wait3A_74 = tpu.memref_slice %arg4[%add3A_51, %add3A_47, %dma_wait3A_73] : memref<16x16x4096xf32, #tpu.memory_space<hbm>> -> memref<1x1x4096xf32, #tpu.memory_space<hbm>>
      %dma_wait3A_75 = tpu.memref_squeeze %dma_wait3A_74 : memref<1x1x4096xf32, #tpu.memory_space<hbm>> -> memref<4096xf32, #tpu.memory_space<hbm>>
      tpu.wait_dma2 semaphore(%run_scoped3A : memref<!tpu.dma_semaphore, #tpu.memory_space<semaphore_mem>>) src(%dma_wait3A_75 : memref<4096xf32, #tpu.memory_space<hbm>>) dst(%dma_wait3A_72 : memref<4096xf32, #tpu.memory_space<vmem>>)
      tpu.yield
    }) : () -> ()
    %scan3A_52 = arith.constant 0 : i32
    %scan3A_53 = arith.constant 0 : i32
    %scan3A_54 = arith.constant 256 : i32
    %scan3A_55 = arith.addi %scan3A_53, %scan3A_54 : i32
    %scan3A_56 = arith.constant 1 : i32
    scf.for %scan3A_58 = %scan3A_53 to %scan3A_55 step %scan3A_56  : i32 {
      %mul3A_59 = arith.constant 16 : i32
      %mul3A_60 = arith.muli %scan3A_58, %mul3A_59 : i32
      %get3A = arith.index_cast %mul3A_60 : i32 to index
      %get3A_61 = tpu.vector_load %arg7[%get3A] {strides = array<i32>} : memref<4096xi32, #tpu.memory_space<vmem>>, vector<16xi32>,
      %add3A_62 = arith.constant 0 : i32
      %add3A_63 = vector.broadcast %add3A_62 : i32 to vector<16xi32>
      %add3A_64 = arith.addi %get3A_61, %add3A_63 : vector<16xi32>
      %gather3A = tpu.vector_load_idx %arg6[%add3A_64] : memref<12288xf32, #tpu.memory_space<vmem>>[vector<16xi32>], vector<16xf32>,
      %mul3A_65 = arith.constant 16 : i32
      %mul3A_66 = arith.muli %scan3A_58, %mul3A_65 : i32
      %add3A_67 = arith.constant 0 : i32
      %add3A_68 = arith.addi %add3A_67, %mul3A_66 : i32
      %swap3A = arith.index_cast %add3A_68 : i32 to index
      %swap3A_69 = tpu.vector_load %arg8[%swap3A] {strides = array<i32>} : memref<16384xf32, #tpu.memory_space<vmem>>, vector<16xf32>,
      tpu.vector_store %arg8[%swap3A], %gather3A {strides = array<i32>} : memref<16384xf32, #tpu.memory_space<vmem>>, vector<16xf32>,
      %add3A_70 = arith.constant 4096 : i32
      %add3A_71 = vector.broadcast %add3A_70 : i32 to vector<16xi32>
      %add3A_72 = arith.addi %get3A_61, %add3A_71 : vector<16xi32>
      %gather3A_73 = tpu.vector_load_idx %arg6[%add3A_72] : memref<12288xf32, #tpu.memory_space<vmem>>[vector<16xi32>], vector<16xf32>,
      %mul3A_74 = arith.constant 16 : i32
      %mul3A_75 = arith.muli %scan3A_58, %mul3A_74 : i32
      %add3A_76 = arith.constant 4096 : i32
      %add3A_77 = arith.addi %add3A_76, %mul3A_75 : i32
      %swap3A_78 = arith.index_cast %add3A_77 : i32 to index
      %swap3A_79 = tpu.vector_load %arg8[%swap3A_78] {strides = array<i32>} : memref<16384xf32, #tpu.memory_space<vmem>>, vector<16xf32>,
      tpu.vector_store %arg8[%swap3A_78], %gather3A_73 {strides = array<i32>} : memref<16384xf32, #tpu.memory_space<vmem>>, vector<16xf32>,
      %add3A_80 = arith.constant 8192 : i32
      %add3A_81 = vector.broadcast %add3A_80 : i32 to vector<16xi32>
      %add3A_82 = arith.addi %get3A_61, %add3A_81 : vector<16xi32>
      %gather3A_83 = tpu.vector_load_idx %arg6[%add3A_82] : memref<12288xf32, #tpu.memory_space<vmem>>[vector<16xi32>], vector<16xf32>,
      %mul3A_84 = arith.constant 16 : i32
      %mul3A_85 = arith.muli %scan3A_58, %mul3A_84 : i32
      %add3A_86 = arith.constant 8192 : i32
      %add3A_87 = arith.addi %add3A_86, %mul3A_85 : i32
      %swap3A_88 = arith.index_cast %add3A_87 : i32 to index
      %swap3A_89 = tpu.vector_load %arg8[%swap3A_88] {strides = array<i32>} : memref<16384xf32, #tpu.memory_space<vmem>>, vector<16xf32>,
      tpu.vector_store %arg8[%swap3A_88], %gather3A_83 {strides = array<i32>} : memref<16384xf32, #tpu.memory_space<vmem>>, vector<16xf32>,
    }
    %scan3A_57 = arith.constant 256 : i32
    "tpu.region"() ({
      %run_scoped3A = tpu.sem_alloc : memref<!tpu.dma_semaphore, #tpu.memory_space<semaphore_mem>>
      %dma_start3A = arith.constant 0 : i32
      %dma_start3A_58 = tpu.memref_slice %arg5[%select_n3A, %add3A_47, %dma_start3A] : memref<4x16x16384xf32, #tpu.memory_space<hbm>> -> memref<1x1x16384xf32, #tpu.memory_space<hbm>>
      %dma_start3A_59 = tpu.memref_squeeze %dma_start3A_58 : memref<1x1x16384xf32, #tpu.memory_space<hbm>> -> memref<16384xf32, #tpu.memory_space<hbm>>
      %dma_start3A_60 = arith.constant 0 : i32
      %dma_start3A_61 = tpu.memref_slice %arg5[%select_n3A, %add3A_47, %dma_start3A_60] : memref<4x16x16384xf32, #tpu.memory_space<hbm>> -> memref<1x1x16384xf32, #tpu.memory_space<hbm>>
      %dma_start3A_62 = tpu.memref_squeeze %dma_start3A_61 : memref<1x1x16384xf32, #tpu.memory_space<hbm>> -> memref<16384xf32, #tpu.memory_space<hbm>>
      tpu.enqueue_dma source(%arg8 : memref<16384xf32, #tpu.memory_space<vmem>>) target(%dma_start3A_62 : memref<16384xf32, #tpu.memory_space<hbm>>) target_semaphore(%run_scoped3A : memref<!tpu.dma_semaphore, #tpu.memory_space<semaphore_mem>>)
      %dma_wait3A = arith.constant 0 : i32
      %dma_wait3A_63 = tpu.memref_slice %arg5[%select_n3A, %add3A_47, %dma_wait3A] : memref<4x16x16384xf32, #tpu.memory_space<hbm>> -> memref<1x1x16384xf32, #tpu.memory_space<hbm>>
      %dma_wait3A_64 = tpu.memref_squeeze %dma_wait3A_63 : memref<1x1x16384xf32, #tpu.memory_space<hbm>> -> memref<16384xf32, #tpu.memory_space<hbm>>
      %dma_wait3A_65 = arith.constant 0 : i32
      %dma_wait3A_66 = tpu.memref_slice %arg5[%select_n3A, %add3A_47, %dma_wait3A_65] : memref<4x16x16384xf32, #tpu.memory_space<hbm>> -> memref<1x1x16384xf32, #tpu.memory_space<hbm>>
      %dma_wait3A_67 = tpu.memref_squeeze %dma_wait3A_66 : memref<1x1x16384xf32, #tpu.memory_space<hbm>> -> memref<16384xf32, #tpu.memory_space<hbm>>
      tpu.wait_dma2 semaphore(%run_scoped3A : memref<!tpu.dma_semaphore, #tpu.memory_space<semaphore_mem>>) src(%arg8 : memref<16384xf32, #tpu.memory_space<vmem>>) dst(%dma_wait3A_67 : memref<16384xf32, #tpu.memory_space<hbm>>)
      tpu.yield
    }) : () -> ()
    return
  }
}

#map = affine_map<(d0, d1) -> (0, 0)>
#map1 = affine_map<(d0, d1) -> (0, 0, 0)>
module attributes {stable_mosaic.version = 14 : i64} {
  func.func @k(%arg0: i32, %arg1: i32, %arg2: memref<16x12288xf32, #tpu.memory_space<hbm>>, %arg3: memref<16x16x4096xi32, #tpu.memory_space<hbm>>, %arg4: memref<16x16x4096xf32, #tpu.memory_space<hbm>>, %arg5: memref<4x16x16384xf32, #tpu.memory_space<hbm>>, %arg6: memref<12288xf32, #tpu.memory_space<vmem>>, %arg7: memref<4096xi32, #tpu.memory_space<vmem>>, %arg8: memref<16384xf32, #tpu.memory_space<vmem>>) attributes {dimension_semantics = [#tpu.dimension_semantics<core_parallel>, #tpu.dimension_semantics<subcore_parallel>], iteration_bounds = array<i64: 2, 16>, scalar_prefetch = 0 : i64, scratch_operands = 3 : i64, tpu.core_type = #tpu.core_type<sc_vector_subcore>, window_params = [{transform_indices = #map}, {transform_indices = #map1}, {transform_indices = #map1}, {transform_indices = #map1}]} {
    %mul3A = arith.constant 2 : i32
    %mul3A_0 = arith.muli %arg1, %mul3A : i32
    %add3A = arith.addi %mul3A_0, %arg0 : i32
    %jit3A = arith.constant 8 : i32
    %div3A = arith.divsi %add3A, %jit3A : i32
    %sign3A = arith.constant 0 : i32
    %sign3A_1 = arith.cmpi sgt, %add3A, %sign3A : i32
    %sign3A_2 = arith.extui %sign3A_1 : i1 to i32
    %sign3A_3 = arith.constant 0 : i32
    %sign3A_4 = arith.cmpi slt, %add3A, %sign3A_3 : i32
    %sign3A_5 = arith.extui %sign3A_4 : i1 to i32
    %sign3A_6 = arith.subi %sign3A_2, %sign3A_5 : i32
    %sign3A_7 = arith.constant 0 : i32
    %sign3A_8 = arith.cmpi sgt, %jit3A, %sign3A_7 : i32
    %sign3A_9 = arith.extui %sign3A_8 : i1 to i32
    %sign3A_10 = arith.constant 0 : i32
    %sign3A_11 = arith.cmpi slt, %jit3A, %sign3A_10 : i32
    %sign3A_12 = arith.extui %sign3A_11 : i1 to i32
    %sign3A_13 = arith.subi %sign3A_9, %sign3A_12 : i32
    %ne3A = arith.cmpi ne, %sign3A_6, %sign3A_13 : i32
    %rem3A = arith.remsi %add3A, %jit3A : i32
    %ne3A_14 = arith.constant 0 : i32
    %ne3A_15 = arith.cmpi ne, %rem3A, %ne3A_14 : i32
    %and3A = arith.andi %ne3A, %ne3A_15 : i1
    %sub3A = arith.constant 1 : i32
    %sub3A_16 = arith.subi %div3A, %sub3A : i32
    %select_n3A = arith.select %and3A, %sub3A_16, %div3A : i32
    %jit3A_17 = arith.constant 8 : i32
    %eq3A = arith.constant 0 : i32
    %eq3A_18 = arith.cmpi eq, %jit3A_17, %eq3A : i32
    %jit3A_19 = arith.constant 1 : i32
    %select_n3A_20 = arith.select %eq3A_18, %jit3A_19, %jit3A_17 : i32
    %rem3A_21 = arith.remsi %add3A, %select_n3A_20 : i32
    %ne3A_22 = arith.constant 0 : i32
    %ne3A_23 = arith.cmpi ne, %rem3A_21, %ne3A_22 : i32
    %lt3A = arith.constant 0 : i32
    %lt3A_24 = arith.cmpi slt, %rem3A_21, %lt3A : i32
    %lt3A_25 = arith.constant 0 : i32
    %lt3A_26 = arith.cmpi slt, %select_n3A_20, %lt3A_25 : i32
    %ne3A_27 = arith.xori %lt3A_24, %lt3A_26 : i1
    %and3A_28 = arith.andi %ne3A_27, %ne3A_23 : i1
    %add3A_29 = arith.addi %rem3A_21, %select_n3A_20 : i32
    %select_n3A_30 = arith.select %and3A_28, %add3A_29, %rem3A_21 : i32
    %mul3A_31 = arith.constant 2 : i32
    %mul3A_32 = arith.muli %select_n3A_30, %mul3A_31 : i32
    %add3A_33 = arith.constant 12 : i32
    %add3A_34 = arith.addi %add3A_33, %select_n3A : i32
    "tpu.region"() ({
      %run_scoped3A = tpu.sem_alloc : memref<!tpu.dma_semaphore, #tpu.memory_space<semaphore_mem>>
      %dma_start3A = arith.constant 0 : i32
      %dma_start3A_58 = tpu.memref_slice %arg2[%add3A_34, %dma_start3A] : memref<16x12288xf32, #tpu.memory_space<hbm>> -> memref<1x12288xf32, #tpu.memory_space<hbm>>
      %dma_start3A_59 = tpu.memref_squeeze %dma_start3A_58 : memref<1x12288xf32, #tpu.memory_space<hbm>> -> memref<12288xf32, #tpu.memory_space<hbm>>
      %dma_start3A_60 = arith.constant 0 : i32
      %dma_start3A_61 = tpu.memref_slice %arg2[%add3A_34, %dma_start3A_60] : memref<16x12288xf32, #tpu.memory_space<hbm>> -> memref<1x12288xf32, #tpu.memory_space<hbm>>
      %dma_start3A_62 = tpu.memref_squeeze %dma_start3A_61 : memref<1x12288xf32, #tpu.memory_space<hbm>> -> memref<12288xf32, #tpu.memory_space<hbm>>
      tpu.enqueue_dma source(%dma_start3A_62 : memref<12288xf32, #tpu.memory_space<hbm>>) target(%arg6 : memref<12288xf32, #tpu.memory_space<vmem>>) target_semaphore(%run_scoped3A : memref<!tpu.dma_semaphore, #tpu.memory_space<semaphore_mem>>)
      %dma_wait3A = arith.constant 0 : i32
      %dma_wait3A_63 = tpu.memref_slice %arg2[%add3A_34, %dma_wait3A] : memref<16x12288xf32, #tpu.memory_space<hbm>> -> memref<1x12288xf32, #tpu.memory_space<hbm>>
      %dma_wait3A_64 = tpu.memref_squeeze %dma_wait3A_63 : memref<1x12288xf32, #tpu.memory_space<hbm>> -> memref<12288xf32, #tpu.memory_space<hbm>>
      %dma_wait3A_65 = arith.constant 0 : i32
      %dma_wait3A_66 = tpu.memref_slice %arg2[%add3A_34, %dma_wait3A_65] : memref<16x12288xf32, #tpu.memory_space<hbm>> -> memref<1x12288xf32, #tpu.memory_space<hbm>>
      %dma_wait3A_67 = tpu.memref_squeeze %dma_wait3A_66 : memref<1x12288xf32, #tpu.memory_space<hbm>> -> memref<12288xf32, #tpu.memory_space<hbm>>
      tpu.wait_dma2 semaphore(%run_scoped3A : memref<!tpu.dma_semaphore, #tpu.memory_space<semaphore_mem>>) src(%dma_wait3A_67 : memref<12288xf32, #tpu.memory_space<hbm>>) dst(%arg6 : memref<12288xf32, #tpu.memory_space<vmem>>)
      tpu.yield
    }) : () -> ()
    %add3A_35 = arith.constant 0 : i32
    %add3A_36 = arith.addi %mul3A_32, %add3A_35 : i32
    %add3A_37 = arith.constant 12 : i32
    %add3A_38 = arith.addi %add3A_37, %select_n3A : i32
    "tpu.region"() ({
      %run_scoped3A = tpu.sem_alloc : memref<!tpu.dma_semaphore, #tpu.memory_space<semaphore_mem>>
      %dma_start3A = arith.constant 0 : i32
      %dma_start3A_58 = tpu.memref_slice %arg3[%add3A_38, %add3A_36, %dma_start3A] : memref<16x16x4096xi32, #tpu.memory_space<hbm>> -> memref<1x1x4096xi32, #tpu.memory_space<hbm>>
      %dma_start3A_59 = tpu.memref_squeeze %dma_start3A_58 : memref<1x1x4096xi32, #tpu.memory_space<hbm>> -> memref<4096xi32, #tpu.memory_space<hbm>>
      %dma_start3A_60 = arith.constant 0 : i32
      %dma_start3A_61 = tpu.memref_slice %arg3[%add3A_38, %add3A_36, %dma_start3A_60] : memref<16x16x4096xi32, #tpu.memory_space<hbm>> -> memref<1x1x4096xi32, #tpu.memory_space<hbm>>
      %dma_start3A_62 = tpu.memref_squeeze %dma_start3A_61 : memref<1x1x4096xi32, #tpu.memory_space<hbm>> -> memref<4096xi32, #tpu.memory_space<hbm>>
      tpu.enqueue_dma source(%dma_start3A_62 : memref<4096xi32, #tpu.memory_space<hbm>>) target(%arg7 : memref<4096xi32, #tpu.memory_space<vmem>>) target_semaphore(%run_scoped3A : memref<!tpu.dma_semaphore, #tpu.memory_space<semaphore_mem>>)
      %dma_wait3A = arith.constant 0 : i32
      %dma_wait3A_63 = tpu.memref_slice %arg3[%add3A_38, %add3A_36, %dma_wait3A] : memref<16x16x4096xi32, #tpu.memory_space<hbm>> -> memref<1x1x4096xi32, #tpu.memory_space<hbm>>
      %dma_wait3A_64 = tpu.memref_squeeze %dma_wait3A_63 : memref<1x1x4096xi32, #tpu.memory_space<hbm>> -> memref<4096xi32, #tpu.memory_space<hbm>>
      %dma_wait3A_65 = arith.constant 0 : i32
      %dma_wait3A_66 = tpu.memref_slice %arg3[%add3A_38, %add3A_36, %dma_wait3A_65] : memref<16x16x4096xi32, #tpu.memory_space<hbm>> -> memref<1x1x4096xi32, #tpu.memory_space<hbm>>
      %dma_wait3A_67 = tpu.memref_squeeze %dma_wait3A_66 : memref<1x1x4096xi32, #tpu.memory_space<hbm>> -> memref<4096xi32, #tpu.memory_space<hbm>>
      tpu.wait_dma2 semaphore(%run_scoped3A : memref<!tpu.dma_semaphore, #tpu.memory_space<semaphore_mem>>) src(%dma_wait3A_67 : memref<4096xi32, #tpu.memory_space<hbm>>) dst(%arg7 : memref<4096xi32, #tpu.memory_space<vmem>>)
      tpu.yield
    }) : () -> ()
    %add3A_39 = arith.constant 12 : i32
    %add3A_40 = arith.addi %add3A_39, %select_n3A : i32
    "tpu.region"() ({
      %run_scoped3A = tpu.sem_alloc : memref<!tpu.dma_semaphore, #tpu.memory_space<semaphore_mem>>
      %dma_start3A = arith.constant 12288 : i32
      %dma_start3A_58 = tpu.memref_slice %arg8[%dma_start3A] : memref<16384xf32, #tpu.memory_space<vmem>> -> memref<4096xf32, #tpu.memory_space<vmem>>
      %dma_start3A_59 = arith.constant 0 : i32
      %dma_start3A_60 = tpu.memref_slice %arg4[%add3A_40, %add3A_36, %dma_start3A_59] : memref<16x16x4096xf32, #tpu.memory_space<hbm>> -> memref<1x1x4096xf32, #tpu.memory_space<hbm>>
      %dma_start3A_61 = tpu.memref_squeeze %dma_start3A_60 : memref<1x1x4096xf32, #tpu.memory_space<hbm>> -> memref<4096xf32, #tpu.memory_space<hbm>>
      %dma_start3A_62 = arith.constant 12288 : i32
      %dma_start3A_63 = tpu.memref_slice %arg8[%dma_start3A_62] : memref<16384xf32, #tpu.memory_space<vmem>> -> memref<4096xf32, #tpu.memory_space<vmem>>
      %dma_start3A_64 = arith.constant 0 : i32
      %dma_start3A_65 = tpu.memref_slice %arg4[%add3A_40, %add3A_36, %dma_start3A_64] : memref<16x16x4096xf32, #tpu.memory_space<hbm>> -> memref<1x1x4096xf32, #tpu.memory_space<hbm>>
      %dma_start3A_66 = tpu.memref_squeeze %dma_start3A_65 : memref<1x1x4096xf32, #tpu.memory_space<hbm>> -> memref<4096xf32, #tpu.memory_space<hbm>>
      tpu.enqueue_dma source(%dma_start3A_66 : memref<4096xf32, #tpu.memory_space<hbm>>) target(%dma_start3A_63 : memref<4096xf32, #tpu.memory_space<vmem>>) target_semaphore(%run_scoped3A : memref<!tpu.dma_semaphore, #tpu.memory_space<semaphore_mem>>)
      %dma_wait3A = arith.constant 12288 : i32
      %dma_wait3A_67 = tpu.memref_slice %arg8[%dma_wait3A] : memref<16384xf32, #tpu.memory_space<vmem>> -> memref<4096xf32, #tpu.memory_space<vmem>>
      %dma_wait3A_68 = arith.constant 0 : i32
      %dma_wait3A_69 = tpu.memref_slice %arg4[%add3A_40, %add3A_36, %dma_wait3A_68] : memref<16x16x4096xf32, #tpu.memory_space<hbm>> -> memref<1x1x4096xf32, #tpu.memory_space<hbm>>
      %dma_wait3A_70 = tpu.memref_squeeze %dma_wait3A_69 : memref<1x1x4096xf32, #tpu.memory_space<hbm>> -> memref<4096xf32, #tpu.memory_space<hbm>>
      %dma_wait3A_71 = arith.constant 12288 : i32
      %dma_wait3A_72 = tpu.memref_slice %arg8[%dma_wait3A_71] : memref<16384xf32, #tpu.memory_space<vmem>> -> memref<4096xf32, #tpu.memory_space<vmem>>
      %dma_wait3A_73 = arith.constant 0 : i32
      %dma_wait3A_74 = tpu.memref_slice %arg4[%add3A_40, %add3A_36, %dma_wait3A_73] : memref<16x16x4096xf32, #tpu.memory_space<hbm>> -> memref<1x1x4096xf32, #tpu.memory_space<hbm>>
      %dma_wait3A_75 = tpu.memref_squeeze %dma_wait3A_74 : memref<1x1x4096xf32, #tpu.memory_space<hbm>> -> memref<4096xf32, #tpu.memory_space<hbm>>
      tpu.wait_dma2 semaphore(%run_scoped3A : memref<!tpu.dma_semaphore, #tpu.memory_space<semaphore_mem>>) src(%dma_wait3A_75 : memref<4096xf32, #tpu.memory_space<hbm>>) dst(%dma_wait3A_72 : memref<4096xf32, #tpu.memory_space<vmem>>)
      tpu.yield
    }) : () -> ()
    %scan3A = arith.constant 0 : i32
    %scan3A_41 = arith.constant 0 : i32
    %scan3A_42 = arith.constant 256 : i32
    %scan3A_43 = arith.addi %scan3A_41, %scan3A_42 : i32
    %scan3A_44 = arith.constant 1 : i32
    scf.for %scan3A_58 = %scan3A_41 to %scan3A_43 step %scan3A_44  : i32 {
      %mul3A_59 = arith.constant 16 : i32
      %mul3A_60 = arith.muli %scan3A_58, %mul3A_59 : i32
      %get3A = arith.index_cast %mul3A_60 : i32 to index
      %get3A_61 = tpu.vector_load %arg7[%get3A] {strides = array<i32>} : memref<4096xi32, #tpu.memory_space<vmem>>, vector<16xi32>,
      %add3A_62 = arith.constant 0 : i32
      %add3A_63 = vector.broadcast %add3A_62 : i32 to vector<16xi32>
      %add3A_64 = arith.addi %get3A_61, %add3A_63 : vector<16xi32>
      %gather3A = tpu.vector_load_idx %arg6[%add3A_64] : memref<12288xf32, #tpu.memory_space<vmem>>[vector<16xi32>], vector<16xf32>,
      %mul3A_65 = arith.constant 16 : i32
      %mul3A_66 = arith.muli %scan3A_58, %mul3A_65 : i32
      %add3A_67 = arith.constant 0 : i32
      %add3A_68 = arith.addi %add3A_67, %mul3A_66 : i32
      %swap3A = arith.index_cast %add3A_68 : i32 to index
      %swap3A_69 = tpu.vector_load %arg8[%swap3A] {strides = array<i32>} : memref<16384xf32, #tpu.memory_space<vmem>>, vector<16xf32>,
      tpu.vector_store %arg8[%swap3A], %gather3A {strides = array<i32>} : memref<16384xf32, #tpu.memory_space<vmem>>, vector<16xf32>,
      %add3A_70 = arith.constant 4096 : i32
      %add3A_71 = vector.broadcast %add3A_70 : i32 to vector<16xi32>
      %add3A_72 = arith.addi %get3A_61, %add3A_71 : vector<16xi32>
      %gather3A_73 = tpu.vector_load_idx %arg6[%add3A_72] : memref<12288xf32, #tpu.memory_space<vmem>>[vector<16xi32>], vector<16xf32>,
      %mul3A_74 = arith.constant 16 : i32
      %mul3A_75 = arith.muli %scan3A_58, %mul3A_74 : i32
      %add3A_76 = arith.constant 4096 : i32
      %add3A_77 = arith.addi %add3A_76, %mul3A_75 : i32
      %swap3A_78 = arith.index_cast %add3A_77 : i32 to index
      %swap3A_79 = tpu.vector_load %arg8[%swap3A_78] {strides = array<i32>} : memref<16384xf32, #tpu.memory_space<vmem>>, vector<16xf32>,
      tpu.vector_store %arg8[%swap3A_78], %gather3A_73 {strides = array<i32>} : memref<16384xf32, #tpu.memory_space<vmem>>, vector<16xf32>,
      %add3A_80 = arith.constant 8192 : i32
      %add3A_81 = vector.broadcast %add3A_80 : i32 to vector<16xi32>
      %add3A_82 = arith.addi %get3A_61, %add3A_81 : vector<16xi32>
      %gather3A_83 = tpu.vector_load_idx %arg6[%add3A_82] : memref<12288xf32, #tpu.memory_space<vmem>>[vector<16xi32>], vector<16xf32>,
      %mul3A_84 = arith.constant 16 : i32
      %mul3A_85 = arith.muli %scan3A_58, %mul3A_84 : i32
      %add3A_86 = arith.constant 8192 : i32
      %add3A_87 = arith.addi %add3A_86, %mul3A_85 : i32
      %swap3A_88 = arith.index_cast %add3A_87 : i32 to index
      %swap3A_89 = tpu.vector_load %arg8[%swap3A_88] {strides = array<i32>} : memref<16384xf32, #tpu.memory_space<vmem>>, vector<16xf32>,
      tpu.vector_store %arg8[%swap3A_88], %gather3A_83 {strides = array<i32>} : memref<16384xf32, #tpu.memory_space<vmem>>, vector<16xf32>,
    }
    %scan3A_45 = arith.constant 256 : i32
    "tpu.region"() ({
      %run_scoped3A = tpu.sem_alloc : memref<!tpu.dma_semaphore, #tpu.memory_space<semaphore_mem>>
      %dma_start3A = arith.constant 0 : i32
      %dma_start3A_58 = tpu.memref_slice %arg5[%select_n3A, %add3A_36, %dma_start3A] : memref<4x16x16384xf32, #tpu.memory_space<hbm>> -> memref<1x1x16384xf32, #tpu.memory_space<hbm>>
      %dma_start3A_59 = tpu.memref_squeeze %dma_start3A_58 : memref<1x1x16384xf32, #tpu.memory_space<hbm>> -> memref<16384xf32, #tpu.memory_space<hbm>>
      %dma_start3A_60 = arith.constant 0 : i32
      %dma_start3A_61 = tpu.memref_slice %arg5[%select_n3A, %add3A_36, %dma_start3A_60] : memref<4x16x16384xf32, #tpu.memory_space<hbm>> -> memref<1x1x16384xf32, #tpu.memory_space<hbm>>
      %dma_start3A_62 = tpu.memref_squeeze %dma_start3A_61 : memref<1x1x16384xf32, #tpu.memory_space<hbm>> -> memref<16384xf32, #tpu.memory_space<hbm>>
      tpu.enqueue_dma source(%arg8 : memref<16384xf32, #tpu.memory_space<vmem>>) target(%dma_start3A_62 : memref<16384xf32, #tpu.memory_space<hbm>>) target_semaphore(%run_scoped3A : memref<!tpu.dma_semaphore, #tpu.memory_space<semaphore_mem>>)
      %dma_wait3A = arith.constant 0 : i32
      %dma_wait3A_63 = tpu.memref_slice %arg5[%select_n3A, %add3A_36, %dma_wait3A] : memref<4x16x16384xf32, #tpu.memory_space<hbm>> -> memref<1x1x16384xf32, #tpu.memory_space<hbm>>
      %dma_wait3A_64 = tpu.memref_squeeze %dma_wait3A_63 : memref<1x1x16384xf32, #tpu.memory_space<hbm>> -> memref<16384xf32, #tpu.memory_space<hbm>>
      %dma_wait3A_65 = arith.constant 0 : i32
      %dma_wait3A_66 = tpu.memref_slice %arg5[%select_n3A, %add3A_36, %dma_wait3A_65] : memref<4x16x16384xf32, #tpu.memory_space<hbm>> -> memref<1x1x16384xf32, #tpu.memory_space<hbm>>
      %dma_wait3A_67 = tpu.memref_squeeze %dma_wait3A_66 : memref<1x1x16384xf32, #tpu.memory_space<hbm>> -> memref<16384xf32, #tpu.memory_space<hbm>>
      tpu.wait_dma2 semaphore(%run_scoped3A : memref<!tpu.dma_semaphore, #tpu.memory_space<semaphore_mem>>) src(%arg8 : memref<16384xf32, #tpu.memory_space<vmem>>) dst(%dma_wait3A_67 : memref<16384xf32, #tpu.memory_space<hbm>>)
      tpu.yield
    }) : () -> ()
    %add3A_46 = arith.constant 1 : i32
    %add3A_47 = arith.addi %mul3A_32, %add3A_46 : i32
    %add3A_48 = arith.constant 12 : i32
    %add3A_49 = arith.addi %add3A_48, %select_n3A : i32
    "tpu.region"() ({
      %run_scoped3A = tpu.sem_alloc : memref<!tpu.dma_semaphore, #tpu.memory_space<semaphore_mem>>
      %dma_start3A = arith.constant 0 : i32
      %dma_start3A_58 = tpu.memref_slice %arg3[%add3A_49, %add3A_47, %dma_start3A] : memref<16x16x4096xi32, #tpu.memory_space<hbm>> -> memref<1x1x4096xi32, #tpu.memory_space<hbm>>
      %dma_start3A_59 = tpu.memref_squeeze %dma_start3A_58 : memref<1x1x4096xi32, #tpu.memory_space<hbm>> -> memref<4096xi32, #tpu.memory_space<hbm>>
      %dma_start3A_60 = arith.constant 0 : i32
      %dma_start3A_61 = tpu.memref_slice %arg3[%add3A_49, %add3A_47, %dma_start3A_60] : memref<16x16x4096xi32, #tpu.memory_space<hbm>> -> memref<1x1x4096xi32, #tpu.memory_space<hbm>>
      %dma_start3A_62 = tpu.memref_squeeze %dma_start3A_61 : memref<1x1x4096xi32, #tpu.memory_space<hbm>> -> memref<4096xi32, #tpu.memory_space<hbm>>
      tpu.enqueue_dma source(%dma_start3A_62 : memref<4096xi32, #tpu.memory_space<hbm>>) target(%arg7 : memref<4096xi32, #tpu.memory_space<vmem>>) target_semaphore(%run_scoped3A : memref<!tpu.dma_semaphore, #tpu.memory_space<semaphore_mem>>)
      %dma_wait3A = arith.constant 0 : i32
      %dma_wait3A_63 = tpu.memref_slice %arg3[%add3A_49, %add3A_47, %dma_wait3A] : memref<16x16x4096xi32, #tpu.memory_space<hbm>> -> memref<1x1x4096xi32, #tpu.memory_space<hbm>>
      %dma_wait3A_64 = tpu.memref_squeeze %dma_wait3A_63 : memref<1x1x4096xi32, #tpu.memory_space<hbm>> -> memref<4096xi32, #tpu.memory_space<hbm>>
      %dma_wait3A_65 = arith.constant 0 : i32
      %dma_wait3A_66 = tpu.memref_slice %arg3[%add3A_49, %add3A_47, %dma_wait3A_65] : memref<16x16x4096xi32, #tpu.memory_space<hbm>> -> memref<1x1x4096xi32, #tpu.memory_space<hbm>>
      %dma_wait3A_67 = tpu.memref_squeeze %dma_wait3A_66 : memref<1x1x4096xi32, #tpu.memory_space<hbm>> -> memref<4096xi32, #tpu.memory_space<hbm>>
      tpu.wait_dma2 semaphore(%run_scoped3A : memref<!tpu.dma_semaphore, #tpu.memory_space<semaphore_mem>>) src(%dma_wait3A_67 : memref<4096xi32, #tpu.memory_space<hbm>>) dst(%arg7 : memref<4096xi32, #tpu.memory_space<vmem>>)
      tpu.yield
    }) : () -> ()
    %add3A_50 = arith.constant 12 : i32
    %add3A_51 = arith.addi %add3A_50, %select_n3A : i32
    "tpu.region"() ({
      %run_scoped3A = tpu.sem_alloc : memref<!tpu.dma_semaphore, #tpu.memory_space<semaphore_mem>>
      %dma_start3A = arith.constant 12288 : i32
      %dma_start3A_58 = tpu.memref_slice %arg8[%dma_start3A] : memref<16384xf32, #tpu.memory_space<vmem>> -> memref<4096xf32, #tpu.memory_space<vmem>>
      %dma_start3A_59 = arith.constant 0 : i32
      %dma_start3A_60 = tpu.memref_slice %arg4[%add3A_51, %add3A_47, %dma_start3A_59] : memref<16x16x4096xf32, #tpu.memory_space<hbm>> -> memref<1x1x4096xf32, #tpu.memory_space<hbm>>
      %dma_start3A_61 = tpu.memref_squeeze %dma_start3A_60 : memref<1x1x4096xf32, #tpu.memory_space<hbm>> -> memref<4096xf32, #tpu.memory_space<hbm>>
      %dma_start3A_62 = arith.constant 12288 : i32
      %dma_start3A_63 = tpu.memref_slice %arg8[%dma_start3A_62] : memref<16384xf32, #tpu.memory_space<vmem>> -> memref<4096xf32, #tpu.memory_space<vmem>>
      %dma_start3A_64 = arith.constant 0 : i32
      %dma_start3A_65 = tpu.memref_slice %arg4[%add3A_51, %add3A_47, %dma_start3A_64] : memref<16x16x4096xf32, #tpu.memory_space<hbm>> -> memref<1x1x4096xf32, #tpu.memory_space<hbm>>
      %dma_start3A_66 = tpu.memref_squeeze %dma_start3A_65 : memref<1x1x4096xf32, #tpu.memory_space<hbm>> -> memref<4096xf32, #tpu.memory_space<hbm>>
      tpu.enqueue_dma source(%dma_start3A_66 : memref<4096xf32, #tpu.memory_space<hbm>>) target(%dma_start3A_63 : memref<4096xf32, #tpu.memory_space<vmem>>) target_semaphore(%run_scoped3A : memref<!tpu.dma_semaphore, #tpu.memory_space<semaphore_mem>>)
      %dma_wait3A = arith.constant 12288 : i32
      %dma_wait3A_67 = tpu.memref_slice %arg8[%dma_wait3A] : memref<16384xf32, #tpu.memory_space<vmem>> -> memref<4096xf32, #tpu.memory_space<vmem>>
      %dma_wait3A_68 = arith.constant 0 : i32
      %dma_wait3A_69 = tpu.memref_slice %arg4[%add3A_51, %add3A_47, %dma_wait3A_68] : memref<16x16x4096xf32, #tpu.memory_space<hbm>> -> memref<1x1x4096xf32, #tpu.memory_space<hbm>>
      %dma_wait3A_70 = tpu.memref_squeeze %dma_wait3A_69 : memref<1x1x4096xf32, #tpu.memory_space<hbm>> -> memref<4096xf32, #tpu.memory_space<hbm>>
      %dma_wait3A_71 = arith.constant 12288 : i32
      %dma_wait3A_72 = tpu.memref_slice %arg8[%dma_wait3A_71] : memref<16384xf32, #tpu.memory_space<vmem>> -> memref<4096xf32, #tpu.memory_space<vmem>>
      %dma_wait3A_73 = arith.constant 0 : i32
      %dma_wait3A_74 = tpu.memref_slice %arg4[%add3A_51, %add3A_47, %dma_wait3A_73] : memref<16x16x4096xf32, #tpu.memory_space<hbm>> -> memref<1x1x4096xf32, #tpu.memory_space<hbm>>
      %dma_wait3A_75 = tpu.memref_squeeze %dma_wait3A_74 : memref<1x1x4096xf32, #tpu.memory_space<hbm>> -> memref<4096xf32, #tpu.memory_space<hbm>>
      tpu.wait_dma2 semaphore(%run_scoped3A : memref<!tpu.dma_semaphore, #tpu.memory_space<semaphore_mem>>) src(%dma_wait3A_75 : memref<4096xf32, #tpu.memory_space<hbm>>) dst(%dma_wait3A_72 : memref<4096xf32, #tpu.memory_space<vmem>>)
      tpu.yield
    }) : () -> ()
    %scan3A_52 = arith.constant 0 : i32
    %scan3A_53 = arith.constant 0 : i32
    %scan3A_54 = arith.constant 256 : i32
    %scan3A_55 = arith.addi %scan3A_53, %scan3A_54 : i32
    %scan3A_56 = arith.constant 1 : i32
    scf.for %scan3A_58 = %scan3A_53 to %scan3A_55 step %scan3A_56  : i32 {
      %mul3A_59 = arith.constant 16 : i32
      %mul3A_60 = arith.muli %scan3A_58, %mul3A_59 : i32
      %get3A = arith.index_cast %mul3A_60 : i32 to index
      %get3A_61 = tpu.vector_load %arg7[%get3A] {strides = array<i32>} : memref<4096xi32, #tpu.memory_space<vmem>>, vector<16xi32>,
      %add3A_62 = arith.constant 0 : i32
      %add3A_63 = vector.broadcast %add3A_62 : i32 to vector<16xi32>
      %add3A_64 = arith.addi %get3A_61, %add3A_63 : vector<16xi32>
      %gather3A = tpu.vector_load_idx %arg6[%add3A_64] : memref<12288xf32, #tpu.memory_space<vmem>>[vector<16xi32>], vector<16xf32>,
      %mul3A_65 = arith.constant 16 : i32
      %mul3A_66 = arith.muli %scan3A_58, %mul3A_65 : i32
      %add3A_67 = arith.constant 0 : i32
      %add3A_68 = arith.addi %add3A_67, %mul3A_66 : i32
      %swap3A = arith.index_cast %add3A_68 : i32 to index
      %swap3A_69 = tpu.vector_load %arg8[%swap3A] {strides = array<i32>} : memref<16384xf32, #tpu.memory_space<vmem>>, vector<16xf32>,
      tpu.vector_store %arg8[%swap3A], %gather3A {strides = array<i32>} : memref<16384xf32, #tpu.memory_space<vmem>>, vector<16xf32>,
      %add3A_70 = arith.constant 4096 : i32
      %add3A_71 = vector.broadcast %add3A_70 : i32 to vector<16xi32>
      %add3A_72 = arith.addi %get3A_61, %add3A_71 : vector<16xi32>
      %gather3A_73 = tpu.vector_load_idx %arg6[%add3A_72] : memref<12288xf32, #tpu.memory_space<vmem>>[vector<16xi32>], vector<16xf32>,
      %mul3A_74 = arith.constant 16 : i32
      %mul3A_75 = arith.muli %scan3A_58, %mul3A_74 : i32
      %add3A_76 = arith.constant 4096 : i32
      %add3A_77 = arith.addi %add3A_76, %mul3A_75 : i32
      %swap3A_78 = arith.index_cast %add3A_77 : i32 to index
      %swap3A_79 = tpu.vector_load %arg8[%swap3A_78] {strides = array<i32>} : memref<16384xf32, #tpu.memory_space<vmem>>, vector<16xf32>,
      tpu.vector_store %arg8[%swap3A_78], %gather3A_73 {strides = array<i32>} : memref<16384xf32, #tpu.memory_space<vmem>>, vector<16xf32>,
      %add3A_80 = arith.constant 8192 : i32
      %add3A_81 = vector.broadcast %add3A_80 : i32 to vector<16xi32>
      %add3A_82 = arith.addi %get3A_61, %add3A_81 : vector<16xi32>
      %gather3A_83 = tpu.vector_load_idx %arg6[%add3A_82] : memref<12288xf32, #tpu.memory_space<vmem>>[vector<16xi32>], vector<16xf32>,
      %mul3A_84 = arith.constant 16 : i32
      %mul3A_85 = arith.muli %scan3A_58, %mul3A_84 : i32
      %add3A_86 = arith.constant 8192 : i32
      %add3A_87 = arith.addi %add3A_86, %mul3A_85 : i32
      %swap3A_88 = arith.index_cast %add3A_87 : i32 to index
      %swap3A_89 = tpu.vector_load %arg8[%swap3A_88] {strides = array<i32>} : memref<16384xf32, #tpu.memory_space<vmem>>, vector<16xf32>,
      tpu.vector_store %arg8[%swap3A_88], %gather3A_83 {strides = array<i32>} : memref<16384xf32, #tpu.memory_space<vmem>>, vector<16xf32>,
    }
    %scan3A_57 = arith.constant 256 : i32
    "tpu.region"() ({
      %run_scoped3A = tpu.sem_alloc : memref<!tpu.dma_semaphore, #tpu.memory_space<semaphore_mem>>
      %dma_start3A = arith.constant 0 : i32
      %dma_start3A_58 = tpu.memref_slice %arg5[%select_n3A, %add3A_47, %dma_start3A] : memref<4x16x16384xf32, #tpu.memory_space<hbm>> -> memref<1x1x16384xf32, #tpu.memory_space<hbm>>
      %dma_start3A_59 = tpu.memref_squeeze %dma_start3A_58 : memref<1x1x16384xf32, #tpu.memory_space<hbm>> -> memref<16384xf32, #tpu.memory_space<hbm>>
      %dma_start3A_60 = arith.constant 0 : i32
      %dma_start3A_61 = tpu.memref_slice %arg5[%select_n3A, %add3A_47, %dma_start3A_60] : memref<4x16x16384xf32, #tpu.memory_space<hbm>> -> memref<1x1x16384xf32, #tpu.memory_space<hbm>>
      %dma_start3A_62 = tpu.memref_squeeze %dma_start3A_61 : memref<1x1x16384xf32, #tpu.memory_space<hbm>> -> memref<16384xf32, #tpu.memory_space<hbm>>
      tpu.enqueue_dma source(%arg8 : memref<16384xf32, #tpu.memory_space<vmem>>) target(%dma_start3A_62 : memref<16384xf32, #tpu.memory_space<hbm>>) target_semaphore(%run_scoped3A : memref<!tpu.dma_semaphore, #tpu.memory_space<semaphore_mem>>)
      %dma_wait3A = arith.constant 0 : i32
      %dma_wait3A_63 = tpu.memref_slice %arg5[%select_n3A, %add3A_47, %dma_wait3A] : memref<4x16x16384xf32, #tpu.memory_space<hbm>> -> memref<1x1x16384xf32, #tpu.memory_space<hbm>>
      %dma_wait3A_64 = tpu.memref_squeeze %dma_wait3A_63 : memref<1x1x16384xf32, #tpu.memory_space<hbm>> -> memref<16384xf32, #tpu.memory_space<hbm>>
      %dma_wait3A_65 = arith.constant 0 : i32
      %dma_wait3A_66 = tpu.memref_slice %arg5[%select_n3A, %add3A_47, %dma_wait3A_65] : memref<4x16x16384xf32, #tpu.memory_space<hbm>> -> memref<1x1x16384xf32, #tpu.memory_space<hbm>>
      %dma_wait3A_67 = tpu.memref_squeeze %dma_wait3A_66 : memref<1x1x16384xf32, #tpu.memory_space<hbm>> -> memref<16384xf32, #tpu.memory_space<hbm>>
      tpu.wait_dma2 semaphore(%run_scoped3A : memref<!tpu.dma_semaphore, #tpu.memory_space<semaphore_mem>>) src(%arg8 : memref<16384xf32, #tpu.memory_space<vmem>>) dst(%dma_wait3A_67 : memref<16384xf32, #tpu.memory_space<hbm>>)
      tpu.yield
    }) : () -> ()
    return
  }
}

module attributes {stable_mosaic.version = 14 : i64} {
  func.func @_cct_body(%arg0: i32, %arg1: memref<1x3x4096xf32, #tpu.memory_space<vmem>>, %arg2: memref<64x3xf32, #tpu.memory_space<vmem>>, %arg3: memref<64x1xf32, #tpu.memory_space<vmem>>, %arg4: memref<1x64x4096xf32, #tpu.memory_space<vmem>>) attributes {dimension_semantics = [#tpu.dimension_semantics<arbitrary>], iteration_bounds = array<i64: 16>, scalar_prefetch = 0 : i64, scratch_operands = 0 : i64, tpu.core_type = #tpu.core_type<tc>, window_params = [{transform_indices = @transform_0, window_bounds = array<i64: 1, 3, 4096>}, {pipeline_mode = #tpu.pipeline_mode<synchronous>, transform_indices = @transform_1, window_bounds = array<i64: 64, 3>}, {pipeline_mode = #tpu.pipeline_mode<synchronous>, transform_indices = @transform_2, window_bounds = array<i64: 64, 1>}, {transform_indices = @transform_3, window_bounds = array<i64: 1, 64, 4096>}]} {
    %get3A = arith.constant 0 : index
    %get3A_0 = arith.constant 0 : index
    %get3A_1 = vector.load %arg2[%get3A, %get3A_0] : memref<64x3xf32, #tpu.memory_space<vmem>>, vector<64x3xf32>
    %get3A_2 = arith.constant 0 : index
    %get3A_3 = arith.constant 0 : index
    %get3A_4 = arith.constant 0 : index
    %get3A_5 = vector.load %arg1[%get3A_2, %get3A_3, %get3A_4] : memref<1x3x4096xf32, #tpu.memory_space<vmem>>, vector<1x3x4096xf32>
    %get3A_6 = vector.shape_cast %get3A_5 : vector<1x3x4096xf32> to vector<3x4096xf32>
    %dot_general3A = arith.constant dense<0.000000e+00> : vector<64x4096xf32>
    %dot_general3A_7 = tpu.matmul %get3A_1, %get3A_6, %dot_general3A {dimension_numbers = #tpu.dot_dimension_numbers<[1], [0], [0], [1], [0, 0, 1, 1], [], []>, transpose_lhs_hint = false} : vector<64x3xf32>, vector<3x4096xf32>, vector<64x4096xf32> -> vector<64x4096xf32>
    %get3A_8 = arith.constant 0 : index
    %get3A_9 = arith.constant 0 : index
    %get3A_10 = vector.load %arg3[%get3A_8, %get3A_9] : memref<64x1xf32, #tpu.memory_space<vmem>>, vector<64x1xf32>
    %add3A = vector.broadcast %get3A_10 : vector<64x1xf32> to vector<64x4096xf32>
    %add3A_11 = arith.addf %dot_general3A_7, %add3A : vector<64x4096xf32>
    %swap3A = arith.constant 0 : index
    %swap3A_12 = arith.constant 0 : index
    %swap3A_13 = arith.constant 0 : index
    %swap3A_14 = vector.load %arg4[%swap3A, %swap3A_12, %swap3A_13] : memref<1x64x4096xf32, #tpu.memory_space<vmem>>, vector<1x64x4096xf32>
    %swap3A_15 = vector.shape_cast %swap3A_14 : vector<1x64x4096xf32> to vector<64x4096xf32>
    %swap3A_16 = vector.shape_cast %add3A_11 : vector<64x4096xf32> to vector<1x64x4096xf32>
    tpu.vector_store %arg4[%swap3A, %swap3A_12, %swap3A_13], %swap3A_16 {strides = array<i32>} : memref<1x64x4096xf32, #tpu.memory_space<vmem>>, vector<1x64x4096xf32>,
    return
  }
  func.func @transform_0(%arg0: i32) -> (i32, i32, i32) {
    %c0_i32 = arith.constant 0 : i32
    %c0_i32_0 = arith.constant 0 : i32
    %c0_i32_1 = arith.constant 0 : i32
    return %arg0, %c0_i32, %c0_i32_0 : i32, i32, i32
  }
  func.func @transform_1(%arg0: i32) -> (i32, i32) {
    %c0_i32 = arith.constant 0 : i32
    %c0_i32_0 = arith.constant 0 : i32
    %c0_i32_1 = arith.constant 0 : i32
    return %c0_i32, %c0_i32_0 : i32, i32
  }
  func.func @transform_2(%arg0: i32) -> (i32, i32) {
    %c0_i32 = arith.constant 0 : i32
    %c0_i32_0 = arith.constant 0 : i32
    %c0_i32_1 = arith.constant 0 : i32
    return %c0_i32, %c0_i32_0 : i32, i32
  }
  func.func @transform_3(%arg0: i32) -> (i32, i32, i32) {
    %c0_i32 = arith.constant 0 : i32
    %c0_i32_0 = arith.constant 0 : i32
    %c0_i32_1 = arith.constant 0 : i32
    return %arg0, %c0_i32, %c0_i32_0 : i32, i32, i32
  }
}

module attributes {stable_mosaic.version = 14 : i64} {
  func.func @_mlp_body(%arg0: i32, %arg1: i32, %arg2: memref<1x16x4x4096xf32, #tpu.memory_space<vmem>>, %arg3: memref<1x64x4096xf32, #tpu.memory_space<vmem>>, %arg4: memref<64x4xf32, #tpu.memory_space<vmem>>, %arg5: memref<64x64xbf16, #tpu.memory_space<vmem>>, %arg6: memref<64x1xf32, #tpu.memory_space<vmem>>, %arg7: memref<1x16x64x4096xf32, #tpu.memory_space<vmem>>) attributes {dimension_semantics = [#tpu.dimension_semantics<arbitrary>, #tpu.dimension_semantics<arbitrary>], iteration_bounds = array<i64: 4, 1>, scalar_prefetch = 0 : i64, scratch_operands = 0 : i64, tpu.core_type = #tpu.core_type<tc>, window_params = [{transform_indices = @transform_0, window_bounds = array<i64: 1, 16, 4, 4096>}, {transform_indices = @transform_1, window_bounds = array<i64: 1, 64, 4096>}, {pipeline_mode = #tpu.pipeline_mode<synchronous>, transform_indices = @transform_2, window_bounds = array<i64: 64, 4>}, {pipeline_mode = #tpu.pipeline_mode<synchronous>, transform_indices = @transform_3, window_bounds = array<i64: 64, 64>}, {pipeline_mode = #tpu.pipeline_mode<synchronous>, transform_indices = @transform_4, window_bounds = array<i64: 64, 1>}, {transform_indices = @transform_5, window_bounds = array<i64: 1, 16, 64, 4096>}]} {
    %get3A = arith.constant 0 : index
    %get3A_0 = arith.constant 0 : index
    %get3A_1 = arith.constant 0 : index
    %get3A_2 = vector.load %arg3[%get3A, %get3A_0, %get3A_1] : memref<1x64x4096xf32, #tpu.memory_space<vmem>>, vector<1x64x4096xf32>
    %get3A_3 = vector.shape_cast %get3A_2 : vector<1x64x4096xf32> to vector<64x4096xf32>
    %get3A_4 = arith.constant 0 : index
    %get3A_5 = arith.constant 0 : index
    %get3A_6 = vector.load %arg4[%get3A_4, %get3A_5] : memref<64x4xf32, #tpu.memory_space<vmem>>, vector<64x4xf32>
    %get3A_7 = arith.constant 0 : index
    %get3A_8 = arith.constant 0 : index
    %get3A_9 = arith.constant 0 : index
    %get3A_10 = arith.constant 0 : index
    %get3A_11 = vector.load %arg2[%get3A_7, %get3A_8, %get3A_9, %get3A_10] : memref<1x16x4x4096xf32, #tpu.memory_space<vmem>>, vector<1x1x4x4096xf32>
    %get3A_12 = vector.shape_cast %get3A_11 : vector<1x1x4x4096xf32> to vector<4x4096xf32>
    %dot_general3A = arith.constant dense<0.000000e+00> : vector<64x4096xf32>
    %dot_general3A_13 = tpu.matmul %get3A_6, %get3A_12, %dot_general3A {dimension_numbers = #tpu.dot_dimension_numbers<[1], [0], [0], [1], [0, 0, 1, 1], [], []>, transpose_lhs_hint = false} : vector<64x4xf32>, vector<4x4096xf32>, vector<64x4096xf32> -> vector<64x4096xf32>
    %add3A = arith.addf %dot_general3A_13, %get3A_3 : vector<64x4096xf32>
    %max3A = arith.constant 0.000000e+00 : f32
    %max3A_14 = vector.broadcast %max3A : f32 to vector<64x4096xf32>
    %max3A_15 = arith.maximumf %add3A, %max3A_14 : vector<64x4096xf32>
    %convert_element_type3A = arith.truncf %max3A_15 : vector<64x4096xf32> to vector<64x4096xbf16>
    %get3A_16 = arith.constant 0 : index
    %get3A_17 = arith.constant 0 : index
    %get3A_18 = vector.load %arg5[%get3A_16, %get3A_17] : memref<64x64xbf16, #tpu.memory_space<vmem>>, vector<64x64xbf16>
    %dot_general3A_19 = arith.constant dense<0.000000e+00> : vector<64x4096xf32>
    %dot_general3A_20 = tpu.matmul %get3A_18, %convert_element_type3A, %dot_general3A_19 {dimension_numbers = #tpu.dot_dimension_numbers<[1], [0], [0], [1], [0, 0, 1, 1], [], []>, transpose_lhs_hint = false} : vector<64x64xbf16>, vector<64x4096xbf16>, vector<64x4096xf32> -> vector<64x4096xf32>
    %get3A_21 = arith.constant 0 : index
    %get3A_22 = arith.constant 0 : index
    %get3A_23 = vector.load %arg6[%get3A_21, %get3A_22] : memref<64x1xf32, #tpu.memory_space<vmem>>, vector<64x1xf32>
    %add3A_24 = vector.broadcast %get3A_23 : vector<64x1xf32> to vector<64x4096xf32>
    %add3A_25 = arith.addf %dot_general3A_20, %add3A_24 : vector<64x4096xf32>
    %swap3A = arith.constant 0 : index
    %swap3A_26 = arith.constant 0 : index
    %swap3A_27 = arith.constant 0 : index
    %swap3A_28 = arith.constant 0 : index
    %swap3A_29 = vector.load %arg7[%swap3A, %swap3A_26, %swap3A_27, %swap3A_28] : memref<1x16x64x4096xf32, #tpu.memory_space<vmem>>, vector<1x1x64x4096xf32>
    %swap3A_30 = vector.shape_cast %swap3A_29 : vector<1x1x64x4096xf32> to vector<64x4096xf32>
    %swap3A_31 = vector.shape_cast %add3A_25 : vector<64x4096xf32> to vector<1x1x64x4096xf32>
    tpu.vector_store %arg7[%swap3A, %swap3A_26, %swap3A_27, %swap3A_28], %swap3A_31 {strides = array<i32>} : memref<1x16x64x4096xf32, #tpu.memory_space<vmem>>, vector<1x1x64x4096xf32>,
    %get3A_32 = arith.constant 0 : index
    %get3A_33 = arith.constant 0 : index
    %get3A_34 = vector.load %arg4[%get3A_32, %get3A_33] : memref<64x4xf32, #tpu.memory_space<vmem>>, vector<64x4xf32>
    %get3A_35 = arith.constant 0 : index
    %get3A_36 = arith.constant 1 : index
    %get3A_37 = arith.constant 0 : index
    %get3A_38 = arith.constant 0 : index
    %get3A_39 = vector.load %arg2[%get3A_35, %get3A_36, %get3A_37, %get3A_38] : memref<1x16x4x4096xf32, #tpu.memory_space<vmem>>, vector<1x1x4x4096xf32>
    %get3A_40 = vector.shape_cast %get3A_39 : vector<1x1x4x4096xf32> to vector<4x4096xf32>
    %dot_general3A_41 = arith.constant dense<0.000000e+00> : vector<64x4096xf32>
    %dot_general3A_42 = tpu.matmul %get3A_34, %get3A_40, %dot_general3A_41 {dimension_numbers = #tpu.dot_dimension_numbers<[1], [0], [0], [1], [0, 0, 1, 1], [], []>, transpose_lhs_hint = false} : vector<64x4xf32>, vector<4x4096xf32>, vector<64x4096xf32> -> vector<64x4096xf32>
    %add3A_43 = arith.addf %dot_general3A_42, %get3A_3 : vector<64x4096xf32>
    %max3A_44 = arith.constant 0.000000e+00 : f32
    %max3A_45 = vector.broadcast %max3A_44 : f32 to vector<64x4096xf32>
    %max3A_46 = arith.maximumf %add3A_43, %max3A_45 : vector<64x4096xf32>
    %convert_element_type3A_47 = arith.truncf %max3A_46 : vector<64x4096xf32> to vector<64x4096xbf16>
    %get3A_48 = arith.constant 0 : index
    %get3A_49 = arith.constant 0 : index
    %get3A_50 = vector.load %arg5[%get3A_48, %get3A_49] : memref<64x64xbf16, #tpu.memory_space<vmem>>, vector<64x64xbf16>
    %dot_general3A_51 = arith.constant dense<0.000000e+00> : vector<64x4096xf32>
    %dot_general3A_52 = tpu.matmul %get3A_50, %convert_element_type3A_47, %dot_general3A_51 {dimension_numbers = #tpu.dot_dimension_numbers<[1], [0], [0], [1], [0, 0, 1, 1], [], []>, transpose_lhs_hint = false} : vector<64x64xbf16>, vector<64x4096xbf16>, vector<64x4096xf32> -> vector<64x4096xf32>
    %get3A_53 = arith.constant 0 : index
    %get3A_54 = arith.constant 0 : index
    %get3A_55 = vector.load %arg6[%get3A_53, %get3A_54] : memref<64x1xf32, #tpu.memory_space<vmem>>, vector<64x1xf32>
    %add3A_56 = vector.broadcast %get3A_55 : vector<64x1xf32> to vector<64x4096xf32>
    %add3A_57 = arith.addf %dot_general3A_52, %add3A_56 : vector<64x4096xf32>
    %swap3A_58 = arith.constant 0 : index
    %swap3A_59 = arith.constant 1 : index
    %swap3A_60 = arith.constant 0 : index
    %swap3A_61 = arith.constant 0 : index
    %swap3A_62 = vector.load %arg7[%swap3A_58, %swap3A_59, %swap3A_60, %swap3A_61] : memref<1x16x64x4096xf32, #tpu.memory_space<vmem>>, vector<1x1x64x4096xf32>
    %swap3A_63 = vector.shape_cast %swap3A_62 : vector<1x1x64x4096xf32> to vector<64x4096xf32>
    %swap3A_64 = vector.shape_cast %add3A_57 : vector<64x4096xf32> to vector<1x1x64x4096xf32>
    tpu.vector_store %arg7[%swap3A_58, %swap3A_59, %swap3A_60, %swap3A_61], %swap3A_64 {strides = array<i32>} : memref<1x16x64x4096xf32, #tpu.memory_space<vmem>>, vector<1x1x64x4096xf32>,
    %get3A_65 = arith.constant 0 : index
    %get3A_66 = arith.constant 0 : index
    %get3A_67 = vector.load %arg4[%get3A_65, %get3A_66] : memref<64x4xf32, #tpu.memory_space<vmem>>, vector<64x4xf32>
    %get3A_68 = arith.constant 0 : index
    %get3A_69 = arith.constant 2 : index
    %get3A_70 = arith.constant 0 : index
    %get3A_71 = arith.constant 0 : index
    %get3A_72 = vector.load %arg2[%get3A_68, %get3A_69, %get3A_70, %get3A_71] : memref<1x16x4x4096xf32, #tpu.memory_space<vmem>>, vector<1x1x4x4096xf32>
    %get3A_73 = vector.shape_cast %get3A_72 : vector<1x1x4x4096xf32> to vector<4x4096xf32>
    %dot_general3A_74 = arith.constant dense<0.000000e+00> : vector<64x4096xf32>
    %dot_general3A_75 = tpu.matmul %get3A_67, %get3A_73, %dot_general3A_74 {dimension_numbers = #tpu.dot_dimension_numbers<[1], [0], [0], [1], [0, 0, 1, 1], [], []>, transpose_lhs_hint = false} : vector<64x4xf32>, vector<4x4096xf32>, vector<64x4096xf32> -> vector<64x4096xf32>
    %add3A_76 = arith.addf %dot_general3A_75, %get3A_3 : vector<64x4096xf32>
    %max3A_77 = arith.constant 0.000000e+00 : f32
    %max3A_78 = vector.broadcast %max3A_77 : f32 to vector<64x4096xf32>
    %max3A_79 = arith.maximumf %add3A_76, %max3A_78 : vector<64x4096xf32>
    %convert_element_type3A_80 = arith.truncf %max3A_79 : vector<64x4096xf32> to vector<64x4096xbf16>
    %get3A_81 = arith.constant 0 : index
    %get3A_82 = arith.constant 0 : index
    %get3A_83 = vector.load %arg5[%get3A_81, %get3A_82] : memref<64x64xbf16, #tpu.memory_space<vmem>>, vector<64x64xbf16>
    %dot_general3A_84 = arith.constant dense<0.000000e+00> : vector<64x4096xf32>
    %dot_general3A_85 = tpu.matmul %get3A_83, %convert_element_type3A_80, %dot_general3A_84 {dimension_numbers = #tpu.dot_dimension_numbers<[1], [0], [0], [1], [0, 0, 1, 1], [], []>, transpose_lhs_hint = false} : vector<64x64xbf16>, vector<64x4096xbf16>, vector<64x4096xf32> -> vector<64x4096xf32>
    %get3A_86 = arith.constant 0 : index
    %get3A_87 = arith.constant 0 : index
    %get3A_88 = vector.load %arg6[%get3A_86, %get3A_87] : memref<64x1xf32, #tpu.memory_space<vmem>>, vector<64x1xf32>
    %add3A_89 = vector.broadcast %get3A_88 : vector<64x1xf32> to vector<64x4096xf32>
    %add3A_90 = arith.addf %dot_general3A_85, %add3A_89 : vector<64x4096xf32>
    %swap3A_91 = arith.constant 0 : index
    %swap3A_92 = arith.constant 2 : index
    %swap3A_93 = arith.constant 0 : index
    %swap3A_94 = arith.constant 0 : index
    %swap3A_95 = vector.load %arg7[%swap3A_91, %swap3A_92, %swap3A_93, %swap3A_94] : memref<1x16x64x4096xf32, #tpu.memory_space<vmem>>, vector<1x1x64x4096xf32>
    %swap3A_96 = vector.shape_cast %swap3A_95 : vector<1x1x64x4096xf32> to vector<64x4096xf32>
    %swap3A_97 = vector.shape_cast %add3A_90 : vector<64x4096xf32> to vector<1x1x64x4096xf32>
    tpu.vector_store %arg7[%swap3A_91, %swap3A_92, %swap3A_93, %swap3A_94], %swap3A_97 {strides = array<i32>} : memref<1x16x64x4096xf32, #tpu.memory_space<vmem>>, vector<1x1x64x4096xf32>,
    %get3A_98 = arith.constant 0 : index
    %get3A_99 = arith.constant 0 : index
    %get3A_100 = vector.load %arg4[%get3A_98, %get3A_99] : memref<64x4xf32, #tpu.memory_space<vmem>>, vector<64x4xf32>
    %get3A_101 = arith.constant 0 : index
    %get3A_102 = arith.constant 3 : index
    %get3A_103 = arith.constant 0 : index
    %get3A_104 = arith.constant 0 : index
    %get3A_105 = vector.load %arg2[%get3A_101, %get3A_102, %get3A_103, %get3A_104] : memref<1x16x4x4096xf32, #tpu.memory_space<vmem>>, vector<1x1x4x4096xf32>
    %get3A_106 = vector.shape_cast %get3A_105 : vector<1x1x4x4096xf32> to vector<4x4096xf32>
    %dot_general3A_107 = arith.constant dense<0.000000e+00> : vector<64x4096xf32>
    %dot_general3A_108 = tpu.matmul %get3A_100, %get3A_106, %dot_general3A_107 {dimension_numbers = #tpu.dot_dimension_numbers<[1], [0], [0], [1], [0, 0, 1, 1], [], []>, transpose_lhs_hint = false} : vector<64x4xf32>, vector<4x4096xf32>, vector<64x4096xf32> -> vector<64x4096xf32>
    %add3A_109 = arith.addf %dot_general3A_108, %get3A_3 : vector<64x4096xf32>
    %max3A_110 = arith.constant 0.000000e+00 : f32
    %max3A_111 = vector.broadcast %max3A_110 : f32 to vector<64x4096xf32>
    %max3A_112 = arith.maximumf %add3A_109, %max3A_111 : vector<64x4096xf32>
    %convert_element_type3A_113 = arith.truncf %max3A_112 : vector<64x4096xf32> to vector<64x4096xbf16>
    %get3A_114 = arith.constant 0 : index
    %get3A_115 = arith.constant 0 : index
    %get3A_116 = vector.load %arg5[%get3A_114, %get3A_115] : memref<64x64xbf16, #tpu.memory_space<vmem>>, vector<64x64xbf16>
    %dot_general3A_117 = arith.constant dense<0.000000e+00> : vector<64x4096xf32>
    %dot_general3A_118 = tpu.matmul %get3A_116, %convert_element_type3A_113, %dot_general3A_117 {dimension_numbers = #tpu.dot_dimension_numbers<[1], [0], [0], [1], [0, 0, 1, 1], [], []>, transpose_lhs_hint = false} : vector<64x64xbf16>, vector<64x4096xbf16>, vector<64x4096xf32> -> vector<64x4096xf32>
    %get3A_119 = arith.constant 0 : index
    %get3A_120 = arith.constant 0 : index
    %get3A_121 = vector.load %arg6[%get3A_119, %get3A_120] : memref<64x1xf32, #tpu.memory_space<vmem>>, vector<64x1xf32>
    %add3A_122 = vector.broadcast %get3A_121 : vector<64x1xf32> to vector<64x4096xf32>
    %add3A_123 = arith.addf %dot_general3A_118, %add3A_122 : vector<64x4096xf32>
    %swap3A_124 = arith.constant 0 : index
    %swap3A_125 = arith.constant 3 : index
    %swap3A_126 = arith.constant 0 : index
    %swap3A_127 = arith.constant 0 : index
    %swap3A_128 = vector.load %arg7[%swap3A_124, %swap3A_125, %swap3A_126, %swap3A_127] : memref<1x16x64x4096xf32, #tpu.memory_space<vmem>>, vector<1x1x64x4096xf32>
    %swap3A_129 = vector.shape_cast %swap3A_128 : vector<1x1x64x4096xf32> to vector<64x4096xf32>
    %swap3A_130 = vector.shape_cast %add3A_123 : vector<64x4096xf32> to vector<1x1x64x4096xf32>
    tpu.vector_store %arg7[%swap3A_124, %swap3A_125, %swap3A_126, %swap3A_127], %swap3A_130 {strides = array<i32>} : memref<1x16x64x4096xf32, #tpu.memory_space<vmem>>, vector<1x1x64x4096xf32>,
    %get3A_131 = arith.constant 0 : index
    %get3A_132 = arith.constant 0 : index
    %get3A_133 = vector.load %arg4[%get3A_131, %get3A_132] : memref<64x4xf32, #tpu.memory_space<vmem>>, vector<64x4xf32>
    %get3A_134 = arith.constant 0 : index
    %get3A_135 = arith.constant 4 : index
    %get3A_136 = arith.constant 0 : index
    %get3A_137 = arith.constant 0 : index
    %get3A_138 = vector.load %arg2[%get3A_134, %get3A_135, %get3A_136, %get3A_137] : memref<1x16x4x4096xf32, #tpu.memory_space<vmem>>, vector<1x1x4x4096xf32>
    %get3A_139 = vector.shape_cast %get3A_138 : vector<1x1x4x4096xf32> to vector<4x4096xf32>
    %dot_general3A_140 = arith.constant dense<0.000000e+00> : vector<64x4096xf32>
    %dot_general3A_141 = tpu.matmul %get3A_133, %get3A_139, %dot_general3A_140 {dimension_numbers = #tpu.dot_dimension_numbers<[1], [0], [0], [1], [0, 0, 1, 1], [], []>, transpose_lhs_hint = false} : vector<64x4xf32>, vector<4x4096xf32>, vector<64x4096xf32> -> vector<64x4096xf32>
    %add3A_142 = arith.addf %dot_general3A_141, %get3A_3 : vector<64x4096xf32>
    %max3A_143 = arith.constant 0.000000e+00 : f32
    %max3A_144 = vector.broadcast %max3A_143 : f32 to vector<64x4096xf32>
    %max3A_145 = arith.maximumf %add3A_142, %max3A_144 : vector<64x4096xf32>
    %convert_element_type3A_146 = arith.truncf %max3A_145 : vector<64x4096xf32> to vector<64x4096xbf16>
    %get3A_147 = arith.constant 0 : index
    %get3A_148 = arith.constant 0 : index
    %get3A_149 = vector.load %arg5[%get3A_147, %get3A_148] : memref<64x64xbf16, #tpu.memory_space<vmem>>, vector<64x64xbf16>
    %dot_general3A_150 = arith.constant dense<0.000000e+00> : vector<64x4096xf32>
    %dot_general3A_151 = tpu.matmul %get3A_149, %convert_element_type3A_146, %dot_general3A_150 {dimension_numbers = #tpu.dot_dimension_numbers<[1], [0], [0], [1], [0, 0, 1, 1], [], []>, transpose_lhs_hint = false} : vector<64x64xbf16>, vector<64x4096xbf16>, vector<64x4096xf32> -> vector<64x4096xf32>
    %get3A_152 = arith.constant 0 : index
    %get3A_153 = arith.constant 0 : index
    %get3A_154 = vector.load %arg6[%get3A_152, %get3A_153] : memref<64x1xf32, #tpu.memory_space<vmem>>, vector<64x1xf32>
    %add3A_155 = vector.broadcast %get3A_154 : vector<64x1xf32> to vector<64x4096xf32>
    %add3A_156 = arith.addf %dot_general3A_151, %add3A_155 : vector<64x4096xf32>
    %swap3A_157 = arith.constant 0 : index
    %swap3A_158 = arith.constant 4 : index
    %swap3A_159 = arith.constant 0 : index
    %swap3A_160 = arith.constant 0 : index
    %swap3A_161 = vector.load %arg7[%swap3A_157, %swap3A_158, %swap3A_159, %swap3A_160] : memref<1x16x64x4096xf32, #tpu.memory_space<vmem>>, vector<1x1x64x4096xf32>
    %swap3A_162 = vector.shape_cast %swap3A_161 : vector<1x1x64x4096xf32> to vector<64x4096xf32>
    %swap3A_163 = vector.shape_cast %add3A_156 : vector<64x4096xf32> to vector<1x1x64x4096xf32>
    tpu.vector_store %arg7[%swap3A_157, %swap3A_158, %swap3A_159, %swap3A_160], %swap3A_163 {strides = array<i32>} : memref<1x16x64x4096xf32, #tpu.memory_space<vmem>>, vector<1x1x64x4096xf32>,
    %get3A_164 = arith.constant 0 : index
    %get3A_165 = arith.constant 0 : index
    %get3A_166 = vector.load %arg4[%get3A_164, %get3A_165] : memref<64x4xf32, #tpu.memory_space<vmem>>, vector<64x4xf32>
    %get3A_167 = arith.constant 0 : index
    %get3A_168 = arith.constant 5 : index
    %get3A_169 = arith.constant 0 : index
    %get3A_170 = arith.constant 0 : index
    %get3A_171 = vector.load %arg2[%get3A_167, %get3A_168, %get3A_169, %get3A_170] : memref<1x16x4x4096xf32, #tpu.memory_space<vmem>>, vector<1x1x4x4096xf32>
    %get3A_172 = vector.shape_cast %get3A_171 : vector<1x1x4x4096xf32> to vector<4x4096xf32>
    %dot_general3A_173 = arith.constant dense<0.000000e+00> : vector<64x4096xf32>
    %dot_general3A_174 = tpu.matmul %get3A_166, %get3A_172, %dot_general3A_173 {dimension_numbers = #tpu.dot_dimension_numbers<[1], [0], [0], [1], [0, 0, 1, 1], [], []>, transpose_lhs_hint = false} : vector<64x4xf32>, vector<4x4096xf32>, vector<64x4096xf32> -> vector<64x4096xf32>
    %add3A_175 = arith.addf %dot_general3A_174, %get3A_3 : vector<64x4096xf32>
    %max3A_176 = arith.constant 0.000000e+00 : f32
    %max3A_177 = vector.broadcast %max3A_176 : f32 to vector<64x4096xf32>
    %max3A_178 = arith.maximumf %add3A_175, %max3A_177 : vector<64x4096xf32>
    %convert_element_type3A_179 = arith.truncf %max3A_178 : vector<64x4096xf32> to vector<64x4096xbf16>
    %get3A_180 = arith.constant 0 : index
    %get3A_181 = arith.constant 0 : index
    %get3A_182 = vector.load %arg5[%get3A_180, %get3A_181] : memref<64x64xbf16, #tpu.memory_space<vmem>>, vector<64x64xbf16>
    %dot_general3A_183 = arith.constant dense<0.000000e+00> : vector<64x4096xf32>
    %dot_general3A_184 = tpu.matmul %get3A_182, %convert_element_type3A_179, %dot_general3A_183 {dimension_numbers = #tpu.dot_dimension_numbers<[1], [0], [0], [1], [0, 0, 1, 1], [], []>, transpose_lhs_hint = false} : vector<64x64xbf16>, vector<64x4096xbf16>, vector<64x4096xf32> -> vector<64x4096xf32>
    %get3A_185 = arith.constant 0 : index
    %get3A_186 = arith.constant 0 : index
    %get3A_187 = vector.load %arg6[%get3A_185, %get3A_186] : memref<64x1xf32, #tpu.memory_space<vmem>>, vector<64x1xf32>
    %add3A_188 = vector.broadcast %get3A_187 : vector<64x1xf32> to vector<64x4096xf32>
    %add3A_189 = arith.addf %dot_general3A_184, %add3A_188 : vector<64x4096xf32>
    %swap3A_190 = arith.constant 0 : index
    %swap3A_191 = arith.constant 5 : index
    %swap3A_192 = arith.constant 0 : index
    %swap3A_193 = arith.constant 0 : index
    %swap3A_194 = vector.load %arg7[%swap3A_190, %swap3A_191, %swap3A_192, %swap3A_193] : memref<1x16x64x4096xf32, #tpu.memory_space<vmem>>, vector<1x1x64x4096xf32>
    %swap3A_195 = vector.shape_cast %swap3A_194 : vector<1x1x64x4096xf32> to vector<64x4096xf32>
    %swap3A_196 = vector.shape_cast %add3A_189 : vector<64x4096xf32> to vector<1x1x64x4096xf32>
    tpu.vector_store %arg7[%swap3A_190, %swap3A_191, %swap3A_192, %swap3A_193], %swap3A_196 {strides = array<i32>} : memref<1x16x64x4096xf32, #tpu.memory_space<vmem>>, vector<1x1x64x4096xf32>,
    %get3A_197 = arith.constant 0 : index
    %get3A_198 = arith.constant 0 : index
    %get3A_199 = vector.load %arg4[%get3A_197, %get3A_198] : memref<64x4xf32, #tpu.memory_space<vmem>>, vector<64x4xf32>
    %get3A_200 = arith.constant 0 : index
    %get3A_201 = arith.constant 6 : index
    %get3A_202 = arith.constant 0 : index
    %get3A_203 = arith.constant 0 : index
    %get3A_204 = vector.load %arg2[%get3A_200, %get3A_201, %get3A_202, %get3A_203] : memref<1x16x4x4096xf32, #tpu.memory_space<vmem>>, vector<1x1x4x4096xf32>
    %get3A_205 = vector.shape_cast %get3A_204 : vector<1x1x4x4096xf32> to vector<4x4096xf32>
    %dot_general3A_206 = arith.constant dense<0.000000e+00> : vector<64x4096xf32>
    %dot_general3A_207 = tpu.matmul %get3A_199, %get3A_205, %dot_general3A_206 {dimension_numbers = #tpu.dot_dimension_numbers<[1], [0], [0], [1], [0, 0, 1, 1], [], []>, transpose_lhs_hint = false} : vector<64x4xf32>, vector<4x4096xf32>, vector<64x4096xf32> -> vector<64x4096xf32>
    %add3A_208 = arith.addf %dot_general3A_207, %get3A_3 : vector<64x4096xf32>
    %max3A_209 = arith.constant 0.000000e+00 : f32
    %max3A_210 = vector.broadcast %max3A_209 : f32 to vector<64x4096xf32>
    %max3A_211 = arith.maximumf %add3A_208, %max3A_210 : vector<64x4096xf32>
    %convert_element_type3A_212 = arith.truncf %max3A_211 : vector<64x4096xf32> to vector<64x4096xbf16>
    %get3A_213 = arith.constant 0 : index
    %get3A_214 = arith.constant 0 : index
    %get3A_215 = vector.load %arg5[%get3A_213, %get3A_214] : memref<64x64xbf16, #tpu.memory_space<vmem>>, vector<64x64xbf16>
    %dot_general3A_216 = arith.constant dense<0.000000e+00> : vector<64x4096xf32>
    %dot_general3A_217 = tpu.matmul %get3A_215, %convert_element_type3A_212, %dot_general3A_216 {dimension_numbers = #tpu.dot_dimension_numbers<[1], [0], [0], [1], [0, 0, 1, 1], [], []>, transpose_lhs_hint = false} : vector<64x64xbf16>, vector<64x4096xbf16>, vector<64x4096xf32> -> vector<64x4096xf32>
    %get3A_218 = arith.constant 0 : index
    %get3A_219 = arith.constant 0 : index
    %get3A_220 = vector.load %arg6[%get3A_218, %get3A_219] : memref<64x1xf32, #tpu.memory_space<vmem>>, vector<64x1xf32>
    %add3A_221 = vector.broadcast %get3A_220 : vector<64x1xf32> to vector<64x4096xf32>
    %add3A_222 = arith.addf %dot_general3A_217, %add3A_221 : vector<64x4096xf32>
    %swap3A_223 = arith.constant 0 : index
    %swap3A_224 = arith.constant 6 : index
    %swap3A_225 = arith.constant 0 : index
    %swap3A_226 = arith.constant 0 : index
    %swap3A_227 = vector.load %arg7[%swap3A_223, %swap3A_224, %swap3A_225, %swap3A_226] : memref<1x16x64x4096xf32, #tpu.memory_space<vmem>>, vector<1x1x64x4096xf32>
    %swap3A_228 = vector.shape_cast %swap3A_227 : vector<1x1x64x4096xf32> to vector<64x4096xf32>
    %swap3A_229 = vector.shape_cast %add3A_222 : vector<64x4096xf32> to vector<1x1x64x4096xf32>
    tpu.vector_store %arg7[%swap3A_223, %swap3A_224, %swap3A_225, %swap3A_226], %swap3A_229 {strides = array<i32>} : memref<1x16x64x4096xf32, #tpu.memory_space<vmem>>, vector<1x1x64x4096xf32>,
    %get3A_230 = arith.constant 0 : index
    %get3A_231 = arith.constant 0 : index
    %get3A_232 = vector.load %arg4[%get3A_230, %get3A_231] : memref<64x4xf32, #tpu.memory_space<vmem>>, vector<64x4xf32>
    %get3A_233 = arith.constant 0 : index
    %get3A_234 = arith.constant 7 : index
    %get3A_235 = arith.constant 0 : index
    %get3A_236 = arith.constant 0 : index
    %get3A_237 = vector.load %arg2[%get3A_233, %get3A_234, %get3A_235, %get3A_236] : memref<1x16x4x4096xf32, #tpu.memory_space<vmem>>, vector<1x1x4x4096xf32>
    %get3A_238 = vector.shape_cast %get3A_237 : vector<1x1x4x4096xf32> to vector<4x4096xf32>
    %dot_general3A_239 = arith.constant dense<0.000000e+00> : vector<64x4096xf32>
    %dot_general3A_240 = tpu.matmul %get3A_232, %get3A_238, %dot_general3A_239 {dimension_numbers = #tpu.dot_dimension_numbers<[1], [0], [0], [1], [0, 0, 1, 1], [], []>, transpose_lhs_hint = false} : vector<64x4xf32>, vector<4x4096xf32>, vector<64x4096xf32> -> vector<64x4096xf32>
    %add3A_241 = arith.addf %dot_general3A_240, %get3A_3 : vector<64x4096xf32>
    %max3A_242 = arith.constant 0.000000e+00 : f32
    %max3A_243 = vector.broadcast %max3A_242 : f32 to vector<64x4096xf32>
    %max3A_244 = arith.maximumf %add3A_241, %max3A_243 : vector<64x4096xf32>
    %convert_element_type3A_245 = arith.truncf %max3A_244 : vector<64x4096xf32> to vector<64x4096xbf16>
    %get3A_246 = arith.constant 0 : index
    %get3A_247 = arith.constant 0 : index
    %get3A_248 = vector.load %arg5[%get3A_246, %get3A_247] : memref<64x64xbf16, #tpu.memory_space<vmem>>, vector<64x64xbf16>
    %dot_general3A_249 = arith.constant dense<0.000000e+00> : vector<64x4096xf32>
    %dot_general3A_250 = tpu.matmul %get3A_248, %convert_element_type3A_245, %dot_general3A_249 {dimension_numbers = #tpu.dot_dimension_numbers<[1], [0], [0], [1], [0, 0, 1, 1], [], []>, transpose_lhs_hint = false} : vector<64x64xbf16>, vector<64x4096xbf16>, vector<64x4096xf32> -> vector<64x4096xf32>
    %get3A_251 = arith.constant 0 : index
    %get3A_252 = arith.constant 0 : index
    %get3A_253 = vector.load %arg6[%get3A_251, %get3A_252] : memref<64x1xf32, #tpu.memory_space<vmem>>, vector<64x1xf32>
    %add3A_254 = vector.broadcast %get3A_253 : vector<64x1xf32> to vector<64x4096xf32>
    %add3A_255 = arith.addf %dot_general3A_250, %add3A_254 : vector<64x4096xf32>
    %swap3A_256 = arith.constant 0 : index
    %swap3A_257 = arith.constant 7 : index
    %swap3A_258 = arith.constant 0 : index
    %swap3A_259 = arith.constant 0 : index
    %swap3A_260 = vector.load %arg7[%swap3A_256, %swap3A_257, %swap3A_258, %swap3A_259] : memref<1x16x64x4096xf32, #tpu.memory_space<vmem>>, vector<1x1x64x4096xf32>
    %swap3A_261 = vector.shape_cast %swap3A_260 : vector<1x1x64x4096xf32> to vector<64x4096xf32>
    %swap3A_262 = vector.shape_cast %add3A_255 : vector<64x4096xf32> to vector<1x1x64x4096xf32>
    tpu.vector_store %arg7[%swap3A_256, %swap3A_257, %swap3A_258, %swap3A_259], %swap3A_262 {strides = array<i32>} : memref<1x16x64x4096xf32, #tpu.memory_space<vmem>>, vector<1x1x64x4096xf32>,
    %get3A_263 = arith.constant 0 : index
    %get3A_264 = arith.constant 0 : index
    %get3A_265 = vector.load %arg4[%get3A_263, %get3A_264] : memref<64x4xf32, #tpu.memory_space<vmem>>, vector<64x4xf32>
    %get3A_266 = arith.constant 0 : index
    %get3A_267 = arith.constant 8 : index
    %get3A_268 = arith.constant 0 : index
    %get3A_269 = arith.constant 0 : index
    %get3A_270 = vector.load %arg2[%get3A_266, %get3A_267, %get3A_268, %get3A_269] : memref<1x16x4x4096xf32, #tpu.memory_space<vmem>>, vector<1x1x4x4096xf32>
    %get3A_271 = vector.shape_cast %get3A_270 : vector<1x1x4x4096xf32> to vector<4x4096xf32>
    %dot_general3A_272 = arith.constant dense<0.000000e+00> : vector<64x4096xf32>
    %dot_general3A_273 = tpu.matmul %get3A_265, %get3A_271, %dot_general3A_272 {dimension_numbers = #tpu.dot_dimension_numbers<[1], [0], [0], [1], [0, 0, 1, 1], [], []>, transpose_lhs_hint = false} : vector<64x4xf32>, vector<4x4096xf32>, vector<64x4096xf32> -> vector<64x4096xf32>
    %add3A_274 = arith.addf %dot_general3A_273, %get3A_3 : vector<64x4096xf32>
    %max3A_275 = arith.constant 0.000000e+00 : f32
    %max3A_276 = vector.broadcast %max3A_275 : f32 to vector<64x4096xf32>
    %max3A_277 = arith.maximumf %add3A_274, %max3A_276 : vector<64x4096xf32>
    %convert_element_type3A_278 = arith.truncf %max3A_277 : vector<64x4096xf32> to vector<64x4096xbf16>
    %get3A_279 = arith.constant 0 : index
    %get3A_280 = arith.constant 0 : index
    %get3A_281 = vector.load %arg5[%get3A_279, %get3A_280] : memref<64x64xbf16, #tpu.memory_space<vmem>>, vector<64x64xbf16>
    %dot_general3A_282 = arith.constant dense<0.000000e+00> : vector<64x4096xf32>
    %dot_general3A_283 = tpu.matmul %get3A_281, %convert_element_type3A_278, %dot_general3A_282 {dimension_numbers = #tpu.dot_dimension_numbers<[1], [0], [0], [1], [0, 0, 1, 1], [], []>, transpose_lhs_hint = false} : vector<64x64xbf16>, vector<64x4096xbf16>, vector<64x4096xf32> -> vector<64x4096xf32>
    %get3A_284 = arith.constant 0 : index
    %get3A_285 = arith.constant 0 : index
    %get3A_286 = vector.load %arg6[%get3A_284, %get3A_285] : memref<64x1xf32, #tpu.memory_space<vmem>>, vector<64x1xf32>
    %add3A_287 = vector.broadcast %get3A_286 : vector<64x1xf32> to vector<64x4096xf32>
    %add3A_288 = arith.addf %dot_general3A_283, %add3A_287 : vector<64x4096xf32>
    %swap3A_289 = arith.constant 0 : index
    %swap3A_290 = arith.constant 8 : index
    %swap3A_291 = arith.constant 0 : index
    %swap3A_292 = arith.constant 0 : index
    %swap3A_293 = vector.load %arg7[%swap3A_289, %swap3A_290, %swap3A_291, %swap3A_292] : memref<1x16x64x4096xf32, #tpu.memory_space<vmem>>, vector<1x1x64x4096xf32>
    %swap3A_294 = vector.shape_cast %swap3A_293 : vector<1x1x64x4096xf32> to vector<64x4096xf32>
    %swap3A_295 = vector.shape_cast %add3A_288 : vector<64x4096xf32> to vector<1x1x64x4096xf32>
    tpu.vector_store %arg7[%swap3A_289, %swap3A_290, %swap3A_291, %swap3A_292], %swap3A_295 {strides = array<i32>} : memref<1x16x64x4096xf32, #tpu.memory_space<vmem>>, vector<1x1x64x4096xf32>,
    %get3A_296 = arith.constant 0 : index
    %get3A_297 = arith.constant 0 : index
    %get3A_298 = vector.load %arg4[%get3A_296, %get3A_297] : memref<64x4xf32, #tpu.memory_space<vmem>>, vector<64x4xf32>
    %get3A_299 = arith.constant 0 : index
    %get3A_300 = arith.constant 9 : index
    %get3A_301 = arith.constant 0 : index
    %get3A_302 = arith.constant 0 : index
    %get3A_303 = vector.load %arg2[%get3A_299, %get3A_300, %get3A_301, %get3A_302] : memref<1x16x4x4096xf32, #tpu.memory_space<vmem>>, vector<1x1x4x4096xf32>
    %get3A_304 = vector.shape_cast %get3A_303 : vector<1x1x4x4096xf32> to vector<4x4096xf32>
    %dot_general3A_305 = arith.constant dense<0.000000e+00> : vector<64x4096xf32>
    %dot_general3A_306 = tpu.matmul %get3A_298, %get3A_304, %dot_general3A_305 {dimension_numbers = #tpu.dot_dimension_numbers<[1], [0], [0], [1], [0, 0, 1, 1], [], []>, transpose_lhs_hint = false} : vector<64x4xf32>, vector<4x4096xf32>, vector<64x4096xf32> -> vector<64x4096xf32>
    %add3A_307 = arith.addf %dot_general3A_306, %get3A_3 : vector<64x4096xf32>
    %max3A_308 = arith.constant 0.000000e+00 : f32
    %max3A_309 = vector.broadcast %max3A_308 : f32 to vector<64x4096xf32>
    %max3A_310 = arith.maximumf %add3A_307, %max3A_309 : vector<64x4096xf32>
    %convert_element_type3A_311 = arith.truncf %max3A_310 : vector<64x4096xf32> to vector<64x4096xbf16>
    %get3A_312 = arith.constant 0 : index
    %get3A_313 = arith.constant 0 : index
    %get3A_314 = vector.load %arg5[%get3A_312, %get3A_313] : memref<64x64xbf16, #tpu.memory_space<vmem>>, vector<64x64xbf16>
    %dot_general3A_315 = arith.constant dense<0.000000e+00> : vector<64x4096xf32>
    %dot_general3A_316 = tpu.matmul %get3A_314, %convert_element_type3A_311, %dot_general3A_315 {dimension_numbers = #tpu.dot_dimension_numbers<[1], [0], [0], [1], [0, 0, 1, 1], [], []>, transpose_lhs_hint = false} : vector<64x64xbf16>, vector<64x4096xbf16>, vector<64x4096xf32> -> vector<64x4096xf32>
    %get3A_317 = arith.constant 0 : index
    %get3A_318 = arith.constant 0 : index
    %get3A_319 = vector.load %arg6[%get3A_317, %get3A_318] : memref<64x1xf32, #tpu.memory_space<vmem>>, vector<64x1xf32>
    %add3A_320 = vector.broadcast %get3A_319 : vector<64x1xf32> to vector<64x4096xf32>
    %add3A_321 = arith.addf %dot_general3A_316, %add3A_320 : vector<64x4096xf32>
    %swap3A_322 = arith.constant 0 : index
    %swap3A_323 = arith.constant 9 : index
    %swap3A_324 = arith.constant 0 : index
    %swap3A_325 = arith.constant 0 : index
    %swap3A_326 = vector.load %arg7[%swap3A_322, %swap3A_323, %swap3A_324, %swap3A_325] : memref<1x16x64x4096xf32, #tpu.memory_space<vmem>>, vector<1x1x64x4096xf32>
    %swap3A_327 = vector.shape_cast %swap3A_326 : vector<1x1x64x4096xf32> to vector<64x4096xf32>
    %swap3A_328 = vector.shape_cast %add3A_321 : vector<64x4096xf32> to vector<1x1x64x4096xf32>
    tpu.vector_store %arg7[%swap3A_322, %swap3A_323, %swap3A_324, %swap3A_325], %swap3A_328 {strides = array<i32>} : memref<1x16x64x4096xf32, #tpu.memory_space<vmem>>, vector<1x1x64x4096xf32>,
    %get3A_329 = arith.constant 0 : index
    %get3A_330 = arith.constant 0 : index
    %get3A_331 = vector.load %arg4[%get3A_329, %get3A_330] : memref<64x4xf32, #tpu.memory_space<vmem>>, vector<64x4xf32>
    %get3A_332 = arith.constant 0 : index
    %get3A_333 = arith.constant 10 : index
    %get3A_334 = arith.constant 0 : index
    %get3A_335 = arith.constant 0 : index
    %get3A_336 = vector.load %arg2[%get3A_332, %get3A_333, %get3A_334, %get3A_335] : memref<1x16x4x4096xf32, #tpu.memory_space<vmem>>, vector<1x1x4x4096xf32>
    %get3A_337 = vector.shape_cast %get3A_336 : vector<1x1x4x4096xf32> to vector<4x4096xf32>
    %dot_general3A_338 = arith.constant dense<0.000000e+00> : vector<64x4096xf32>
    %dot_general3A_339 = tpu.matmul %get3A_331, %get3A_337, %dot_general3A_338 {dimension_numbers = #tpu.dot_dimension_numbers<[1], [0], [0], [1], [0, 0, 1, 1], [], []>, transpose_lhs_hint = false} : vector<64x4xf32>, vector<4x4096xf32>, vector<64x4096xf32> -> vector<64x4096xf32>
    %add3A_340 = arith.addf %dot_general3A_339, %get3A_3 : vector<64x4096xf32>
    %max3A_341 = arith.constant 0.000000e+00 : f32
    %max3A_342 = vector.broadcast %max3A_341 : f32 to vector<64x4096xf32>
    %max3A_343 = arith.maximumf %add3A_340, %max3A_342 : vector<64x4096xf32>
    %convert_element_type3A_344 = arith.truncf %max3A_343 : vector<64x4096xf32> to vector<64x4096xbf16>
    %get3A_345 = arith.constant 0 : index
    %get3A_346 = arith.constant 0 : index
    %get3A_347 = vector.load %arg5[%get3A_345, %get3A_346] : memref<64x64xbf16, #tpu.memory_space<vmem>>, vector<64x64xbf16>
    %dot_general3A_348 = arith.constant dense<0.000000e+00> : vector<64x4096xf32>
    %dot_general3A_349 = tpu.matmul %get3A_347, %convert_element_type3A_344, %dot_general3A_348 {dimension_numbers = #tpu.dot_dimension_numbers<[1], [0], [0], [1], [0, 0, 1, 1], [], []>, transpose_lhs_hint = false} : vector<64x64xbf16>, vector<64x4096xbf16>, vector<64x4096xf32> -> vector<64x4096xf32>
    %get3A_350 = arith.constant 0 : index
    %get3A_351 = arith.constant 0 : index
    %get3A_352 = vector.load %arg6[%get3A_350, %get3A_351] : memref<64x1xf32, #tpu.memory_space<vmem>>, vector<64x1xf32>
    %add3A_353 = vector.broadcast %get3A_352 : vector<64x1xf32> to vector<64x4096xf32>
    %add3A_354 = arith.addf %dot_general3A_349, %add3A_353 : vector<64x4096xf32>
    %swap3A_355 = arith.constant 0 : index
    %swap3A_356 = arith.constant 10 : index
    %swap3A_357 = arith.constant 0 : index
    %swap3A_358 = arith.constant 0 : index
    %swap3A_359 = vector.load %arg7[%swap3A_355, %swap3A_356, %swap3A_357, %swap3A_358] : memref<1x16x64x4096xf32, #tpu.memory_space<vmem>>, vector<1x1x64x4096xf32>
    %swap3A_360 = vector.shape_cast %swap3A_359 : vector<1x1x64x4096xf32> to vector<64x4096xf32>
    %swap3A_361 = vector.shape_cast %add3A_354 : vector<64x4096xf32> to vector<1x1x64x4096xf32>
    tpu.vector_store %arg7[%swap3A_355, %swap3A_356, %swap3A_357, %swap3A_358], %swap3A_361 {strides = array<i32>} : memref<1x16x64x4096xf32, #tpu.memory_space<vmem>>, vector<1x1x64x4096xf32>,
    %get3A_362 = arith.constant 0 : index
    %get3A_363 = arith.constant 0 : index
    %get3A_364 = vector.load %arg4[%get3A_362, %get3A_363] : memref<64x4xf32, #tpu.memory_space<vmem>>, vector<64x4xf32>
    %get3A_365 = arith.constant 0 : index
    %get3A_366 = arith.constant 11 : index
    %get3A_367 = arith.constant 0 : index
    %get3A_368 = arith.constant 0 : index
    %get3A_369 = vector.load %arg2[%get3A_365, %get3A_366, %get3A_367, %get3A_368] : memref<1x16x4x4096xf32, #tpu.memory_space<vmem>>, vector<1x1x4x4096xf32>
    %get3A_370 = vector.shape_cast %get3A_369 : vector<1x1x4x4096xf32> to vector<4x4096xf32>
    %dot_general3A_371 = arith.constant dense<0.000000e+00> : vector<64x4096xf32>
    %dot_general3A_372 = tpu.matmul %get3A_364, %get3A_370, %dot_general3A_371 {dimension_numbers = #tpu.dot_dimension_numbers<[1], [0], [0], [1], [0, 0, 1, 1], [], []>, transpose_lhs_hint = false} : vector<64x4xf32>, vector<4x4096xf32>, vector<64x4096xf32> -> vector<64x4096xf32>
    %add3A_373 = arith.addf %dot_general3A_372, %get3A_3 : vector<64x4096xf32>
    %max3A_374 = arith.constant 0.000000e+00 : f32
    %max3A_375 = vector.broadcast %max3A_374 : f32 to vector<64x4096xf32>
    %max3A_376 = arith.maximumf %add3A_373, %max3A_375 : vector<64x4096xf32>
    %convert_element_type3A_377 = arith.truncf %max3A_376 : vector<64x4096xf32> to vector<64x4096xbf16>
    %get3A_378 = arith.constant 0 : index
    %get3A_379 = arith.constant 0 : index
    %get3A_380 = vector.load %arg5[%get3A_378, %get3A_379] : memref<64x64xbf16, #tpu.memory_space<vmem>>, vector<64x64xbf16>
    %dot_general3A_381 = arith.constant dense<0.000000e+00> : vector<64x4096xf32>
    %dot_general3A_382 = tpu.matmul %get3A_380, %convert_element_type3A_377, %dot_general3A_381 {dimension_numbers = #tpu.dot_dimension_numbers<[1], [0], [0], [1], [0, 0, 1, 1], [], []>, transpose_lhs_hint = false} : vector<64x64xbf16>, vector<64x4096xbf16>, vector<64x4096xf32> -> vector<64x4096xf32>
    %get3A_383 = arith.constant 0 : index
    %get3A_384 = arith.constant 0 : index
    %get3A_385 = vector.load %arg6[%get3A_383, %get3A_384] : memref<64x1xf32, #tpu.memory_space<vmem>>, vector<64x1xf32>
    %add3A_386 = vector.broadcast %get3A_385 : vector<64x1xf32> to vector<64x4096xf32>
    %add3A_387 = arith.addf %dot_general3A_382, %add3A_386 : vector<64x4096xf32>
    %swap3A_388 = arith.constant 0 : index
    %swap3A_389 = arith.constant 11 : index
    %swap3A_390 = arith.constant 0 : index
    %swap3A_391 = arith.constant 0 : index
    %swap3A_392 = vector.load %arg7[%swap3A_388, %swap3A_389, %swap3A_390, %swap3A_391] : memref<1x16x64x4096xf32, #tpu.memory_space<vmem>>, vector<1x1x64x4096xf32>
    %swap3A_393 = vector.shape_cast %swap3A_392 : vector<1x1x64x4096xf32> to vector<64x4096xf32>
    %swap3A_394 = vector.shape_cast %add3A_387 : vector<64x4096xf32> to vector<1x1x64x4096xf32>
    tpu.vector_store %arg7[%swap3A_388, %swap3A_389, %swap3A_390, %swap3A_391], %swap3A_394 {strides = array<i32>} : memref<1x16x64x4096xf32, #tpu.memory_space<vmem>>, vector<1x1x64x4096xf32>,
    %get3A_395 = arith.constant 0 : index
    %get3A_396 = arith.constant 0 : index
    %get3A_397 = vector.load %arg4[%get3A_395, %get3A_396] : memref<64x4xf32, #tpu.memory_space<vmem>>, vector<64x4xf32>
    %get3A_398 = arith.constant 0 : index
    %get3A_399 = arith.constant 12 : index
    %get3A_400 = arith.constant 0 : index
    %get3A_401 = arith.constant 0 : index
    %get3A_402 = vector.load %arg2[%get3A_398, %get3A_399, %get3A_400, %get3A_401] : memref<1x16x4x4096xf32, #tpu.memory_space<vmem>>, vector<1x1x4x4096xf32>
    %get3A_403 = vector.shape_cast %get3A_402 : vector<1x1x4x4096xf32> to vector<4x4096xf32>
    %dot_general3A_404 = arith.constant dense<0.000000e+00> : vector<64x4096xf32>
    %dot_general3A_405 = tpu.matmul %get3A_397, %get3A_403, %dot_general3A_404 {dimension_numbers = #tpu.dot_dimension_numbers<[1], [0], [0], [1], [0, 0, 1, 1], [], []>, transpose_lhs_hint = false} : vector<64x4xf32>, vector<4x4096xf32>, vector<64x4096xf32> -> vector<64x4096xf32>
    %add3A_406 = arith.addf %dot_general3A_405, %get3A_3 : vector<64x4096xf32>
    %max3A_407 = arith.constant 0.000000e+00 : f32
    %max3A_408 = vector.broadcast %max3A_407 : f32 to vector<64x4096xf32>
    %max3A_409 = arith.maximumf %add3A_406, %max3A_408 : vector<64x4096xf32>
    %convert_element_type3A_410 = arith.truncf %max3A_409 : vector<64x4096xf32> to vector<64x4096xbf16>
    %get3A_411 = arith.constant 0 : index
    %get3A_412 = arith.constant 0 : index
    %get3A_413 = vector.load %arg5[%get3A_411, %get3A_412] : memref<64x64xbf16, #tpu.memory_space<vmem>>, vector<64x64xbf16>
    %dot_general3A_414 = arith.constant dense<0.000000e+00> : vector<64x4096xf32>
    %dot_general3A_415 = tpu.matmul %get3A_413, %convert_element_type3A_410, %dot_general3A_414 {dimension_numbers = #tpu.dot_dimension_numbers<[1], [0], [0], [1], [0, 0, 1, 1], [], []>, transpose_lhs_hint = false} : vector<64x64xbf16>, vector<64x4096xbf16>, vector<64x4096xf32> -> vector<64x4096xf32>
    %get3A_416 = arith.constant 0 : index
    %get3A_417 = arith.constant 0 : index
    %get3A_418 = vector.load %arg6[%get3A_416, %get3A_417] : memref<64x1xf32, #tpu.memory_space<vmem>>, vector<64x1xf32>
    %add3A_419 = vector.broadcast %get3A_418 : vector<64x1xf32> to vector<64x4096xf32>
    %add3A_420 = arith.addf %dot_general3A_415, %add3A_419 : vector<64x4096xf32>
    %swap3A_421 = arith.constant 0 : index
    %swap3A_422 = arith.constant 12 : index
    %swap3A_423 = arith.constant 0 : index
    %swap3A_424 = arith.constant 0 : index
    %swap3A_425 = vector.load %arg7[%swap3A_421, %swap3A_422, %swap3A_423, %swap3A_424] : memref<1x16x64x4096xf32, #tpu.memory_space<vmem>>, vector<1x1x64x4096xf32>
    %swap3A_426 = vector.shape_cast %swap3A_425 : vector<1x1x64x4096xf32> to vector<64x4096xf32>
    %swap3A_427 = vector.shape_cast %add3A_420 : vector<64x4096xf32> to vector<1x1x64x4096xf32>
    tpu.vector_store %arg7[%swap3A_421, %swap3A_422, %swap3A_423, %swap3A_424], %swap3A_427 {strides = array<i32>} : memref<1x16x64x4096xf32, #tpu.memory_space<vmem>>, vector<1x1x64x4096xf32>,
    %get3A_428 = arith.constant 0 : index
    %get3A_429 = arith.constant 0 : index
    %get3A_430 = vector.load %arg4[%get3A_428, %get3A_429] : memref<64x4xf32, #tpu.memory_space<vmem>>, vector<64x4xf32>
    %get3A_431 = arith.constant 0 : index
    %get3A_432 = arith.constant 13 : index
    %get3A_433 = arith.constant 0 : index
    %get3A_434 = arith.constant 0 : index
    %get3A_435 = vector.load %arg2[%get3A_431, %get3A_432, %get3A_433, %get3A_434] : memref<1x16x4x4096xf32, #tpu.memory_space<vmem>>, vector<1x1x4x4096xf32>
    %get3A_436 = vector.shape_cast %get3A_435 : vector<1x1x4x4096xf32> to vector<4x4096xf32>
    %dot_general3A_437 = arith.constant dense<0.000000e+00> : vector<64x4096xf32>
    %dot_general3A_438 = tpu.matmul %get3A_430, %get3A_436, %dot_general3A_437 {dimension_numbers = #tpu.dot_dimension_numbers<[1], [0], [0], [1], [0, 0, 1, 1], [], []>, transpose_lhs_hint = false} : vector<64x4xf32>, vector<4x4096xf32>, vector<64x4096xf32> -> vector<64x4096xf32>
    %add3A_439 = arith.addf %dot_general3A_438, %get3A_3 : vector<64x4096xf32>
    %max3A_440 = arith.constant 0.000000e+00 : f32
    %max3A_441 = vector.broadcast %max3A_440 : f32 to vector<64x4096xf32>
    %max3A_442 = arith.maximumf %add3A_439, %max3A_441 : vector<64x4096xf32>
    %convert_element_type3A_443 = arith.truncf %max3A_442 : vector<64x4096xf32> to vector<64x4096xbf16>
    %get3A_444 = arith.constant 0 : index
    %get3A_445 = arith.constant 0 : index
    %get3A_446 = vector.load %arg5[%get3A_444, %get3A_445] : memref<64x64xbf16, #tpu.memory_space<vmem>>, vector<64x64xbf16>
    %dot_general3A_447 = arith.constant dense<0.000000e+00> : vector<64x4096xf32>
    %dot_general3A_448 = tpu.matmul %get3A_446, %convert_element_type3A_443, %dot_general3A_447 {dimension_numbers = #tpu.dot_dimension_numbers<[1], [0], [0], [1], [0, 0, 1, 1], [], []>, transpose_lhs_hint = false} : vector<64x64xbf16>, vector<64x4096xbf16>, vector<64x4096xf32> -> vector<64x4096xf32>
    %get3A_449 = arith.constant 0 : index
    %get3A_450 = arith.constant 0 : index
    %get3A_451 = vector.load %arg6[%get3A_449, %get3A_450] : memref<64x1xf32, #tpu.memory_space<vmem>>, vector<64x1xf32>
    %add3A_452 = vector.broadcast %get3A_451 : vector<64x1xf32> to vector<64x4096xf32>
    %add3A_453 = arith.addf %dot_general3A_448, %add3A_452 : vector<64x4096xf32>
    %swap3A_454 = arith.constant 0 : index
    %swap3A_455 = arith.constant 13 : index
    %swap3A_456 = arith.constant 0 : index
    %swap3A_457 = arith.constant 0 : index
    %swap3A_458 = vector.load %arg7[%swap3A_454, %swap3A_455, %swap3A_456, %swap3A_457] : memref<1x16x64x4096xf32, #tpu.memory_space<vmem>>, vector<1x1x64x4096xf32>
    %swap3A_459 = vector.shape_cast %swap3A_458 : vector<1x1x64x4096xf32> to vector<64x4096xf32>
    %swap3A_460 = vector.shape_cast %add3A_453 : vector<64x4096xf32> to vector<1x1x64x4096xf32>
    tpu.vector_store %arg7[%swap3A_454, %swap3A_455, %swap3A_456, %swap3A_457], %swap3A_460 {strides = array<i32>} : memref<1x16x64x4096xf32, #tpu.memory_space<vmem>>, vector<1x1x64x4096xf32>,
    %get3A_461 = arith.constant 0 : index
    %get3A_462 = arith.constant 0 : index
    %get3A_463 = vector.load %arg4[%get3A_461, %get3A_462] : memref<64x4xf32, #tpu.memory_space<vmem>>, vector<64x4xf32>
    %get3A_464 = arith.constant 0 : index
    %get3A_465 = arith.constant 14 : index
    %get3A_466 = arith.constant 0 : index
    %get3A_467 = arith.constant 0 : index
    %get3A_468 = vector.load %arg2[%get3A_464, %get3A_465, %get3A_466, %get3A_467] : memref<1x16x4x4096xf32, #tpu.memory_space<vmem>>, vector<1x1x4x4096xf32>
    %get3A_469 = vector.shape_cast %get3A_468 : vector<1x1x4x4096xf32> to vector<4x4096xf32>
    %dot_general3A_470 = arith.constant dense<0.000000e+00> : vector<64x4096xf32>
    %dot_general3A_471 = tpu.matmul %get3A_463, %get3A_469, %dot_general3A_470 {dimension_numbers = #tpu.dot_dimension_numbers<[1], [0], [0], [1], [0, 0, 1, 1], [], []>, transpose_lhs_hint = false} : vector<64x4xf32>, vector<4x4096xf32>, vector<64x4096xf32> -> vector<64x4096xf32>
    %add3A_472 = arith.addf %dot_general3A_471, %get3A_3 : vector<64x4096xf32>
    %max3A_473 = arith.constant 0.000000e+00 : f32
    %max3A_474 = vector.broadcast %max3A_473 : f32 to vector<64x4096xf32>
    %max3A_475 = arith.maximumf %add3A_472, %max3A_474 : vector<64x4096xf32>
    %convert_element_type3A_476 = arith.truncf %max3A_475 : vector<64x4096xf32> to vector<64x4096xbf16>
    %get3A_477 = arith.constant 0 : index
    %get3A_478 = arith.constant 0 : index
    %get3A_479 = vector.load %arg5[%get3A_477, %get3A_478] : memref<64x64xbf16, #tpu.memory_space<vmem>>, vector<64x64xbf16>
    %dot_general3A_480 = arith.constant dense<0.000000e+00> : vector<64x4096xf32>
    %dot_general3A_481 = tpu.matmul %get3A_479, %convert_element_type3A_476, %dot_general3A_480 {dimension_numbers = #tpu.dot_dimension_numbers<[1], [0], [0], [1], [0, 0, 1, 1], [], []>, transpose_lhs_hint = false} : vector<64x64xbf16>, vector<64x4096xbf16>, vector<64x4096xf32> -> vector<64x4096xf32>
    %get3A_482 = arith.constant 0 : index
    %get3A_483 = arith.constant 0 : index
    %get3A_484 = vector.load %arg6[%get3A_482, %get3A_483] : memref<64x1xf32, #tpu.memory_space<vmem>>, vector<64x1xf32>
    %add3A_485 = vector.broadcast %get3A_484 : vector<64x1xf32> to vector<64x4096xf32>
    %add3A_486 = arith.addf %dot_general3A_481, %add3A_485 : vector<64x4096xf32>
    %swap3A_487 = arith.constant 0 : index
    %swap3A_488 = arith.constant 14 : index
    %swap3A_489 = arith.constant 0 : index
    %swap3A_490 = arith.constant 0 : index
    %swap3A_491 = vector.load %arg7[%swap3A_487, %swap3A_488, %swap3A_489, %swap3A_490] : memref<1x16x64x4096xf32, #tpu.memory_space<vmem>>, vector<1x1x64x4096xf32>
    %swap3A_492 = vector.shape_cast %swap3A_491 : vector<1x1x64x4096xf32> to vector<64x4096xf32>
    %swap3A_493 = vector.shape_cast %add3A_486 : vector<64x4096xf32> to vector<1x1x64x4096xf32>
    tpu.vector_store %arg7[%swap3A_487, %swap3A_488, %swap3A_489, %swap3A_490], %swap3A_493 {strides = array<i32>} : memref<1x16x64x4096xf32, #tpu.memory_space<vmem>>, vector<1x1x64x4096xf32>,
    %get3A_494 = arith.constant 0 : index
    %get3A_495 = arith.constant 0 : index
    %get3A_496 = vector.load %arg4[%get3A_494, %get3A_495] : memref<64x4xf32, #tpu.memory_space<vmem>>, vector<64x4xf32>
    %get3A_497 = arith.constant 0 : index
    %get3A_498 = arith.constant 15 : index
    %get3A_499 = arith.constant 0 : index
    %get3A_500 = arith.constant 0 : index
    %get3A_501 = vector.load %arg2[%get3A_497, %get3A_498, %get3A_499, %get3A_500] : memref<1x16x4x4096xf32, #tpu.memory_space<vmem>>, vector<1x1x4x4096xf32>
    %get3A_502 = vector.shape_cast %get3A_501 : vector<1x1x4x4096xf32> to vector<4x4096xf32>
    %dot_general3A_503 = arith.constant dense<0.000000e+00> : vector<64x4096xf32>
    %dot_general3A_504 = tpu.matmul %get3A_496, %get3A_502, %dot_general3A_503 {dimension_numbers = #tpu.dot_dimension_numbers<[1], [0], [0], [1], [0, 0, 1, 1], [], []>, transpose_lhs_hint = false} : vector<64x4xf32>, vector<4x4096xf32>, vector<64x4096xf32> -> vector<64x4096xf32>
    %add3A_505 = arith.addf %dot_general3A_504, %get3A_3 : vector<64x4096xf32>
    %max3A_506 = arith.constant 0.000000e+00 : f32
    %max3A_507 = vector.broadcast %max3A_506 : f32 to vector<64x4096xf32>
    %max3A_508 = arith.maximumf %add3A_505, %max3A_507 : vector<64x4096xf32>
    %convert_element_type3A_509 = arith.truncf %max3A_508 : vector<64x4096xf32> to vector<64x4096xbf16>
    %get3A_510 = arith.constant 0 : index
    %get3A_511 = arith.constant 0 : index
    %get3A_512 = vector.load %arg5[%get3A_510, %get3A_511] : memref<64x64xbf16, #tpu.memory_space<vmem>>, vector<64x64xbf16>
    %dot_general3A_513 = arith.constant dense<0.000000e+00> : vector<64x4096xf32>
    %dot_general3A_514 = tpu.matmul %get3A_512, %convert_element_type3A_509, %dot_general3A_513 {dimension_numbers = #tpu.dot_dimension_numbers<[1], [0], [0], [1], [0, 0, 1, 1], [], []>, transpose_lhs_hint = false} : vector<64x64xbf16>, vector<64x4096xbf16>, vector<64x4096xf32> -> vector<64x4096xf32>
    %get3A_515 = arith.constant 0 : index
    %get3A_516 = arith.constant 0 : index
    %get3A_517 = vector.load %arg6[%get3A_515, %get3A_516] : memref<64x1xf32, #tpu.memory_space<vmem>>, vector<64x1xf32>
    %add3A_518 = vector.broadcast %get3A_517 : vector<64x1xf32> to vector<64x4096xf32>
    %add3A_519 = arith.addf %dot_general3A_514, %add3A_518 : vector<64x4096xf32>
    %swap3A_520 = arith.constant 0 : index
    %swap3A_521 = arith.constant 15 : index
    %swap3A_522 = arith.constant 0 : index
    %swap3A_523 = arith.constant 0 : index
    %swap3A_524 = vector.load %arg7[%swap3A_520, %swap3A_521, %swap3A_522, %swap3A_523] : memref<1x16x64x4096xf32, #tpu.memory_space<vmem>>, vector<1x1x64x4096xf32>
    %swap3A_525 = vector.shape_cast %swap3A_524 : vector<1x1x64x4096xf32> to vector<64x4096xf32>
    %swap3A_526 = vector.shape_cast %add3A_519 : vector<64x4096xf32> to vector<1x1x64x4096xf32>
    tpu.vector_store %arg7[%swap3A_520, %swap3A_521, %swap3A_522, %swap3A_523], %swap3A_526 {strides = array<i32>} : memref<1x16x64x4096xf32, #tpu.memory_space<vmem>>, vector<1x1x64x4096xf32>,
    return
  }
  func.func @transform_0(%arg0: i32, %arg1: i32) -> (i32, i32, i32, i32) {
    %c0_i32 = arith.constant 0 : i32
    %c0_i32_0 = arith.constant 0 : i32
    %c0_i32_1 = arith.constant 0 : i32
    return %arg0, %arg1, %c0_i32, %c0_i32_0 : i32, i32, i32, i32
  }
  func.func @transform_1(%arg0: i32, %arg1: i32) -> (i32, i32, i32) {
    %add3A = arith.constant 0 : i32
    %add3A_0 = arith.addi %add3A, %arg0 : i32
    %c0_i32 = arith.constant 0 : i32
    %c0_i32_1 = arith.constant 0 : i32
    %c0_i32_2 = arith.constant 0 : i32
    return %add3A_0, %c0_i32, %c0_i32_1 : i32, i32, i32
  }
  func.func @transform_2(%arg0: i32, %arg1: i32) -> (i32, i32) {
    %c0_i32 = arith.constant 0 : i32
    %c0_i32_0 = arith.constant 0 : i32
    %c0_i32_1 = arith.constant 0 : i32
    return %c0_i32, %c0_i32_0 : i32, i32
  }
  func.func @transform_3(%arg0: i32, %arg1: i32) -> (i32, i32) {
    %c0_i32 = arith.constant 0 : i32
    %c0_i32_0 = arith.constant 0 : i32
    %c0_i32_1 = arith.constant 0 : i32
    return %c0_i32, %c0_i32_0 : i32, i32
  }
  func.func @transform_4(%arg0: i32, %arg1: i32) -> (i32, i32) {
    %c0_i32 = arith.constant 0 : i32
    %c0_i32_0 = arith.constant 0 : i32
    %c0_i32_1 = arith.constant 0 : i32
    return %c0_i32, %c0_i32_0 : i32, i32
  }
  func.func @transform_5(%arg0: i32, %arg1: i32) -> (i32, i32, i32, i32) {
    %add3A = arith.constant 0 : i32
    %add3A_0 = arith.addi %add3A, %arg0 : i32
    %c0_i32 = arith.constant 0 : i32
    %c0_i32_1 = arith.constant 0 : i32
    %c0_i32_2 = arith.constant 0 : i32
    return %add3A_0, %arg1, %c0_i32, %c0_i32_1 : i32, i32, i32, i32
  }
}

module attributes {stable_mosaic.version = 14 : i64} {
  func.func @_mlp_alias_body(%arg0: i32, %arg1: i32, %arg2: memref<1x16x4x4096xf32, #tpu.memory_space<vmem>>, %arg3: memref<1x64x4096xf32, #tpu.memory_space<vmem>>, %arg4: memref<64x4xf32, #tpu.memory_space<vmem>>, %arg5: memref<64x64xbf16, #tpu.memory_space<vmem>>, %arg6: memref<64x1xf32, #tpu.memory_space<vmem>>, %arg7: memref<16x16x64x4096xf32, #tpu.memory_space<any>>, %arg8: memref<1x16x64x4096xf32, #tpu.memory_space<vmem>>) attributes {dimension_semantics = [#tpu.dimension_semantics<arbitrary>, #tpu.dimension_semantics<arbitrary>], iteration_bounds = array<i64: 4, 1>, scalar_prefetch = 0 : i64, scratch_operands = 0 : i64, tpu.core_type = #tpu.core_type<tc>, window_params = [{transform_indices = @transform_0, window_bounds = array<i64: 1, 16, 4, 4096>}, {transform_indices = @transform_1, window_bounds = array<i64: 1, 64, 4096>}, {pipeline_mode = #tpu.pipeline_mode<synchronous>, transform_indices = @transform_2, window_bounds = array<i64: 64, 4>}, {pipeline_mode = #tpu.pipeline_mode<synchronous>, transform_indices = @transform_3, window_bounds = array<i64: 64, 64>}, {pipeline_mode = #tpu.pipeline_mode<synchronous>, transform_indices = @transform_4, window_bounds = array<i64: 64, 1>}, {}, {transform_indices = @transform_6, window_bounds = array<i64: 1, 16, 64, 4096>}]} {
    %get3A = arith.constant 0 : index
    %get3A_0 = arith.constant 0 : index
    %get3A_1 = arith.constant 0 : index
    %get3A_2 = vector.load %arg3[%get3A, %get3A_0, %get3A_1] : memref<1x64x4096xf32, #tpu.memory_space<vmem>>, vector<1x64x4096xf32>
    %get3A_3 = vector.shape_cast %get3A_2 : vector<1x64x4096xf32> to vector<64x4096xf32>
    %get3A_4 = arith.constant 0 : index
    %get3A_5 = arith.constant 0 : index
    %get3A_6 = vector.load %arg4[%get3A_4, %get3A_5] : memref<64x4xf32, #tpu.memory_space<vmem>>, vector<64x4xf32>
    %get3A_7 = arith.constant 0 : index
    %get3A_8 = arith.constant 0 : index
    %get3A_9 = arith.constant 0 : index
    %get3A_10 = arith.constant 0 : index
    %get3A_11 = vector.load %arg2[%get3A_7, %get3A_8, %get3A_9, %get3A_10] : memref<1x16x4x4096xf32, #tpu.memory_space<vmem>>, vector<1x1x4x4096xf32>
    %get3A_12 = vector.shape_cast %get3A_11 : vector<1x1x4x4096xf32> to vector<4x4096xf32>
    %dot_general3A = arith.constant dense<0.000000e+00> : vector<64x4096xf32>
    %dot_general3A_13 = tpu.matmul %get3A_6, %get3A_12, %dot_general3A {dimension_numbers = #tpu.dot_dimension_numbers<[1], [0], [0], [1], [0, 0, 1, 1], [], []>, transpose_lhs_hint = false} : vector<64x4xf32>, vector<4x4096xf32>, vector<64x4096xf32> -> vector<64x4096xf32>
    %add3A = arith.addf %dot_general3A_13, %get3A_3 : vector<64x4096xf32>
    %max3A = arith.constant 0.000000e+00 : f32
    %max3A_14 = vector.broadcast %max3A : f32 to vector<64x4096xf32>
    %max3A_15 = arith.maximumf %add3A, %max3A_14 : vector<64x4096xf32>
    %convert_element_type3A = arith.truncf %max3A_15 : vector<64x4096xf32> to vector<64x4096xbf16>
    %get3A_16 = arith.constant 0 : index
    %get3A_17 = arith.constant 0 : index
    %get3A_18 = vector.load %arg5[%get3A_16, %get3A_17] : memref<64x64xbf16, #tpu.memory_space<vmem>>, vector<64x64xbf16>
    %dot_general3A_19 = arith.constant dense<0.000000e+00> : vector<64x4096xf32>
    %dot_general3A_20 = tpu.matmul %get3A_18, %convert_element_type3A, %dot_general3A_19 {dimension_numbers = #tpu.dot_dimension_numbers<[1], [0], [0], [1], [0, 0, 1, 1], [], []>, transpose_lhs_hint = false} : vector<64x64xbf16>, vector<64x4096xbf16>, vector<64x4096xf32> -> vector<64x4096xf32>
    %get3A_21 = arith.constant 0 : index
    %get3A_22 = arith.constant 0 : index
    %get3A_23 = vector.load %arg6[%get3A_21, %get3A_22] : memref<64x1xf32, #tpu.memory_space<vmem>>, vector<64x1xf32>
    %add3A_24 = vector.broadcast %get3A_23 : vector<64x1xf32> to vector<64x4096xf32>
    %add3A_25 = arith.addf %dot_general3A_20, %add3A_24 : vector<64x4096xf32>
    %swap3A = arith.constant 0 : index
    %swap3A_26 = arith.constant 0 : index
    %swap3A_27 = arith.constant 0 : index
    %swap3A_28 = arith.constant 0 : index
    %swap3A_29 = vector.load %arg8[%swap3A, %swap3A_26, %swap3A_27, %swap3A_28] : memref<1x16x64x4096xf32, #tpu.memory_space<vmem>>, vector<1x1x64x4096xf32>
    %swap3A_30 = vector.shape_cast %swap3A_29 : vector<1x1x64x4096xf32> to vector<64x4096xf32>
    %swap3A_31 = vector.shape_cast %add3A_25 : vector<64x4096xf32> to vector<1x1x64x4096xf32>
    tpu.vector_store %arg8[%swap3A, %swap3A_26, %swap3A_27, %swap3A_28], %swap3A_31 {strides = array<i32>} : memref<1x16x64x4096xf32, #tpu.memory_space<vmem>>, vector<1x1x64x4096xf32>,
    %get3A_32 = arith.constant 0 : index
    %get3A_33 = arith.constant 0 : index
    %get3A_34 = vector.load %arg4[%get3A_32, %get3A_33] : memref<64x4xf32, #tpu.memory_space<vmem>>, vector<64x4xf32>
    %get3A_35 = arith.constant 0 : index
    %get3A_36 = arith.constant 1 : index
    %get3A_37 = arith.constant 0 : index
    %get3A_38 = arith.constant 0 : index
    %get3A_39 = vector.load %arg2[%get3A_35, %get3A_36, %get3A_37, %get3A_38] : memref<1x16x4x4096xf32, #tpu.memory_space<vmem>>, vector<1x1x4x4096xf32>
    %get3A_40 = vector.shape_cast %get3A_39 : vector<1x1x4x4096xf32> to vector<4x4096xf32>
    %dot_general3A_41 = arith.constant dense<0.000000e+00> : vector<64x4096xf32>
    %dot_general3A_42 = tpu.matmul %get3A_34, %get3A_40, %dot_general3A_41 {dimension_numbers = #tpu.dot_dimension_numbers<[1], [0], [0], [1], [0, 0, 1, 1], [], []>, transpose_lhs_hint = false} : vector<64x4xf32>, vector<4x4096xf32>, vector<64x4096xf32> -> vector<64x4096xf32>
    %add3A_43 = arith.addf %dot_general3A_42, %get3A_3 : vector<64x4096xf32>
    %max3A_44 = arith.constant 0.000000e+00 : f32
    %max3A_45 = vector.broadcast %max3A_44 : f32 to vector<64x4096xf32>
    %max3A_46 = arith.maximumf %add3A_43, %max3A_45 : vector<64x4096xf32>
    %convert_element_type3A_47 = arith.truncf %max3A_46 : vector<64x4096xf32> to vector<64x4096xbf16>
    %get3A_48 = arith.constant 0 : index
    %get3A_49 = arith.constant 0 : index
    %get3A_50 = vector.load %arg5[%get3A_48, %get3A_49] : memref<64x64xbf16, #tpu.memory_space<vmem>>, vector<64x64xbf16>
    %dot_general3A_51 = arith.constant dense<0.000000e+00> : vector<64x4096xf32>
    %dot_general3A_52 = tpu.matmul %get3A_50, %convert_element_type3A_47, %dot_general3A_51 {dimension_numbers = #tpu.dot_dimension_numbers<[1], [0], [0], [1], [0, 0, 1, 1], [], []>, transpose_lhs_hint = false} : vector<64x64xbf16>, vector<64x4096xbf16>, vector<64x4096xf32> -> vector<64x4096xf32>
    %get3A_53 = arith.constant 0 : index
    %get3A_54 = arith.constant 0 : index
    %get3A_55 = vector.load %arg6[%get3A_53, %get3A_54] : memref<64x1xf32, #tpu.memory_space<vmem>>, vector<64x1xf32>
    %add3A_56 = vector.broadcast %get3A_55 : vector<64x1xf32> to vector<64x4096xf32>
    %add3A_57 = arith.addf %dot_general3A_52, %add3A_56 : vector<64x4096xf32>
    %swap3A_58 = arith.constant 0 : index
    %swap3A_59 = arith.constant 1 : index
    %swap3A_60 = arith.constant 0 : index
    %swap3A_61 = arith.constant 0 : index
    %swap3A_62 = vector.load %arg8[%swap3A_58, %swap3A_59, %swap3A_60, %swap3A_61] : memref<1x16x64x4096xf32, #tpu.memory_space<vmem>>, vector<1x1x64x4096xf32>
    %swap3A_63 = vector.shape_cast %swap3A_62 : vector<1x1x64x4096xf32> to vector<64x4096xf32>
    %swap3A_64 = vector.shape_cast %add3A_57 : vector<64x4096xf32> to vector<1x1x64x4096xf32>
    tpu.vector_store %arg8[%swap3A_58, %swap3A_59, %swap3A_60, %swap3A_61], %swap3A_64 {strides = array<i32>} : memref<1x16x64x4096xf32, #tpu.memory_space<vmem>>, vector<1x1x64x4096xf32>,
    %get3A_65 = arith.constant 0 : index
    %get3A_66 = arith.constant 0 : index
    %get3A_67 = vector.load %arg4[%get3A_65, %get3A_66] : memref<64x4xf32, #tpu.memory_space<vmem>>, vector<64x4xf32>
    %get3A_68 = arith.constant 0 : index
    %get3A_69 = arith.constant 2 : index
    %get3A_70 = arith.constant 0 : index
    %get3A_71 = arith.constant 0 : index
    %get3A_72 = vector.load %arg2[%get3A_68, %get3A_69, %get3A_70, %get3A_71] : memref<1x16x4x4096xf32, #tpu.memory_space<vmem>>, vector<1x1x4x4096xf32>
    %get3A_73 = vector.shape_cast %get3A_72 : vector<1x1x4x4096xf32> to vector<4x4096xf32>
    %dot_general3A_74 = arith.constant dense<0.000000e+00> : vector<64x4096xf32>
    %dot_general3A_75 = tpu.matmul %get3A_67, %get3A_73, %dot_general3A_74 {dimension_numbers = #tpu.dot_dimension_numbers<[1], [0], [0], [1], [0, 0, 1, 1], [], []>, transpose_lhs_hint = false} : vector<64x4xf32>, vector<4x4096xf32>, vector<64x4096xf32> -> vector<64x4096xf32>
    %add3A_76 = arith.addf %dot_general3A_75, %get3A_3 : vector<64x4096xf32>
    %max3A_77 = arith.constant 0.000000e+00 : f32
    %max3A_78 = vector.broadcast %max3A_77 : f32 to vector<64x4096xf32>
    %max3A_79 = arith.maximumf %add3A_76, %max3A_78 : vector<64x4096xf32>
    %convert_element_type3A_80 = arith.truncf %max3A_79 : vector<64x4096xf32> to vector<64x4096xbf16>
    %get3A_81 = arith.constant 0 : index
    %get3A_82 = arith.constant 0 : index
    %get3A_83 = vector.load %arg5[%get3A_81, %get3A_82] : memref<64x64xbf16, #tpu.memory_space<vmem>>, vector<64x64xbf16>
    %dot_general3A_84 = arith.constant dense<0.000000e+00> : vector<64x4096xf32>
    %dot_general3A_85 = tpu.matmul %get3A_83, %convert_element_type3A_80, %dot_general3A_84 {dimension_numbers = #tpu.dot_dimension_numbers<[1], [0], [0], [1], [0, 0, 1, 1], [], []>, transpose_lhs_hint = false} : vector<64x64xbf16>, vector<64x4096xbf16>, vector<64x4096xf32> -> vector<64x4096xf32>
    %get3A_86 = arith.constant 0 : index
    %get3A_87 = arith.constant 0 : index
    %get3A_88 = vector.load %arg6[%get3A_86, %get3A_87] : memref<64x1xf32, #tpu.memory_space<vmem>>, vector<64x1xf32>
    %add3A_89 = vector.broadcast %get3A_88 : vector<64x1xf32> to vector<64x4096xf32>
    %add3A_90 = arith.addf %dot_general3A_85, %add3A_89 : vector<64x4096xf32>
    %swap3A_91 = arith.constant 0 : index
    %swap3A_92 = arith.constant 2 : index
    %swap3A_93 = arith.constant 0 : index
    %swap3A_94 = arith.constant 0 : index
    %swap3A_95 = vector.load %arg8[%swap3A_91, %swap3A_92, %swap3A_93, %swap3A_94] : memref<1x16x64x4096xf32, #tpu.memory_space<vmem>>, vector<1x1x64x4096xf32>
    %swap3A_96 = vector.shape_cast %swap3A_95 : vector<1x1x64x4096xf32> to vector<64x4096xf32>
    %swap3A_97 = vector.shape_cast %add3A_90 : vector<64x4096xf32> to vector<1x1x64x4096xf32>
    tpu.vector_store %arg8[%swap3A_91, %swap3A_92, %swap3A_93, %swap3A_94], %swap3A_97 {strides = array<i32>} : memref<1x16x64x4096xf32, #tpu.memory_space<vmem>>, vector<1x1x64x4096xf32>,
    %get3A_98 = arith.constant 0 : index
    %get3A_99 = arith.constant 0 : index
    %get3A_100 = vector.load %arg4[%get3A_98, %get3A_99] : memref<64x4xf32, #tpu.memory_space<vmem>>, vector<64x4xf32>
    %get3A_101 = arith.constant 0 : index
    %get3A_102 = arith.constant 3 : index
    %get3A_103 = arith.constant 0 : index
    %get3A_104 = arith.constant 0 : index
    %get3A_105 = vector.load %arg2[%get3A_101, %get3A_102, %get3A_103, %get3A_104] : memref<1x16x4x4096xf32, #tpu.memory_space<vmem>>, vector<1x1x4x4096xf32>
    %get3A_106 = vector.shape_cast %get3A_105 : vector<1x1x4x4096xf32> to vector<4x4096xf32>
    %dot_general3A_107 = arith.constant dense<0.000000e+00> : vector<64x4096xf32>
    %dot_general3A_108 = tpu.matmul %get3A_100, %get3A_106, %dot_general3A_107 {dimension_numbers = #tpu.dot_dimension_numbers<[1], [0], [0], [1], [0, 0, 1, 1], [], []>, transpose_lhs_hint = false} : vector<64x4xf32>, vector<4x4096xf32>, vector<64x4096xf32> -> vector<64x4096xf32>
    %add3A_109 = arith.addf %dot_general3A_108, %get3A_3 : vector<64x4096xf32>
    %max3A_110 = arith.constant 0.000000e+00 : f32
    %max3A_111 = vector.broadcast %max3A_110 : f32 to vector<64x4096xf32>
    %max3A_112 = arith.maximumf %add3A_109, %max3A_111 : vector<64x4096xf32>
    %convert_element_type3A_113 = arith.truncf %max3A_112 : vector<64x4096xf32> to vector<64x4096xbf16>
    %get3A_114 = arith.constant 0 : index
    %get3A_115 = arith.constant 0 : index
    %get3A_116 = vector.load %arg5[%get3A_114, %get3A_115] : memref<64x64xbf16, #tpu.memory_space<vmem>>, vector<64x64xbf16>
    %dot_general3A_117 = arith.constant dense<0.000000e+00> : vector<64x4096xf32>
    %dot_general3A_118 = tpu.matmul %get3A_116, %convert_element_type3A_113, %dot_general3A_117 {dimension_numbers = #tpu.dot_dimension_numbers<[1], [0], [0], [1], [0, 0, 1, 1], [], []>, transpose_lhs_hint = false} : vector<64x64xbf16>, vector<64x4096xbf16>, vector<64x4096xf32> -> vector<64x4096xf32>
    %get3A_119 = arith.constant 0 : index
    %get3A_120 = arith.constant 0 : index
    %get3A_121 = vector.load %arg6[%get3A_119, %get3A_120] : memref<64x1xf32, #tpu.memory_space<vmem>>, vector<64x1xf32>
    %add3A_122 = vector.broadcast %get3A_121 : vector<64x1xf32> to vector<64x4096xf32>
    %add3A_123 = arith.addf %dot_general3A_118, %add3A_122 : vector<64x4096xf32>
    %swap3A_124 = arith.constant 0 : index
    %swap3A_125 = arith.constant 3 : index
    %swap3A_126 = arith.constant 0 : index
    %swap3A_127 = arith.constant 0 : index
    %swap3A_128 = vector.load %arg8[%swap3A_124, %swap3A_125, %swap3A_126, %swap3A_127] : memref<1x16x64x4096xf32, #tpu.memory_space<vmem>>, vector<1x1x64x4096xf32>
    %swap3A_129 = vector.shape_cast %swap3A_128 : vector<1x1x64x4096xf32> to vector<64x4096xf32>
    %swap3A_130 = vector.shape_cast %add3A_123 : vector<64x4096xf32> to vector<1x1x64x4096xf32>
    tpu.vector_store %arg8[%swap3A_124, %swap3A_125, %swap3A_126, %swap3A_127], %swap3A_130 {strides = array<i32>} : memref<1x16x64x4096xf32, #tpu.memory_space<vmem>>, vector<1x1x64x4096xf32>,
    %get3A_131 = arith.constant 0 : index
    %get3A_132 = arith.constant 0 : index
    %get3A_133 = vector.load %arg4[%get3A_131, %get3A_132] : memref<64x4xf32, #tpu.memory_space<vmem>>, vector<64x4xf32>
    %get3A_134 = arith.constant 0 : index
    %get3A_135 = arith.constant 4 : index
    %get3A_136 = arith.constant 0 : index
    %get3A_137 = arith.constant 0 : index
    %get3A_138 = vector.load %arg2[%get3A_134, %get3A_135, %get3A_136, %get3A_137] : memref<1x16x4x4096xf32, #tpu.memory_space<vmem>>, vector<1x1x4x4096xf32>
    %get3A_139 = vector.shape_cast %get3A_138 : vector<1x1x4x4096xf32> to vector<4x4096xf32>
    %dot_general3A_140 = arith.constant dense<0.000000e+00> : vector<64x4096xf32>
    %dot_general3A_141 = tpu.matmul %get3A_133, %get3A_139, %dot_general3A_140 {dimension_numbers = #tpu.dot_dimension_numbers<[1], [0], [0], [1], [0, 0, 1, 1], [], []>, transpose_lhs_hint = false} : vector<64x4xf32>, vector<4x4096xf32>, vector<64x4096xf32> -> vector<64x4096xf32>
    %add3A_142 = arith.addf %dot_general3A_141, %get3A_3 : vector<64x4096xf32>
    %max3A_143 = arith.constant 0.000000e+00 : f32
    %max3A_144 = vector.broadcast %max3A_143 : f32 to vector<64x4096xf32>
    %max3A_145 = arith.maximumf %add3A_142, %max3A_144 : vector<64x4096xf32>
    %convert_element_type3A_146 = arith.truncf %max3A_145 : vector<64x4096xf32> to vector<64x4096xbf16>
    %get3A_147 = arith.constant 0 : index
    %get3A_148 = arith.constant 0 : index
    %get3A_149 = vector.load %arg5[%get3A_147, %get3A_148] : memref<64x64xbf16, #tpu.memory_space<vmem>>, vector<64x64xbf16>
    %dot_general3A_150 = arith.constant dense<0.000000e+00> : vector<64x4096xf32>
    %dot_general3A_151 = tpu.matmul %get3A_149, %convert_element_type3A_146, %dot_general3A_150 {dimension_numbers = #tpu.dot_dimension_numbers<[1], [0], [0], [1], [0, 0, 1, 1], [], []>, transpose_lhs_hint = false} : vector<64x64xbf16>, vector<64x4096xbf16>, vector<64x4096xf32> -> vector<64x4096xf32>
    %get3A_152 = arith.constant 0 : index
    %get3A_153 = arith.constant 0 : index
    %get3A_154 = vector.load %arg6[%get3A_152, %get3A_153] : memref<64x1xf32, #tpu.memory_space<vmem>>, vector<64x1xf32>
    %add3A_155 = vector.broadcast %get3A_154 : vector<64x1xf32> to vector<64x4096xf32>
    %add3A_156 = arith.addf %dot_general3A_151, %add3A_155 : vector<64x4096xf32>
    %swap3A_157 = arith.constant 0 : index
    %swap3A_158 = arith.constant 4 : index
    %swap3A_159 = arith.constant 0 : index
    %swap3A_160 = arith.constant 0 : index
    %swap3A_161 = vector.load %arg8[%swap3A_157, %swap3A_158, %swap3A_159, %swap3A_160] : memref<1x16x64x4096xf32, #tpu.memory_space<vmem>>, vector<1x1x64x4096xf32>
    %swap3A_162 = vector.shape_cast %swap3A_161 : vector<1x1x64x4096xf32> to vector<64x4096xf32>
    %swap3A_163 = vector.shape_cast %add3A_156 : vector<64x4096xf32> to vector<1x1x64x4096xf32>
    tpu.vector_store %arg8[%swap3A_157, %swap3A_158, %swap3A_159, %swap3A_160], %swap3A_163 {strides = array<i32>} : memref<1x16x64x4096xf32, #tpu.memory_space<vmem>>, vector<1x1x64x4096xf32>,
    %get3A_164 = arith.constant 0 : index
    %get3A_165 = arith.constant 0 : index
    %get3A_166 = vector.load %arg4[%get3A_164, %get3A_165] : memref<64x4xf32, #tpu.memory_space<vmem>>, vector<64x4xf32>
    %get3A_167 = arith.constant 0 : index
    %get3A_168 = arith.constant 5 : index
    %get3A_169 = arith.constant 0 : index
    %get3A_170 = arith.constant 0 : index
    %get3A_171 = vector.load %arg2[%get3A_167, %get3A_168, %get3A_169, %get3A_170] : memref<1x16x4x4096xf32, #tpu.memory_space<vmem>>, vector<1x1x4x4096xf32>
    %get3A_172 = vector.shape_cast %get3A_171 : vector<1x1x4x4096xf32> to vector<4x4096xf32>
    %dot_general3A_173 = arith.constant dense<0.000000e+00> : vector<64x4096xf32>
    %dot_general3A_174 = tpu.matmul %get3A_166, %get3A_172, %dot_general3A_173 {dimension_numbers = #tpu.dot_dimension_numbers<[1], [0], [0], [1], [0, 0, 1, 1], [], []>, transpose_lhs_hint = false} : vector<64x4xf32>, vector<4x4096xf32>, vector<64x4096xf32> -> vector<64x4096xf32>
    %add3A_175 = arith.addf %dot_general3A_174, %get3A_3 : vector<64x4096xf32>
    %max3A_176 = arith.constant 0.000000e+00 : f32
    %max3A_177 = vector.broadcast %max3A_176 : f32 to vector<64x4096xf32>
    %max3A_178 = arith.maximumf %add3A_175, %max3A_177 : vector<64x4096xf32>
    %convert_element_type3A_179 = arith.truncf %max3A_178 : vector<64x4096xf32> to vector<64x4096xbf16>
    %get3A_180 = arith.constant 0 : index
    %get3A_181 = arith.constant 0 : index
    %get3A_182 = vector.load %arg5[%get3A_180, %get3A_181] : memref<64x64xbf16, #tpu.memory_space<vmem>>, vector<64x64xbf16>
    %dot_general3A_183 = arith.constant dense<0.000000e+00> : vector<64x4096xf32>
    %dot_general3A_184 = tpu.matmul %get3A_182, %convert_element_type3A_179, %dot_general3A_183 {dimension_numbers = #tpu.dot_dimension_numbers<[1], [0], [0], [1], [0, 0, 1, 1], [], []>, transpose_lhs_hint = false} : vector<64x64xbf16>, vector<64x4096xbf16>, vector<64x4096xf32> -> vector<64x4096xf32>
    %get3A_185 = arith.constant 0 : index
    %get3A_186 = arith.constant 0 : index
    %get3A_187 = vector.load %arg6[%get3A_185, %get3A_186] : memref<64x1xf32, #tpu.memory_space<vmem>>, vector<64x1xf32>
    %add3A_188 = vector.broadcast %get3A_187 : vector<64x1xf32> to vector<64x4096xf32>
    %add3A_189 = arith.addf %dot_general3A_184, %add3A_188 : vector<64x4096xf32>
    %swap3A_190 = arith.constant 0 : index
    %swap3A_191 = arith.constant 5 : index
    %swap3A_192 = arith.constant 0 : index
    %swap3A_193 = arith.constant 0 : index
    %swap3A_194 = vector.load %arg8[%swap3A_190, %swap3A_191, %swap3A_192, %swap3A_193] : memref<1x16x64x4096xf32, #tpu.memory_space<vmem>>, vector<1x1x64x4096xf32>
    %swap3A_195 = vector.shape_cast %swap3A_194 : vector<1x1x64x4096xf32> to vector<64x4096xf32>
    %swap3A_196 = vector.shape_cast %add3A_189 : vector<64x4096xf32> to vector<1x1x64x4096xf32>
    tpu.vector_store %arg8[%swap3A_190, %swap3A_191, %swap3A_192, %swap3A_193], %swap3A_196 {strides = array<i32>} : memref<1x16x64x4096xf32, #tpu.memory_space<vmem>>, vector<1x1x64x4096xf32>,
    %get3A_197 = arith.constant 0 : index
    %get3A_198 = arith.constant 0 : index
    %get3A_199 = vector.load %arg4[%get3A_197, %get3A_198] : memref<64x4xf32, #tpu.memory_space<vmem>>, vector<64x4xf32>
    %get3A_200 = arith.constant 0 : index
    %get3A_201 = arith.constant 6 : index
    %get3A_202 = arith.constant 0 : index
    %get3A_203 = arith.constant 0 : index
    %get3A_204 = vector.load %arg2[%get3A_200, %get3A_201, %get3A_202, %get3A_203] : memref<1x16x4x4096xf32, #tpu.memory_space<vmem>>, vector<1x1x4x4096xf32>
    %get3A_205 = vector.shape_cast %get3A_204 : vector<1x1x4x4096xf32> to vector<4x4096xf32>
    %dot_general3A_206 = arith.constant dense<0.000000e+00> : vector<64x4096xf32>
    %dot_general3A_207 = tpu.matmul %get3A_199, %get3A_205, %dot_general3A_206 {dimension_numbers = #tpu.dot_dimension_numbers<[1], [0], [0], [1], [0, 0, 1, 1], [], []>, transpose_lhs_hint = false} : vector<64x4xf32>, vector<4x4096xf32>, vector<64x4096xf32> -> vector<64x4096xf32>
    %add3A_208 = arith.addf %dot_general3A_207, %get3A_3 : vector<64x4096xf32>
    %max3A_209 = arith.constant 0.000000e+00 : f32
    %max3A_210 = vector.broadcast %max3A_209 : f32 to vector<64x4096xf32>
    %max3A_211 = arith.maximumf %add3A_208, %max3A_210 : vector<64x4096xf32>
    %convert_element_type3A_212 = arith.truncf %max3A_211 : vector<64x4096xf32> to vector<64x4096xbf16>
    %get3A_213 = arith.constant 0 : index
    %get3A_214 = arith.constant 0 : index
    %get3A_215 = vector.load %arg5[%get3A_213, %get3A_214] : memref<64x64xbf16, #tpu.memory_space<vmem>>, vector<64x64xbf16>
    %dot_general3A_216 = arith.constant dense<0.000000e+00> : vector<64x4096xf32>
    %dot_general3A_217 = tpu.matmul %get3A_215, %convert_element_type3A_212, %dot_general3A_216 {dimension_numbers = #tpu.dot_dimension_numbers<[1], [0], [0], [1], [0, 0, 1, 1], [], []>, transpose_lhs_hint = false} : vector<64x64xbf16>, vector<64x4096xbf16>, vector<64x4096xf32> -> vector<64x4096xf32>
    %get3A_218 = arith.constant 0 : index
    %get3A_219 = arith.constant 0 : index
    %get3A_220 = vector.load %arg6[%get3A_218, %get3A_219] : memref<64x1xf32, #tpu.memory_space<vmem>>, vector<64x1xf32>
    %add3A_221 = vector.broadcast %get3A_220 : vector<64x1xf32> to vector<64x4096xf32>
    %add3A_222 = arith.addf %dot_general3A_217, %add3A_221 : vector<64x4096xf32>
    %swap3A_223 = arith.constant 0 : index
    %swap3A_224 = arith.constant 6 : index
    %swap3A_225 = arith.constant 0 : index
    %swap3A_226 = arith.constant 0 : index
    %swap3A_227 = vector.load %arg8[%swap3A_223, %swap3A_224, %swap3A_225, %swap3A_226] : memref<1x16x64x4096xf32, #tpu.memory_space<vmem>>, vector<1x1x64x4096xf32>
    %swap3A_228 = vector.shape_cast %swap3A_227 : vector<1x1x64x4096xf32> to vector<64x4096xf32>
    %swap3A_229 = vector.shape_cast %add3A_222 : vector<64x4096xf32> to vector<1x1x64x4096xf32>
    tpu.vector_store %arg8[%swap3A_223, %swap3A_224, %swap3A_225, %swap3A_226], %swap3A_229 {strides = array<i32>} : memref<1x16x64x4096xf32, #tpu.memory_space<vmem>>, vector<1x1x64x4096xf32>,
    %get3A_230 = arith.constant 0 : index
    %get3A_231 = arith.constant 0 : index
    %get3A_232 = vector.load %arg4[%get3A_230, %get3A_231] : memref<64x4xf32, #tpu.memory_space<vmem>>, vector<64x4xf32>
    %get3A_233 = arith.constant 0 : index
    %get3A_234 = arith.constant 7 : index
    %get3A_235 = arith.constant 0 : index
    %get3A_236 = arith.constant 0 : index
    %get3A_237 = vector.load %arg2[%get3A_233, %get3A_234, %get3A_235, %get3A_236] : memref<1x16x4x4096xf32, #tpu.memory_space<vmem>>, vector<1x1x4x4096xf32>
    %get3A_238 = vector.shape_cast %get3A_237 : vector<1x1x4x4096xf32> to vector<4x4096xf32>
    %dot_general3A_239 = arith.constant dense<0.000000e+00> : vector<64x4096xf32>
    %dot_general3A_240 = tpu.matmul %get3A_232, %get3A_238, %dot_general3A_239 {dimension_numbers = #tpu.dot_dimension_numbers<[1], [0], [0], [1], [0, 0, 1, 1], [], []>, transpose_lhs_hint = false} : vector<64x4xf32>, vector<4x4096xf32>, vector<64x4096xf32> -> vector<64x4096xf32>
    %add3A_241 = arith.addf %dot_general3A_240, %get3A_3 : vector<64x4096xf32>
    %max3A_242 = arith.constant 0.000000e+00 : f32
    %max3A_243 = vector.broadcast %max3A_242 : f32 to vector<64x4096xf32>
    %max3A_244 = arith.maximumf %add3A_241, %max3A_243 : vector<64x4096xf32>
    %convert_element_type3A_245 = arith.truncf %max3A_244 : vector<64x4096xf32> to vector<64x4096xbf16>
    %get3A_246 = arith.constant 0 : index
    %get3A_247 = arith.constant 0 : index
    %get3A_248 = vector.load %arg5[%get3A_246, %get3A_247] : memref<64x64xbf16, #tpu.memory_space<vmem>>, vector<64x64xbf16>
    %dot_general3A_249 = arith.constant dense<0.000000e+00> : vector<64x4096xf32>
    %dot_general3A_250 = tpu.matmul %get3A_248, %convert_element_type3A_245, %dot_general3A_249 {dimension_numbers = #tpu.dot_dimension_numbers<[1], [0], [0], [1], [0, 0, 1, 1], [], []>, transpose_lhs_hint = false} : vector<64x64xbf16>, vector<64x4096xbf16>, vector<64x4096xf32> -> vector<64x4096xf32>
    %get3A_251 = arith.constant 0 : index
    %get3A_252 = arith.constant 0 : index
    %get3A_253 = vector.load %arg6[%get3A_251, %get3A_252] : memref<64x1xf32, #tpu.memory_space<vmem>>, vector<64x1xf32>
    %add3A_254 = vector.broadcast %get3A_253 : vector<64x1xf32> to vector<64x4096xf32>
    %add3A_255 = arith.addf %dot_general3A_250, %add3A_254 : vector<64x4096xf32>
    %swap3A_256 = arith.constant 0 : index
    %swap3A_257 = arith.constant 7 : index
    %swap3A_258 = arith.constant 0 : index
    %swap3A_259 = arith.constant 0 : index
    %swap3A_260 = vector.load %arg8[%swap3A_256, %swap3A_257, %swap3A_258, %swap3A_259] : memref<1x16x64x4096xf32, #tpu.memory_space<vmem>>, vector<1x1x64x4096xf32>
    %swap3A_261 = vector.shape_cast %swap3A_260 : vector<1x1x64x4096xf32> to vector<64x4096xf32>
    %swap3A_262 = vector.shape_cast %add3A_255 : vector<64x4096xf32> to vector<1x1x64x4096xf32>
    tpu.vector_store %arg8[%swap3A_256, %swap3A_257, %swap3A_258, %swap3A_259], %swap3A_262 {strides = array<i32>} : memref<1x16x64x4096xf32, #tpu.memory_space<vmem>>, vector<1x1x64x4096xf32>,
    %get3A_263 = arith.constant 0 : index
    %get3A_264 = arith.constant 0 : index
    %get3A_265 = vector.load %arg4[%get3A_263, %get3A_264] : memref<64x4xf32, #tpu.memory_space<vmem>>, vector<64x4xf32>
    %get3A_266 = arith.constant 0 : index
    %get3A_267 = arith.constant 8 : index
    %get3A_268 = arith.constant 0 : index
    %get3A_269 = arith.constant 0 : index
    %get3A_270 = vector.load %arg2[%get3A_266, %get3A_267, %get3A_268, %get3A_269] : memref<1x16x4x4096xf32, #tpu.memory_space<vmem>>, vector<1x1x4x4096xf32>
    %get3A_271 = vector.shape_cast %get3A_270 : vector<1x1x4x4096xf32> to vector<4x4096xf32>
    %dot_general3A_272 = arith.constant dense<0.000000e+00> : vector<64x4096xf32>
    %dot_general3A_273 = tpu.matmul %get3A_265, %get3A_271, %dot_general3A_272 {dimension_numbers = #tpu.dot_dimension_numbers<[1], [0], [0], [1], [0, 0, 1, 1], [], []>, transpose_lhs_hint = false} : vector<64x4xf32>, vector<4x4096xf32>, vector<64x4096xf32> -> vector<64x4096xf32>
    %add3A_274 = arith.addf %dot_general3A_273, %get3A_3 : vector<64x4096xf32>
    %max3A_275 = arith.constant 0.000000e+00 : f32
    %max3A_276 = vector.broadcast %max3A_275 : f32 to vector<64x4096xf32>
    %max3A_277 = arith.maximumf %add3A_274, %max3A_276 : vector<64x4096xf32>
    %convert_element_type3A_278 = arith.truncf %max3A_277 : vector<64x4096xf32> to vector<64x4096xbf16>
    %get3A_279 = arith.constant 0 : index
    %get3A_280 = arith.constant 0 : index
    %get3A_281 = vector.load %arg5[%get3A_279, %get3A_280] : memref<64x64xbf16, #tpu.memory_space<vmem>>, vector<64x64xbf16>
    %dot_general3A_282 = arith.constant dense<0.000000e+00> : vector<64x4096xf32>
    %dot_general3A_283 = tpu.matmul %get3A_281, %convert_element_type3A_278, %dot_general3A_282 {dimension_numbers = #tpu.dot_dimension_numbers<[1], [0], [0], [1], [0, 0, 1, 1], [], []>, transpose_lhs_hint = false} : vector<64x64xbf16>, vector<64x4096xbf16>, vector<64x4096xf32> -> vector<64x4096xf32>
    %get3A_284 = arith.constant 0 : index
    %get3A_285 = arith.constant 0 : index
    %get3A_286 = vector.load %arg6[%get3A_284, %get3A_285] : memref<64x1xf32, #tpu.memory_space<vmem>>, vector<64x1xf32>
    %add3A_287 = vector.broadcast %get3A_286 : vector<64x1xf32> to vector<64x4096xf32>
    %add3A_288 = arith.addf %dot_general3A_283, %add3A_287 : vector<64x4096xf32>
    %swap3A_289 = arith.constant 0 : index
    %swap3A_290 = arith.constant 8 : index
    %swap3A_291 = arith.constant 0 : index
    %swap3A_292 = arith.constant 0 : index
    %swap3A_293 = vector.load %arg8[%swap3A_289, %swap3A_290, %swap3A_291, %swap3A_292] : memref<1x16x64x4096xf32, #tpu.memory_space<vmem>>, vector<1x1x64x4096xf32>
    %swap3A_294 = vector.shape_cast %swap3A_293 : vector<1x1x64x4096xf32> to vector<64x4096xf32>
    %swap3A_295 = vector.shape_cast %add3A_288 : vector<64x4096xf32> to vector<1x1x64x4096xf32>
    tpu.vector_store %arg8[%swap3A_289, %swap3A_290, %swap3A_291, %swap3A_292], %swap3A_295 {strides = array<i32>} : memref<1x16x64x4096xf32, #tpu.memory_space<vmem>>, vector<1x1x64x4096xf32>,
    %get3A_296 = arith.constant 0 : index
    %get3A_297 = arith.constant 0 : index
    %get3A_298 = vector.load %arg4[%get3A_296, %get3A_297] : memref<64x4xf32, #tpu.memory_space<vmem>>, vector<64x4xf32>
    %get3A_299 = arith.constant 0 : index
    %get3A_300 = arith.constant 9 : index
    %get3A_301 = arith.constant 0 : index
    %get3A_302 = arith.constant 0 : index
    %get3A_303 = vector.load %arg2[%get3A_299, %get3A_300, %get3A_301, %get3A_302] : memref<1x16x4x4096xf32, #tpu.memory_space<vmem>>, vector<1x1x4x4096xf32>
    %get3A_304 = vector.shape_cast %get3A_303 : vector<1x1x4x4096xf32> to vector<4x4096xf32>
    %dot_general3A_305 = arith.constant dense<0.000000e+00> : vector<64x4096xf32>
    %dot_general3A_306 = tpu.matmul %get3A_298, %get3A_304, %dot_general3A_305 {dimension_numbers = #tpu.dot_dimension_numbers<[1], [0], [0], [1], [0, 0, 1, 1], [], []>, transpose_lhs_hint = false} : vector<64x4xf32>, vector<4x4096xf32>, vector<64x4096xf32> -> vector<64x4096xf32>
    %add3A_307 = arith.addf %dot_general3A_306, %get3A_3 : vector<64x4096xf32>
    %max3A_308 = arith.constant 0.000000e+00 : f32
    %max3A_309 = vector.broadcast %max3A_308 : f32 to vector<64x4096xf32>
    %max3A_310 = arith.maximumf %add3A_307, %max3A_309 : vector<64x4096xf32>
    %convert_element_type3A_311 = arith.truncf %max3A_310 : vector<64x4096xf32> to vector<64x4096xbf16>
    %get3A_312 = arith.constant 0 : index
    %get3A_313 = arith.constant 0 : index
    %get3A_314 = vector.load %arg5[%get3A_312, %get3A_313] : memref<64x64xbf16, #tpu.memory_space<vmem>>, vector<64x64xbf16>
    %dot_general3A_315 = arith.constant dense<0.000000e+00> : vector<64x4096xf32>
    %dot_general3A_316 = tpu.matmul %get3A_314, %convert_element_type3A_311, %dot_general3A_315 {dimension_numbers = #tpu.dot_dimension_numbers<[1], [0], [0], [1], [0, 0, 1, 1], [], []>, transpose_lhs_hint = false} : vector<64x64xbf16>, vector<64x4096xbf16>, vector<64x4096xf32> -> vector<64x4096xf32>
    %get3A_317 = arith.constant 0 : index
    %get3A_318 = arith.constant 0 : index
    %get3A_319 = vector.load %arg6[%get3A_317, %get3A_318] : memref<64x1xf32, #tpu.memory_space<vmem>>, vector<64x1xf32>
    %add3A_320 = vector.broadcast %get3A_319 : vector<64x1xf32> to vector<64x4096xf32>
    %add3A_321 = arith.addf %dot_general3A_316, %add3A_320 : vector<64x4096xf32>
    %swap3A_322 = arith.constant 0 : index
    %swap3A_323 = arith.constant 9 : index
    %swap3A_324 = arith.constant 0 : index
    %swap3A_325 = arith.constant 0 : index
    %swap3A_326 = vector.load %arg8[%swap3A_322, %swap3A_323, %swap3A_324, %swap3A_325] : memref<1x16x64x4096xf32, #tpu.memory_space<vmem>>, vector<1x1x64x4096xf32>
    %swap3A_327 = vector.shape_cast %swap3A_326 : vector<1x1x64x4096xf32> to vector<64x4096xf32>
    %swap3A_328 = vector.shape_cast %add3A_321 : vector<64x4096xf32> to vector<1x1x64x4096xf32>
    tpu.vector_store %arg8[%swap3A_322, %swap3A_323, %swap3A_324, %swap3A_325], %swap3A_328 {strides = array<i32>} : memref<1x16x64x4096xf32, #tpu.memory_space<vmem>>, vector<1x1x64x4096xf32>,
    %get3A_329 = arith.constant 0 : index
    %get3A_330 = arith.constant 0 : index
    %get3A_331 = vector.load %arg4[%get3A_329, %get3A_330] : memref<64x4xf32, #tpu.memory_space<vmem>>, vector<64x4xf32>
    %get3A_332 = arith.constant 0 : index
    %get3A_333 = arith.constant 10 : index
    %get3A_334 = arith.constant 0 : index
    %get3A_335 = arith.constant 0 : index
    %get3A_336 = vector.load %arg2[%get3A_332, %get3A_333, %get3A_334, %get3A_335] : memref<1x16x4x4096xf32, #tpu.memory_space<vmem>>, vector<1x1x4x4096xf32>
    %get3A_337 = vector.shape_cast %get3A_336 : vector<1x1x4x4096xf32> to vector<4x4096xf32>
    %dot_general3A_338 = arith.constant dense<0.000000e+00> : vector<64x4096xf32>
    %dot_general3A_339 = tpu.matmul %get3A_331, %get3A_337, %dot_general3A_338 {dimension_numbers = #tpu.dot_dimension_numbers<[1], [0], [0], [1], [0, 0, 1, 1], [], []>, transpose_lhs_hint = false} : vector<64x4xf32>, vector<4x4096xf32>, vector<64x4096xf32> -> vector<64x4096xf32>
    %add3A_340 = arith.addf %dot_general3A_339, %get3A_3 : vector<64x4096xf32>
    %max3A_341 = arith.constant 0.000000e+00 : f32
    %max3A_342 = vector.broadcast %max3A_341 : f32 to vector<64x4096xf32>
    %max3A_343 = arith.maximumf %add3A_340, %max3A_342 : vector<64x4096xf32>
    %convert_element_type3A_344 = arith.truncf %max3A_343 : vector<64x4096xf32> to vector<64x4096xbf16>
    %get3A_345 = arith.constant 0 : index
    %get3A_346 = arith.constant 0 : index
    %get3A_347 = vector.load %arg5[%get3A_345, %get3A_346] : memref<64x64xbf16, #tpu.memory_space<vmem>>, vector<64x64xbf16>
    %dot_general3A_348 = arith.constant dense<0.000000e+00> : vector<64x4096xf32>
    %dot_general3A_349 = tpu.matmul %get3A_347, %convert_element_type3A_344, %dot_general3A_348 {dimension_numbers = #tpu.dot_dimension_numbers<[1], [0], [0], [1], [0, 0, 1, 1], [], []>, transpose_lhs_hint = false} : vector<64x64xbf16>, vector<64x4096xbf16>, vector<64x4096xf32> -> vector<64x4096xf32>
    %get3A_350 = arith.constant 0 : index
    %get3A_351 = arith.constant 0 : index
    %get3A_352 = vector.load %arg6[%get3A_350, %get3A_351] : memref<64x1xf32, #tpu.memory_space<vmem>>, vector<64x1xf32>
    %add3A_353 = vector.broadcast %get3A_352 : vector<64x1xf32> to vector<64x4096xf32>
    %add3A_354 = arith.addf %dot_general3A_349, %add3A_353 : vector<64x4096xf32>
    %swap3A_355 = arith.constant 0 : index
    %swap3A_356 = arith.constant 10 : index
    %swap3A_357 = arith.constant 0 : index
    %swap3A_358 = arith.constant 0 : index
    %swap3A_359 = vector.load %arg8[%swap3A_355, %swap3A_356, %swap3A_357, %swap3A_358] : memref<1x16x64x4096xf32, #tpu.memory_space<vmem>>, vector<1x1x64x4096xf32>
    %swap3A_360 = vector.shape_cast %swap3A_359 : vector<1x1x64x4096xf32> to vector<64x4096xf32>
    %swap3A_361 = vector.shape_cast %add3A_354 : vector<64x4096xf32> to vector<1x1x64x4096xf32>
    tpu.vector_store %arg8[%swap3A_355, %swap3A_356, %swap3A_357, %swap3A_358], %swap3A_361 {strides = array<i32>} : memref<1x16x64x4096xf32, #tpu.memory_space<vmem>>, vector<1x1x64x4096xf32>,
    %get3A_362 = arith.constant 0 : index
    %get3A_363 = arith.constant 0 : index
    %get3A_364 = vector.load %arg4[%get3A_362, %get3A_363] : memref<64x4xf32, #tpu.memory_space<vmem>>, vector<64x4xf32>
    %get3A_365 = arith.constant 0 : index
    %get3A_366 = arith.constant 11 : index
    %get3A_367 = arith.constant 0 : index
    %get3A_368 = arith.constant 0 : index
    %get3A_369 = vector.load %arg2[%get3A_365, %get3A_366, %get3A_367, %get3A_368] : memref<1x16x4x4096xf32, #tpu.memory_space<vmem>>, vector<1x1x4x4096xf32>
    %get3A_370 = vector.shape_cast %get3A_369 : vector<1x1x4x4096xf32> to vector<4x4096xf32>
    %dot_general3A_371 = arith.constant dense<0.000000e+00> : vector<64x4096xf32>
    %dot_general3A_372 = tpu.matmul %get3A_364, %get3A_370, %dot_general3A_371 {dimension_numbers = #tpu.dot_dimension_numbers<[1], [0], [0], [1], [0, 0, 1, 1], [], []>, transpose_lhs_hint = false} : vector<64x4xf32>, vector<4x4096xf32>, vector<64x4096xf32> -> vector<64x4096xf32>
    %add3A_373 = arith.addf %dot_general3A_372, %get3A_3 : vector<64x4096xf32>
    %max3A_374 = arith.constant 0.000000e+00 : f32
    %max3A_375 = vector.broadcast %max3A_374 : f32 to vector<64x4096xf32>
    %max3A_376 = arith.maximumf %add3A_373, %max3A_375 : vector<64x4096xf32>
    %convert_element_type3A_377 = arith.truncf %max3A_376 : vector<64x4096xf32> to vector<64x4096xbf16>
    %get3A_378 = arith.constant 0 : index
    %get3A_379 = arith.constant 0 : index
    %get3A_380 = vector.load %arg5[%get3A_378, %get3A_379] : memref<64x64xbf16, #tpu.memory_space<vmem>>, vector<64x64xbf16>
    %dot_general3A_381 = arith.constant dense<0.000000e+00> : vector<64x4096xf32>
    %dot_general3A_382 = tpu.matmul %get3A_380, %convert_element_type3A_377, %dot_general3A_381 {dimension_numbers = #tpu.dot_dimension_numbers<[1], [0], [0], [1], [0, 0, 1, 1], [], []>, transpose_lhs_hint = false} : vector<64x64xbf16>, vector<64x4096xbf16>, vector<64x4096xf32> -> vector<64x4096xf32>
    %get3A_383 = arith.constant 0 : index
    %get3A_384 = arith.constant 0 : index
    %get3A_385 = vector.load %arg6[%get3A_383, %get3A_384] : memref<64x1xf32, #tpu.memory_space<vmem>>, vector<64x1xf32>
    %add3A_386 = vector.broadcast %get3A_385 : vector<64x1xf32> to vector<64x4096xf32>
    %add3A_387 = arith.addf %dot_general3A_382, %add3A_386 : vector<64x4096xf32>
    %swap3A_388 = arith.constant 0 : index
    %swap3A_389 = arith.constant 11 : index
    %swap3A_390 = arith.constant 0 : index
    %swap3A_391 = arith.constant 0 : index
    %swap3A_392 = vector.load %arg8[%swap3A_388, %swap3A_389, %swap3A_390, %swap3A_391] : memref<1x16x64x4096xf32, #tpu.memory_space<vmem>>, vector<1x1x64x4096xf32>
    %swap3A_393 = vector.shape_cast %swap3A_392 : vector<1x1x64x4096xf32> to vector<64x4096xf32>
    %swap3A_394 = vector.shape_cast %add3A_387 : vector<64x4096xf32> to vector<1x1x64x4096xf32>
    tpu.vector_store %arg8[%swap3A_388, %swap3A_389, %swap3A_390, %swap3A_391], %swap3A_394 {strides = array<i32>} : memref<1x16x64x4096xf32, #tpu.memory_space<vmem>>, vector<1x1x64x4096xf32>,
    %get3A_395 = arith.constant 0 : index
    %get3A_396 = arith.constant 0 : index
    %get3A_397 = vector.load %arg4[%get3A_395, %get3A_396] : memref<64x4xf32, #tpu.memory_space<vmem>>, vector<64x4xf32>
    %get3A_398 = arith.constant 0 : index
    %get3A_399 = arith.constant 12 : index
    %get3A_400 = arith.constant 0 : index
    %get3A_401 = arith.constant 0 : index
    %get3A_402 = vector.load %arg2[%get3A_398, %get3A_399, %get3A_400, %get3A_401] : memref<1x16x4x4096xf32, #tpu.memory_space<vmem>>, vector<1x1x4x4096xf32>
    %get3A_403 = vector.shape_cast %get3A_402 : vector<1x1x4x4096xf32> to vector<4x4096xf32>
    %dot_general3A_404 = arith.constant dense<0.000000e+00> : vector<64x4096xf32>
    %dot_general3A_405 = tpu.matmul %get3A_397, %get3A_403, %dot_general3A_404 {dimension_numbers = #tpu.dot_dimension_numbers<[1], [0], [0], [1], [0, 0, 1, 1], [], []>, transpose_lhs_hint = false} : vector<64x4xf32>, vector<4x4096xf32>, vector<64x4096xf32> -> vector<64x4096xf32>
    %add3A_406 = arith.addf %dot_general3A_405, %get3A_3 : vector<64x4096xf32>
    %max3A_407 = arith.constant 0.000000e+00 : f32
    %max3A_408 = vector.broadcast %max3A_407 : f32 to vector<64x4096xf32>
    %max3A_409 = arith.maximumf %add3A_406, %max3A_408 : vector<64x4096xf32>
    %convert_element_type3A_410 = arith.truncf %max3A_409 : vector<64x4096xf32> to vector<64x4096xbf16>
    %get3A_411 = arith.constant 0 : index
    %get3A_412 = arith.constant 0 : index
    %get3A_413 = vector.load %arg5[%get3A_411, %get3A_412] : memref<64x64xbf16, #tpu.memory_space<vmem>>, vector<64x64xbf16>
    %dot_general3A_414 = arith.constant dense<0.000000e+00> : vector<64x4096xf32>
    %dot_general3A_415 = tpu.matmul %get3A_413, %convert_element_type3A_410, %dot_general3A_414 {dimension_numbers = #tpu.dot_dimension_numbers<[1], [0], [0], [1], [0, 0, 1, 1], [], []>, transpose_lhs_hint = false} : vector<64x64xbf16>, vector<64x4096xbf16>, vector<64x4096xf32> -> vector<64x4096xf32>
    %get3A_416 = arith.constant 0 : index
    %get3A_417 = arith.constant 0 : index
    %get3A_418 = vector.load %arg6[%get3A_416, %get3A_417] : memref<64x1xf32, #tpu.memory_space<vmem>>, vector<64x1xf32>
    %add3A_419 = vector.broadcast %get3A_418 : vector<64x1xf32> to vector<64x4096xf32>
    %add3A_420 = arith.addf %dot_general3A_415, %add3A_419 : vector<64x4096xf32>
    %swap3A_421 = arith.constant 0 : index
    %swap3A_422 = arith.constant 12 : index
    %swap3A_423 = arith.constant 0 : index
    %swap3A_424 = arith.constant 0 : index
    %swap3A_425 = vector.load %arg8[%swap3A_421, %swap3A_422, %swap3A_423, %swap3A_424] : memref<1x16x64x4096xf32, #tpu.memory_space<vmem>>, vector<1x1x64x4096xf32>
    %swap3A_426 = vector.shape_cast %swap3A_425 : vector<1x1x64x4096xf32> to vector<64x4096xf32>
    %swap3A_427 = vector.shape_cast %add3A_420 : vector<64x4096xf32> to vector<1x1x64x4096xf32>
    tpu.vector_store %arg8[%swap3A_421, %swap3A_422, %swap3A_423, %swap3A_424], %swap3A_427 {strides = array<i32>} : memref<1x16x64x4096xf32, #tpu.memory_space<vmem>>, vector<1x1x64x4096xf32>,
    %get3A_428 = arith.constant 0 : index
    %get3A_429 = arith.constant 0 : index
    %get3A_430 = vector.load %arg4[%get3A_428, %get3A_429] : memref<64x4xf32, #tpu.memory_space<vmem>>, vector<64x4xf32>
    %get3A_431 = arith.constant 0 : index
    %get3A_432 = arith.constant 13 : index
    %get3A_433 = arith.constant 0 : index
    %get3A_434 = arith.constant 0 : index
    %get3A_435 = vector.load %arg2[%get3A_431, %get3A_432, %get3A_433, %get3A_434] : memref<1x16x4x4096xf32, #tpu.memory_space<vmem>>, vector<1x1x4x4096xf32>
    %get3A_436 = vector.shape_cast %get3A_435 : vector<1x1x4x4096xf32> to vector<4x4096xf32>
    %dot_general3A_437 = arith.constant dense<0.000000e+00> : vector<64x4096xf32>
    %dot_general3A_438 = tpu.matmul %get3A_430, %get3A_436, %dot_general3A_437 {dimension_numbers = #tpu.dot_dimension_numbers<[1], [0], [0], [1], [0, 0, 1, 1], [], []>, transpose_lhs_hint = false} : vector<64x4xf32>, vector<4x4096xf32>, vector<64x4096xf32> -> vector<64x4096xf32>
    %add3A_439 = arith.addf %dot_general3A_438, %get3A_3 : vector<64x4096xf32>
    %max3A_440 = arith.constant 0.000000e+00 : f32
    %max3A_441 = vector.broadcast %max3A_440 : f32 to vector<64x4096xf32>
    %max3A_442 = arith.maximumf %add3A_439, %max3A_441 : vector<64x4096xf32>
    %convert_element_type3A_443 = arith.truncf %max3A_442 : vector<64x4096xf32> to vector<64x4096xbf16>
    %get3A_444 = arith.constant 0 : index
    %get3A_445 = arith.constant 0 : index
    %get3A_446 = vector.load %arg5[%get3A_444, %get3A_445] : memref<64x64xbf16, #tpu.memory_space<vmem>>, vector<64x64xbf16>
    %dot_general3A_447 = arith.constant dense<0.000000e+00> : vector<64x4096xf32>
    %dot_general3A_448 = tpu.matmul %get3A_446, %convert_element_type3A_443, %dot_general3A_447 {dimension_numbers = #tpu.dot_dimension_numbers<[1], [0], [0], [1], [0, 0, 1, 1], [], []>, transpose_lhs_hint = false} : vector<64x64xbf16>, vector<64x4096xbf16>, vector<64x4096xf32> -> vector<64x4096xf32>
    %get3A_449 = arith.constant 0 : index
    %get3A_450 = arith.constant 0 : index
    %get3A_451 = vector.load %arg6[%get3A_449, %get3A_450] : memref<64x1xf32, #tpu.memory_space<vmem>>, vector<64x1xf32>
    %add3A_452 = vector.broadcast %get3A_451 : vector<64x1xf32> to vector<64x4096xf32>
    %add3A_453 = arith.addf %dot_general3A_448, %add3A_452 : vector<64x4096xf32>
    %swap3A_454 = arith.constant 0 : index
    %swap3A_455 = arith.constant 13 : index
    %swap3A_456 = arith.constant 0 : index
    %swap3A_457 = arith.constant 0 : index
    %swap3A_458 = vector.load %arg8[%swap3A_454, %swap3A_455, %swap3A_456, %swap3A_457] : memref<1x16x64x4096xf32, #tpu.memory_space<vmem>>, vector<1x1x64x4096xf32>
    %swap3A_459 = vector.shape_cast %swap3A_458 : vector<1x1x64x4096xf32> to vector<64x4096xf32>
    %swap3A_460 = vector.shape_cast %add3A_453 : vector<64x4096xf32> to vector<1x1x64x4096xf32>
    tpu.vector_store %arg8[%swap3A_454, %swap3A_455, %swap3A_456, %swap3A_457], %swap3A_460 {strides = array<i32>} : memref<1x16x64x4096xf32, #tpu.memory_space<vmem>>, vector<1x1x64x4096xf32>,
    %get3A_461 = arith.constant 0 : index
    %get3A_462 = arith.constant 0 : index
    %get3A_463 = vector.load %arg4[%get3A_461, %get3A_462] : memref<64x4xf32, #tpu.memory_space<vmem>>, vector<64x4xf32>
    %get3A_464 = arith.constant 0 : index
    %get3A_465 = arith.constant 14 : index
    %get3A_466 = arith.constant 0 : index
    %get3A_467 = arith.constant 0 : index
    %get3A_468 = vector.load %arg2[%get3A_464, %get3A_465, %get3A_466, %get3A_467] : memref<1x16x4x4096xf32, #tpu.memory_space<vmem>>, vector<1x1x4x4096xf32>
    %get3A_469 = vector.shape_cast %get3A_468 : vector<1x1x4x4096xf32> to vector<4x4096xf32>
    %dot_general3A_470 = arith.constant dense<0.000000e+00> : vector<64x4096xf32>
    %dot_general3A_471 = tpu.matmul %get3A_463, %get3A_469, %dot_general3A_470 {dimension_numbers = #tpu.dot_dimension_numbers<[1], [0], [0], [1], [0, 0, 1, 1], [], []>, transpose_lhs_hint = false} : vector<64x4xf32>, vector<4x4096xf32>, vector<64x4096xf32> -> vector<64x4096xf32>
    %add3A_472 = arith.addf %dot_general3A_471, %get3A_3 : vector<64x4096xf32>
    %max3A_473 = arith.constant 0.000000e+00 : f32
    %max3A_474 = vector.broadcast %max3A_473 : f32 to vector<64x4096xf32>
    %max3A_475 = arith.maximumf %add3A_472, %max3A_474 : vector<64x4096xf32>
    %convert_element_type3A_476 = arith.truncf %max3A_475 : vector<64x4096xf32> to vector<64x4096xbf16>
    %get3A_477 = arith.constant 0 : index
    %get3A_478 = arith.constant 0 : index
    %get3A_479 = vector.load %arg5[%get3A_477, %get3A_478] : memref<64x64xbf16, #tpu.memory_space<vmem>>, vector<64x64xbf16>
    %dot_general3A_480 = arith.constant dense<0.000000e+00> : vector<64x4096xf32>
    %dot_general3A_481 = tpu.matmul %get3A_479, %convert_element_type3A_476, %dot_general3A_480 {dimension_numbers = #tpu.dot_dimension_numbers<[1], [0], [0], [1], [0, 0, 1, 1], [], []>, transpose_lhs_hint = false} : vector<64x64xbf16>, vector<64x4096xbf16>, vector<64x4096xf32> -> vector<64x4096xf32>
    %get3A_482 = arith.constant 0 : index
    %get3A_483 = arith.constant 0 : index
    %get3A_484 = vector.load %arg6[%get3A_482, %get3A_483] : memref<64x1xf32, #tpu.memory_space<vmem>>, vector<64x1xf32>
    %add3A_485 = vector.broadcast %get3A_484 : vector<64x1xf32> to vector<64x4096xf32>
    %add3A_486 = arith.addf %dot_general3A_481, %add3A_485 : vector<64x4096xf32>
    %swap3A_487 = arith.constant 0 : index
    %swap3A_488 = arith.constant 14 : index
    %swap3A_489 = arith.constant 0 : index
    %swap3A_490 = arith.constant 0 : index
    %swap3A_491 = vector.load %arg8[%swap3A_487, %swap3A_488, %swap3A_489, %swap3A_490] : memref<1x16x64x4096xf32, #tpu.memory_space<vmem>>, vector<1x1x64x4096xf32>
    %swap3A_492 = vector.shape_cast %swap3A_491 : vector<1x1x64x4096xf32> to vector<64x4096xf32>
    %swap3A_493 = vector.shape_cast %add3A_486 : vector<64x4096xf32> to vector<1x1x64x4096xf32>
    tpu.vector_store %arg8[%swap3A_487, %swap3A_488, %swap3A_489, %swap3A_490], %swap3A_493 {strides = array<i32>} : memref<1x16x64x4096xf32, #tpu.memory_space<vmem>>, vector<1x1x64x4096xf32>,
    %get3A_494 = arith.constant 0 : index
    %get3A_495 = arith.constant 0 : index
    %get3A_496 = vector.load %arg4[%get3A_494, %get3A_495] : memref<64x4xf32, #tpu.memory_space<vmem>>, vector<64x4xf32>
    %get3A_497 = arith.constant 0 : index
    %get3A_498 = arith.constant 15 : index
    %get3A_499 = arith.constant 0 : index
    %get3A_500 = arith.constant 0 : index
    %get3A_501 = vector.load %arg2[%get3A_497, %get3A_498, %get3A_499, %get3A_500] : memref<1x16x4x4096xf32, #tpu.memory_space<vmem>>, vector<1x1x4x4096xf32>
    %get3A_502 = vector.shape_cast %get3A_501 : vector<1x1x4x4096xf32> to vector<4x4096xf32>
    %dot_general3A_503 = arith.constant dense<0.000000e+00> : vector<64x4096xf32>
    %dot_general3A_504 = tpu.matmul %get3A_496, %get3A_502, %dot_general3A_503 {dimension_numbers = #tpu.dot_dimension_numbers<[1], [0], [0], [1], [0, 0, 1, 1], [], []>, transpose_lhs_hint = false} : vector<64x4xf32>, vector<4x4096xf32>, vector<64x4096xf32> -> vector<64x4096xf32>
    %add3A_505 = arith.addf %dot_general3A_504, %get3A_3 : vector<64x4096xf32>
    %max3A_506 = arith.constant 0.000000e+00 : f32
    %max3A_507 = vector.broadcast %max3A_506 : f32 to vector<64x4096xf32>
    %max3A_508 = arith.maximumf %add3A_505, %max3A_507 : vector<64x4096xf32>
    %convert_element_type3A_509 = arith.truncf %max3A_508 : vector<64x4096xf32> to vector<64x4096xbf16>
    %get3A_510 = arith.constant 0 : index
    %get3A_511 = arith.constant 0 : index
    %get3A_512 = vector.load %arg5[%get3A_510, %get3A_511] : memref<64x64xbf16, #tpu.memory_space<vmem>>, vector<64x64xbf16>
    %dot_general3A_513 = arith.constant dense<0.000000e+00> : vector<64x4096xf32>
    %dot_general3A_514 = tpu.matmul %get3A_512, %convert_element_type3A_509, %dot_general3A_513 {dimension_numbers = #tpu.dot_dimension_numbers<[1], [0], [0], [1], [0, 0, 1, 1], [], []>, transpose_lhs_hint = false} : vector<64x64xbf16>, vector<64x4096xbf16>, vector<64x4096xf32> -> vector<64x4096xf32>
    %get3A_515 = arith.constant 0 : index
    %get3A_516 = arith.constant 0 : index
    %get3A_517 = vector.load %arg6[%get3A_515, %get3A_516] : memref<64x1xf32, #tpu.memory_space<vmem>>, vector<64x1xf32>
    %add3A_518 = vector.broadcast %get3A_517 : vector<64x1xf32> to vector<64x4096xf32>
    %add3A_519 = arith.addf %dot_general3A_514, %add3A_518 : vector<64x4096xf32>
    %swap3A_520 = arith.constant 0 : index
    %swap3A_521 = arith.constant 15 : index
    %swap3A_522 = arith.constant 0 : index
    %swap3A_523 = arith.constant 0 : index
    %swap3A_524 = vector.load %arg8[%swap3A_520, %swap3A_521, %swap3A_522, %swap3A_523] : memref<1x16x64x4096xf32, #tpu.memory_space<vmem>>, vector<1x1x64x4096xf32>
    %swap3A_525 = vector.shape_cast %swap3A_524 : vector<1x1x64x4096xf32> to vector<64x4096xf32>
    %swap3A_526 = vector.shape_cast %add3A_519 : vector<64x4096xf32> to vector<1x1x64x4096xf32>
    tpu.vector_store %arg8[%swap3A_520, %swap3A_521, %swap3A_522, %swap3A_523], %swap3A_526 {strides = array<i32>} : memref<1x16x64x4096xf32, #tpu.memory_space<vmem>>, vector<1x1x64x4096xf32>,
    return
  }
  func.func @transform_0(%arg0: i32, %arg1: i32) -> (i32, i32, i32, i32) {
    %c0_i32 = arith.constant 0 : i32
    %c0_i32_0 = arith.constant 0 : i32
    %c0_i32_1 = arith.constant 0 : i32
    return %arg0, %arg1, %c0_i32, %c0_i32_0 : i32, i32, i32, i32
  }
  func.func @transform_1(%arg0: i32, %arg1: i32) -> (i32, i32, i32) {
    %add3A = arith.constant 4 : i32
    %add3A_0 = arith.addi %add3A, %arg0 : i32
    %c0_i32 = arith.constant 0 : i32
    %c0_i32_1 = arith.constant 0 : i32
    %c0_i32_2 = arith.constant 0 : i32
    return %add3A_0, %c0_i32, %c0_i32_1 : i32, i32, i32
  }
  func.func @transform_2(%arg0: i32, %arg1: i32) -> (i32, i32) {
    %c0_i32 = arith.constant 0 : i32
    %c0_i32_0 = arith.constant 0 : i32
    %c0_i32_1 = arith.constant 0 : i32
    return %c0_i32, %c0_i32_0 : i32, i32
  }
  func.func @transform_3(%arg0: i32, %arg1: i32) -> (i32, i32) {
    %c0_i32 = arith.constant 0 : i32
    %c0_i32_0 = arith.constant 0 : i32
    %c0_i32_1 = arith.constant 0 : i32
    return %c0_i32, %c0_i32_0 : i32, i32
  }
  func.func @transform_4(%arg0: i32, %arg1: i32) -> (i32, i32) {
    %c0_i32 = arith.constant 0 : i32
    %c0_i32_0 = arith.constant 0 : i32
    %c0_i32_1 = arith.constant 0 : i32
    return %c0_i32, %c0_i32_0 : i32, i32
  }
  func.func @transform_6(%arg0: i32, %arg1: i32) -> (i32, i32, i32, i32) {
    %add3A = arith.constant 4 : i32
    %add3A_0 = arith.addi %add3A, %arg0 : i32
    %c0_i32 = arith.constant 0 : i32
    %c0_i32_1 = arith.constant 0 : i32
    %c0_i32_2 = arith.constant 0 : i32
    return %add3A_0, %arg1, %c0_i32, %c0_i32_1 : i32, i32, i32, i32
  }
}

module attributes {stable_mosaic.version = 14 : i64} {
  func.func @_mlp_alias_body(%arg0: i32, %arg1: i32, %arg2: memref<1x16x4x4096xf32, #tpu.memory_space<vmem>>, %arg3: memref<1x64x4096xf32, #tpu.memory_space<vmem>>, %arg4: memref<64x4xf32, #tpu.memory_space<vmem>>, %arg5: memref<64x64xbf16, #tpu.memory_space<vmem>>, %arg6: memref<64x1xf32, #tpu.memory_space<vmem>>, %arg7: memref<16x16x64x4096xf32, #tpu.memory_space<any>>, %arg8: memref<1x16x64x4096xf32, #tpu.memory_space<vmem>>) attributes {dimension_semantics = [#tpu.dimension_semantics<arbitrary>, #tpu.dimension_semantics<arbitrary>], iteration_bounds = array<i64: 4, 1>, scalar_prefetch = 0 : i64, scratch_operands = 0 : i64, tpu.core_type = #tpu.core_type<tc>, window_params = [{transform_indices = @transform_0, window_bounds = array<i64: 1, 16, 4, 4096>}, {transform_indices = @transform_1, window_bounds = array<i64: 1, 64, 4096>}, {pipeline_mode = #tpu.pipeline_mode<synchronous>, transform_indices = @transform_2, window_bounds = array<i64: 64, 4>}, {pipeline_mode = #tpu.pipeline_mode<synchronous>, transform_indices = @transform_3, window_bounds = array<i64: 64, 64>}, {pipeline_mode = #tpu.pipeline_mode<synchronous>, transform_indices = @transform_4, window_bounds = array<i64: 64, 1>}, {}, {transform_indices = @transform_6, window_bounds = array<i64: 1, 16, 64, 4096>}]} {
    %get3A = arith.constant 0 : index
    %get3A_0 = arith.constant 0 : index
    %get3A_1 = arith.constant 0 : index
    %get3A_2 = vector.load %arg3[%get3A, %get3A_0, %get3A_1] : memref<1x64x4096xf32, #tpu.memory_space<vmem>>, vector<1x64x4096xf32>
    %get3A_3 = vector.shape_cast %get3A_2 : vector<1x64x4096xf32> to vector<64x4096xf32>
    %get3A_4 = arith.constant 0 : index
    %get3A_5 = arith.constant 0 : index
    %get3A_6 = vector.load %arg4[%get3A_4, %get3A_5] : memref<64x4xf32, #tpu.memory_space<vmem>>, vector<64x4xf32>
    %get3A_7 = arith.constant 0 : index
    %get3A_8 = arith.constant 0 : index
    %get3A_9 = arith.constant 0 : index
    %get3A_10 = arith.constant 0 : index
    %get3A_11 = vector.load %arg2[%get3A_7, %get3A_8, %get3A_9, %get3A_10] : memref<1x16x4x4096xf32, #tpu.memory_space<vmem>>, vector<1x1x4x4096xf32>
    %get3A_12 = vector.shape_cast %get3A_11 : vector<1x1x4x4096xf32> to vector<4x4096xf32>
    %dot_general3A = arith.constant dense<0.000000e+00> : vector<64x4096xf32>
    %dot_general3A_13 = tpu.matmul %get3A_6, %get3A_12, %dot_general3A {dimension_numbers = #tpu.dot_dimension_numbers<[1], [0], [0], [1], [0, 0, 1, 1], [], []>, transpose_lhs_hint = false} : vector<64x4xf32>, vector<4x4096xf32>, vector<64x4096xf32> -> vector<64x4096xf32>
    %add3A = arith.addf %dot_general3A_13, %get3A_3 : vector<64x4096xf32>
    %max3A = arith.constant 0.000000e+00 : f32
    %max3A_14 = vector.broadcast %max3A : f32 to vector<64x4096xf32>
    %max3A_15 = arith.maximumf %add3A, %max3A_14 : vector<64x4096xf32>
    %convert_element_type3A = arith.truncf %max3A_15 : vector<64x4096xf32> to vector<64x4096xbf16>
    %get3A_16 = arith.constant 0 : index
    %get3A_17 = arith.constant 0 : index
    %get3A_18 = vector.load %arg5[%get3A_16, %get3A_17] : memref<64x64xbf16, #tpu.memory_space<vmem>>, vector<64x64xbf16>
    %dot_general3A_19 = arith.constant dense<0.000000e+00> : vector<64x4096xf32>
    %dot_general3A_20 = tpu.matmul %get3A_18, %convert_element_type3A, %dot_general3A_19 {dimension_numbers = #tpu.dot_dimension_numbers<[1], [0], [0], [1], [0, 0, 1, 1], [], []>, transpose_lhs_hint = false} : vector<64x64xbf16>, vector<64x4096xbf16>, vector<64x4096xf32> -> vector<64x4096xf32>
    %get3A_21 = arith.constant 0 : index
    %get3A_22 = arith.constant 0 : index
    %get3A_23 = vector.load %arg6[%get3A_21, %get3A_22] : memref<64x1xf32, #tpu.memory_space<vmem>>, vector<64x1xf32>
    %add3A_24 = vector.broadcast %get3A_23 : vector<64x1xf32> to vector<64x4096xf32>
    %add3A_25 = arith.addf %dot_general3A_20, %add3A_24 : vector<64x4096xf32>
    %swap3A = arith.constant 0 : index
    %swap3A_26 = arith.constant 0 : index
    %swap3A_27 = arith.constant 0 : index
    %swap3A_28 = arith.constant 0 : index
    %swap3A_29 = vector.load %arg8[%swap3A, %swap3A_26, %swap3A_27, %swap3A_28] : memref<1x16x64x4096xf32, #tpu.memory_space<vmem>>, vector<1x1x64x4096xf32>
    %swap3A_30 = vector.shape_cast %swap3A_29 : vector<1x1x64x4096xf32> to vector<64x4096xf32>
    %swap3A_31 = vector.shape_cast %add3A_25 : vector<64x4096xf32> to vector<1x1x64x4096xf32>
    tpu.vector_store %arg8[%swap3A, %swap3A_26, %swap3A_27, %swap3A_28], %swap3A_31 {strides = array<i32>} : memref<1x16x64x4096xf32, #tpu.memory_space<vmem>>, vector<1x1x64x4096xf32>,
    %get3A_32 = arith.constant 0 : index
    %get3A_33 = arith.constant 0 : index
    %get3A_34 = vector.load %arg4[%get3A_32, %get3A_33] : memref<64x4xf32, #tpu.memory_space<vmem>>, vector<64x4xf32>
    %get3A_35 = arith.constant 0 : index
    %get3A_36 = arith.constant 1 : index
    %get3A_37 = arith.constant 0 : index
    %get3A_38 = arith.constant 0 : index
    %get3A_39 = vector.load %arg2[%get3A_35, %get3A_36, %get3A_37, %get3A_38] : memref<1x16x4x4096xf32, #tpu.memory_space<vmem>>, vector<1x1x4x4096xf32>
    %get3A_40 = vector.shape_cast %get3A_39 : vector<1x1x4x4096xf32> to vector<4x4096xf32>
    %dot_general3A_41 = arith.constant dense<0.000000e+00> : vector<64x4096xf32>
    %dot_general3A_42 = tpu.matmul %get3A_34, %get3A_40, %dot_general3A_41 {dimension_numbers = #tpu.dot_dimension_numbers<[1], [0], [0], [1], [0, 0, 1, 1], [], []>, transpose_lhs_hint = false} : vector<64x4xf32>, vector<4x4096xf32>, vector<64x4096xf32> -> vector<64x4096xf32>
    %add3A_43 = arith.addf %dot_general3A_42, %get3A_3 : vector<64x4096xf32>
    %max3A_44 = arith.constant 0.000000e+00 : f32
    %max3A_45 = vector.broadcast %max3A_44 : f32 to vector<64x4096xf32>
    %max3A_46 = arith.maximumf %add3A_43, %max3A_45 : vector<64x4096xf32>
    %convert_element_type3A_47 = arith.truncf %max3A_46 : vector<64x4096xf32> to vector<64x4096xbf16>
    %get3A_48 = arith.constant 0 : index
    %get3A_49 = arith.constant 0 : index
    %get3A_50 = vector.load %arg5[%get3A_48, %get3A_49] : memref<64x64xbf16, #tpu.memory_space<vmem>>, vector<64x64xbf16>
    %dot_general3A_51 = arith.constant dense<0.000000e+00> : vector<64x4096xf32>
    %dot_general3A_52 = tpu.matmul %get3A_50, %convert_element_type3A_47, %dot_general3A_51 {dimension_numbers = #tpu.dot_dimension_numbers<[1], [0], [0], [1], [0, 0, 1, 1], [], []>, transpose_lhs_hint = false} : vector<64x64xbf16>, vector<64x4096xbf16>, vector<64x4096xf32> -> vector<64x4096xf32>
    %get3A_53 = arith.constant 0 : index
    %get3A_54 = arith.constant 0 : index
    %get3A_55 = vector.load %arg6[%get3A_53, %get3A_54] : memref<64x1xf32, #tpu.memory_space<vmem>>, vector<64x1xf32>
    %add3A_56 = vector.broadcast %get3A_55 : vector<64x1xf32> to vector<64x4096xf32>
    %add3A_57 = arith.addf %dot_general3A_52, %add3A_56 : vector<64x4096xf32>
    %swap3A_58 = arith.constant 0 : index
    %swap3A_59 = arith.constant 1 : index
    %swap3A_60 = arith.constant 0 : index
    %swap3A_61 = arith.constant 0 : index
    %swap3A_62 = vector.load %arg8[%swap3A_58, %swap3A_59, %swap3A_60, %swap3A_61] : memref<1x16x64x4096xf32, #tpu.memory_space<vmem>>, vector<1x1x64x4096xf32>
    %swap3A_63 = vector.shape_cast %swap3A_62 : vector<1x1x64x4096xf32> to vector<64x4096xf32>
    %swap3A_64 = vector.shape_cast %add3A_57 : vector<64x4096xf32> to vector<1x1x64x4096xf32>
    tpu.vector_store %arg8[%swap3A_58, %swap3A_59, %swap3A_60, %swap3A_61], %swap3A_64 {strides = array<i32>} : memref<1x16x64x4096xf32, #tpu.memory_space<vmem>>, vector<1x1x64x4096xf32>,
    %get3A_65 = arith.constant 0 : index
    %get3A_66 = arith.constant 0 : index
    %get3A_67 = vector.load %arg4[%get3A_65, %get3A_66] : memref<64x4xf32, #tpu.memory_space<vmem>>, vector<64x4xf32>
    %get3A_68 = arith.constant 0 : index
    %get3A_69 = arith.constant 2 : index
    %get3A_70 = arith.constant 0 : index
    %get3A_71 = arith.constant 0 : index
    %get3A_72 = vector.load %arg2[%get3A_68, %get3A_69, %get3A_70, %get3A_71] : memref<1x16x4x4096xf32, #tpu.memory_space<vmem>>, vector<1x1x4x4096xf32>
    %get3A_73 = vector.shape_cast %get3A_72 : vector<1x1x4x4096xf32> to vector<4x4096xf32>
    %dot_general3A_74 = arith.constant dense<0.000000e+00> : vector<64x4096xf32>
    %dot_general3A_75 = tpu.matmul %get3A_67, %get3A_73, %dot_general3A_74 {dimension_numbers = #tpu.dot_dimension_numbers<[1], [0], [0], [1], [0, 0, 1, 1], [], []>, transpose_lhs_hint = false} : vector<64x4xf32>, vector<4x4096xf32>, vector<64x4096xf32> -> vector<64x4096xf32>
    %add3A_76 = arith.addf %dot_general3A_75, %get3A_3 : vector<64x4096xf32>
    %max3A_77 = arith.constant 0.000000e+00 : f32
    %max3A_78 = vector.broadcast %max3A_77 : f32 to vector<64x4096xf32>
    %max3A_79 = arith.maximumf %add3A_76, %max3A_78 : vector<64x4096xf32>
    %convert_element_type3A_80 = arith.truncf %max3A_79 : vector<64x4096xf32> to vector<64x4096xbf16>
    %get3A_81 = arith.constant 0 : index
    %get3A_82 = arith.constant 0 : index
    %get3A_83 = vector.load %arg5[%get3A_81, %get3A_82] : memref<64x64xbf16, #tpu.memory_space<vmem>>, vector<64x64xbf16>
    %dot_general3A_84 = arith.constant dense<0.000000e+00> : vector<64x4096xf32>
    %dot_general3A_85 = tpu.matmul %get3A_83, %convert_element_type3A_80, %dot_general3A_84 {dimension_numbers = #tpu.dot_dimension_numbers<[1], [0], [0], [1], [0, 0, 1, 1], [], []>, transpose_lhs_hint = false} : vector<64x64xbf16>, vector<64x4096xbf16>, vector<64x4096xf32> -> vector<64x4096xf32>
    %get3A_86 = arith.constant 0 : index
    %get3A_87 = arith.constant 0 : index
    %get3A_88 = vector.load %arg6[%get3A_86, %get3A_87] : memref<64x1xf32, #tpu.memory_space<vmem>>, vector<64x1xf32>
    %add3A_89 = vector.broadcast %get3A_88 : vector<64x1xf32> to vector<64x4096xf32>
    %add3A_90 = arith.addf %dot_general3A_85, %add3A_89 : vector<64x4096xf32>
    %swap3A_91 = arith.constant 0 : index
    %swap3A_92 = arith.constant 2 : index
    %swap3A_93 = arith.constant 0 : index
    %swap3A_94 = arith.constant 0 : index
    %swap3A_95 = vector.load %arg8[%swap3A_91, %swap3A_92, %swap3A_93, %swap3A_94] : memref<1x16x64x4096xf32, #tpu.memory_space<vmem>>, vector<1x1x64x4096xf32>
    %swap3A_96 = vector.shape_cast %swap3A_95 : vector<1x1x64x4096xf32> to vector<64x4096xf32>
    %swap3A_97 = vector.shape_cast %add3A_90 : vector<64x4096xf32> to vector<1x1x64x4096xf32>
    tpu.vector_store %arg8[%swap3A_91, %swap3A_92, %swap3A_93, %swap3A_94], %swap3A_97 {strides = array<i32>} : memref<1x16x64x4096xf32, #tpu.memory_space<vmem>>, vector<1x1x64x4096xf32>,
    %get3A_98 = arith.constant 0 : index
    %get3A_99 = arith.constant 0 : index
    %get3A_100 = vector.load %arg4[%get3A_98, %get3A_99] : memref<64x4xf32, #tpu.memory_space<vmem>>, vector<64x4xf32>
    %get3A_101 = arith.constant 0 : index
    %get3A_102 = arith.constant 3 : index
    %get3A_103 = arith.constant 0 : index
    %get3A_104 = arith.constant 0 : index
    %get3A_105 = vector.load %arg2[%get3A_101, %get3A_102, %get3A_103, %get3A_104] : memref<1x16x4x4096xf32, #tpu.memory_space<vmem>>, vector<1x1x4x4096xf32>
    %get3A_106 = vector.shape_cast %get3A_105 : vector<1x1x4x4096xf32> to vector<4x4096xf32>
    %dot_general3A_107 = arith.constant dense<0.000000e+00> : vector<64x4096xf32>
    %dot_general3A_108 = tpu.matmul %get3A_100, %get3A_106, %dot_general3A_107 {dimension_numbers = #tpu.dot_dimension_numbers<[1], [0], [0], [1], [0, 0, 1, 1], [], []>, transpose_lhs_hint = false} : vector<64x4xf32>, vector<4x4096xf32>, vector<64x4096xf32> -> vector<64x4096xf32>
    %add3A_109 = arith.addf %dot_general3A_108, %get3A_3 : vector<64x4096xf32>
    %max3A_110 = arith.constant 0.000000e+00 : f32
    %max3A_111 = vector.broadcast %max3A_110 : f32 to vector<64x4096xf32>
    %max3A_112 = arith.maximumf %add3A_109, %max3A_111 : vector<64x4096xf32>
    %convert_element_type3A_113 = arith.truncf %max3A_112 : vector<64x4096xf32> to vector<64x4096xbf16>
    %get3A_114 = arith.constant 0 : index
    %get3A_115 = arith.constant 0 : index
    %get3A_116 = vector.load %arg5[%get3A_114, %get3A_115] : memref<64x64xbf16, #tpu.memory_space<vmem>>, vector<64x64xbf16>
    %dot_general3A_117 = arith.constant dense<0.000000e+00> : vector<64x4096xf32>
    %dot_general3A_118 = tpu.matmul %get3A_116, %convert_element_type3A_113, %dot_general3A_117 {dimension_numbers = #tpu.dot_dimension_numbers<[1], [0], [0], [1], [0, 0, 1, 1], [], []>, transpose_lhs_hint = false} : vector<64x64xbf16>, vector<64x4096xbf16>, vector<64x4096xf32> -> vector<64x4096xf32>
    %get3A_119 = arith.constant 0 : index
    %get3A_120 = arith.constant 0 : index
    %get3A_121 = vector.load %arg6[%get3A_119, %get3A_120] : memref<64x1xf32, #tpu.memory_space<vmem>>, vector<64x1xf32>
    %add3A_122 = vector.broadcast %get3A_121 : vector<64x1xf32> to vector<64x4096xf32>
    %add3A_123 = arith.addf %dot_general3A_118, %add3A_122 : vector<64x4096xf32>
    %swap3A_124 = arith.constant 0 : index
    %swap3A_125 = arith.constant 3 : index
    %swap3A_126 = arith.constant 0 : index
    %swap3A_127 = arith.constant 0 : index
    %swap3A_128 = vector.load %arg8[%swap3A_124, %swap3A_125, %swap3A_126, %swap3A_127] : memref<1x16x64x4096xf32, #tpu.memory_space<vmem>>, vector<1x1x64x4096xf32>
    %swap3A_129 = vector.shape_cast %swap3A_128 : vector<1x1x64x4096xf32> to vector<64x4096xf32>
    %swap3A_130 = vector.shape_cast %add3A_123 : vector<64x4096xf32> to vector<1x1x64x4096xf32>
    tpu.vector_store %arg8[%swap3A_124, %swap3A_125, %swap3A_126, %swap3A_127], %swap3A_130 {strides = array<i32>} : memref<1x16x64x4096xf32, #tpu.memory_space<vmem>>, vector<1x1x64x4096xf32>,
    %get3A_131 = arith.constant 0 : index
    %get3A_132 = arith.constant 0 : index
    %get3A_133 = vector.load %arg4[%get3A_131, %get3A_132] : memref<64x4xf32, #tpu.memory_space<vmem>>, vector<64x4xf32>
    %get3A_134 = arith.constant 0 : index
    %get3A_135 = arith.constant 4 : index
    %get3A_136 = arith.constant 0 : index
    %get3A_137 = arith.constant 0 : index
    %get3A_138 = vector.load %arg2[%get3A_134, %get3A_135, %get3A_136, %get3A_137] : memref<1x16x4x4096xf32, #tpu.memory_space<vmem>>, vector<1x1x4x4096xf32>
    %get3A_139 = vector.shape_cast %get3A_138 : vector<1x1x4x4096xf32> to vector<4x4096xf32>
    %dot_general3A_140 = arith.constant dense<0.000000e+00> : vector<64x4096xf32>
    %dot_general3A_141 = tpu.matmul %get3A_133, %get3A_139, %dot_general3A_140 {dimension_numbers = #tpu.dot_dimension_numbers<[1], [0], [0], [1], [0, 0, 1, 1], [], []>, transpose_lhs_hint = false} : vector<64x4xf32>, vector<4x4096xf32>, vector<64x4096xf32> -> vector<64x4096xf32>
    %add3A_142 = arith.addf %dot_general3A_141, %get3A_3 : vector<64x4096xf32>
    %max3A_143 = arith.constant 0.000000e+00 : f32
    %max3A_144 = vector.broadcast %max3A_143 : f32 to vector<64x4096xf32>
    %max3A_145 = arith.maximumf %add3A_142, %max3A_144 : vector<64x4096xf32>
    %convert_element_type3A_146 = arith.truncf %max3A_145 : vector<64x4096xf32> to vector<64x4096xbf16>
    %get3A_147 = arith.constant 0 : index
    %get3A_148 = arith.constant 0 : index
    %get3A_149 = vector.load %arg5[%get3A_147, %get3A_148] : memref<64x64xbf16, #tpu.memory_space<vmem>>, vector<64x64xbf16>
    %dot_general3A_150 = arith.constant dense<0.000000e+00> : vector<64x4096xf32>
    %dot_general3A_151 = tpu.matmul %get3A_149, %convert_element_type3A_146, %dot_general3A_150 {dimension_numbers = #tpu.dot_dimension_numbers<[1], [0], [0], [1], [0, 0, 1, 1], [], []>, transpose_lhs_hint = false} : vector<64x64xbf16>, vector<64x4096xbf16>, vector<64x4096xf32> -> vector<64x4096xf32>
    %get3A_152 = arith.constant 0 : index
    %get3A_153 = arith.constant 0 : index
    %get3A_154 = vector.load %arg6[%get3A_152, %get3A_153] : memref<64x1xf32, #tpu.memory_space<vmem>>, vector<64x1xf32>
    %add3A_155 = vector.broadcast %get3A_154 : vector<64x1xf32> to vector<64x4096xf32>
    %add3A_156 = arith.addf %dot_general3A_151, %add3A_155 : vector<64x4096xf32>
    %swap3A_157 = arith.constant 0 : index
    %swap3A_158 = arith.constant 4 : index
    %swap3A_159 = arith.constant 0 : index
    %swap3A_160 = arith.constant 0 : index
    %swap3A_161 = vector.load %arg8[%swap3A_157, %swap3A_158, %swap3A_159, %swap3A_160] : memref<1x16x64x4096xf32, #tpu.memory_space<vmem>>, vector<1x1x64x4096xf32>
    %swap3A_162 = vector.shape_cast %swap3A_161 : vector<1x1x64x4096xf32> to vector<64x4096xf32>
    %swap3A_163 = vector.shape_cast %add3A_156 : vector<64x4096xf32> to vector<1x1x64x4096xf32>
    tpu.vector_store %arg8[%swap3A_157, %swap3A_158, %swap3A_159, %swap3A_160], %swap3A_163 {strides = array<i32>} : memref<1x16x64x4096xf32, #tpu.memory_space<vmem>>, vector<1x1x64x4096xf32>,
    %get3A_164 = arith.constant 0 : index
    %get3A_165 = arith.constant 0 : index
    %get3A_166 = vector.load %arg4[%get3A_164, %get3A_165] : memref<64x4xf32, #tpu.memory_space<vmem>>, vector<64x4xf32>
    %get3A_167 = arith.constant 0 : index
    %get3A_168 = arith.constant 5 : index
    %get3A_169 = arith.constant 0 : index
    %get3A_170 = arith.constant 0 : index
    %get3A_171 = vector.load %arg2[%get3A_167, %get3A_168, %get3A_169, %get3A_170] : memref<1x16x4x4096xf32, #tpu.memory_space<vmem>>, vector<1x1x4x4096xf32>
    %get3A_172 = vector.shape_cast %get3A_171 : vector<1x1x4x4096xf32> to vector<4x4096xf32>
    %dot_general3A_173 = arith.constant dense<0.000000e+00> : vector<64x4096xf32>
    %dot_general3A_174 = tpu.matmul %get3A_166, %get3A_172, %dot_general3A_173 {dimension_numbers = #tpu.dot_dimension_numbers<[1], [0], [0], [1], [0, 0, 1, 1], [], []>, transpose_lhs_hint = false} : vector<64x4xf32>, vector<4x4096xf32>, vector<64x4096xf32> -> vector<64x4096xf32>
    %add3A_175 = arith.addf %dot_general3A_174, %get3A_3 : vector<64x4096xf32>
    %max3A_176 = arith.constant 0.000000e+00 : f32
    %max3A_177 = vector.broadcast %max3A_176 : f32 to vector<64x4096xf32>
    %max3A_178 = arith.maximumf %add3A_175, %max3A_177 : vector<64x4096xf32>
    %convert_element_type3A_179 = arith.truncf %max3A_178 : vector<64x4096xf32> to vector<64x4096xbf16>
    %get3A_180 = arith.constant 0 : index
    %get3A_181 = arith.constant 0 : index
    %get3A_182 = vector.load %arg5[%get3A_180, %get3A_181] : memref<64x64xbf16, #tpu.memory_space<vmem>>, vector<64x64xbf16>
    %dot_general3A_183 = arith.constant dense<0.000000e+00> : vector<64x4096xf32>
    %dot_general3A_184 = tpu.matmul %get3A_182, %convert_element_type3A_179, %dot_general3A_183 {dimension_numbers = #tpu.dot_dimension_numbers<[1], [0], [0], [1], [0, 0, 1, 1], [], []>, transpose_lhs_hint = false} : vector<64x64xbf16>, vector<64x4096xbf16>, vector<64x4096xf32> -> vector<64x4096xf32>
    %get3A_185 = arith.constant 0 : index
    %get3A_186 = arith.constant 0 : index
    %get3A_187 = vector.load %arg6[%get3A_185, %get3A_186] : memref<64x1xf32, #tpu.memory_space<vmem>>, vector<64x1xf32>
    %add3A_188 = vector.broadcast %get3A_187 : vector<64x1xf32> to vector<64x4096xf32>
    %add3A_189 = arith.addf %dot_general3A_184, %add3A_188 : vector<64x4096xf32>
    %swap3A_190 = arith.constant 0 : index
    %swap3A_191 = arith.constant 5 : index
    %swap3A_192 = arith.constant 0 : index
    %swap3A_193 = arith.constant 0 : index
    %swap3A_194 = vector.load %arg8[%swap3A_190, %swap3A_191, %swap3A_192, %swap3A_193] : memref<1x16x64x4096xf32, #tpu.memory_space<vmem>>, vector<1x1x64x4096xf32>
    %swap3A_195 = vector.shape_cast %swap3A_194 : vector<1x1x64x4096xf32> to vector<64x4096xf32>
    %swap3A_196 = vector.shape_cast %add3A_189 : vector<64x4096xf32> to vector<1x1x64x4096xf32>
    tpu.vector_store %arg8[%swap3A_190, %swap3A_191, %swap3A_192, %swap3A_193], %swap3A_196 {strides = array<i32>} : memref<1x16x64x4096xf32, #tpu.memory_space<vmem>>, vector<1x1x64x4096xf32>,
    %get3A_197 = arith.constant 0 : index
    %get3A_198 = arith.constant 0 : index
    %get3A_199 = vector.load %arg4[%get3A_197, %get3A_198] : memref<64x4xf32, #tpu.memory_space<vmem>>, vector<64x4xf32>
    %get3A_200 = arith.constant 0 : index
    %get3A_201 = arith.constant 6 : index
    %get3A_202 = arith.constant 0 : index
    %get3A_203 = arith.constant 0 : index
    %get3A_204 = vector.load %arg2[%get3A_200, %get3A_201, %get3A_202, %get3A_203] : memref<1x16x4x4096xf32, #tpu.memory_space<vmem>>, vector<1x1x4x4096xf32>
    %get3A_205 = vector.shape_cast %get3A_204 : vector<1x1x4x4096xf32> to vector<4x4096xf32>
    %dot_general3A_206 = arith.constant dense<0.000000e+00> : vector<64x4096xf32>
    %dot_general3A_207 = tpu.matmul %get3A_199, %get3A_205, %dot_general3A_206 {dimension_numbers = #tpu.dot_dimension_numbers<[1], [0], [0], [1], [0, 0, 1, 1], [], []>, transpose_lhs_hint = false} : vector<64x4xf32>, vector<4x4096xf32>, vector<64x4096xf32> -> vector<64x4096xf32>
    %add3A_208 = arith.addf %dot_general3A_207, %get3A_3 : vector<64x4096xf32>
    %max3A_209 = arith.constant 0.000000e+00 : f32
    %max3A_210 = vector.broadcast %max3A_209 : f32 to vector<64x4096xf32>
    %max3A_211 = arith.maximumf %add3A_208, %max3A_210 : vector<64x4096xf32>
    %convert_element_type3A_212 = arith.truncf %max3A_211 : vector<64x4096xf32> to vector<64x4096xbf16>
    %get3A_213 = arith.constant 0 : index
    %get3A_214 = arith.constant 0 : index
    %get3A_215 = vector.load %arg5[%get3A_213, %get3A_214] : memref<64x64xbf16, #tpu.memory_space<vmem>>, vector<64x64xbf16>
    %dot_general3A_216 = arith.constant dense<0.000000e+00> : vector<64x4096xf32>
    %dot_general3A_217 = tpu.matmul %get3A_215, %convert_element_type3A_212, %dot_general3A_216 {dimension_numbers = #tpu.dot_dimension_numbers<[1], [0], [0], [1], [0, 0, 1, 1], [], []>, transpose_lhs_hint = false} : vector<64x64xbf16>, vector<64x4096xbf16>, vector<64x4096xf32> -> vector<64x4096xf32>
    %get3A_218 = arith.constant 0 : index
    %get3A_219 = arith.constant 0 : index
    %get3A_220 = vector.load %arg6[%get3A_218, %get3A_219] : memref<64x1xf32, #tpu.memory_space<vmem>>, vector<64x1xf32>
    %add3A_221 = vector.broadcast %get3A_220 : vector<64x1xf32> to vector<64x4096xf32>
    %add3A_222 = arith.addf %dot_general3A_217, %add3A_221 : vector<64x4096xf32>
    %swap3A_223 = arith.constant 0 : index
    %swap3A_224 = arith.constant 6 : index
    %swap3A_225 = arith.constant 0 : index
    %swap3A_226 = arith.constant 0 : index
    %swap3A_227 = vector.load %arg8[%swap3A_223, %swap3A_224, %swap3A_225, %swap3A_226] : memref<1x16x64x4096xf32, #tpu.memory_space<vmem>>, vector<1x1x64x4096xf32>
    %swap3A_228 = vector.shape_cast %swap3A_227 : vector<1x1x64x4096xf32> to vector<64x4096xf32>
    %swap3A_229 = vector.shape_cast %add3A_222 : vector<64x4096xf32> to vector<1x1x64x4096xf32>
    tpu.vector_store %arg8[%swap3A_223, %swap3A_224, %swap3A_225, %swap3A_226], %swap3A_229 {strides = array<i32>} : memref<1x16x64x4096xf32, #tpu.memory_space<vmem>>, vector<1x1x64x4096xf32>,
    %get3A_230 = arith.constant 0 : index
    %get3A_231 = arith.constant 0 : index
    %get3A_232 = vector.load %arg4[%get3A_230, %get3A_231] : memref<64x4xf32, #tpu.memory_space<vmem>>, vector<64x4xf32>
    %get3A_233 = arith.constant 0 : index
    %get3A_234 = arith.constant 7 : index
    %get3A_235 = arith.constant 0 : index
    %get3A_236 = arith.constant 0 : index
    %get3A_237 = vector.load %arg2[%get3A_233, %get3A_234, %get3A_235, %get3A_236] : memref<1x16x4x4096xf32, #tpu.memory_space<vmem>>, vector<1x1x4x4096xf32>
    %get3A_238 = vector.shape_cast %get3A_237 : vector<1x1x4x4096xf32> to vector<4x4096xf32>
    %dot_general3A_239 = arith.constant dense<0.000000e+00> : vector<64x4096xf32>
    %dot_general3A_240 = tpu.matmul %get3A_232, %get3A_238, %dot_general3A_239 {dimension_numbers = #tpu.dot_dimension_numbers<[1], [0], [0], [1], [0, 0, 1, 1], [], []>, transpose_lhs_hint = false} : vector<64x4xf32>, vector<4x4096xf32>, vector<64x4096xf32> -> vector<64x4096xf32>
    %add3A_241 = arith.addf %dot_general3A_240, %get3A_3 : vector<64x4096xf32>
    %max3A_242 = arith.constant 0.000000e+00 : f32
    %max3A_243 = vector.broadcast %max3A_242 : f32 to vector<64x4096xf32>
    %max3A_244 = arith.maximumf %add3A_241, %max3A_243 : vector<64x4096xf32>
    %convert_element_type3A_245 = arith.truncf %max3A_244 : vector<64x4096xf32> to vector<64x4096xbf16>
    %get3A_246 = arith.constant 0 : index
    %get3A_247 = arith.constant 0 : index
    %get3A_248 = vector.load %arg5[%get3A_246, %get3A_247] : memref<64x64xbf16, #tpu.memory_space<vmem>>, vector<64x64xbf16>
    %dot_general3A_249 = arith.constant dense<0.000000e+00> : vector<64x4096xf32>
    %dot_general3A_250 = tpu.matmul %get3A_248, %convert_element_type3A_245, %dot_general3A_249 {dimension_numbers = #tpu.dot_dimension_numbers<[1], [0], [0], [1], [0, 0, 1, 1], [], []>, transpose_lhs_hint = false} : vector<64x64xbf16>, vector<64x4096xbf16>, vector<64x4096xf32> -> vector<64x4096xf32>
    %get3A_251 = arith.constant 0 : index
    %get3A_252 = arith.constant 0 : index
    %get3A_253 = vector.load %arg6[%get3A_251, %get3A_252] : memref<64x1xf32, #tpu.memory_space<vmem>>, vector<64x1xf32>
    %add3A_254 = vector.broadcast %get3A_253 : vector<64x1xf32> to vector<64x4096xf32>
    %add3A_255 = arith.addf %dot_general3A_250, %add3A_254 : vector<64x4096xf32>
    %swap3A_256 = arith.constant 0 : index
    %swap3A_257 = arith.constant 7 : index
    %swap3A_258 = arith.constant 0 : index
    %swap3A_259 = arith.constant 0 : index
    %swap3A_260 = vector.load %arg8[%swap3A_256, %swap3A_257, %swap3A_258, %swap3A_259] : memref<1x16x64x4096xf32, #tpu.memory_space<vmem>>, vector<1x1x64x4096xf32>
    %swap3A_261 = vector.shape_cast %swap3A_260 : vector<1x1x64x4096xf32> to vector<64x4096xf32>
    %swap3A_262 = vector.shape_cast %add3A_255 : vector<64x4096xf32> to vector<1x1x64x4096xf32>
    tpu.vector_store %arg8[%swap3A_256, %swap3A_257, %swap3A_258, %swap3A_259], %swap3A_262 {strides = array<i32>} : memref<1x16x64x4096xf32, #tpu.memory_space<vmem>>, vector<1x1x64x4096xf32>,
    %get3A_263 = arith.constant 0 : index
    %get3A_264 = arith.constant 0 : index
    %get3A_265 = vector.load %arg4[%get3A_263, %get3A_264] : memref<64x4xf32, #tpu.memory_space<vmem>>, vector<64x4xf32>
    %get3A_266 = arith.constant 0 : index
    %get3A_267 = arith.constant 8 : index
    %get3A_268 = arith.constant 0 : index
    %get3A_269 = arith.constant 0 : index
    %get3A_270 = vector.load %arg2[%get3A_266, %get3A_267, %get3A_268, %get3A_269] : memref<1x16x4x4096xf32, #tpu.memory_space<vmem>>, vector<1x1x4x4096xf32>
    %get3A_271 = vector.shape_cast %get3A_270 : vector<1x1x4x4096xf32> to vector<4x4096xf32>
    %dot_general3A_272 = arith.constant dense<0.000000e+00> : vector<64x4096xf32>
    %dot_general3A_273 = tpu.matmul %get3A_265, %get3A_271, %dot_general3A_272 {dimension_numbers = #tpu.dot_dimension_numbers<[1], [0], [0], [1], [0, 0, 1, 1], [], []>, transpose_lhs_hint = false} : vector<64x4xf32>, vector<4x4096xf32>, vector<64x4096xf32> -> vector<64x4096xf32>
    %add3A_274 = arith.addf %dot_general3A_273, %get3A_3 : vector<64x4096xf32>
    %max3A_275 = arith.constant 0.000000e+00 : f32
    %max3A_276 = vector.broadcast %max3A_275 : f32 to vector<64x4096xf32>
    %max3A_277 = arith.maximumf %add3A_274, %max3A_276 : vector<64x4096xf32>
    %convert_element_type3A_278 = arith.truncf %max3A_277 : vector<64x4096xf32> to vector<64x4096xbf16>
    %get3A_279 = arith.constant 0 : index
    %get3A_280 = arith.constant 0 : index
    %get3A_281 = vector.load %arg5[%get3A_279, %get3A_280] : memref<64x64xbf16, #tpu.memory_space<vmem>>, vector<64x64xbf16>
    %dot_general3A_282 = arith.constant dense<0.000000e+00> : vector<64x4096xf32>
    %dot_general3A_283 = tpu.matmul %get3A_281, %convert_element_type3A_278, %dot_general3A_282 {dimension_numbers = #tpu.dot_dimension_numbers<[1], [0], [0], [1], [0, 0, 1, 1], [], []>, transpose_lhs_hint = false} : vector<64x64xbf16>, vector<64x4096xbf16>, vector<64x4096xf32> -> vector<64x4096xf32>
    %get3A_284 = arith.constant 0 : index
    %get3A_285 = arith.constant 0 : index
    %get3A_286 = vector.load %arg6[%get3A_284, %get3A_285] : memref<64x1xf32, #tpu.memory_space<vmem>>, vector<64x1xf32>
    %add3A_287 = vector.broadcast %get3A_286 : vector<64x1xf32> to vector<64x4096xf32>
    %add3A_288 = arith.addf %dot_general3A_283, %add3A_287 : vector<64x4096xf32>
    %swap3A_289 = arith.constant 0 : index
    %swap3A_290 = arith.constant 8 : index
    %swap3A_291 = arith.constant 0 : index
    %swap3A_292 = arith.constant 0 : index
    %swap3A_293 = vector.load %arg8[%swap3A_289, %swap3A_290, %swap3A_291, %swap3A_292] : memref<1x16x64x4096xf32, #tpu.memory_space<vmem>>, vector<1x1x64x4096xf32>
    %swap3A_294 = vector.shape_cast %swap3A_293 : vector<1x1x64x4096xf32> to vector<64x4096xf32>
    %swap3A_295 = vector.shape_cast %add3A_288 : vector<64x4096xf32> to vector<1x1x64x4096xf32>
    tpu.vector_store %arg8[%swap3A_289, %swap3A_290, %swap3A_291, %swap3A_292], %swap3A_295 {strides = array<i32>} : memref<1x16x64x4096xf32, #tpu.memory_space<vmem>>, vector<1x1x64x4096xf32>,
    %get3A_296 = arith.constant 0 : index
    %get3A_297 = arith.constant 0 : index
    %get3A_298 = vector.load %arg4[%get3A_296, %get3A_297] : memref<64x4xf32, #tpu.memory_space<vmem>>, vector<64x4xf32>
    %get3A_299 = arith.constant 0 : index
    %get3A_300 = arith.constant 9 : index
    %get3A_301 = arith.constant 0 : index
    %get3A_302 = arith.constant 0 : index
    %get3A_303 = vector.load %arg2[%get3A_299, %get3A_300, %get3A_301, %get3A_302] : memref<1x16x4x4096xf32, #tpu.memory_space<vmem>>, vector<1x1x4x4096xf32>
    %get3A_304 = vector.shape_cast %get3A_303 : vector<1x1x4x4096xf32> to vector<4x4096xf32>
    %dot_general3A_305 = arith.constant dense<0.000000e+00> : vector<64x4096xf32>
    %dot_general3A_306 = tpu.matmul %get3A_298, %get3A_304, %dot_general3A_305 {dimension_numbers = #tpu.dot_dimension_numbers<[1], [0], [0], [1], [0, 0, 1, 1], [], []>, transpose_lhs_hint = false} : vector<64x4xf32>, vector<4x4096xf32>, vector<64x4096xf32> -> vector<64x4096xf32>
    %add3A_307 = arith.addf %dot_general3A_306, %get3A_3 : vector<64x4096xf32>
    %max3A_308 = arith.constant 0.000000e+00 : f32
    %max3A_309 = vector.broadcast %max3A_308 : f32 to vector<64x4096xf32>
    %max3A_310 = arith.maximumf %add3A_307, %max3A_309 : vector<64x4096xf32>
    %convert_element_type3A_311 = arith.truncf %max3A_310 : vector<64x4096xf32> to vector<64x4096xbf16>
    %get3A_312 = arith.constant 0 : index
    %get3A_313 = arith.constant 0 : index
    %get3A_314 = vector.load %arg5[%get3A_312, %get3A_313] : memref<64x64xbf16, #tpu.memory_space<vmem>>, vector<64x64xbf16>
    %dot_general3A_315 = arith.constant dense<0.000000e+00> : vector<64x4096xf32>
    %dot_general3A_316 = tpu.matmul %get3A_314, %convert_element_type3A_311, %dot_general3A_315 {dimension_numbers = #tpu.dot_dimension_numbers<[1], [0], [0], [1], [0, 0, 1, 1], [], []>, transpose_lhs_hint = false} : vector<64x64xbf16>, vector<64x4096xbf16>, vector<64x4096xf32> -> vector<64x4096xf32>
    %get3A_317 = arith.constant 0 : index
    %get3A_318 = arith.constant 0 : index
    %get3A_319 = vector.load %arg6[%get3A_317, %get3A_318] : memref<64x1xf32, #tpu.memory_space<vmem>>, vector<64x1xf32>
    %add3A_320 = vector.broadcast %get3A_319 : vector<64x1xf32> to vector<64x4096xf32>
    %add3A_321 = arith.addf %dot_general3A_316, %add3A_320 : vector<64x4096xf32>
    %swap3A_322 = arith.constant 0 : index
    %swap3A_323 = arith.constant 9 : index
    %swap3A_324 = arith.constant 0 : index
    %swap3A_325 = arith.constant 0 : index
    %swap3A_326 = vector.load %arg8[%swap3A_322, %swap3A_323, %swap3A_324, %swap3A_325] : memref<1x16x64x4096xf32, #tpu.memory_space<vmem>>, vector<1x1x64x4096xf32>
    %swap3A_327 = vector.shape_cast %swap3A_326 : vector<1x1x64x4096xf32> to vector<64x4096xf32>
    %swap3A_328 = vector.shape_cast %add3A_321 : vector<64x4096xf32> to vector<1x1x64x4096xf32>
    tpu.vector_store %arg8[%swap3A_322, %swap3A_323, %swap3A_324, %swap3A_325], %swap3A_328 {strides = array<i32>} : memref<1x16x64x4096xf32, #tpu.memory_space<vmem>>, vector<1x1x64x4096xf32>,
    %get3A_329 = arith.constant 0 : index
    %get3A_330 = arith.constant 0 : index
    %get3A_331 = vector.load %arg4[%get3A_329, %get3A_330] : memref<64x4xf32, #tpu.memory_space<vmem>>, vector<64x4xf32>
    %get3A_332 = arith.constant 0 : index
    %get3A_333 = arith.constant 10 : index
    %get3A_334 = arith.constant 0 : index
    %get3A_335 = arith.constant 0 : index
    %get3A_336 = vector.load %arg2[%get3A_332, %get3A_333, %get3A_334, %get3A_335] : memref<1x16x4x4096xf32, #tpu.memory_space<vmem>>, vector<1x1x4x4096xf32>
    %get3A_337 = vector.shape_cast %get3A_336 : vector<1x1x4x4096xf32> to vector<4x4096xf32>
    %dot_general3A_338 = arith.constant dense<0.000000e+00> : vector<64x4096xf32>
    %dot_general3A_339 = tpu.matmul %get3A_331, %get3A_337, %dot_general3A_338 {dimension_numbers = #tpu.dot_dimension_numbers<[1], [0], [0], [1], [0, 0, 1, 1], [], []>, transpose_lhs_hint = false} : vector<64x4xf32>, vector<4x4096xf32>, vector<64x4096xf32> -> vector<64x4096xf32>
    %add3A_340 = arith.addf %dot_general3A_339, %get3A_3 : vector<64x4096xf32>
    %max3A_341 = arith.constant 0.000000e+00 : f32
    %max3A_342 = vector.broadcast %max3A_341 : f32 to vector<64x4096xf32>
    %max3A_343 = arith.maximumf %add3A_340, %max3A_342 : vector<64x4096xf32>
    %convert_element_type3A_344 = arith.truncf %max3A_343 : vector<64x4096xf32> to vector<64x4096xbf16>
    %get3A_345 = arith.constant 0 : index
    %get3A_346 = arith.constant 0 : index
    %get3A_347 = vector.load %arg5[%get3A_345, %get3A_346] : memref<64x64xbf16, #tpu.memory_space<vmem>>, vector<64x64xbf16>
    %dot_general3A_348 = arith.constant dense<0.000000e+00> : vector<64x4096xf32>
    %dot_general3A_349 = tpu.matmul %get3A_347, %convert_element_type3A_344, %dot_general3A_348 {dimension_numbers = #tpu.dot_dimension_numbers<[1], [0], [0], [1], [0, 0, 1, 1], [], []>, transpose_lhs_hint = false} : vector<64x64xbf16>, vector<64x4096xbf16>, vector<64x4096xf32> -> vector<64x4096xf32>
    %get3A_350 = arith.constant 0 : index
    %get3A_351 = arith.constant 0 : index
    %get3A_352 = vector.load %arg6[%get3A_350, %get3A_351] : memref<64x1xf32, #tpu.memory_space<vmem>>, vector<64x1xf32>
    %add3A_353 = vector.broadcast %get3A_352 : vector<64x1xf32> to vector<64x4096xf32>
    %add3A_354 = arith.addf %dot_general3A_349, %add3A_353 : vector<64x4096xf32>
    %swap3A_355 = arith.constant 0 : index
    %swap3A_356 = arith.constant 10 : index
    %swap3A_357 = arith.constant 0 : index
    %swap3A_358 = arith.constant 0 : index
    %swap3A_359 = vector.load %arg8[%swap3A_355, %swap3A_356, %swap3A_357, %swap3A_358] : memref<1x16x64x4096xf32, #tpu.memory_space<vmem>>, vector<1x1x64x4096xf32>
    %swap3A_360 = vector.shape_cast %swap3A_359 : vector<1x1x64x4096xf32> to vector<64x4096xf32>
    %swap3A_361 = vector.shape_cast %add3A_354 : vector<64x4096xf32> to vector<1x1x64x4096xf32>
    tpu.vector_store %arg8[%swap3A_355, %swap3A_356, %swap3A_357, %swap3A_358], %swap3A_361 {strides = array<i32>} : memref<1x16x64x4096xf32, #tpu.memory_space<vmem>>, vector<1x1x64x4096xf32>,
    %get3A_362 = arith.constant 0 : index
    %get3A_363 = arith.constant 0 : index
    %get3A_364 = vector.load %arg4[%get3A_362, %get3A_363] : memref<64x4xf32, #tpu.memory_space<vmem>>, vector<64x4xf32>
    %get3A_365 = arith.constant 0 : index
    %get3A_366 = arith.constant 11 : index
    %get3A_367 = arith.constant 0 : index
    %get3A_368 = arith.constant 0 : index
    %get3A_369 = vector.load %arg2[%get3A_365, %get3A_366, %get3A_367, %get3A_368] : memref<1x16x4x4096xf32, #tpu.memory_space<vmem>>, vector<1x1x4x4096xf32>
    %get3A_370 = vector.shape_cast %get3A_369 : vector<1x1x4x4096xf32> to vector<4x4096xf32>
    %dot_general3A_371 = arith.constant dense<0.000000e+00> : vector<64x4096xf32>
    %dot_general3A_372 = tpu.matmul %get3A_364, %get3A_370, %dot_general3A_371 {dimension_numbers = #tpu.dot_dimension_numbers<[1], [0], [0], [1], [0, 0, 1, 1], [], []>, transpose_lhs_hint = false} : vector<64x4xf32>, vector<4x4096xf32>, vector<64x4096xf32> -> vector<64x4096xf32>
    %add3A_373 = arith.addf %dot_general3A_372, %get3A_3 : vector<64x4096xf32>
    %max3A_374 = arith.constant 0.000000e+00 : f32
    %max3A_375 = vector.broadcast %max3A_374 : f32 to vector<64x4096xf32>
    %max3A_376 = arith.maximumf %add3A_373, %max3A_375 : vector<64x4096xf32>
    %convert_element_type3A_377 = arith.truncf %max3A_376 : vector<64x4096xf32> to vector<64x4096xbf16>
    %get3A_378 = arith.constant 0 : index
    %get3A_379 = arith.constant 0 : index
    %get3A_380 = vector.load %arg5[%get3A_378, %get3A_379] : memref<64x64xbf16, #tpu.memory_space<vmem>>, vector<64x64xbf16>
    %dot_general3A_381 = arith.constant dense<0.000000e+00> : vector<64x4096xf32>
    %dot_general3A_382 = tpu.matmul %get3A_380, %convert_element_type3A_377, %dot_general3A_381 {dimension_numbers = #tpu.dot_dimension_numbers<[1], [0], [0], [1], [0, 0, 1, 1], [], []>, transpose_lhs_hint = false} : vector<64x64xbf16>, vector<64x4096xbf16>, vector<64x4096xf32> -> vector<64x4096xf32>
    %get3A_383 = arith.constant 0 : index
    %get3A_384 = arith.constant 0 : index
    %get3A_385 = vector.load %arg6[%get3A_383, %get3A_384] : memref<64x1xf32, #tpu.memory_space<vmem>>, vector<64x1xf32>
    %add3A_386 = vector.broadcast %get3A_385 : vector<64x1xf32> to vector<64x4096xf32>
    %add3A_387 = arith.addf %dot_general3A_382, %add3A_386 : vector<64x4096xf32>
    %swap3A_388 = arith.constant 0 : index
    %swap3A_389 = arith.constant 11 : index
    %swap3A_390 = arith.constant 0 : index
    %swap3A_391 = arith.constant 0 : index
    %swap3A_392 = vector.load %arg8[%swap3A_388, %swap3A_389, %swap3A_390, %swap3A_391] : memref<1x16x64x4096xf32, #tpu.memory_space<vmem>>, vector<1x1x64x4096xf32>
    %swap3A_393 = vector.shape_cast %swap3A_392 : vector<1x1x64x4096xf32> to vector<64x4096xf32>
    %swap3A_394 = vector.shape_cast %add3A_387 : vector<64x4096xf32> to vector<1x1x64x4096xf32>
    tpu.vector_store %arg8[%swap3A_388, %swap3A_389, %swap3A_390, %swap3A_391], %swap3A_394 {strides = array<i32>} : memref<1x16x64x4096xf32, #tpu.memory_space<vmem>>, vector<1x1x64x4096xf32>,
    %get3A_395 = arith.constant 0 : index
    %get3A_396 = arith.constant 0 : index
    %get3A_397 = vector.load %arg4[%get3A_395, %get3A_396] : memref<64x4xf32, #tpu.memory_space<vmem>>, vector<64x4xf32>
    %get3A_398 = arith.constant 0 : index
    %get3A_399 = arith.constant 12 : index
    %get3A_400 = arith.constant 0 : index
    %get3A_401 = arith.constant 0 : index
    %get3A_402 = vector.load %arg2[%get3A_398, %get3A_399, %get3A_400, %get3A_401] : memref<1x16x4x4096xf32, #tpu.memory_space<vmem>>, vector<1x1x4x4096xf32>
    %get3A_403 = vector.shape_cast %get3A_402 : vector<1x1x4x4096xf32> to vector<4x4096xf32>
    %dot_general3A_404 = arith.constant dense<0.000000e+00> : vector<64x4096xf32>
    %dot_general3A_405 = tpu.matmul %get3A_397, %get3A_403, %dot_general3A_404 {dimension_numbers = #tpu.dot_dimension_numbers<[1], [0], [0], [1], [0, 0, 1, 1], [], []>, transpose_lhs_hint = false} : vector<64x4xf32>, vector<4x4096xf32>, vector<64x4096xf32> -> vector<64x4096xf32>
    %add3A_406 = arith.addf %dot_general3A_405, %get3A_3 : vector<64x4096xf32>
    %max3A_407 = arith.constant 0.000000e+00 : f32
    %max3A_408 = vector.broadcast %max3A_407 : f32 to vector<64x4096xf32>
    %max3A_409 = arith.maximumf %add3A_406, %max3A_408 : vector<64x4096xf32>
    %convert_element_type3A_410 = arith.truncf %max3A_409 : vector<64x4096xf32> to vector<64x4096xbf16>
    %get3A_411 = arith.constant 0 : index
    %get3A_412 = arith.constant 0 : index
    %get3A_413 = vector.load %arg5[%get3A_411, %get3A_412] : memref<64x64xbf16, #tpu.memory_space<vmem>>, vector<64x64xbf16>
    %dot_general3A_414 = arith.constant dense<0.000000e+00> : vector<64x4096xf32>
    %dot_general3A_415 = tpu.matmul %get3A_413, %convert_element_type3A_410, %dot_general3A_414 {dimension_numbers = #tpu.dot_dimension_numbers<[1], [0], [0], [1], [0, 0, 1, 1], [], []>, transpose_lhs_hint = false} : vector<64x64xbf16>, vector<64x4096xbf16>, vector<64x4096xf32> -> vector<64x4096xf32>
    %get3A_416 = arith.constant 0 : index
    %get3A_417 = arith.constant 0 : index
    %get3A_418 = vector.load %arg6[%get3A_416, %get3A_417] : memref<64x1xf32, #tpu.memory_space<vmem>>, vector<64x1xf32>
    %add3A_419 = vector.broadcast %get3A_418 : vector<64x1xf32> to vector<64x4096xf32>
    %add3A_420 = arith.addf %dot_general3A_415, %add3A_419 : vector<64x4096xf32>
    %swap3A_421 = arith.constant 0 : index
    %swap3A_422 = arith.constant 12 : index
    %swap3A_423 = arith.constant 0 : index
    %swap3A_424 = arith.constant 0 : index
    %swap3A_425 = vector.load %arg8[%swap3A_421, %swap3A_422, %swap3A_423, %swap3A_424] : memref<1x16x64x4096xf32, #tpu.memory_space<vmem>>, vector<1x1x64x4096xf32>
    %swap3A_426 = vector.shape_cast %swap3A_425 : vector<1x1x64x4096xf32> to vector<64x4096xf32>
    %swap3A_427 = vector.shape_cast %add3A_420 : vector<64x4096xf32> to vector<1x1x64x4096xf32>
    tpu.vector_store %arg8[%swap3A_421, %swap3A_422, %swap3A_423, %swap3A_424], %swap3A_427 {strides = array<i32>} : memref<1x16x64x4096xf32, #tpu.memory_space<vmem>>, vector<1x1x64x4096xf32>,
    %get3A_428 = arith.constant 0 : index
    %get3A_429 = arith.constant 0 : index
    %get3A_430 = vector.load %arg4[%get3A_428, %get3A_429] : memref<64x4xf32, #tpu.memory_space<vmem>>, vector<64x4xf32>
    %get3A_431 = arith.constant 0 : index
    %get3A_432 = arith.constant 13 : index
    %get3A_433 = arith.constant 0 : index
    %get3A_434 = arith.constant 0 : index
    %get3A_435 = vector.load %arg2[%get3A_431, %get3A_432, %get3A_433, %get3A_434] : memref<1x16x4x4096xf32, #tpu.memory_space<vmem>>, vector<1x1x4x4096xf32>
    %get3A_436 = vector.shape_cast %get3A_435 : vector<1x1x4x4096xf32> to vector<4x4096xf32>
    %dot_general3A_437 = arith.constant dense<0.000000e+00> : vector<64x4096xf32>
    %dot_general3A_438 = tpu.matmul %get3A_430, %get3A_436, %dot_general3A_437 {dimension_numbers = #tpu.dot_dimension_numbers<[1], [0], [0], [1], [0, 0, 1, 1], [], []>, transpose_lhs_hint = false} : vector<64x4xf32>, vector<4x4096xf32>, vector<64x4096xf32> -> vector<64x4096xf32>
    %add3A_439 = arith.addf %dot_general3A_438, %get3A_3 : vector<64x4096xf32>
    %max3A_440 = arith.constant 0.000000e+00 : f32
    %max3A_441 = vector.broadcast %max3A_440 : f32 to vector<64x4096xf32>
    %max3A_442 = arith.maximumf %add3A_439, %max3A_441 : vector<64x4096xf32>
    %convert_element_type3A_443 = arith.truncf %max3A_442 : vector<64x4096xf32> to vector<64x4096xbf16>
    %get3A_444 = arith.constant 0 : index
    %get3A_445 = arith.constant 0 : index
    %get3A_446 = vector.load %arg5[%get3A_444, %get3A_445] : memref<64x64xbf16, #tpu.memory_space<vmem>>, vector<64x64xbf16>
    %dot_general3A_447 = arith.constant dense<0.000000e+00> : vector<64x4096xf32>
    %dot_general3A_448 = tpu.matmul %get3A_446, %convert_element_type3A_443, %dot_general3A_447 {dimension_numbers = #tpu.dot_dimension_numbers<[1], [0], [0], [1], [0, 0, 1, 1], [], []>, transpose_lhs_hint = false} : vector<64x64xbf16>, vector<64x4096xbf16>, vector<64x4096xf32> -> vector<64x4096xf32>
    %get3A_449 = arith.constant 0 : index
    %get3A_450 = arith.constant 0 : index
    %get3A_451 = vector.load %arg6[%get3A_449, %get3A_450] : memref<64x1xf32, #tpu.memory_space<vmem>>, vector<64x1xf32>
    %add3A_452 = vector.broadcast %get3A_451 : vector<64x1xf32> to vector<64x4096xf32>
    %add3A_453 = arith.addf %dot_general3A_448, %add3A_452 : vector<64x4096xf32>
    %swap3A_454 = arith.constant 0 : index
    %swap3A_455 = arith.constant 13 : index
    %swap3A_456 = arith.constant 0 : index
    %swap3A_457 = arith.constant 0 : index
    %swap3A_458 = vector.load %arg8[%swap3A_454, %swap3A_455, %swap3A_456, %swap3A_457] : memref<1x16x64x4096xf32, #tpu.memory_space<vmem>>, vector<1x1x64x4096xf32>
    %swap3A_459 = vector.shape_cast %swap3A_458 : vector<1x1x64x4096xf32> to vector<64x4096xf32>
    %swap3A_460 = vector.shape_cast %add3A_453 : vector<64x4096xf32> to vector<1x1x64x4096xf32>
    tpu.vector_store %arg8[%swap3A_454, %swap3A_455, %swap3A_456, %swap3A_457], %swap3A_460 {strides = array<i32>} : memref<1x16x64x4096xf32, #tpu.memory_space<vmem>>, vector<1x1x64x4096xf32>,
    %get3A_461 = arith.constant 0 : index
    %get3A_462 = arith.constant 0 : index
    %get3A_463 = vector.load %arg4[%get3A_461, %get3A_462] : memref<64x4xf32, #tpu.memory_space<vmem>>, vector<64x4xf32>
    %get3A_464 = arith.constant 0 : index
    %get3A_465 = arith.constant 14 : index
    %get3A_466 = arith.constant 0 : index
    %get3A_467 = arith.constant 0 : index
    %get3A_468 = vector.load %arg2[%get3A_464, %get3A_465, %get3A_466, %get3A_467] : memref<1x16x4x4096xf32, #tpu.memory_space<vmem>>, vector<1x1x4x4096xf32>
    %get3A_469 = vector.shape_cast %get3A_468 : vector<1x1x4x4096xf32> to vector<4x4096xf32>
    %dot_general3A_470 = arith.constant dense<0.000000e+00> : vector<64x4096xf32>
    %dot_general3A_471 = tpu.matmul %get3A_463, %get3A_469, %dot_general3A_470 {dimension_numbers = #tpu.dot_dimension_numbers<[1], [0], [0], [1], [0, 0, 1, 1], [], []>, transpose_lhs_hint = false} : vector<64x4xf32>, vector<4x4096xf32>, vector<64x4096xf32> -> vector<64x4096xf32>
    %add3A_472 = arith.addf %dot_general3A_471, %get3A_3 : vector<64x4096xf32>
    %max3A_473 = arith.constant 0.000000e+00 : f32
    %max3A_474 = vector.broadcast %max3A_473 : f32 to vector<64x4096xf32>
    %max3A_475 = arith.maximumf %add3A_472, %max3A_474 : vector<64x4096xf32>
    %convert_element_type3A_476 = arith.truncf %max3A_475 : vector<64x4096xf32> to vector<64x4096xbf16>
    %get3A_477 = arith.constant 0 : index
    %get3A_478 = arith.constant 0 : index
    %get3A_479 = vector.load %arg5[%get3A_477, %get3A_478] : memref<64x64xbf16, #tpu.memory_space<vmem>>, vector<64x64xbf16>
    %dot_general3A_480 = arith.constant dense<0.000000e+00> : vector<64x4096xf32>
    %dot_general3A_481 = tpu.matmul %get3A_479, %convert_element_type3A_476, %dot_general3A_480 {dimension_numbers = #tpu.dot_dimension_numbers<[1], [0], [0], [1], [0, 0, 1, 1], [], []>, transpose_lhs_hint = false} : vector<64x64xbf16>, vector<64x4096xbf16>, vector<64x4096xf32> -> vector<64x4096xf32>
    %get3A_482 = arith.constant 0 : index
    %get3A_483 = arith.constant 0 : index
    %get3A_484 = vector.load %arg6[%get3A_482, %get3A_483] : memref<64x1xf32, #tpu.memory_space<vmem>>, vector<64x1xf32>
    %add3A_485 = vector.broadcast %get3A_484 : vector<64x1xf32> to vector<64x4096xf32>
    %add3A_486 = arith.addf %dot_general3A_481, %add3A_485 : vector<64x4096xf32>
    %swap3A_487 = arith.constant 0 : index
    %swap3A_488 = arith.constant 14 : index
    %swap3A_489 = arith.constant 0 : index
    %swap3A_490 = arith.constant 0 : index
    %swap3A_491 = vector.load %arg8[%swap3A_487, %swap3A_488, %swap3A_489, %swap3A_490] : memref<1x16x64x4096xf32, #tpu.memory_space<vmem>>, vector<1x1x64x4096xf32>
    %swap3A_492 = vector.shape_cast %swap3A_491 : vector<1x1x64x4096xf32> to vector<64x4096xf32>
    %swap3A_493 = vector.shape_cast %add3A_486 : vector<64x4096xf32> to vector<1x1x64x4096xf32>
    tpu.vector_store %arg8[%swap3A_487, %swap3A_488, %swap3A_489, %swap3A_490], %swap3A_493 {strides = array<i32>} : memref<1x16x64x4096xf32, #tpu.memory_space<vmem>>, vector<1x1x64x4096xf32>,
    %get3A_494 = arith.constant 0 : index
    %get3A_495 = arith.constant 0 : index
    %get3A_496 = vector.load %arg4[%get3A_494, %get3A_495] : memref<64x4xf32, #tpu.memory_space<vmem>>, vector<64x4xf32>
    %get3A_497 = arith.constant 0 : index
    %get3A_498 = arith.constant 15 : index
    %get3A_499 = arith.constant 0 : index
    %get3A_500 = arith.constant 0 : index
    %get3A_501 = vector.load %arg2[%get3A_497, %get3A_498, %get3A_499, %get3A_500] : memref<1x16x4x4096xf32, #tpu.memory_space<vmem>>, vector<1x1x4x4096xf32>
    %get3A_502 = vector.shape_cast %get3A_501 : vector<1x1x4x4096xf32> to vector<4x4096xf32>
    %dot_general3A_503 = arith.constant dense<0.000000e+00> : vector<64x4096xf32>
    %dot_general3A_504 = tpu.matmul %get3A_496, %get3A_502, %dot_general3A_503 {dimension_numbers = #tpu.dot_dimension_numbers<[1], [0], [0], [1], [0, 0, 1, 1], [], []>, transpose_lhs_hint = false} : vector<64x4xf32>, vector<4x4096xf32>, vector<64x4096xf32> -> vector<64x4096xf32>
    %add3A_505 = arith.addf %dot_general3A_504, %get3A_3 : vector<64x4096xf32>
    %max3A_506 = arith.constant 0.000000e+00 : f32
    %max3A_507 = vector.broadcast %max3A_506 : f32 to vector<64x4096xf32>
    %max3A_508 = arith.maximumf %add3A_505, %max3A_507 : vector<64x4096xf32>
    %convert_element_type3A_509 = arith.truncf %max3A_508 : vector<64x4096xf32> to vector<64x4096xbf16>
    %get3A_510 = arith.constant 0 : index
    %get3A_511 = arith.constant 0 : index
    %get3A_512 = vector.load %arg5[%get3A_510, %get3A_511] : memref<64x64xbf16, #tpu.memory_space<vmem>>, vector<64x64xbf16>
    %dot_general3A_513 = arith.constant dense<0.000000e+00> : vector<64x4096xf32>
    %dot_general3A_514 = tpu.matmul %get3A_512, %convert_element_type3A_509, %dot_general3A_513 {dimension_numbers = #tpu.dot_dimension_numbers<[1], [0], [0], [1], [0, 0, 1, 1], [], []>, transpose_lhs_hint = false} : vector<64x64xbf16>, vector<64x4096xbf16>, vector<64x4096xf32> -> vector<64x4096xf32>
    %get3A_515 = arith.constant 0 : index
    %get3A_516 = arith.constant 0 : index
    %get3A_517 = vector.load %arg6[%get3A_515, %get3A_516] : memref<64x1xf32, #tpu.memory_space<vmem>>, vector<64x1xf32>
    %add3A_518 = vector.broadcast %get3A_517 : vector<64x1xf32> to vector<64x4096xf32>
    %add3A_519 = arith.addf %dot_general3A_514, %add3A_518 : vector<64x4096xf32>
    %swap3A_520 = arith.constant 0 : index
    %swap3A_521 = arith.constant 15 : index
    %swap3A_522 = arith.constant 0 : index
    %swap3A_523 = arith.constant 0 : index
    %swap3A_524 = vector.load %arg8[%swap3A_520, %swap3A_521, %swap3A_522, %swap3A_523] : memref<1x16x64x4096xf32, #tpu.memory_space<vmem>>, vector<1x1x64x4096xf32>
    %swap3A_525 = vector.shape_cast %swap3A_524 : vector<1x1x64x4096xf32> to vector<64x4096xf32>
    %swap3A_526 = vector.shape_cast %add3A_519 : vector<64x4096xf32> to vector<1x1x64x4096xf32>
    tpu.vector_store %arg8[%swap3A_520, %swap3A_521, %swap3A_522, %swap3A_523], %swap3A_526 {strides = array<i32>} : memref<1x16x64x4096xf32, #tpu.memory_space<vmem>>, vector<1x1x64x4096xf32>,
    return
  }
  func.func @transform_0(%arg0: i32, %arg1: i32) -> (i32, i32, i32, i32) {
    %c0_i32 = arith.constant 0 : i32
    %c0_i32_0 = arith.constant 0 : i32
    %c0_i32_1 = arith.constant 0 : i32
    return %arg0, %arg1, %c0_i32, %c0_i32_0 : i32, i32, i32, i32
  }
  func.func @transform_1(%arg0: i32, %arg1: i32) -> (i32, i32, i32) {
    %add3A = arith.constant 8 : i32
    %add3A_0 = arith.addi %add3A, %arg0 : i32
    %c0_i32 = arith.constant 0 : i32
    %c0_i32_1 = arith.constant 0 : i32
    %c0_i32_2 = arith.constant 0 : i32
    return %add3A_0, %c0_i32, %c0_i32_1 : i32, i32, i32
  }
  func.func @transform_2(%arg0: i32, %arg1: i32) -> (i32, i32) {
    %c0_i32 = arith.constant 0 : i32
    %c0_i32_0 = arith.constant 0 : i32
    %c0_i32_1 = arith.constant 0 : i32
    return %c0_i32, %c0_i32_0 : i32, i32
  }
  func.func @transform_3(%arg0: i32, %arg1: i32) -> (i32, i32) {
    %c0_i32 = arith.constant 0 : i32
    %c0_i32_0 = arith.constant 0 : i32
    %c0_i32_1 = arith.constant 0 : i32
    return %c0_i32, %c0_i32_0 : i32, i32
  }
  func.func @transform_4(%arg0: i32, %arg1: i32) -> (i32, i32) {
    %c0_i32 = arith.constant 0 : i32
    %c0_i32_0 = arith.constant 0 : i32
    %c0_i32_1 = arith.constant 0 : i32
    return %c0_i32, %c0_i32_0 : i32, i32
  }
  func.func @transform_6(%arg0: i32, %arg1: i32) -> (i32, i32, i32, i32) {
    %add3A = arith.constant 8 : i32
    %add3A_0 = arith.addi %add3A, %arg0 : i32
    %c0_i32 = arith.constant 0 : i32
    %c0_i32_1 = arith.constant 0 : i32
    %c0_i32_2 = arith.constant 0 : i32
    return %add3A_0, %arg1, %c0_i32, %c0_i32_1 : i32, i32, i32, i32
  }
}

module attributes {stable_mosaic.version = 14 : i64} {
  func.func @_mlp_alias_body(%arg0: i32, %arg1: i32, %arg2: memref<1x16x4x4096xf32, #tpu.memory_space<vmem>>, %arg3: memref<1x64x4096xf32, #tpu.memory_space<vmem>>, %arg4: memref<64x4xf32, #tpu.memory_space<vmem>>, %arg5: memref<64x64xbf16, #tpu.memory_space<vmem>>, %arg6: memref<64x1xf32, #tpu.memory_space<vmem>>, %arg7: memref<16x16x64x4096xf32, #tpu.memory_space<any>>, %arg8: memref<1x16x64x4096xf32, #tpu.memory_space<vmem>>) attributes {dimension_semantics = [#tpu.dimension_semantics<arbitrary>, #tpu.dimension_semantics<arbitrary>], iteration_bounds = array<i64: 4, 1>, scalar_prefetch = 0 : i64, scratch_operands = 0 : i64, tpu.core_type = #tpu.core_type<tc>, window_params = [{transform_indices = @transform_0, window_bounds = array<i64: 1, 16, 4, 4096>}, {transform_indices = @transform_1, window_bounds = array<i64: 1, 64, 4096>}, {pipeline_mode = #tpu.pipeline_mode<synchronous>, transform_indices = @transform_2, window_bounds = array<i64: 64, 4>}, {pipeline_mode = #tpu.pipeline_mode<synchronous>, transform_indices = @transform_3, window_bounds = array<i64: 64, 64>}, {pipeline_mode = #tpu.pipeline_mode<synchronous>, transform_indices = @transform_4, window_bounds = array<i64: 64, 1>}, {}, {transform_indices = @transform_6, window_bounds = array<i64: 1, 16, 64, 4096>}]} {
    %get3A = arith.constant 0 : index
    %get3A_0 = arith.constant 0 : index
    %get3A_1 = arith.constant 0 : index
    %get3A_2 = vector.load %arg3[%get3A, %get3A_0, %get3A_1] : memref<1x64x4096xf32, #tpu.memory_space<vmem>>, vector<1x64x4096xf32>
    %get3A_3 = vector.shape_cast %get3A_2 : vector<1x64x4096xf32> to vector<64x4096xf32>
    %get3A_4 = arith.constant 0 : index
    %get3A_5 = arith.constant 0 : index
    %get3A_6 = vector.load %arg4[%get3A_4, %get3A_5] : memref<64x4xf32, #tpu.memory_space<vmem>>, vector<64x4xf32>
    %get3A_7 = arith.constant 0 : index
    %get3A_8 = arith.constant 0 : index
    %get3A_9 = arith.constant 0 : index
    %get3A_10 = arith.constant 0 : index
    %get3A_11 = vector.load %arg2[%get3A_7, %get3A_8, %get3A_9, %get3A_10] : memref<1x16x4x4096xf32, #tpu.memory_space<vmem>>, vector<1x1x4x4096xf32>
    %get3A_12 = vector.shape_cast %get3A_11 : vector<1x1x4x4096xf32> to vector<4x4096xf32>
    %dot_general3A = arith.constant dense<0.000000e+00> : vector<64x4096xf32>
    %dot_general3A_13 = tpu.matmul %get3A_6, %get3A_12, %dot_general3A {dimension_numbers = #tpu.dot_dimension_numbers<[1], [0], [0], [1], [0, 0, 1, 1], [], []>, transpose_lhs_hint = false} : vector<64x4xf32>, vector<4x4096xf32>, vector<64x4096xf32> -> vector<64x4096xf32>
    %add3A = arith.addf %dot_general3A_13, %get3A_3 : vector<64x4096xf32>
    %max3A = arith.constant 0.000000e+00 : f32
    %max3A_14 = vector.broadcast %max3A : f32 to vector<64x4096xf32>
    %max3A_15 = arith.maximumf %add3A, %max3A_14 : vector<64x4096xf32>
    %convert_element_type3A = arith.truncf %max3A_15 : vector<64x4096xf32> to vector<64x4096xbf16>
    %get3A_16 = arith.constant 0 : index
    %get3A_17 = arith.constant 0 : index
    %get3A_18 = vector.load %arg5[%get3A_16, %get3A_17] : memref<64x64xbf16, #tpu.memory_space<vmem>>, vector<64x64xbf16>
    %dot_general3A_19 = arith.constant dense<0.000000e+00> : vector<64x4096xf32>
    %dot_general3A_20 = tpu.matmul %get3A_18, %convert_element_type3A, %dot_general3A_19 {dimension_numbers = #tpu.dot_dimension_numbers<[1], [0], [0], [1], [0, 0, 1, 1], [], []>, transpose_lhs_hint = false} : vector<64x64xbf16>, vector<64x4096xbf16>, vector<64x4096xf32> -> vector<64x4096xf32>
    %get3A_21 = arith.constant 0 : index
    %get3A_22 = arith.constant 0 : index
    %get3A_23 = vector.load %arg6[%get3A_21, %get3A_22] : memref<64x1xf32, #tpu.memory_space<vmem>>, vector<64x1xf32>
    %add3A_24 = vector.broadcast %get3A_23 : vector<64x1xf32> to vector<64x4096xf32>
    %add3A_25 = arith.addf %dot_general3A_20, %add3A_24 : vector<64x4096xf32>
    %swap3A = arith.constant 0 : index
    %swap3A_26 = arith.constant 0 : index
    %swap3A_27 = arith.constant 0 : index
    %swap3A_28 = arith.constant 0 : index
    %swap3A_29 = vector.load %arg8[%swap3A, %swap3A_26, %swap3A_27, %swap3A_28] : memref<1x16x64x4096xf32, #tpu.memory_space<vmem>>, vector<1x1x64x4096xf32>
    %swap3A_30 = vector.shape_cast %swap3A_29 : vector<1x1x64x4096xf32> to vector<64x4096xf32>
    %swap3A_31 = vector.shape_cast %add3A_25 : vector<64x4096xf32> to vector<1x1x64x4096xf32>
    tpu.vector_store %arg8[%swap3A, %swap3A_26, %swap3A_27, %swap3A_28], %swap3A_31 {strides = array<i32>} : memref<1x16x64x4096xf32, #tpu.memory_space<vmem>>, vector<1x1x64x4096xf32>,
    %get3A_32 = arith.constant 0 : index
    %get3A_33 = arith.constant 0 : index
    %get3A_34 = vector.load %arg4[%get3A_32, %get3A_33] : memref<64x4xf32, #tpu.memory_space<vmem>>, vector<64x4xf32>
    %get3A_35 = arith.constant 0 : index
    %get3A_36 = arith.constant 1 : index
    %get3A_37 = arith.constant 0 : index
    %get3A_38 = arith.constant 0 : index
    %get3A_39 = vector.load %arg2[%get3A_35, %get3A_36, %get3A_37, %get3A_38] : memref<1x16x4x4096xf32, #tpu.memory_space<vmem>>, vector<1x1x4x4096xf32>
    %get3A_40 = vector.shape_cast %get3A_39 : vector<1x1x4x4096xf32> to vector<4x4096xf32>
    %dot_general3A_41 = arith.constant dense<0.000000e+00> : vector<64x4096xf32>
    %dot_general3A_42 = tpu.matmul %get3A_34, %get3A_40, %dot_general3A_41 {dimension_numbers = #tpu.dot_dimension_numbers<[1], [0], [0], [1], [0, 0, 1, 1], [], []>, transpose_lhs_hint = false} : vector<64x4xf32>, vector<4x4096xf32>, vector<64x4096xf32> -> vector<64x4096xf32>
    %add3A_43 = arith.addf %dot_general3A_42, %get3A_3 : vector<64x4096xf32>
    %max3A_44 = arith.constant 0.000000e+00 : f32
    %max3A_45 = vector.broadcast %max3A_44 : f32 to vector<64x4096xf32>
    %max3A_46 = arith.maximumf %add3A_43, %max3A_45 : vector<64x4096xf32>
    %convert_element_type3A_47 = arith.truncf %max3A_46 : vector<64x4096xf32> to vector<64x4096xbf16>
    %get3A_48 = arith.constant 0 : index
    %get3A_49 = arith.constant 0 : index
    %get3A_50 = vector.load %arg5[%get3A_48, %get3A_49] : memref<64x64xbf16, #tpu.memory_space<vmem>>, vector<64x64xbf16>
    %dot_general3A_51 = arith.constant dense<0.000000e+00> : vector<64x4096xf32>
    %dot_general3A_52 = tpu.matmul %get3A_50, %convert_element_type3A_47, %dot_general3A_51 {dimension_numbers = #tpu.dot_dimension_numbers<[1], [0], [0], [1], [0, 0, 1, 1], [], []>, transpose_lhs_hint = false} : vector<64x64xbf16>, vector<64x4096xbf16>, vector<64x4096xf32> -> vector<64x4096xf32>
    %get3A_53 = arith.constant 0 : index
    %get3A_54 = arith.constant 0 : index
    %get3A_55 = vector.load %arg6[%get3A_53, %get3A_54] : memref<64x1xf32, #tpu.memory_space<vmem>>, vector<64x1xf32>
    %add3A_56 = vector.broadcast %get3A_55 : vector<64x1xf32> to vector<64x4096xf32>
    %add3A_57 = arith.addf %dot_general3A_52, %add3A_56 : vector<64x4096xf32>
    %swap3A_58 = arith.constant 0 : index
    %swap3A_59 = arith.constant 1 : index
    %swap3A_60 = arith.constant 0 : index
    %swap3A_61 = arith.constant 0 : index
    %swap3A_62 = vector.load %arg8[%swap3A_58, %swap3A_59, %swap3A_60, %swap3A_61] : memref<1x16x64x4096xf32, #tpu.memory_space<vmem>>, vector<1x1x64x4096xf32>
    %swap3A_63 = vector.shape_cast %swap3A_62 : vector<1x1x64x4096xf32> to vector<64x4096xf32>
    %swap3A_64 = vector.shape_cast %add3A_57 : vector<64x4096xf32> to vector<1x1x64x4096xf32>
    tpu.vector_store %arg8[%swap3A_58, %swap3A_59, %swap3A_60, %swap3A_61], %swap3A_64 {strides = array<i32>} : memref<1x16x64x4096xf32, #tpu.memory_space<vmem>>, vector<1x1x64x4096xf32>,
    %get3A_65 = arith.constant 0 : index
    %get3A_66 = arith.constant 0 : index
    %get3A_67 = vector.load %arg4[%get3A_65, %get3A_66] : memref<64x4xf32, #tpu.memory_space<vmem>>, vector<64x4xf32>
    %get3A_68 = arith.constant 0 : index
    %get3A_69 = arith.constant 2 : index
    %get3A_70 = arith.constant 0 : index
    %get3A_71 = arith.constant 0 : index
    %get3A_72 = vector.load %arg2[%get3A_68, %get3A_69, %get3A_70, %get3A_71] : memref<1x16x4x4096xf32, #tpu.memory_space<vmem>>, vector<1x1x4x4096xf32>
    %get3A_73 = vector.shape_cast %get3A_72 : vector<1x1x4x4096xf32> to vector<4x4096xf32>
    %dot_general3A_74 = arith.constant dense<0.000000e+00> : vector<64x4096xf32>
    %dot_general3A_75 = tpu.matmul %get3A_67, %get3A_73, %dot_general3A_74 {dimension_numbers = #tpu.dot_dimension_numbers<[1], [0], [0], [1], [0, 0, 1, 1], [], []>, transpose_lhs_hint = false} : vector<64x4xf32>, vector<4x4096xf32>, vector<64x4096xf32> -> vector<64x4096xf32>
    %add3A_76 = arith.addf %dot_general3A_75, %get3A_3 : vector<64x4096xf32>
    %max3A_77 = arith.constant 0.000000e+00 : f32
    %max3A_78 = vector.broadcast %max3A_77 : f32 to vector<64x4096xf32>
    %max3A_79 = arith.maximumf %add3A_76, %max3A_78 : vector<64x4096xf32>
    %convert_element_type3A_80 = arith.truncf %max3A_79 : vector<64x4096xf32> to vector<64x4096xbf16>
    %get3A_81 = arith.constant 0 : index
    %get3A_82 = arith.constant 0 : index
    %get3A_83 = vector.load %arg5[%get3A_81, %get3A_82] : memref<64x64xbf16, #tpu.memory_space<vmem>>, vector<64x64xbf16>
    %dot_general3A_84 = arith.constant dense<0.000000e+00> : vector<64x4096xf32>
    %dot_general3A_85 = tpu.matmul %get3A_83, %convert_element_type3A_80, %dot_general3A_84 {dimension_numbers = #tpu.dot_dimension_numbers<[1], [0], [0], [1], [0, 0, 1, 1], [], []>, transpose_lhs_hint = false} : vector<64x64xbf16>, vector<64x4096xbf16>, vector<64x4096xf32> -> vector<64x4096xf32>
    %get3A_86 = arith.constant 0 : index
    %get3A_87 = arith.constant 0 : index
    %get3A_88 = vector.load %arg6[%get3A_86, %get3A_87] : memref<64x1xf32, #tpu.memory_space<vmem>>, vector<64x1xf32>
    %add3A_89 = vector.broadcast %get3A_88 : vector<64x1xf32> to vector<64x4096xf32>
    %add3A_90 = arith.addf %dot_general3A_85, %add3A_89 : vector<64x4096xf32>
    %swap3A_91 = arith.constant 0 : index
    %swap3A_92 = arith.constant 2 : index
    %swap3A_93 = arith.constant 0 : index
    %swap3A_94 = arith.constant 0 : index
    %swap3A_95 = vector.load %arg8[%swap3A_91, %swap3A_92, %swap3A_93, %swap3A_94] : memref<1x16x64x4096xf32, #tpu.memory_space<vmem>>, vector<1x1x64x4096xf32>
    %swap3A_96 = vector.shape_cast %swap3A_95 : vector<1x1x64x4096xf32> to vector<64x4096xf32>
    %swap3A_97 = vector.shape_cast %add3A_90 : vector<64x4096xf32> to vector<1x1x64x4096xf32>
    tpu.vector_store %arg8[%swap3A_91, %swap3A_92, %swap3A_93, %swap3A_94], %swap3A_97 {strides = array<i32>} : memref<1x16x64x4096xf32, #tpu.memory_space<vmem>>, vector<1x1x64x4096xf32>,
    %get3A_98 = arith.constant 0 : index
    %get3A_99 = arith.constant 0 : index
    %get3A_100 = vector.load %arg4[%get3A_98, %get3A_99] : memref<64x4xf32, #tpu.memory_space<vmem>>, vector<64x4xf32>
    %get3A_101 = arith.constant 0 : index
    %get3A_102 = arith.constant 3 : index
    %get3A_103 = arith.constant 0 : index
    %get3A_104 = arith.constant 0 : index
    %get3A_105 = vector.load %arg2[%get3A_101, %get3A_102, %get3A_103, %get3A_104] : memref<1x16x4x4096xf32, #tpu.memory_space<vmem>>, vector<1x1x4x4096xf32>
    %get3A_106 = vector.shape_cast %get3A_105 : vector<1x1x4x4096xf32> to vector<4x4096xf32>
    %dot_general3A_107 = arith.constant dense<0.000000e+00> : vector<64x4096xf32>
    %dot_general3A_108 = tpu.matmul %get3A_100, %get3A_106, %dot_general3A_107 {dimension_numbers = #tpu.dot_dimension_numbers<[1], [0], [0], [1], [0, 0, 1, 1], [], []>, transpose_lhs_hint = false} : vector<64x4xf32>, vector<4x4096xf32>, vector<64x4096xf32> -> vector<64x4096xf32>
    %add3A_109 = arith.addf %dot_general3A_108, %get3A_3 : vector<64x4096xf32>
    %max3A_110 = arith.constant 0.000000e+00 : f32
    %max3A_111 = vector.broadcast %max3A_110 : f32 to vector<64x4096xf32>
    %max3A_112 = arith.maximumf %add3A_109, %max3A_111 : vector<64x4096xf32>
    %convert_element_type3A_113 = arith.truncf %max3A_112 : vector<64x4096xf32> to vector<64x4096xbf16>
    %get3A_114 = arith.constant 0 : index
    %get3A_115 = arith.constant 0 : index
    %get3A_116 = vector.load %arg5[%get3A_114, %get3A_115] : memref<64x64xbf16, #tpu.memory_space<vmem>>, vector<64x64xbf16>
    %dot_general3A_117 = arith.constant dense<0.000000e+00> : vector<64x4096xf32>
    %dot_general3A_118 = tpu.matmul %get3A_116, %convert_element_type3A_113, %dot_general3A_117 {dimension_numbers = #tpu.dot_dimension_numbers<[1], [0], [0], [1], [0, 0, 1, 1], [], []>, transpose_lhs_hint = false} : vector<64x64xbf16>, vector<64x4096xbf16>, vector<64x4096xf32> -> vector<64x4096xf32>
    %get3A_119 = arith.constant 0 : index
    %get3A_120 = arith.constant 0 : index
    %get3A_121 = vector.load %arg6[%get3A_119, %get3A_120] : memref<64x1xf32, #tpu.memory_space<vmem>>, vector<64x1xf32>
    %add3A_122 = vector.broadcast %get3A_121 : vector<64x1xf32> to vector<64x4096xf32>
    %add3A_123 = arith.addf %dot_general3A_118, %add3A_122 : vector<64x4096xf32>
    %swap3A_124 = arith.constant 0 : index
    %swap3A_125 = arith.constant 3 : index
    %swap3A_126 = arith.constant 0 : index
    %swap3A_127 = arith.constant 0 : index
    %swap3A_128 = vector.load %arg8[%swap3A_124, %swap3A_125, %swap3A_126, %swap3A_127] : memref<1x16x64x4096xf32, #tpu.memory_space<vmem>>, vector<1x1x64x4096xf32>
    %swap3A_129 = vector.shape_cast %swap3A_128 : vector<1x1x64x4096xf32> to vector<64x4096xf32>
    %swap3A_130 = vector.shape_cast %add3A_123 : vector<64x4096xf32> to vector<1x1x64x4096xf32>
    tpu.vector_store %arg8[%swap3A_124, %swap3A_125, %swap3A_126, %swap3A_127], %swap3A_130 {strides = array<i32>} : memref<1x16x64x4096xf32, #tpu.memory_space<vmem>>, vector<1x1x64x4096xf32>,
    %get3A_131 = arith.constant 0 : index
    %get3A_132 = arith.constant 0 : index
    %get3A_133 = vector.load %arg4[%get3A_131, %get3A_132] : memref<64x4xf32, #tpu.memory_space<vmem>>, vector<64x4xf32>
    %get3A_134 = arith.constant 0 : index
    %get3A_135 = arith.constant 4 : index
    %get3A_136 = arith.constant 0 : index
    %get3A_137 = arith.constant 0 : index
    %get3A_138 = vector.load %arg2[%get3A_134, %get3A_135, %get3A_136, %get3A_137] : memref<1x16x4x4096xf32, #tpu.memory_space<vmem>>, vector<1x1x4x4096xf32>
    %get3A_139 = vector.shape_cast %get3A_138 : vector<1x1x4x4096xf32> to vector<4x4096xf32>
    %dot_general3A_140 = arith.constant dense<0.000000e+00> : vector<64x4096xf32>
    %dot_general3A_141 = tpu.matmul %get3A_133, %get3A_139, %dot_general3A_140 {dimension_numbers = #tpu.dot_dimension_numbers<[1], [0], [0], [1], [0, 0, 1, 1], [], []>, transpose_lhs_hint = false} : vector<64x4xf32>, vector<4x4096xf32>, vector<64x4096xf32> -> vector<64x4096xf32>
    %add3A_142 = arith.addf %dot_general3A_141, %get3A_3 : vector<64x4096xf32>
    %max3A_143 = arith.constant 0.000000e+00 : f32
    %max3A_144 = vector.broadcast %max3A_143 : f32 to vector<64x4096xf32>
    %max3A_145 = arith.maximumf %add3A_142, %max3A_144 : vector<64x4096xf32>
    %convert_element_type3A_146 = arith.truncf %max3A_145 : vector<64x4096xf32> to vector<64x4096xbf16>
    %get3A_147 = arith.constant 0 : index
    %get3A_148 = arith.constant 0 : index
    %get3A_149 = vector.load %arg5[%get3A_147, %get3A_148] : memref<64x64xbf16, #tpu.memory_space<vmem>>, vector<64x64xbf16>
    %dot_general3A_150 = arith.constant dense<0.000000e+00> : vector<64x4096xf32>
    %dot_general3A_151 = tpu.matmul %get3A_149, %convert_element_type3A_146, %dot_general3A_150 {dimension_numbers = #tpu.dot_dimension_numbers<[1], [0], [0], [1], [0, 0, 1, 1], [], []>, transpose_lhs_hint = false} : vector<64x64xbf16>, vector<64x4096xbf16>, vector<64x4096xf32> -> vector<64x4096xf32>
    %get3A_152 = arith.constant 0 : index
    %get3A_153 = arith.constant 0 : index
    %get3A_154 = vector.load %arg6[%get3A_152, %get3A_153] : memref<64x1xf32, #tpu.memory_space<vmem>>, vector<64x1xf32>
    %add3A_155 = vector.broadcast %get3A_154 : vector<64x1xf32> to vector<64x4096xf32>
    %add3A_156 = arith.addf %dot_general3A_151, %add3A_155 : vector<64x4096xf32>
    %swap3A_157 = arith.constant 0 : index
    %swap3A_158 = arith.constant 4 : index
    %swap3A_159 = arith.constant 0 : index
    %swap3A_160 = arith.constant 0 : index
    %swap3A_161 = vector.load %arg8[%swap3A_157, %swap3A_158, %swap3A_159, %swap3A_160] : memref<1x16x64x4096xf32, #tpu.memory_space<vmem>>, vector<1x1x64x4096xf32>
    %swap3A_162 = vector.shape_cast %swap3A_161 : vector<1x1x64x4096xf32> to vector<64x4096xf32>
    %swap3A_163 = vector.shape_cast %add3A_156 : vector<64x4096xf32> to vector<1x1x64x4096xf32>
    tpu.vector_store %arg8[%swap3A_157, %swap3A_158, %swap3A_159, %swap3A_160], %swap3A_163 {strides = array<i32>} : memref<1x16x64x4096xf32, #tpu.memory_space<vmem>>, vector<1x1x64x4096xf32>,
    %get3A_164 = arith.constant 0 : index
    %get3A_165 = arith.constant 0 : index
    %get3A_166 = vector.load %arg4[%get3A_164, %get3A_165] : memref<64x4xf32, #tpu.memory_space<vmem>>, vector<64x4xf32>
    %get3A_167 = arith.constant 0 : index
    %get3A_168 = arith.constant 5 : index
    %get3A_169 = arith.constant 0 : index
    %get3A_170 = arith.constant 0 : index
    %get3A_171 = vector.load %arg2[%get3A_167, %get3A_168, %get3A_169, %get3A_170] : memref<1x16x4x4096xf32, #tpu.memory_space<vmem>>, vector<1x1x4x4096xf32>
    %get3A_172 = vector.shape_cast %get3A_171 : vector<1x1x4x4096xf32> to vector<4x4096xf32>
    %dot_general3A_173 = arith.constant dense<0.000000e+00> : vector<64x4096xf32>
    %dot_general3A_174 = tpu.matmul %get3A_166, %get3A_172, %dot_general3A_173 {dimension_numbers = #tpu.dot_dimension_numbers<[1], [0], [0], [1], [0, 0, 1, 1], [], []>, transpose_lhs_hint = false} : vector<64x4xf32>, vector<4x4096xf32>, vector<64x4096xf32> -> vector<64x4096xf32>
    %add3A_175 = arith.addf %dot_general3A_174, %get3A_3 : vector<64x4096xf32>
    %max3A_176 = arith.constant 0.000000e+00 : f32
    %max3A_177 = vector.broadcast %max3A_176 : f32 to vector<64x4096xf32>
    %max3A_178 = arith.maximumf %add3A_175, %max3A_177 : vector<64x4096xf32>
    %convert_element_type3A_179 = arith.truncf %max3A_178 : vector<64x4096xf32> to vector<64x4096xbf16>
    %get3A_180 = arith.constant 0 : index
    %get3A_181 = arith.constant 0 : index
    %get3A_182 = vector.load %arg5[%get3A_180, %get3A_181] : memref<64x64xbf16, #tpu.memory_space<vmem>>, vector<64x64xbf16>
    %dot_general3A_183 = arith.constant dense<0.000000e+00> : vector<64x4096xf32>
    %dot_general3A_184 = tpu.matmul %get3A_182, %convert_element_type3A_179, %dot_general3A_183 {dimension_numbers = #tpu.dot_dimension_numbers<[1], [0], [0], [1], [0, 0, 1, 1], [], []>, transpose_lhs_hint = false} : vector<64x64xbf16>, vector<64x4096xbf16>, vector<64x4096xf32> -> vector<64x4096xf32>
    %get3A_185 = arith.constant 0 : index
    %get3A_186 = arith.constant 0 : index
    %get3A_187 = vector.load %arg6[%get3A_185, %get3A_186] : memref<64x1xf32, #tpu.memory_space<vmem>>, vector<64x1xf32>
    %add3A_188 = vector.broadcast %get3A_187 : vector<64x1xf32> to vector<64x4096xf32>
    %add3A_189 = arith.addf %dot_general3A_184, %add3A_188 : vector<64x4096xf32>
    %swap3A_190 = arith.constant 0 : index
    %swap3A_191 = arith.constant 5 : index
    %swap3A_192 = arith.constant 0 : index
    %swap3A_193 = arith.constant 0 : index
    %swap3A_194 = vector.load %arg8[%swap3A_190, %swap3A_191, %swap3A_192, %swap3A_193] : memref<1x16x64x4096xf32, #tpu.memory_space<vmem>>, vector<1x1x64x4096xf32>
    %swap3A_195 = vector.shape_cast %swap3A_194 : vector<1x1x64x4096xf32> to vector<64x4096xf32>
    %swap3A_196 = vector.shape_cast %add3A_189 : vector<64x4096xf32> to vector<1x1x64x4096xf32>
    tpu.vector_store %arg8[%swap3A_190, %swap3A_191, %swap3A_192, %swap3A_193], %swap3A_196 {strides = array<i32>} : memref<1x16x64x4096xf32, #tpu.memory_space<vmem>>, vector<1x1x64x4096xf32>,
    %get3A_197 = arith.constant 0 : index
    %get3A_198 = arith.constant 0 : index
    %get3A_199 = vector.load %arg4[%get3A_197, %get3A_198] : memref<64x4xf32, #tpu.memory_space<vmem>>, vector<64x4xf32>
    %get3A_200 = arith.constant 0 : index
    %get3A_201 = arith.constant 6 : index
    %get3A_202 = arith.constant 0 : index
    %get3A_203 = arith.constant 0 : index
    %get3A_204 = vector.load %arg2[%get3A_200, %get3A_201, %get3A_202, %get3A_203] : memref<1x16x4x4096xf32, #tpu.memory_space<vmem>>, vector<1x1x4x4096xf32>
    %get3A_205 = vector.shape_cast %get3A_204 : vector<1x1x4x4096xf32> to vector<4x4096xf32>
    %dot_general3A_206 = arith.constant dense<0.000000e+00> : vector<64x4096xf32>
    %dot_general3A_207 = tpu.matmul %get3A_199, %get3A_205, %dot_general3A_206 {dimension_numbers = #tpu.dot_dimension_numbers<[1], [0], [0], [1], [0, 0, 1, 1], [], []>, transpose_lhs_hint = false} : vector<64x4xf32>, vector<4x4096xf32>, vector<64x4096xf32> -> vector<64x4096xf32>
    %add3A_208 = arith.addf %dot_general3A_207, %get3A_3 : vector<64x4096xf32>
    %max3A_209 = arith.constant 0.000000e+00 : f32
    %max3A_210 = vector.broadcast %max3A_209 : f32 to vector<64x4096xf32>
    %max3A_211 = arith.maximumf %add3A_208, %max3A_210 : vector<64x4096xf32>
    %convert_element_type3A_212 = arith.truncf %max3A_211 : vector<64x4096xf32> to vector<64x4096xbf16>
    %get3A_213 = arith.constant 0 : index
    %get3A_214 = arith.constant 0 : index
    %get3A_215 = vector.load %arg5[%get3A_213, %get3A_214] : memref<64x64xbf16, #tpu.memory_space<vmem>>, vector<64x64xbf16>
    %dot_general3A_216 = arith.constant dense<0.000000e+00> : vector<64x4096xf32>
    %dot_general3A_217 = tpu.matmul %get3A_215, %convert_element_type3A_212, %dot_general3A_216 {dimension_numbers = #tpu.dot_dimension_numbers<[1], [0], [0], [1], [0, 0, 1, 1], [], []>, transpose_lhs_hint = false} : vector<64x64xbf16>, vector<64x4096xbf16>, vector<64x4096xf32> -> vector<64x4096xf32>
    %get3A_218 = arith.constant 0 : index
    %get3A_219 = arith.constant 0 : index
    %get3A_220 = vector.load %arg6[%get3A_218, %get3A_219] : memref<64x1xf32, #tpu.memory_space<vmem>>, vector<64x1xf32>
    %add3A_221 = vector.broadcast %get3A_220 : vector<64x1xf32> to vector<64x4096xf32>
    %add3A_222 = arith.addf %dot_general3A_217, %add3A_221 : vector<64x4096xf32>
    %swap3A_223 = arith.constant 0 : index
    %swap3A_224 = arith.constant 6 : index
    %swap3A_225 = arith.constant 0 : index
    %swap3A_226 = arith.constant 0 : index
    %swap3A_227 = vector.load %arg8[%swap3A_223, %swap3A_224, %swap3A_225, %swap3A_226] : memref<1x16x64x4096xf32, #tpu.memory_space<vmem>>, vector<1x1x64x4096xf32>
    %swap3A_228 = vector.shape_cast %swap3A_227 : vector<1x1x64x4096xf32> to vector<64x4096xf32>
    %swap3A_229 = vector.shape_cast %add3A_222 : vector<64x4096xf32> to vector<1x1x64x4096xf32>
    tpu.vector_store %arg8[%swap3A_223, %swap3A_224, %swap3A_225, %swap3A_226], %swap3A_229 {strides = array<i32>} : memref<1x16x64x4096xf32, #tpu.memory_space<vmem>>, vector<1x1x64x4096xf32>,
    %get3A_230 = arith.constant 0 : index
    %get3A_231 = arith.constant 0 : index
    %get3A_232 = vector.load %arg4[%get3A_230, %get3A_231] : memref<64x4xf32, #tpu.memory_space<vmem>>, vector<64x4xf32>
    %get3A_233 = arith.constant 0 : index
    %get3A_234 = arith.constant 7 : index
    %get3A_235 = arith.constant 0 : index
    %get3A_236 = arith.constant 0 : index
    %get3A_237 = vector.load %arg2[%get3A_233, %get3A_234, %get3A_235, %get3A_236] : memref<1x16x4x4096xf32, #tpu.memory_space<vmem>>, vector<1x1x4x4096xf32>
    %get3A_238 = vector.shape_cast %get3A_237 : vector<1x1x4x4096xf32> to vector<4x4096xf32>
    %dot_general3A_239 = arith.constant dense<0.000000e+00> : vector<64x4096xf32>
    %dot_general3A_240 = tpu.matmul %get3A_232, %get3A_238, %dot_general3A_239 {dimension_numbers = #tpu.dot_dimension_numbers<[1], [0], [0], [1], [0, 0, 1, 1], [], []>, transpose_lhs_hint = false} : vector<64x4xf32>, vector<4x4096xf32>, vector<64x4096xf32> -> vector<64x4096xf32>
    %add3A_241 = arith.addf %dot_general3A_240, %get3A_3 : vector<64x4096xf32>
    %max3A_242 = arith.constant 0.000000e+00 : f32
    %max3A_243 = vector.broadcast %max3A_242 : f32 to vector<64x4096xf32>
    %max3A_244 = arith.maximumf %add3A_241, %max3A_243 : vector<64x4096xf32>
    %convert_element_type3A_245 = arith.truncf %max3A_244 : vector<64x4096xf32> to vector<64x4096xbf16>
    %get3A_246 = arith.constant 0 : index
    %get3A_247 = arith.constant 0 : index
    %get3A_248 = vector.load %arg5[%get3A_246, %get3A_247] : memref<64x64xbf16, #tpu.memory_space<vmem>>, vector<64x64xbf16>
    %dot_general3A_249 = arith.constant dense<0.000000e+00> : vector<64x4096xf32>
    %dot_general3A_250 = tpu.matmul %get3A_248, %convert_element_type3A_245, %dot_general3A_249 {dimension_numbers = #tpu.dot_dimension_numbers<[1], [0], [0], [1], [0, 0, 1, 1], [], []>, transpose_lhs_hint = false} : vector<64x64xbf16>, vector<64x4096xbf16>, vector<64x4096xf32> -> vector<64x4096xf32>
    %get3A_251 = arith.constant 0 : index
    %get3A_252 = arith.constant 0 : index
    %get3A_253 = vector.load %arg6[%get3A_251, %get3A_252] : memref<64x1xf32, #tpu.memory_space<vmem>>, vector<64x1xf32>
    %add3A_254 = vector.broadcast %get3A_253 : vector<64x1xf32> to vector<64x4096xf32>
    %add3A_255 = arith.addf %dot_general3A_250, %add3A_254 : vector<64x4096xf32>
    %swap3A_256 = arith.constant 0 : index
    %swap3A_257 = arith.constant 7 : index
    %swap3A_258 = arith.constant 0 : index
    %swap3A_259 = arith.constant 0 : index
    %swap3A_260 = vector.load %arg8[%swap3A_256, %swap3A_257, %swap3A_258, %swap3A_259] : memref<1x16x64x4096xf32, #tpu.memory_space<vmem>>, vector<1x1x64x4096xf32>
    %swap3A_261 = vector.shape_cast %swap3A_260 : vector<1x1x64x4096xf32> to vector<64x4096xf32>
    %swap3A_262 = vector.shape_cast %add3A_255 : vector<64x4096xf32> to vector<1x1x64x4096xf32>
    tpu.vector_store %arg8[%swap3A_256, %swap3A_257, %swap3A_258, %swap3A_259], %swap3A_262 {strides = array<i32>} : memref<1x16x64x4096xf32, #tpu.memory_space<vmem>>, vector<1x1x64x4096xf32>,
    %get3A_263 = arith.constant 0 : index
    %get3A_264 = arith.constant 0 : index
    %get3A_265 = vector.load %arg4[%get3A_263, %get3A_264] : memref<64x4xf32, #tpu.memory_space<vmem>>, vector<64x4xf32>
    %get3A_266 = arith.constant 0 : index
    %get3A_267 = arith.constant 8 : index
    %get3A_268 = arith.constant 0 : index
    %get3A_269 = arith.constant 0 : index
    %get3A_270 = vector.load %arg2[%get3A_266, %get3A_267, %get3A_268, %get3A_269] : memref<1x16x4x4096xf32, #tpu.memory_space<vmem>>, vector<1x1x4x4096xf32>
    %get3A_271 = vector.shape_cast %get3A_270 : vector<1x1x4x4096xf32> to vector<4x4096xf32>
    %dot_general3A_272 = arith.constant dense<0.000000e+00> : vector<64x4096xf32>
    %dot_general3A_273 = tpu.matmul %get3A_265, %get3A_271, %dot_general3A_272 {dimension_numbers = #tpu.dot_dimension_numbers<[1], [0], [0], [1], [0, 0, 1, 1], [], []>, transpose_lhs_hint = false} : vector<64x4xf32>, vector<4x4096xf32>, vector<64x4096xf32> -> vector<64x4096xf32>
    %add3A_274 = arith.addf %dot_general3A_273, %get3A_3 : vector<64x4096xf32>
    %max3A_275 = arith.constant 0.000000e+00 : f32
    %max3A_276 = vector.broadcast %max3A_275 : f32 to vector<64x4096xf32>
    %max3A_277 = arith.maximumf %add3A_274, %max3A_276 : vector<64x4096xf32>
    %convert_element_type3A_278 = arith.truncf %max3A_277 : vector<64x4096xf32> to vector<64x4096xbf16>
    %get3A_279 = arith.constant 0 : index
    %get3A_280 = arith.constant 0 : index
    %get3A_281 = vector.load %arg5[%get3A_279, %get3A_280] : memref<64x64xbf16, #tpu.memory_space<vmem>>, vector<64x64xbf16>
    %dot_general3A_282 = arith.constant dense<0.000000e+00> : vector<64x4096xf32>
    %dot_general3A_283 = tpu.matmul %get3A_281, %convert_element_type3A_278, %dot_general3A_282 {dimension_numbers = #tpu.dot_dimension_numbers<[1], [0], [0], [1], [0, 0, 1, 1], [], []>, transpose_lhs_hint = false} : vector<64x64xbf16>, vector<64x4096xbf16>, vector<64x4096xf32> -> vector<64x4096xf32>
    %get3A_284 = arith.constant 0 : index
    %get3A_285 = arith.constant 0 : index
    %get3A_286 = vector.load %arg6[%get3A_284, %get3A_285] : memref<64x1xf32, #tpu.memory_space<vmem>>, vector<64x1xf32>
    %add3A_287 = vector.broadcast %get3A_286 : vector<64x1xf32> to vector<64x4096xf32>
    %add3A_288 = arith.addf %dot_general3A_283, %add3A_287 : vector<64x4096xf32>
    %swap3A_289 = arith.constant 0 : index
    %swap3A_290 = arith.constant 8 : index
    %swap3A_291 = arith.constant 0 : index
    %swap3A_292 = arith.constant 0 : index
    %swap3A_293 = vector.load %arg8[%swap3A_289, %swap3A_290, %swap3A_291, %swap3A_292] : memref<1x16x64x4096xf32, #tpu.memory_space<vmem>>, vector<1x1x64x4096xf32>
    %swap3A_294 = vector.shape_cast %swap3A_293 : vector<1x1x64x4096xf32> to vector<64x4096xf32>
    %swap3A_295 = vector.shape_cast %add3A_288 : vector<64x4096xf32> to vector<1x1x64x4096xf32>
    tpu.vector_store %arg8[%swap3A_289, %swap3A_290, %swap3A_291, %swap3A_292], %swap3A_295 {strides = array<i32>} : memref<1x16x64x4096xf32, #tpu.memory_space<vmem>>, vector<1x1x64x4096xf32>,
    %get3A_296 = arith.constant 0 : index
    %get3A_297 = arith.constant 0 : index
    %get3A_298 = vector.load %arg4[%get3A_296, %get3A_297] : memref<64x4xf32, #tpu.memory_space<vmem>>, vector<64x4xf32>
    %get3A_299 = arith.constant 0 : index
    %get3A_300 = arith.constant 9 : index
    %get3A_301 = arith.constant 0 : index
    %get3A_302 = arith.constant 0 : index
    %get3A_303 = vector.load %arg2[%get3A_299, %get3A_300, %get3A_301, %get3A_302] : memref<1x16x4x4096xf32, #tpu.memory_space<vmem>>, vector<1x1x4x4096xf32>
    %get3A_304 = vector.shape_cast %get3A_303 : vector<1x1x4x4096xf32> to vector<4x4096xf32>
    %dot_general3A_305 = arith.constant dense<0.000000e+00> : vector<64x4096xf32>
    %dot_general3A_306 = tpu.matmul %get3A_298, %get3A_304, %dot_general3A_305 {dimension_numbers = #tpu.dot_dimension_numbers<[1], [0], [0], [1], [0, 0, 1, 1], [], []>, transpose_lhs_hint = false} : vector<64x4xf32>, vector<4x4096xf32>, vector<64x4096xf32> -> vector<64x4096xf32>
    %add3A_307 = arith.addf %dot_general3A_306, %get3A_3 : vector<64x4096xf32>
    %max3A_308 = arith.constant 0.000000e+00 : f32
    %max3A_309 = vector.broadcast %max3A_308 : f32 to vector<64x4096xf32>
    %max3A_310 = arith.maximumf %add3A_307, %max3A_309 : vector<64x4096xf32>
    %convert_element_type3A_311 = arith.truncf %max3A_310 : vector<64x4096xf32> to vector<64x4096xbf16>
    %get3A_312 = arith.constant 0 : index
    %get3A_313 = arith.constant 0 : index
    %get3A_314 = vector.load %arg5[%get3A_312, %get3A_313] : memref<64x64xbf16, #tpu.memory_space<vmem>>, vector<64x64xbf16>
    %dot_general3A_315 = arith.constant dense<0.000000e+00> : vector<64x4096xf32>
    %dot_general3A_316 = tpu.matmul %get3A_314, %convert_element_type3A_311, %dot_general3A_315 {dimension_numbers = #tpu.dot_dimension_numbers<[1], [0], [0], [1], [0, 0, 1, 1], [], []>, transpose_lhs_hint = false} : vector<64x64xbf16>, vector<64x4096xbf16>, vector<64x4096xf32> -> vector<64x4096xf32>
    %get3A_317 = arith.constant 0 : index
    %get3A_318 = arith.constant 0 : index
    %get3A_319 = vector.load %arg6[%get3A_317, %get3A_318] : memref<64x1xf32, #tpu.memory_space<vmem>>, vector<64x1xf32>
    %add3A_320 = vector.broadcast %get3A_319 : vector<64x1xf32> to vector<64x4096xf32>
    %add3A_321 = arith.addf %dot_general3A_316, %add3A_320 : vector<64x4096xf32>
    %swap3A_322 = arith.constant 0 : index
    %swap3A_323 = arith.constant 9 : index
    %swap3A_324 = arith.constant 0 : index
    %swap3A_325 = arith.constant 0 : index
    %swap3A_326 = vector.load %arg8[%swap3A_322, %swap3A_323, %swap3A_324, %swap3A_325] : memref<1x16x64x4096xf32, #tpu.memory_space<vmem>>, vector<1x1x64x4096xf32>
    %swap3A_327 = vector.shape_cast %swap3A_326 : vector<1x1x64x4096xf32> to vector<64x4096xf32>
    %swap3A_328 = vector.shape_cast %add3A_321 : vector<64x4096xf32> to vector<1x1x64x4096xf32>
    tpu.vector_store %arg8[%swap3A_322, %swap3A_323, %swap3A_324, %swap3A_325], %swap3A_328 {strides = array<i32>} : memref<1x16x64x4096xf32, #tpu.memory_space<vmem>>, vector<1x1x64x4096xf32>,
    %get3A_329 = arith.constant 0 : index
    %get3A_330 = arith.constant 0 : index
    %get3A_331 = vector.load %arg4[%get3A_329, %get3A_330] : memref<64x4xf32, #tpu.memory_space<vmem>>, vector<64x4xf32>
    %get3A_332 = arith.constant 0 : index
    %get3A_333 = arith.constant 10 : index
    %get3A_334 = arith.constant 0 : index
    %get3A_335 = arith.constant 0 : index
    %get3A_336 = vector.load %arg2[%get3A_332, %get3A_333, %get3A_334, %get3A_335] : memref<1x16x4x4096xf32, #tpu.memory_space<vmem>>, vector<1x1x4x4096xf32>
    %get3A_337 = vector.shape_cast %get3A_336 : vector<1x1x4x4096xf32> to vector<4x4096xf32>
    %dot_general3A_338 = arith.constant dense<0.000000e+00> : vector<64x4096xf32>
    %dot_general3A_339 = tpu.matmul %get3A_331, %get3A_337, %dot_general3A_338 {dimension_numbers = #tpu.dot_dimension_numbers<[1], [0], [0], [1], [0, 0, 1, 1], [], []>, transpose_lhs_hint = false} : vector<64x4xf32>, vector<4x4096xf32>, vector<64x4096xf32> -> vector<64x4096xf32>
    %add3A_340 = arith.addf %dot_general3A_339, %get3A_3 : vector<64x4096xf32>
    %max3A_341 = arith.constant 0.000000e+00 : f32
    %max3A_342 = vector.broadcast %max3A_341 : f32 to vector<64x4096xf32>
    %max3A_343 = arith.maximumf %add3A_340, %max3A_342 : vector<64x4096xf32>
    %convert_element_type3A_344 = arith.truncf %max3A_343 : vector<64x4096xf32> to vector<64x4096xbf16>
    %get3A_345 = arith.constant 0 : index
    %get3A_346 = arith.constant 0 : index
    %get3A_347 = vector.load %arg5[%get3A_345, %get3A_346] : memref<64x64xbf16, #tpu.memory_space<vmem>>, vector<64x64xbf16>
    %dot_general3A_348 = arith.constant dense<0.000000e+00> : vector<64x4096xf32>
    %dot_general3A_349 = tpu.matmul %get3A_347, %convert_element_type3A_344, %dot_general3A_348 {dimension_numbers = #tpu.dot_dimension_numbers<[1], [0], [0], [1], [0, 0, 1, 1], [], []>, transpose_lhs_hint = false} : vector<64x64xbf16>, vector<64x4096xbf16>, vector<64x4096xf32> -> vector<64x4096xf32>
    %get3A_350 = arith.constant 0 : index
    %get3A_351 = arith.constant 0 : index
    %get3A_352 = vector.load %arg6[%get3A_350, %get3A_351] : memref<64x1xf32, #tpu.memory_space<vmem>>, vector<64x1xf32>
    %add3A_353 = vector.broadcast %get3A_352 : vector<64x1xf32> to vector<64x4096xf32>
    %add3A_354 = arith.addf %dot_general3A_349, %add3A_353 : vector<64x4096xf32>
    %swap3A_355 = arith.constant 0 : index
    %swap3A_356 = arith.constant 10 : index
    %swap3A_357 = arith.constant 0 : index
    %swap3A_358 = arith.constant 0 : index
    %swap3A_359 = vector.load %arg8[%swap3A_355, %swap3A_356, %swap3A_357, %swap3A_358] : memref<1x16x64x4096xf32, #tpu.memory_space<vmem>>, vector<1x1x64x4096xf32>
    %swap3A_360 = vector.shape_cast %swap3A_359 : vector<1x1x64x4096xf32> to vector<64x4096xf32>
    %swap3A_361 = vector.shape_cast %add3A_354 : vector<64x4096xf32> to vector<1x1x64x4096xf32>
    tpu.vector_store %arg8[%swap3A_355, %swap3A_356, %swap3A_357, %swap3A_358], %swap3A_361 {strides = array<i32>} : memref<1x16x64x4096xf32, #tpu.memory_space<vmem>>, vector<1x1x64x4096xf32>,
    %get3A_362 = arith.constant 0 : index
    %get3A_363 = arith.constant 0 : index
    %get3A_364 = vector.load %arg4[%get3A_362, %get3A_363] : memref<64x4xf32, #tpu.memory_space<vmem>>, vector<64x4xf32>
    %get3A_365 = arith.constant 0 : index
    %get3A_366 = arith.constant 11 : index
    %get3A_367 = arith.constant 0 : index
    %get3A_368 = arith.constant 0 : index
    %get3A_369 = vector.load %arg2[%get3A_365, %get3A_366, %get3A_367, %get3A_368] : memref<1x16x4x4096xf32, #tpu.memory_space<vmem>>, vector<1x1x4x4096xf32>
    %get3A_370 = vector.shape_cast %get3A_369 : vector<1x1x4x4096xf32> to vector<4x4096xf32>
    %dot_general3A_371 = arith.constant dense<0.000000e+00> : vector<64x4096xf32>
    %dot_general3A_372 = tpu.matmul %get3A_364, %get3A_370, %dot_general3A_371 {dimension_numbers = #tpu.dot_dimension_numbers<[1], [0], [0], [1], [0, 0, 1, 1], [], []>, transpose_lhs_hint = false} : vector<64x4xf32>, vector<4x4096xf32>, vector<64x4096xf32> -> vector<64x4096xf32>
    %add3A_373 = arith.addf %dot_general3A_372, %get3A_3 : vector<64x4096xf32>
    %max3A_374 = arith.constant 0.000000e+00 : f32
    %max3A_375 = vector.broadcast %max3A_374 : f32 to vector<64x4096xf32>
    %max3A_376 = arith.maximumf %add3A_373, %max3A_375 : vector<64x4096xf32>
    %convert_element_type3A_377 = arith.truncf %max3A_376 : vector<64x4096xf32> to vector<64x4096xbf16>
    %get3A_378 = arith.constant 0 : index
    %get3A_379 = arith.constant 0 : index
    %get3A_380 = vector.load %arg5[%get3A_378, %get3A_379] : memref<64x64xbf16, #tpu.memory_space<vmem>>, vector<64x64xbf16>
    %dot_general3A_381 = arith.constant dense<0.000000e+00> : vector<64x4096xf32>
    %dot_general3A_382 = tpu.matmul %get3A_380, %convert_element_type3A_377, %dot_general3A_381 {dimension_numbers = #tpu.dot_dimension_numbers<[1], [0], [0], [1], [0, 0, 1, 1], [], []>, transpose_lhs_hint = false} : vector<64x64xbf16>, vector<64x4096xbf16>, vector<64x4096xf32> -> vector<64x4096xf32>
    %get3A_383 = arith.constant 0 : index
    %get3A_384 = arith.constant 0 : index
    %get3A_385 = vector.load %arg6[%get3A_383, %get3A_384] : memref<64x1xf32, #tpu.memory_space<vmem>>, vector<64x1xf32>
    %add3A_386 = vector.broadcast %get3A_385 : vector<64x1xf32> to vector<64x4096xf32>
    %add3A_387 = arith.addf %dot_general3A_382, %add3A_386 : vector<64x4096xf32>
    %swap3A_388 = arith.constant 0 : index
    %swap3A_389 = arith.constant 11 : index
    %swap3A_390 = arith.constant 0 : index
    %swap3A_391 = arith.constant 0 : index
    %swap3A_392 = vector.load %arg8[%swap3A_388, %swap3A_389, %swap3A_390, %swap3A_391] : memref<1x16x64x4096xf32, #tpu.memory_space<vmem>>, vector<1x1x64x4096xf32>
    %swap3A_393 = vector.shape_cast %swap3A_392 : vector<1x1x64x4096xf32> to vector<64x4096xf32>
    %swap3A_394 = vector.shape_cast %add3A_387 : vector<64x4096xf32> to vector<1x1x64x4096xf32>
    tpu.vector_store %arg8[%swap3A_388, %swap3A_389, %swap3A_390, %swap3A_391], %swap3A_394 {strides = array<i32>} : memref<1x16x64x4096xf32, #tpu.memory_space<vmem>>, vector<1x1x64x4096xf32>,
    %get3A_395 = arith.constant 0 : index
    %get3A_396 = arith.constant 0 : index
    %get3A_397 = vector.load %arg4[%get3A_395, %get3A_396] : memref<64x4xf32, #tpu.memory_space<vmem>>, vector<64x4xf32>
    %get3A_398 = arith.constant 0 : index
    %get3A_399 = arith.constant 12 : index
    %get3A_400 = arith.constant 0 : index
    %get3A_401 = arith.constant 0 : index
    %get3A_402 = vector.load %arg2[%get3A_398, %get3A_399, %get3A_400, %get3A_401] : memref<1x16x4x4096xf32, #tpu.memory_space<vmem>>, vector<1x1x4x4096xf32>
    %get3A_403 = vector.shape_cast %get3A_402 : vector<1x1x4x4096xf32> to vector<4x4096xf32>
    %dot_general3A_404 = arith.constant dense<0.000000e+00> : vector<64x4096xf32>
    %dot_general3A_405 = tpu.matmul %get3A_397, %get3A_403, %dot_general3A_404 {dimension_numbers = #tpu.dot_dimension_numbers<[1], [0], [0], [1], [0, 0, 1, 1], [], []>, transpose_lhs_hint = false} : vector<64x4xf32>, vector<4x4096xf32>, vector<64x4096xf32> -> vector<64x4096xf32>
    %add3A_406 = arith.addf %dot_general3A_405, %get3A_3 : vector<64x4096xf32>
    %max3A_407 = arith.constant 0.000000e+00 : f32
    %max3A_408 = vector.broadcast %max3A_407 : f32 to vector<64x4096xf32>
    %max3A_409 = arith.maximumf %add3A_406, %max3A_408 : vector<64x4096xf32>
    %convert_element_type3A_410 = arith.truncf %max3A_409 : vector<64x4096xf32> to vector<64x4096xbf16>
    %get3A_411 = arith.constant 0 : index
    %get3A_412 = arith.constant 0 : index
    %get3A_413 = vector.load %arg5[%get3A_411, %get3A_412] : memref<64x64xbf16, #tpu.memory_space<vmem>>, vector<64x64xbf16>
    %dot_general3A_414 = arith.constant dense<0.000000e+00> : vector<64x4096xf32>
    %dot_general3A_415 = tpu.matmul %get3A_413, %convert_element_type3A_410, %dot_general3A_414 {dimension_numbers = #tpu.dot_dimension_numbers<[1], [0], [0], [1], [0, 0, 1, 1], [], []>, transpose_lhs_hint = false} : vector<64x64xbf16>, vector<64x4096xbf16>, vector<64x4096xf32> -> vector<64x4096xf32>
    %get3A_416 = arith.constant 0 : index
    %get3A_417 = arith.constant 0 : index
    %get3A_418 = vector.load %arg6[%get3A_416, %get3A_417] : memref<64x1xf32, #tpu.memory_space<vmem>>, vector<64x1xf32>
    %add3A_419 = vector.broadcast %get3A_418 : vector<64x1xf32> to vector<64x4096xf32>
    %add3A_420 = arith.addf %dot_general3A_415, %add3A_419 : vector<64x4096xf32>
    %swap3A_421 = arith.constant 0 : index
    %swap3A_422 = arith.constant 12 : index
    %swap3A_423 = arith.constant 0 : index
    %swap3A_424 = arith.constant 0 : index
    %swap3A_425 = vector.load %arg8[%swap3A_421, %swap3A_422, %swap3A_423, %swap3A_424] : memref<1x16x64x4096xf32, #tpu.memory_space<vmem>>, vector<1x1x64x4096xf32>
    %swap3A_426 = vector.shape_cast %swap3A_425 : vector<1x1x64x4096xf32> to vector<64x4096xf32>
    %swap3A_427 = vector.shape_cast %add3A_420 : vector<64x4096xf32> to vector<1x1x64x4096xf32>
    tpu.vector_store %arg8[%swap3A_421, %swap3A_422, %swap3A_423, %swap3A_424], %swap3A_427 {strides = array<i32>} : memref<1x16x64x4096xf32, #tpu.memory_space<vmem>>, vector<1x1x64x4096xf32>,
    %get3A_428 = arith.constant 0 : index
    %get3A_429 = arith.constant 0 : index
    %get3A_430 = vector.load %arg4[%get3A_428, %get3A_429] : memref<64x4xf32, #tpu.memory_space<vmem>>, vector<64x4xf32>
    %get3A_431 = arith.constant 0 : index
    %get3A_432 = arith.constant 13 : index
    %get3A_433 = arith.constant 0 : index
    %get3A_434 = arith.constant 0 : index
    %get3A_435 = vector.load %arg2[%get3A_431, %get3A_432, %get3A_433, %get3A_434] : memref<1x16x4x4096xf32, #tpu.memory_space<vmem>>, vector<1x1x4x4096xf32>
    %get3A_436 = vector.shape_cast %get3A_435 : vector<1x1x4x4096xf32> to vector<4x4096xf32>
    %dot_general3A_437 = arith.constant dense<0.000000e+00> : vector<64x4096xf32>
    %dot_general3A_438 = tpu.matmul %get3A_430, %get3A_436, %dot_general3A_437 {dimension_numbers = #tpu.dot_dimension_numbers<[1], [0], [0], [1], [0, 0, 1, 1], [], []>, transpose_lhs_hint = false} : vector<64x4xf32>, vector<4x4096xf32>, vector<64x4096xf32> -> vector<64x4096xf32>
    %add3A_439 = arith.addf %dot_general3A_438, %get3A_3 : vector<64x4096xf32>
    %max3A_440 = arith.constant 0.000000e+00 : f32
    %max3A_441 = vector.broadcast %max3A_440 : f32 to vector<64x4096xf32>
    %max3A_442 = arith.maximumf %add3A_439, %max3A_441 : vector<64x4096xf32>
    %convert_element_type3A_443 = arith.truncf %max3A_442 : vector<64x4096xf32> to vector<64x4096xbf16>
    %get3A_444 = arith.constant 0 : index
    %get3A_445 = arith.constant 0 : index
    %get3A_446 = vector.load %arg5[%get3A_444, %get3A_445] : memref<64x64xbf16, #tpu.memory_space<vmem>>, vector<64x64xbf16>
    %dot_general3A_447 = arith.constant dense<0.000000e+00> : vector<64x4096xf32>
    %dot_general3A_448 = tpu.matmul %get3A_446, %convert_element_type3A_443, %dot_general3A_447 {dimension_numbers = #tpu.dot_dimension_numbers<[1], [0], [0], [1], [0, 0, 1, 1], [], []>, transpose_lhs_hint = false} : vector<64x64xbf16>, vector<64x4096xbf16>, vector<64x4096xf32> -> vector<64x4096xf32>
    %get3A_449 = arith.constant 0 : index
    %get3A_450 = arith.constant 0 : index
    %get3A_451 = vector.load %arg6[%get3A_449, %get3A_450] : memref<64x1xf32, #tpu.memory_space<vmem>>, vector<64x1xf32>
    %add3A_452 = vector.broadcast %get3A_451 : vector<64x1xf32> to vector<64x4096xf32>
    %add3A_453 = arith.addf %dot_general3A_448, %add3A_452 : vector<64x4096xf32>
    %swap3A_454 = arith.constant 0 : index
    %swap3A_455 = arith.constant 13 : index
    %swap3A_456 = arith.constant 0 : index
    %swap3A_457 = arith.constant 0 : index
    %swap3A_458 = vector.load %arg8[%swap3A_454, %swap3A_455, %swap3A_456, %swap3A_457] : memref<1x16x64x4096xf32, #tpu.memory_space<vmem>>, vector<1x1x64x4096xf32>
    %swap3A_459 = vector.shape_cast %swap3A_458 : vector<1x1x64x4096xf32> to vector<64x4096xf32>
    %swap3A_460 = vector.shape_cast %add3A_453 : vector<64x4096xf32> to vector<1x1x64x4096xf32>
    tpu.vector_store %arg8[%swap3A_454, %swap3A_455, %swap3A_456, %swap3A_457], %swap3A_460 {strides = array<i32>} : memref<1x16x64x4096xf32, #tpu.memory_space<vmem>>, vector<1x1x64x4096xf32>,
    %get3A_461 = arith.constant 0 : index
    %get3A_462 = arith.constant 0 : index
    %get3A_463 = vector.load %arg4[%get3A_461, %get3A_462] : memref<64x4xf32, #tpu.memory_space<vmem>>, vector<64x4xf32>
    %get3A_464 = arith.constant 0 : index
    %get3A_465 = arith.constant 14 : index
    %get3A_466 = arith.constant 0 : index
    %get3A_467 = arith.constant 0 : index
    %get3A_468 = vector.load %arg2[%get3A_464, %get3A_465, %get3A_466, %get3A_467] : memref<1x16x4x4096xf32, #tpu.memory_space<vmem>>, vector<1x1x4x4096xf32>
    %get3A_469 = vector.shape_cast %get3A_468 : vector<1x1x4x4096xf32> to vector<4x4096xf32>
    %dot_general3A_470 = arith.constant dense<0.000000e+00> : vector<64x4096xf32>
    %dot_general3A_471 = tpu.matmul %get3A_463, %get3A_469, %dot_general3A_470 {dimension_numbers = #tpu.dot_dimension_numbers<[1], [0], [0], [1], [0, 0, 1, 1], [], []>, transpose_lhs_hint = false} : vector<64x4xf32>, vector<4x4096xf32>, vector<64x4096xf32> -> vector<64x4096xf32>
    %add3A_472 = arith.addf %dot_general3A_471, %get3A_3 : vector<64x4096xf32>
    %max3A_473 = arith.constant 0.000000e+00 : f32
    %max3A_474 = vector.broadcast %max3A_473 : f32 to vector<64x4096xf32>
    %max3A_475 = arith.maximumf %add3A_472, %max3A_474 : vector<64x4096xf32>
    %convert_element_type3A_476 = arith.truncf %max3A_475 : vector<64x4096xf32> to vector<64x4096xbf16>
    %get3A_477 = arith.constant 0 : index
    %get3A_478 = arith.constant 0 : index
    %get3A_479 = vector.load %arg5[%get3A_477, %get3A_478] : memref<64x64xbf16, #tpu.memory_space<vmem>>, vector<64x64xbf16>
    %dot_general3A_480 = arith.constant dense<0.000000e+00> : vector<64x4096xf32>
    %dot_general3A_481 = tpu.matmul %get3A_479, %convert_element_type3A_476, %dot_general3A_480 {dimension_numbers = #tpu.dot_dimension_numbers<[1], [0], [0], [1], [0, 0, 1, 1], [], []>, transpose_lhs_hint = false} : vector<64x64xbf16>, vector<64x4096xbf16>, vector<64x4096xf32> -> vector<64x4096xf32>
    %get3A_482 = arith.constant 0 : index
    %get3A_483 = arith.constant 0 : index
    %get3A_484 = vector.load %arg6[%get3A_482, %get3A_483] : memref<64x1xf32, #tpu.memory_space<vmem>>, vector<64x1xf32>
    %add3A_485 = vector.broadcast %get3A_484 : vector<64x1xf32> to vector<64x4096xf32>
    %add3A_486 = arith.addf %dot_general3A_481, %add3A_485 : vector<64x4096xf32>
    %swap3A_487 = arith.constant 0 : index
    %swap3A_488 = arith.constant 14 : index
    %swap3A_489 = arith.constant 0 : index
    %swap3A_490 = arith.constant 0 : index
    %swap3A_491 = vector.load %arg8[%swap3A_487, %swap3A_488, %swap3A_489, %swap3A_490] : memref<1x16x64x4096xf32, #tpu.memory_space<vmem>>, vector<1x1x64x4096xf32>
    %swap3A_492 = vector.shape_cast %swap3A_491 : vector<1x1x64x4096xf32> to vector<64x4096xf32>
    %swap3A_493 = vector.shape_cast %add3A_486 : vector<64x4096xf32> to vector<1x1x64x4096xf32>
    tpu.vector_store %arg8[%swap3A_487, %swap3A_488, %swap3A_489, %swap3A_490], %swap3A_493 {strides = array<i32>} : memref<1x16x64x4096xf32, #tpu.memory_space<vmem>>, vector<1x1x64x4096xf32>,
    %get3A_494 = arith.constant 0 : index
    %get3A_495 = arith.constant 0 : index
    %get3A_496 = vector.load %arg4[%get3A_494, %get3A_495] : memref<64x4xf32, #tpu.memory_space<vmem>>, vector<64x4xf32>
    %get3A_497 = arith.constant 0 : index
    %get3A_498 = arith.constant 15 : index
    %get3A_499 = arith.constant 0 : index
    %get3A_500 = arith.constant 0 : index
    %get3A_501 = vector.load %arg2[%get3A_497, %get3A_498, %get3A_499, %get3A_500] : memref<1x16x4x4096xf32, #tpu.memory_space<vmem>>, vector<1x1x4x4096xf32>
    %get3A_502 = vector.shape_cast %get3A_501 : vector<1x1x4x4096xf32> to vector<4x4096xf32>
    %dot_general3A_503 = arith.constant dense<0.000000e+00> : vector<64x4096xf32>
    %dot_general3A_504 = tpu.matmul %get3A_496, %get3A_502, %dot_general3A_503 {dimension_numbers = #tpu.dot_dimension_numbers<[1], [0], [0], [1], [0, 0, 1, 1], [], []>, transpose_lhs_hint = false} : vector<64x4xf32>, vector<4x4096xf32>, vector<64x4096xf32> -> vector<64x4096xf32>
    %add3A_505 = arith.addf %dot_general3A_504, %get3A_3 : vector<64x4096xf32>
    %max3A_506 = arith.constant 0.000000e+00 : f32
    %max3A_507 = vector.broadcast %max3A_506 : f32 to vector<64x4096xf32>
    %max3A_508 = arith.maximumf %add3A_505, %max3A_507 : vector<64x4096xf32>
    %convert_element_type3A_509 = arith.truncf %max3A_508 : vector<64x4096xf32> to vector<64x4096xbf16>
    %get3A_510 = arith.constant 0 : index
    %get3A_511 = arith.constant 0 : index
    %get3A_512 = vector.load %arg5[%get3A_510, %get3A_511] : memref<64x64xbf16, #tpu.memory_space<vmem>>, vector<64x64xbf16>
    %dot_general3A_513 = arith.constant dense<0.000000e+00> : vector<64x4096xf32>
    %dot_general3A_514 = tpu.matmul %get3A_512, %convert_element_type3A_509, %dot_general3A_513 {dimension_numbers = #tpu.dot_dimension_numbers<[1], [0], [0], [1], [0, 0, 1, 1], [], []>, transpose_lhs_hint = false} : vector<64x64xbf16>, vector<64x4096xbf16>, vector<64x4096xf32> -> vector<64x4096xf32>
    %get3A_515 = arith.constant 0 : index
    %get3A_516 = arith.constant 0 : index
    %get3A_517 = vector.load %arg6[%get3A_515, %get3A_516] : memref<64x1xf32, #tpu.memory_space<vmem>>, vector<64x1xf32>
    %add3A_518 = vector.broadcast %get3A_517 : vector<64x1xf32> to vector<64x4096xf32>
    %add3A_519 = arith.addf %dot_general3A_514, %add3A_518 : vector<64x4096xf32>
    %swap3A_520 = arith.constant 0 : index
    %swap3A_521 = arith.constant 15 : index
    %swap3A_522 = arith.constant 0 : index
    %swap3A_523 = arith.constant 0 : index
    %swap3A_524 = vector.load %arg8[%swap3A_520, %swap3A_521, %swap3A_522, %swap3A_523] : memref<1x16x64x4096xf32, #tpu.memory_space<vmem>>, vector<1x1x64x4096xf32>
    %swap3A_525 = vector.shape_cast %swap3A_524 : vector<1x1x64x4096xf32> to vector<64x4096xf32>
    %swap3A_526 = vector.shape_cast %add3A_519 : vector<64x4096xf32> to vector<1x1x64x4096xf32>
    tpu.vector_store %arg8[%swap3A_520, %swap3A_521, %swap3A_522, %swap3A_523], %swap3A_526 {strides = array<i32>} : memref<1x16x64x4096xf32, #tpu.memory_space<vmem>>, vector<1x1x64x4096xf32>,
    return
  }
  func.func @transform_0(%arg0: i32, %arg1: i32) -> (i32, i32, i32, i32) {
    %c0_i32 = arith.constant 0 : i32
    %c0_i32_0 = arith.constant 0 : i32
    %c0_i32_1 = arith.constant 0 : i32
    return %arg0, %arg1, %c0_i32, %c0_i32_0 : i32, i32, i32, i32
  }
  func.func @transform_1(%arg0: i32, %arg1: i32) -> (i32, i32, i32) {
    %add3A = arith.constant 12 : i32
    %add3A_0 = arith.addi %add3A, %arg0 : i32
    %c0_i32 = arith.constant 0 : i32
    %c0_i32_1 = arith.constant 0 : i32
    %c0_i32_2 = arith.constant 0 : i32
    return %add3A_0, %c0_i32, %c0_i32_1 : i32, i32, i32
  }
  func.func @transform_2(%arg0: i32, %arg1: i32) -> (i32, i32) {
    %c0_i32 = arith.constant 0 : i32
    %c0_i32_0 = arith.constant 0 : i32
    %c0_i32_1 = arith.constant 0 : i32
    return %c0_i32, %c0_i32_0 : i32, i32
  }
  func.func @transform_3(%arg0: i32, %arg1: i32) -> (i32, i32) {
    %c0_i32 = arith.constant 0 : i32
    %c0_i32_0 = arith.constant 0 : i32
    %c0_i32_1 = arith.constant 0 : i32
    return %c0_i32, %c0_i32_0 : i32, i32
  }
  func.func @transform_4(%arg0: i32, %arg1: i32) -> (i32, i32) {
    %c0_i32 = arith.constant 0 : i32
    %c0_i32_0 = arith.constant 0 : i32
    %c0_i32_1 = arith.constant 0 : i32
    return %c0_i32, %c0_i32_0 : i32, i32
  }
  func.func @transform_6(%arg0: i32, %arg1: i32) -> (i32, i32, i32, i32) {
    %add3A = arith.constant 12 : i32
    %add3A_0 = arith.addi %add3A, %arg0 : i32
    %c0_i32 = arith.constant 0 : i32
    %c0_i32_1 = arith.constant 0 : i32
    %c0_i32_2 = arith.constant 0 : i32
    return %add3A_0, %arg1, %c0_i32, %c0_i32_1 : i32, i32, i32, i32
  }
}

</mosaic_0001>

<sc_bundles>
// kernel: kernel.11.cloned.1.call-start
scs
__scs_entry_jumppad:
0x0: {  	(pc) =	sbr.rel $0x88, $3  }
0x1: {  	(tag) =	ssettag $0x0;
	lr =	simm.s32 $0x1  }
0x2: {  	[smem:$0x3F9A] =	sst lr;
	_ =	strace $0xD0000000  }
0x3: {  	_ = 	snop  }
0x4: {  	_ = 	snop  }
0x5: {  	_ = 	snop  }
0x6: {  	_ = 	snop  }
0x7: {  	_ = 	snop  }
__scs_overlays_trampoline_lowered:
0x8: {  	[smem:$0x3FA9] =	sst s0  }
0x9: {  	[smem:$0x3FAA] =	sst s1  }
0xa: {  	[smem:$0x3FAB] =	sst s2  }
0xb: {  	[smem:$0x3FAC] =	sst s3  }
0xc: {  	[smem:$0x3FAD] =	sst s4  }
0xd: {  	[smem:$0x3FAE] =	sst s5  }
0xe: {  	[smem:$0x3FAF] =	sst s6  }
0xf: {  	[smem:$0x3FB0] =	sst s7  }
0x10: {  	[smem:$0x3FB1] =	sst s8  }
0x11: {  	[smem:$0x3FB2] =	sst s9;
	s0 =	simm.s32 @!p0 $0x0  }
0x12: {  	s1 =	sld [smem:$0x3F98];
	s0 =	simm.s32 @p0 $0x1  }
0x13: {  	[smem:$0x3FB3] =	sst s0;
	s0 =	simm.s32 @!p1 $0x0  }
0x14: {  	s2 =	sld [smem:$0x3F97];
	s0 =	simm.s32 @p1 $0x1  }
0x15: {  	[smem:$0x3FB4] =	sst s0;
	s0 =	simm.s32 @!p2 $0x0  }
0x16: {  	s3 =	sld [smem:$0x3FDB];
	s0 =	simm.s32 @p2 $0x1  }
0x17: {  	s4 =	simm.s32 $0x1BF5;
	[smem:$0x3FB6] =	sst s0  }
0x18: {  	s0 =	sld [smem:$0x3F99];
	_ =	swait.ge [sflag:s4], $0x0  }
0x19: {  	s7 =	sld [smem:$0x3F9A]  }
0x1a: {  	s8 =	sadd.s32 $0xFFFFE003, lr  }
0x1b: {  	s9 =	sadd.s32 $0xFFFFFEF7, lr;
	s5 =	simm.s32 $0xFFFFFFFF;
	p2 =	slt.u32 s8, $0xFFFFF086  }
0x1c: {  	p1 =	slt.u32 s9, $0xF7A;
	s5 =	simm.s32 @!p2 $0x0  }
0x1d: {  	s5 =	simm.s32 @p1 $0x1;
	p0 =	seq.s32 s7, s2  }
0x1e: {  	s7 =	smul.u32 @!p0 $0xF7A, s2;
	p2 =	seq.s32 @!p0 s5, $0x0  }
0x1f: {  	s9 =	smul.u32 $0xF7A, s1;
	s8 =	simm.s32 @!p0 $0x1BF5;
	p2 =	por !p2, p0  }
0x20: {  	[sflag:s8] =	ssyncset.s32 @!p0 $0xFFFFF086;
	s6 =	sadd.s32 @!p0 s3, s7;
	s7 =	simm.s32 @!p0 $0x108  }
0x21: {  	s3 =	sadd.s32 s3, s9;
	s6 =	sadd.s32 @!p0 $0x88, s6;
	s7 =	simm.s32 @p2 $0x1082  }
0x22: {  	[simem:s7], [sflag:s8] =	dma.local @!p0 [hbm:s6], $0xF7A  }
0x23: {  	s9 =	sor.u32 $0xD0000000, s2;
	s6 =	simm.s32 $0x108;
	_ =	swait.ge @!p0 [sflag:s8], $0x0  }
0x24: {  	s3 =	sadd.s32 $0x88, s3;
	s6 =	simm.s32 @!p1 $0x1082;
	[sflag:s4] =	ssyncset.s32 $0xFFFFF086  }
0x25: {  	[simem:s6], [sflag:s4] =	dma.local [hbm:s3], $0xF7A  }
0x26: {  	[smem:$0x3F9A] =	sst s1;
	(tag) =	ssettag s2;
	_ =	strace s9  }
0x27: {  	s1 =	sld [smem:$0x3FAA]  }
0x28: {  	s2 =	sld [smem:$0x3FAB]  }
0x29: {  	s4 =	sld [smem:$0x3FAD]  }
0x2a: {  	p0 =	seq.s32 s5, $0x0;
	s5 =	sld [smem:$0x3FAE]  }
0x2b: {  	s6 =	sld [smem:$0x3FAF]  }
0x2c: {  	s7 =	sld [smem:$0x3FB0]  }
0x2d: {  	s3 =	simm.s32 $0x108;
	s8 =	sld [smem:$0x3FB1]  }
0x2e: {  	s3 =	simm.s32 @!p0 $0x1082;
	s9 =	sld [smem:$0x3FB2]  }
0x2f: {  	lr =	sadd.s32 s0, s3;
	s0 =	sld [smem:$0x3FA9]  }
0x30: {  	s3 =	sld [smem:$0x3FAC]  }
0x31: {  	[smem:$0x3FB5] =	sst s10  }
0x32: {  	s10 =	sld [smem:$0x3FB3];
	_ =	sdelay $0x3  }
0x33: {  	p0 =	seq.s32 s10, $0x1;
	s10 =	sld [smem:$0x3FB5];
	_ =	sdelay $0x3  }
0x34: {  	[smem:$0x3FB5] =	sst s10  }
0x35: {  	s10 =	sld [smem:$0x3FB4];
	_ =	sdelay $0x3  }
0x36: {  	p1 =	seq.s32 s10, $0x1;
	s10 =	sld [smem:$0x3FB5];
	_ =	sdelay $0x3  }
0x37: {  	[smem:$0x3FB5] =	sst s10  }
0x38: {  	s10 =	sld [smem:$0x3FB6]  }
0x39: {  	_ = 	snop;
	(pc) =	sbr.ind lr, $3  }
0x3a: {  	_ = 	snop  }
0x3b: {  	_ = 	snop  }
0x3c: {  	p2 =	seq.s32 s10, $0x1;
	s10 =	sld [smem:$0x3FB5]  }
0x3d: {  	_ =	shalt  }
0x3e: {  	_ =	shalt  }
0x3f: {  	_ =	shalt  }
0x40: {  	_ =	shalt  }
0x41: {  	_ =	shalt  }
0x42: {  	_ =	shalt  }
0x43: {  	_ =	shalt  }
0x44: {  	_ =	shalt  }
0x45: {  	_ =	shalt  }
0x46: {  	_ =	shalt  }
0x47: {  	_ =	shalt  }
0x48: {  	_ =	shalt  }
0x49: {  	_ =	shalt  }
0x4a: {  	_ =	shalt  }
0x4b: {  	_ =	shalt  }
0x4c: {  	_ =	shalt  }
0x4d: {  	_ =	shalt  }
0x4e: {  	_ =	shalt  }
0x4f: {  	_ =	shalt  }
0x50: {  	_ =	shalt  }
0x51: {  	_ =	shalt  }
0x52: {  	_ =	shalt  }
0x53: {  	_ =	shalt  }
0x54: {  	_ =	shalt  }
0x55: {  	_ =	shalt  }
0x56: {  	_ =	shalt  }
0x57: {  	_ =	shalt  }
0x58: {  	_ =	shalt  }
0x59: {  	_ =	shalt  }
0x5a: {  	_ =	shalt  }
0x5b: {  	_ =	shalt  }
0x5c: {  	_ =	shalt  }
0x5d: {  	_ =	shalt  }
0x5e: {  	_ =	shalt  }
0x5f: {  	_ =	shalt  }
0x60: {  	_ =	shalt  }
0x61: {  	_ =	shalt  }
0x62: {  	_ =	shalt  }
0x63: {  	_ =	shalt  }
0x64: {  	_ =	shalt  }
0x65: {  	_ =	shalt  }
0x66: {  	_ =	shalt  }
0x67: {  	_ =	shalt  }
0x68: {  	_ =	shalt  }
0x69: {  	_ =	shalt  }
0x6a: {  	_ =	shalt  }
0x6b: {  	_ =	shalt  }
0x6c: {  	_ =	shalt  }
0x6d: {  	_ =	shalt  }
0x6e: {  	_ =	shalt  }
0x6f: {  	_ =	shalt  }
0x70: {  	_ =	shalt  }
0x71: {  	_ =	shalt  }
0x72: {  	_ =	shalt  }
0x73: {  	_ =	shalt  }
0x74: {  	_ =	shalt  }
0x75: {  	_ =	shalt  }
0x76: {  	_ =	shalt  }
0x77: {  	_ =	shalt  }
0x78: {  	_ =	shalt  }
0x79: {  	_ =	shalt  }
0x7a: {  	_ =	shalt  }
0x7b: {  	_ =	shalt  }
0x7c: {  	_ =	shalt  }
0x7d: {  	_ =	shalt  }
0x7e: {  	_ =	shalt  }
0x7f: {  	_ =	shalt  }
0x80: {  	_ =	shalt  }
0x81: {  	_ =	shalt  }
0x82: {  	_ =	shalt  }
0x83: {  	_ =	shalt  }
0x84: {  	_ =	shalt  }
0x85: {  	_ =	shalt  }
0x86: {  	_ =	shalt  }
0x87: {  	_ =	shalt  }
.Lfunc_end0:
.L_simem_size_0:
called_computation_lowered:
.L_overlay_start_0:
0x88: {  	s2 =	sld [smem:$0x3FD9]  }
0x89: {  	s3 =	sld [smem:$0x3FFE];
	_ =	sdelay $0x1  }
0x8a: {  	s1 =	srdreg.scid  }
0x8b: {  	s0 =	sand.u32 $0x1, s1  }
0x8c: {  	s17 =	sshll.u32 s0, $0xA;
	s2 =	sadd.s32 s3, s2  }
0x8d: {  	s2 =	sadd.s32 s2, s17  }
0x8e: {  	[smem:$0x3FC1] =	sst s2  }
0x8f: {  	_ = 	snop  }
0x90: {  	s2 =	sld [smem:$0x3FC8]  }
0x91: {  	s18 =	sld [smem:$0x3FC7];
	(tm) =	ssettm $0x1  }
0x92: {  	s4 =	sld [smem:$0x3FFB];
	_ =	sdelay $0x3  }
0x93: {  	_ =	strace s4  }
0x94: {  	s4 =	sld [smem:$0x3FFC];
	_ =	sdelay $0x3  }
0x95: {  	_ =	strace s4  }
0x96: {  	s4 =	sld [smem:$0x3FFD];
	_ =	sdelay $0x3  }
0x97: {  	_ =	strace s4  }
0x98: {  	_ =	strace $0x8FFFFFFF  }
0x99: {  	s19 =	sld [smem:$0x3FDB];
	_ =	sdelay $0x1  }
0x9a: {  	s5 =	simm.s32 $_scs_section_size  }
0x9b: {  	s6 =	simm.s32 $_size__tile_overlayer_lowered;
	s7 =	simm.s32 $_tile_overlayer_lowered  }
0x9c: {  	s22 =	simm.s32 $0x1BFF;
	s21 =	sshll.u32 s7, $0x1;
	s4 =	sadd.s32 s5, s19  }
0x9d: {  	s8 =	simm.s32 $0x0;
	s20 =	sshll.u32 s6, $0x1;
	s6 =	sadd.s32 s21, s4  }
0x9e: {  	[timem:s8], [sflag:s22] =	dma.local [hbm:s6], s20  }
0x9f: {  	_ =	swait.ge [sflag:s22], s20  }
0xa0: {  	s5 =	ssub.s32 $0x0, s20;
	[sflag:s22] =	ssyncset.done $0x0  }
0xa1: {  	[sflag:s22] =	ssyncadd.s32 s5;
	_ =	sdelay $0x1  }
0xa2: {  	s23 =	simm.s32 $0x1B8B  }
0xa3: {  	_ =	swait.ge [sflag:s23], $0x1  }
0xa4: {  	[sflag:s23] =	ssyncset.done $0x0  }
0xa5: {  	s25 =	simm.s32 $0x1B8E;
	s24 =	sld [smem:$0x3FFE];
	[sflag:s23] =	ssyncadd.s32 $0xFFFFFFFF  }
0xa6: {  	s26 =	simm.s32 $execute0_lowered;
	[smem:$0x3FD2] =	sst s25  }
0xa7: {  	s6 =	sshll.u32 s26, $0x1;
	_ =	strace $0x80000046;
	[dreg:$0x1] =	wrdreg $0xFFFFFFFF  }
0xa8: {  	s28 =	simm.s32 $_size_execute0_lowered;
	s4 =	sadd.s32 s4, s6;
	[dreg:$0x0] =	wrdreg $0x0  }
0xa9: {  	s6 =	sshll.u32 s28, $0x1;
	[dreg:$0x2] =	wrdreg s4  }
0xaa: {  	[dreg:$0x3] =	wrdreg s6  }
0xab: {  	[dreg:$0x4] =	wrdreg $0xC0  }
0xac: {  	_ =	task [dreg:s8], $0x5FFFF  }
0xad: {  	[dreg:$0x1] =	wrdreg $0xFFFFFFFF  }
0xae: {  	[dreg:$0x0] =	wrdreg $0x60  }
0xaf: {  	[dreg:$0x2] =	wrdreg s24  }
0xb0: {  	[dreg:$0x3] =	wrdreg s2  }
0xb1: {  	[dreg:$0x4] =	wrdreg s18  }
0xb2: {  	[dreg:$0x5] =	wrdreg $0x9  }
0xb3: {  	_ =	task.clear_ibuf [dreg:s8], $0x6FFFF;
	_ =	strace $0x90000046  }
0xb4: {  	s29 =	simm.s32 $0x9;
	_ =	strace $0x80000048  }
0xb5: {  	_ =	swait.ge [sflag:s29], $0x1  }
0xb6: {  	[sflag:s29] =	ssyncadd.s32 $0xFFFFFFFF  }
0xb7: {  	_ =	strace $0x90000048  }
0xb8: {  	_ =	sfence  }
0xb9: {  	s30 =	sld [smem:$0x0];
	_ =	sdelay $0x2  }
0xba: {  	s31 =	sshll.u32 s1, $0xD;
	s1 =	sshrl.u32 s1, $0x2  }
0xbb: {  	s3 =	sand.u32 $0x4000, s31;
	s1 =	sadd.s32 s1, s30  }
0xbc: {  	s0 =	sor.u32 s3, s0;
	s1 =	sshll.u32 s1, $0x11  }
0xbd: {  	s0 =	sor.u32 s1, s0  }
0xbe: {  	s0 =	sadd.s32 $0x8F2B, s0  }
0xbf: {  	[sflag:s0] =	ssyncadd.remote.s32 $0x1  }
0xc0: {  	_ =	sfence.sel $0xFFFF  }
0xc1: {  	[dreg:$0x0] =	wrdreg $0xFFFFFFFF;
	(pc) =	sbr.abs _section_cstart, $3  }
0xc2: {  	[dreg:$0x1] =	wrdreg $0xFFFFFFFF  }
0xc3: {  	_ =	task.clear_ibuf [dreg:s8], $0x2FFFF;
	_ =	strace $0x9FFFFFFF  }
0xc4: {  	(tm) =	ssettm $0x7FFFFFFF  }
0xc5: {  	_ =	shalt  }
tec
execute0_lowered:
.L_overlay_start_1:
0x0: {  	(tag) =	ssettag $0x1  }
0x1: {  	s3 =	rddreg [dreg:$0x0]  }
0x2: {  	s7 =	rddreg [dreg:$0x1]  }
0x3: {  	s8 =	rddreg [dreg:$0x2];
	s1 =	stileid.u32  }
0x4: {  	s0 =	rddreg [dreg:$0x3];
	s2 =	simm.s32 $0x0;
	s6 =	srdreg.scid  }
0x5: {  	s15 =	simm.s32 $0x4000;
	s16 =	simm.s32 $0x0;
	s4 =	sshrl.u32 s1, $0x2  }
0x6: {  	[smem:$0x7FF] =	sst s2;
	s6 =	sand.u32 $0x1, s6;
	s9 =	sadd.s32 $0x8000, s3  }
0x7: {  	s10 =	sshrl.u32 s1, $0x1;
	s12 =	sshll.u32 s1, $0x9;
	s5 =	sshll.u32 s4, $0x4  }
0x8: {  	_ =	strace $0x80000047;
	s26 =	ssub.s32 $0x2, s6;
	s10 =	sand.u32 $0x1, s10  }
0x9: {  	s11 =	sshll.u32 s4, $0x10;
	s6 =	sshll.u32 s6, $0x8;
	s12 =	sand.u32 $0x200, s12  }
0xa: {  	s30 =	sshll.u32 s4, $0x12;
	s5 =	sadd.s32 s5, s3;
	s13 =	sshll.u32 s10, $0xF  }
0xb: {  	s14 =	sshrl.u32 s26, $0x1;
	s6 =	sor.u32 s6, s12;
	s10 =	sshll.u32 s10, $0x11  }
0xc: {  	s12 =	simm.s32 $0x400;
	s11 =	sor.u32 s11, s13;
	s28 =	ssub.s32 s26, s14  }
0xd: {  	s3 =	sadd.s32 $0x2000, s5;
	s10 =	sor.u32 s30, s10;
	s31 =	sor.u32 $0x80, s6  }
0xe: {  	s13 =	simm.s32 $0x1;
	s14 =	simm.s32 $0x7000;
	s29 =	sor.u32 s6, s11  }
0xf: {  	s6 =	sor.u32 s6, s10;
	s11 =	sor.u32 s31, s11;
	s10 =	sor.u32 s31, s10  }
0x10: {  	s5 =	sshrl.u32 s29, $0x3;
	s6 =	sshrl.u32 s6, $0x3;
	s11 =	sshrl.u32 s11, $0x3  }
0x11: {  	s10 =	sshrl.u32 s10, $0x3;
	s4 =	sadd.s32 s7, s5;
	s5 =	sadd.s32 s8, s5  }
0x12: {  	s6 =	sadd.s32 s9, s6;
	s7 =	sadd.s32 s7, s11;
	s8 =	sadd.s32 s8, s11  }
0x13: {  	s9 =	sadd.s32 s9, s10;
	s10 =	smax.u32 s28, $0x1;
	s11 =	simm.s32 $0x80  }
.LBB2_1:
0x14: {  	[tilespmem:s2], [sflag:$0x1] =	stream.strided.gather [hbm4b:s3+s11], $0x3000, s12, s11, $0x38;
	[tilespmem:$0x8000] =	vst v63  }
0x15: {  	_ =	swait.ge [sflag:s13], $0x3000  }
0x16: {  	[sflag:s13] =	ssyncset.done $0x0  }
0x17: {  	s17 =	simm.s32 $0x3000;
	[sflag:s13] =	ssyncadd.s32 $0xFFFFD000  }
0x18: {  	[tilespmem:s17], [sflag:$0x1] =	stream.strided.gather [hbm4b:s4+s11], $0x1000, s12, s11, $0x38;
	[tilespmem:$0x8000] =	vst v63  }
0x19: {  	_ =	swait.ge [sflag:s13], $0x1000  }
0x1a: {  	[sflag:s13] =	ssyncset.done $0x0  }
0x1b: {  	[sflag:s13] =	ssyncadd.s32 $0xFFFFF000  }
0x1c: {  	[tilespmem:s14], [sflag:$0x1] =	stream.strided.gather [hbm4b:s5+s11], $0x1000, s12, s11, $0x38;
	[tilespmem:$0x8000] =	vst v63  }
0x1d: {  	_ =	swait.ge [sflag:s13], $0x1000  }
0x1e: {  	[sflag:s13] =	ssyncset.done $0x0  }
0x1f: {  	[sflag:s13] =	ssyncadd.s32 $0xFFFFF000  }
0x20: {  	v0 =	vld [tilespmem:s17+$0x0];
	_ =	sdelay $0x7  }
0x21: {  	v1 =	vld.idx.msk [tilespmem:v0+s2+$0x0], $0xffff  }
0x22: {  	v2 =	vadd.s32 $0x1000, v0;
	_ =	sdelay $0x3  }
0x23: {  	[tilespmem:s15+$0x0] =	vst v1  }
0x24: {  	v1 =	vld.idx.msk [tilespmem:v2+s2+$0x0], $0xffff  }
0x25: {  	v0 =	vadd.s32 $0x2000, v0;
	_ =	sdelay $0x2  }
0x26: {  	s20 =	sand.u32 $0xFF0, s2  }
0x27: {  	[tilespmem:s20+$0x5000] =	vst v1  }
0x28: {  	s18 =	simm.s32 $0x10;
	s19 =	simm.s32 $0x4000;
	v0 =	vld.idx.msk [tilespmem:v0+s2+$0x0], $0xffff  }
.LBB2_2:
0x29: {  	_ =	sdelay $0x3  }
0x2a: {  	p0 =	sne.s32 s18, $0xFF0;
	s17 =	sadd.s32 $0x10, s17;
	s19 =	sadd.s32 $0x10, s19;
	[tilespmem:s20+$0x6000] =	vst v0  }
0x2b: {  	s20 =	smov.u32 s18;
	s18 =	sadd.s32 $0x10, s18;
	v0 =	vld [tilespmem:s17+$0x0];
	_ =	sdelay $0x7  }
0x2c: {  	v1 =	vld.idx.msk [tilespmem:v0+s2+$0x0], $0xffff;
	_ =	sdelay $0x1  }
0x2d: {  	v2 =	vadd.s32 $0x1000, v0;
	_ =	sdelay $0x3  }
0x2e: {  	[tilespmem:s19+$0x0] =	vst v1  }
0x2f: {  	v1 =	vld.idx.msk [tilespmem:v2+s2+$0x0], $0xffff;
	_ =	sdelay $0x1  }
0x30: {  	v0 =	vadd.s32 $0x2000, v0  }
.Ltmp0:
0x31: {  	(pc) =	sbr.rel @p0 .LBB2_2-.Ltmp0, $4  }
0x32: {  	_ = 	snop  }
0x33: {  	s20 =	sand.u32 $0xFF0, s20  }
0x34: {  	[tilespmem:s20+$0x5000] =	vst v1  }
0x35: {  	v0 =	vld.idx.msk [tilespmem:v0+s2+$0x0], $0xffff  }
0x36: {  	_ =	sdelay $0x3  }
0x37: {  	s17 =	simm.s32 $0x4000;
	[tilespmem:s20+$0x6000] =	vst v0  }
0x38: {  	[hbm4b:s6+s11] =	stream.strided.scatter [tilespmem:s17], [sflag:$0x1], $0x4000, s12, s11, $0x38;
	[tilespmem:$0x8000] =	vst v63  }
0x39: {  	_ =	swait.ge [sflag:s13], $0x4000  }
0x3a: {  	[sflag:s13] =	ssyncset.done $0x0  }
0x3b: {  	s18 =	simm.s32 $0x3000;
	[sflag:s13] =	ssyncadd.s32 $0xFFFFC000  }
0x3c: {  	[tilespmem:s18], [sflag:$0x1] =	stream.strided.gather [hbm4b:s7+s11], $0x1000, s12, s11, $0x38;
	[tilespmem:$0x8000] =	vst v63  }
0x3d: {  	_ =	swait.ge [sflag:s13], $0x1000  }
0x3e: {  	[sflag:s13] =	ssyncset.done $0x0  }
0x3f: {  	[sflag:s13] =	ssyncadd.s32 $0xFFFFF000  }
0x40: {  	[tilespmem:s14], [sflag:$0x1] =	stream.strided.gather [hbm4b:s8+s11], $0x1000, s12, s11, $0x38;
	[tilespmem:$0x8000] =	vst v63  }
0x41: {  	_ =	swait.ge [sflag:s13], $0x1000  }
0x42: {  	[sflag:s13] =	ssyncset.done $0x0  }
0x43: {  	[sflag:s13] =	ssyncadd.s32 $0xFFFFF000  }
0x44: {  	v0 =	vld [tilespmem:s18+$0x0];
	_ =	sdelay $0x7  }
0x45: {  	v1 =	vld.idx.msk [tilespmem:v0+s2+$0x0], $0xffff  }
0x46: {  	v2 =	vadd.s32 $0x1000, v0;
	_ =	sdelay $0x3  }
0x47: {  	[tilespmem:s17+$0x0] =	vst v1  }
0x48: {  	v1 =	vld.idx.msk [tilespmem:v2+s2+$0x0], $0xffff  }
0x49: {  	v0 =	vadd.s32 $0x2000, v0;
	_ =	sdelay $0x1  }
0x4a: {  	s19 =	simm.s32 $0x0  }
0x4b: {  	s20 =	sand.u32 $0xFF0, s19  }
0x4c: {  	[tilespmem:s20+$0x5000] =	vst v1  }
0x4d: {  	s19 =	simm.s32 $0x10;
	v0 =	vld.idx.msk [tilespmem:v0+s2+$0x0], $0xffff  }
.LBB2_4:
0x4e: {  	_ =	sdelay $0x3  }
0x4f: {  	p0 =	sne.s32 s19, $0xFF0;
	s18 =	sadd.s32 $0x10, s18;
	s17 =	sadd.s32 $0x10, s17;
	[tilespmem:s20+$0x6000] =	vst v0  }
0x50: {  	s20 =	smov.u32 s19;
	s19 =	sadd.s32 $0x10, s19;
	v0 =	vld [tilespmem:s18+$0x0];
	_ =	sdelay $0x7  }
0x51: {  	v1 =	vld.idx.msk [tilespmem:v0+s2+$0x0], $0xffff;
	_ =	sdelay $0x1  }
0x52: {  	v2 =	vadd.s32 $0x1000, v0;
	_ =	sdelay $0x3  }
0x53: {  	[tilespmem:s17+$0x0] =	vst v1  }
0x54: {  	v1 =	vld.idx.msk [tilespmem:v2+s2+$0x0], $0xffff;
	_ =	sdelay $0x1  }
0x55: {  	v0 =	vadd.s32 $0x2000, v0  }
.Ltmp1:
0x56: {  	(pc) =	sbr.rel @p0 .LBB2_4-.Ltmp1, $4  }
0x57: {  	_ = 	snop  }
0x58: {  	s20 =	sand.u32 $0xFF0, s20  }
0x59: {  	[tilespmem:s20+$0x5000] =	vst v1  }
0x5a: {  	v0 =	vld.idx.msk [tilespmem:v0+s2+$0x0], $0xffff  }
0x5b: {  	_ =	sdelay $0x1  }
0x5c: {  	s16 =	sadd.s32 $0x1, s16  }
0x5d: {  	p0 =	sne.s32 s16, s10  }
.Ltmp2:
0x5e: {  	[tilespmem:s20+$0x6000] =	vst v0;
	(pc) =	sbr.rel @p0 .LBB2_1-.Ltmp2, $4  }
0x5f: {  	[hbm4b:s9+s11] =	stream.strided.scatter [tilespmem:s15], [sflag:$0x1], $0x4000, s12, s11, $0x38;
	[tilespmem:$0x8000] =	vst v63  }
0x60: {  	_ =	swait.ge [sflag:s13], $0x4000  }
0x61: {  	[sflag:s13] =	ssyncset.done $0x0  }
0x62: {  	[sflag:s13] =	ssyncadd.s32 $0xFFFFC000  }
0x63: {  	_ =	sfence.sel $0x180000  }
0x64: {  	[bflag:$0x0] =	sbarrier.arrive $0xFFFF  }
0x65: {  	p0 =	sne.s32 s1, $0x0;
	_ =	strace $0x90000047  }
0x66: {  	s0 =	sadd.s32 @!p0 $0x100000, s0;
	[bflag:$0x2] =	sbarrier.arrive $0xFFFF  }
0x67: {  	[sflag:s0] =	ssyncadd.tile.s32 @!p0 $0x1;
	_ =	shalt  }
.Lfunc_end2:
_tile_overlayer_lowered:
.L_overlay_start_2:
0x68: {  	(tag) =	ssettag $0x2  }
0x69: {  	s0 =	rddreg [dreg:$0x0];
	s2 =	stileid.u32  }
0x6a: {  	s1 =	rddreg [dreg:$0x1];
	p0 =	sne.s32 s2, $0x0  }
0x6b: {  	s3 =	rddreg [dreg:$0x2];
	[bflag:$0x3] =	sbarrier.arrive $0xFFFF;
	s2 =	simm.s32 @!p0 $0x1C01  }
0x6c: {  	[timem:s3], [sflag:s2] =	dma.local @!p0 [hbm:s0], s1  }
0x6d: {  	s0 =	simm.s32 @!p0 $0x1  }
0x6e: {  	_ =	swait.ge @!p0 [sflag:s0], s1  }
0x6f: {  	s1 =	ssub.s32 @!p0 $0x0, s1;
	[sflag:s0] =	ssyncset.done @!p0 $0x0  }
0x70: {  	[sflag:s0] =	ssyncadd.s32 @!p0 s1  }
0x71: {  	[bflag:$0x3] =	sbarrier.arrive $0xFFFF  }
0x72: {  	_ =	shalt  }

// kernel: kernel.14.cloned.1.call-start
scs
__scs_entry_jumppad:
0x0: {  	(pc) =	sbr.rel $0x88, $3  }
0x1: {  	(tag) =	ssettag $0x0;
	lr =	simm.s32 $0x1  }
0x2: {  	[smem:$0x3F9A] =	sst lr;
	_ =	strace $0xD0000000  }
0x3: {  	_ = 	snop  }
0x4: {  	_ = 	snop  }
0x5: {  	_ = 	snop  }
0x6: {  	_ = 	snop  }
0x7: {  	_ = 	snop  }
__scs_overlays_trampoline_lowered:
0x8: {  	[smem:$0x3FA9] =	sst s0  }
0x9: {  	[smem:$0x3FAA] =	sst s1  }
0xa: {  	[smem:$0x3FAB] =	sst s2  }
0xb: {  	[smem:$0x3FAC] =	sst s3  }
0xc: {  	[smem:$0x3FAD] =	sst s4  }
0xd: {  	[smem:$0x3FAE] =	sst s5  }
0xe: {  	[smem:$0x3FAF] =	sst s6  }
0xf: {  	[smem:$0x3FB0] =	sst s7  }
0x10: {  	[smem:$0x3FB1] =	sst s8  }
0x11: {  	[smem:$0x3FB2] =	sst s9;
	s0 =	simm.s32 @!p0 $0x0  }
0x12: {  	s1 =	sld [smem:$0x3F98];
	s0 =	simm.s32 @p0 $0x1  }
0x13: {  	[smem:$0x3FB3] =	sst s0;
	s0 =	simm.s32 @!p1 $0x0  }
0x14: {  	s2 =	sld [smem:$0x3F97];
	s0 =	simm.s32 @p1 $0x1  }
0x15: {  	[smem:$0x3FB4] =	sst s0;
	s0 =	simm.s32 @!p2 $0x0  }
0x16: {  	s3 =	sld [smem:$0x3FDB];
	s0 =	simm.s32 @p2 $0x1  }
0x17: {  	s4 =	simm.s32 $0x1BF5;
	[smem:$0x3FB6] =	sst s0  }
0x18: {  	s0 =	sld [smem:$0x3F99];
	_ =	swait.ge [sflag:s4], $0x0  }
0x19: {  	s7 =	sld [smem:$0x3F9A]  }
0x1a: {  	s8 =	sadd.s32 $0xFFFFE003, lr  }
0x1b: {  	s9 =	sadd.s32 $0xFFFFFEF7, lr;
	s5 =	simm.s32 $0xFFFFFFFF;
	p2 =	slt.u32 s8, $0xFFFFF086  }
0x1c: {  	p1 =	slt.u32 s9, $0xF7A;
	s5 =	simm.s32 @!p2 $0x0  }
0x1d: {  	s5 =	simm.s32 @p1 $0x1;
	p0 =	seq.s32 s7, s2  }
0x1e: {  	s7 =	smul.u32 @!p0 $0xF7A, s2;
	p2 =	seq.s32 @!p0 s5, $0x0  }
0x1f: {  	s9 =	smul.u32 $0xF7A, s1;
	s8 =	simm.s32 @!p0 $0x1BF5;
	p2 =	por !p2, p0  }
0x20: {  	[sflag:s8] =	ssyncset.s32 @!p0 $0xFFFFF086;
	s6 =	sadd.s32 @!p0 s3, s7;
	s7 =	simm.s32 @!p0 $0x108  }
0x21: {  	s3 =	sadd.s32 s3, s9;
	s6 =	sadd.s32 @!p0 $0x88, s6;
	s7 =	simm.s32 @p2 $0x1082  }
0x22: {  	[simem:s7], [sflag:s8] =	dma.local @!p0 [hbm:s6], $0xF7A  }
0x23: {  	s9 =	sor.u32 $0xD0000000, s2;
	s6 =	simm.s32 $0x108;
	_ =	swait.ge @!p0 [sflag:s8], $0x0  }
0x24: {  	s3 =	sadd.s32 $0x88, s3;
	s6 =	simm.s32 @!p1 $0x1082;
	[sflag:s4] =	ssyncset.s32 $0xFFFFF086  }
0x25: {  	[simem:s6], [sflag:s4] =	dma.local [hbm:s3], $0xF7A  }
0x26: {  	[smem:$0x3F9A] =	sst s1;
	(tag) =	ssettag s2;
	_ =	strace s9  }
0x27: {  	s1 =	sld [smem:$0x3FAA]  }
0x28: {  	s2 =	sld [smem:$0x3FAB]  }
0x29: {  	s4 =	sld [smem:$0x3FAD]  }
0x2a: {  	p0 =	seq.s32 s5, $0x0;
	s5 =	sld [smem:$0x3FAE]  }
0x2b: {  	s6 =	sld [smem:$0x3FAF]  }
0x2c: {  	s7 =	sld [smem:$0x3FB0]  }
0x2d: {  	s3 =	simm.s32 $0x108;
	s8 =	sld [smem:$0x3FB1]  }
0x2e: {  	s3 =	simm.s32 @!p0 $0x1082;
	s9 =	sld [smem:$0x3FB2]  }
0x2f: {  	lr =	sadd.s32 s0, s3;
	s0 =	sld [smem:$0x3FA9]  }
0x30: {  	s3 =	sld [smem:$0x3FAC]  }
0x31: {  	[smem:$0x3FB5] =	sst s10  }
0x32: {  	s10 =	sld [smem:$0x3FB3];
	_ =	sdelay $0x3  }
0x33: {  	p0 =	seq.s32 s10, $0x1;
	s10 =	sld [smem:$0x3FB5];
	_ =	sdelay $0x3  }
0x34: {  	[smem:$0x3FB5] =	sst s10  }
0x35: {  	s10 =	sld [smem:$0x3FB4];
	_ =	sdelay $0x3  }
0x36: {  	p1 =	seq.s32 s10, $0x1;
	s10 =	sld [smem:$0x3FB5];
	_ =	sdelay $0x3  }
0x37: {  	[smem:$0x3FB5] =	sst s10  }
0x38: {  	s10 =	sld [smem:$0x3FB6]  }
0x39: {  	_ = 	snop;
	(pc) =	sbr.ind lr, $3  }
0x3a: {  	_ = 	snop  }
0x3b: {  	_ = 	snop  }
0x3c: {  	p2 =	seq.s32 s10, $0x1;
	s10 =	sld [smem:$0x3FB5]  }
0x3d: {  	_ =	shalt  }
0x3e: {  	_ =	shalt  }
0x3f: {  	_ =	shalt  }
0x40: {  	_ =	shalt  }
0x41: {  	_ =	shalt  }
0x42: {  	_ =	shalt  }
0x43: {  	_ =	shalt  }
0x44: {  	_ =	shalt  }
0x45: {  	_ =	shalt  }
0x46: {  	_ =	shalt  }
0x47: {  	_ =	shalt  }
0x48: {  	_ =	shalt  }
0x49: {  	_ =	shalt  }
0x4a: {  	_ =	shalt  }
0x4b: {  	_ =	shalt  }
0x4c: {  	_ =	shalt  }
0x4d: {  	_ =	shalt  }
0x4e: {  	_ =	shalt  }
0x4f: {  	_ =	shalt  }
0x50: {  	_ =	shalt  }
0x51: {  	_ =	shalt  }
0x52: {  	_ =	shalt  }
0x53: {  	_ =	shalt  }
0x54: {  	_ =	shalt  }
0x55: {  	_ =	shalt  }
0x56: {  	_ =	shalt  }
0x57: {  	_ =	shalt  }
0x58: {  	_ =	shalt  }
0x59: {  	_ =	shalt  }
0x5a: {  	_ =	shalt  }
0x5b: {  	_ =	shalt  }
0x5c: {  	_ =	shalt  }
0x5d: {  	_ =	shalt  }
0x5e: {  	_ =	shalt  }
0x5f: {  	_ =	shalt  }
0x60: {  	_ =	shalt  }
0x61: {  	_ =	shalt  }
0x62: {  	_ =	shalt  }
0x63: {  	_ =	shalt  }
0x64: {  	_ =	shalt  }
0x65: {  	_ =	shalt  }
0x66: {  	_ =	shalt  }
0x67: {  	_ =	shalt  }
0x68: {  	_ =	shalt  }
0x69: {  	_ =	shalt  }
0x6a: {  	_ =	shalt  }
0x6b: {  	_ =	shalt  }
0x6c: {  	_ =	shalt  }
0x6d: {  	_ =	shalt  }
0x6e: {  	_ =	shalt  }
0x6f: {  	_ =	shalt  }
0x70: {  	_ =	shalt  }
0x71: {  	_ =	shalt  }
0x72: {  	_ =	shalt  }
0x73: {  	_ =	shalt  }
0x74: {  	_ =	shalt  }
0x75: {  	_ =	shalt  }
0x76: {  	_ =	shalt  }
0x77: {  	_ =	shalt  }
0x78: {  	_ =	shalt  }
0x79: {  	_ =	shalt  }
0x7a: {  	_ =	shalt  }
0x7b: {  	_ =	shalt  }
0x7c: {  	_ =	shalt  }
0x7d: {  	_ =	shalt  }
0x7e: {  	_ =	shalt  }
0x7f: {  	_ =	shalt  }
0x80: {  	_ =	shalt  }
0x81: {  	_ =	shalt  }
0x82: {  	_ =	shalt  }
0x83: {  	_ =	shalt  }
0x84: {  	_ =	shalt  }
0x85: {  	_ =	shalt  }
0x86: {  	_ =	shalt  }
0x87: {  	_ =	shalt  }
.Lfunc_end0:
.L_simem_size_0:
called_computation.1_lowered:
.L_overlay_start_0:
0x88: {  	s2 =	sld [smem:$0x3FD9]  }
0x89: {  	s3 =	sld [smem:$0x3FFE];
	_ =	sdelay $0x1  }
0x8a: {  	s1 =	srdreg.scid  }
0x8b: {  	s0 =	sand.u32 $0x1, s1  }
0x8c: {  	s17 =	sshll.u32 s0, $0xA;
	s2 =	sadd.s32 s3, s2  }
0x8d: {  	s2 =	sadd.s32 s2, s17  }
0x8e: {  	[smem:$0x3FC1] =	sst s2  }
0x8f: {  	_ = 	snop  }
0x90: {  	s18 =	sld [smem:$0x3FC8]  }
0x91: {  	s4 =	sld [smem:$0x3FC7];
	(tm) =	ssettm $0x1  }
0x92: {  	s19 =	sld [smem:$0x3FFB];
	_ =	sdelay $0x3  }
0x93: {  	_ =	strace s19  }
0x94: {  	s2 =	sld [smem:$0x3FFC];
	_ =	sdelay $0x3  }
0x95: {  	_ =	strace s2  }
0x96: {  	s2 =	sld [smem:$0x3FFD];
	_ =	sdelay $0x3  }
0x97: {  	_ =	strace s2  }
0x98: {  	_ =	strace $0x8FFFFFFF  }
0x99: {  	s20 =	sld [smem:$0x3FDB];
	_ =	sdelay $0x1  }
0x9a: {  	s5 =	simm.s32 $_scs_section_size  }
0x9b: {  	s6 =	simm.s32 $_size__tile_overlayer_lowered;
	s7 =	simm.s32 $_tile_overlayer_lowered  }
0x9c: {  	s8 =	simm.s32 $0x1BFF;
	s21 =	sshll.u32 s7, $0x1;
	s5 =	sadd.s32 s5, s20  }
0x9d: {  	s22 =	simm.s32 $0x0;
	s6 =	sshll.u32 s6, $0x1;
	s7 =	sadd.s32 s21, s5  }
0x9e: {  	[timem:s22], [sflag:s8] =	dma.local [hbm:s7], s6  }
0x9f: {  	_ =	swait.ge [sflag:s8], s6  }
0xa0: {  	s6 =	ssub.s32 $0x0, s6;
	[sflag:s8] =	ssyncset.done $0x0  }
0xa1: {  	[sflag:s8] =	ssyncadd.s32 s6;
	_ =	sdelay $0x1  }
0xa2: {  	s23 =	simm.s32 $0x1B8B  }
0xa3: {  	_ =	swait.ge [sflag:s23], $0x1  }
0xa4: {  	[sflag:s23] =	ssyncset.done $0x0  }
0xa5: {  	[sflag:s23] =	ssyncadd.s32 $0xFFFFFFFF  }
0xa6: {  	s6 =	sld [smem:$0x0]  }
0xa7: {  	s7 =	sand.u32 $0xFFFFFFFE, s1  }
0xa8: {  	p0 =	sne.s32 s1, s7  }
0xa9: {  	s7 =	sshll.u32 @p0 s7, $0xE  }
0xaa: {  	s7 =	sadd.s32 @p0 $0x11B8D, s7;
	s8 =	sshll.u32 @p0 s6, $0x11  }
0xab: {  	s7 =	sor.u32 @p0 s8, s7  }
0xac: {  	[sflag:s7] =	ssyncadd.remote.s32 @p0 $0x1;
	_ =	sdelay $0x1  }
0xad: {  	s7 =	simm.s32 @p0 $0x1B8D  }
0xae: {  	_ =	swait.eq @p0 [sflag:s7], $0x1  }
0xaf: {  	[sflag:s7] =	ssyncadd.s32 @p0 $0xFFFFFFFF  }
0xb0: {  	s8 =	sshll.u32 @!p0 s1, $0xE  }
0xb1: {  	s8 =	sor.u32 @!p0 $0x4000, s8;
	s7 =	simm.s32 @!p0 $0x1B8D  }
0xb2: {  	s6 =	sshll.u32 @!p0 s6, $0x11;
	s8 =	sadd.s32 @!p0 $0x11B8D, s8;
	_ =	swait.eq @!p0 [sflag:s7], $0x1  }
0xb3: {  	s6 =	sor.u32 @!p0 s6, s8;
	[sflag:s7] =	ssyncadd.s32 @!p0 $0xFFFFFFFF  }
0xb4: {  	s25 =	simm.s32 $0x1B8E;
	s24 =	sld [smem:$0x3FFE];
	[sflag:s6] =	ssyncadd.remote.s32 @!p0 $0x1  }
0xb5: {  	s26 =	simm.s32 $execute0_lowered;
	[smem:$0x3FD2] =	sst s25  }
0xb6: {  	s7 =	sshll.u32 s26, $0x1;
	_ =	strace $0x80000049;
	[dreg:$0x1] =	wrdreg $0xFFFFFFFF  }
0xb7: {  	s28 =	simm.s32 $_size_execute0_lowered;
	s5 =	sadd.s32 s5, s7;
	[dreg:$0x0] =	wrdreg $0x0  }
0xb8: {  	s7 =	sshll.u32 s28, $0x1;
	[dreg:$0x2] =	wrdreg s5  }
0xb9: {  	[dreg:$0x3] =	wrdreg s7  }
0xba: {  	[dreg:$0x4] =	wrdreg $0xC0  }
0xbb: {  	_ =	task [dreg:s22], $0x5FFFF  }
0xbc: {  	[dreg:$0x1] =	wrdreg $0xFFFFFFFF  }
0xbd: {  	[dreg:$0x0] =	wrdreg $0x60  }
0xbe: {  	[dreg:$0x2] =	wrdreg s24  }
0xbf: {  	[dreg:$0x3] =	wrdreg s18  }
0xc0: {  	[dreg:$0x4] =	wrdreg s4  }
0xc1: {  	[dreg:$0x5] =	wrdreg $0xA  }
0xc2: {  	_ =	task.clear_ibuf [dreg:s22], $0x6FFFF;
	_ =	strace $0x90000049  }
0xc3: {  	s29 =	simm.s32 $0xA;
	_ =	strace $0x8000004B  }
0xc4: {  	_ =	swait.ge [sflag:s29], $0x1  }
0xc5: {  	[sflag:s29] =	ssyncadd.s32 $0xFFFFFFFF  }
0xc6: {  	_ =	strace $0x9000004B  }
0xc7: {  	_ =	sfence  }
0xc8: {  	s30 =	sld [smem:$0x0];
	_ =	sdelay $0x2  }
0xc9: {  	s31 =	sshll.u32 s1, $0xD;
	s1 =	sshrl.u32 s1, $0x2  }
0xca: {  	s4 =	sand.u32 $0x4000, s31;
	s1 =	sadd.s32 s1, s30  }
0xcb: {  	s0 =	sor.u32 s4, s0;
	s1 =	sshll.u32 s1, $0x11  }
0xcc: {  	s0 =	sor.u32 s1, s0  }
0xcd: {  	s0 =	sadd.s32 $0x8F2B, s0  }
0xce: {  	[sflag:s0] =	ssyncadd.remote.s32 $0x1  }
0xcf: {  	_ =	sfence.sel $0xFFFF  }
0xd0: {  	[dreg:$0x0] =	wrdreg $0xFFFFFFFF;
	(pc) =	sbr.abs _section_cstart, $3  }
0xd1: {  	[dreg:$0x1] =	wrdreg $0xFFFFFFFF  }
0xd2: {  	_ =	task.clear_ibuf [dreg:s22], $0x2FFFF;
	_ =	strace $0x9FFFFFFF  }
0xd3: {  	(tm) =	ssettm $0x7FFFFFFF  }
tec
execute0_lowered:
.L_overlay_start_1:
0x0: {  	(tag) =	ssettag $0x1  }
0x1: {  	s3 =	rddreg [dreg:$0x0]  }
0x2: {  	s7 =	rddreg [dreg:$0x1]  }
0x3: {  	s8 =	rddreg [dreg:$0x2]  }
0x4: {  	s0 =	stileid.u32;
	s1 =	rddreg [dreg:$0x3]  }
0x5: {  	s2 =	simm.s32 $0x0;
	s9 =	srdreg.scid;
	s15 =	simm.s32 $0x4000  }
0x6: {  	s16 =	simm.s32 $0x0;
	s4 =	sshrl.u32 s0, $0x2;
	[smem:$0x7FF] =	sst s2  }
0x7: {  	s9 =	sand.u32 $0x1, s9;
	s10 =	sadd.s32 $0x28000, s3;
	s11 =	sshrl.u32 s0, $0x1  }
0x8: {  	s12 =	sshll.u32 s0, $0x9;
	s5 =	sor.u32 $0x4, s4;
	_ =	strace $0x8000004A  }
0x9: {  	s25 =	ssub.s32 $0x2, s9;
	s11 =	sand.u32 $0x1, s11;
	s9 =	sshll.u32 s9, $0x8  }
0xa: {  	s12 =	sand.u32 $0x200, s12;
	s29 =	sshll.u32 s4, $0x12;
	s6 =	sshll.u32 s5, $0x4  }
0xb: {  	s5 =	sshll.u32 s5, $0x10;
	s13 =	sshll.u32 s11, $0xF;
	s14 =	sshrl.u32 s25, $0x1  }
0xc: {  	s9 =	sor.u32 s9, s12;
	s11 =	sshll.u32 s11, $0x11;
	s6 =	sadd.s32 s6, s3  }
0xd: {  	s26 =	sor.u32 s13, s5;
	s28 =	ssub.s32 s25, s14;
	s30 =	sor.u32 $0x80, s9  }
0xe: {  	s13 =	simm.s32 $0x1;
	s14 =	simm.s32 $0x7000;
	s3 =	sadd.s32 $0x2000, s6  }
0xf: {  	s5 =	sor.u32 s9, s26;
	s6 =	sor.u32 s29, s11;
	s12 =	sor.u32 s30, s26  }
0x10: {  	s5 =	sshrl.u32 s5, $0x3;
	s9 =	sor.u32 s9, s6;
	s12 =	sshrl.u32 s12, $0x3  }
0x11: {  	s11 =	sor.u32 s30, s6;
	s4 =	sadd.s32 s7, s5;
	s5 =	sadd.s32 s8, s5  }
0x12: {  	s9 =	sshrl.u32 s9, $0x3;
	s7 =	sadd.s32 s7, s12;
	s31 =	sshrl.u32 s11, $0x3  }
0x13: {  	s8 =	sadd.s32 s8, s12;
	s11 =	simm.s32 $0x80;
	s12 =	simm.s32 $0x400  }
0x14: {  	s6 =	sadd.s32 s10, s9;
	s9 =	sadd.s32 s10, s31;
	s10 =	smax.u32 s28, $0x1  }
.LBB2_1:
0x15: {  	[tilespmem:s2], [sflag:$0x1] =	stream.strided.gather [hbm4b:s3+s11], $0x3000, s12, s11, $0x38;
	[tilespmem:$0x8000] =	vst v63  }
0x16: {  	_ =	swait.ge [sflag:s13], $0x3000  }
0x17: {  	[sflag:s13] =	ssyncset.done $0x0  }
0x18: {  	s17 =	simm.s32 $0x3000;
	[sflag:s13] =	ssyncadd.s32 $0xFFFFD000  }
0x19: {  	[tilespmem:s17], [sflag:$0x1] =	stream.strided.gather [hbm4b:s4+s11], $0x1000, s12, s11, $0x38;
	[tilespmem:$0x8000] =	vst v63  }
0x1a: {  	_ =	swait.ge [sflag:s13], $0x1000  }
0x1b: {  	[sflag:s13] =	ssyncset.done $0x0  }
0x1c: {  	[sflag:s13] =	ssyncadd.s32 $0xFFFFF000  }
0x1d: {  	[tilespmem:s14], [sflag:$0x1] =	stream.strided.gather [hbm4b:s5+s11], $0x1000, s12, s11, $0x38;
	[tilespmem:$0x8000] =	vst v63  }
0x1e: {  	_ =	swait.ge [sflag:s13], $0x1000  }
0x1f: {  	[sflag:s13] =	ssyncset.done $0x0  }
0x20: {  	[sflag:s13] =	ssyncadd.s32 $0xFFFFF000  }
0x21: {  	v0 =	vld [tilespmem:s17+$0x0];
	_ =	sdelay $0x7  }
0x22: {  	v1 =	vld.idx.msk [tilespmem:v0+s2+$0x0], $0xffff  }
0x23: {  	v2 =	vadd.s32 $0x1000, v0;
	_ =	sdelay $0x3  }
0x24: {  	[tilespmem:s15+$0x0] =	vst v1  }
0x25: {  	v1 =	vld.idx.msk [tilespmem:v2+s2+$0x0], $0xffff  }
0x26: {  	v0 =	vadd.s32 $0x2000, v0;
	_ =	sdelay $0x2  }
0x27: {  	s20 =	sand.u32 $0xFF0, s2  }
0x28: {  	[tilespmem:s20+$0x5000] =	vst v1  }
0x29: {  	s18 =	simm.s32 $0x10;
	s19 =	simm.s32 $0x4000;
	v0 =	vld.idx.msk [tilespmem:v0+s2+$0x0], $0xffff  }
.LBB2_2:
0x2a: {  	_ =	sdelay $0x3  }
0x2b: {  	p0 =	sne.s32 s18, $0xFF0;
	s17 =	sadd.s32 $0x10, s17;
	s19 =	sadd.s32 $0x10, s19;
	[tilespmem:s20+$0x6000] =	vst v0  }
0x2c: {  	s20 =	smov.u32 s18;
	s18 =	sadd.s32 $0x10, s18;
	v0 =	vld [tilespmem:s17+$0x0];
	_ =	sdelay $0x7  }
0x2d: {  	v1 =	vld.idx.msk [tilespmem:v0+s2+$0x0], $0xffff;
	_ =	sdelay $0x1  }
0x2e: {  	v2 =	vadd.s32 $0x1000, v0;
	_ =	sdelay $0x3  }
0x2f: {  	[tilespmem:s19+$0x0] =	vst v1  }
0x30: {  	v1 =	vld.idx.msk [tilespmem:v2+s2+$0x0], $0xffff;
	_ =	sdelay $0x1  }
0x31: {  	v0 =	vadd.s32 $0x2000, v0  }
.Ltmp0:
0x32: {  	(pc) =	sbr.rel @p0 .LBB2_2-.Ltmp0, $4  }
0x33: {  	_ = 	snop  }
0x34: {  	s20 =	sand.u32 $0xFF0, s20  }
0x35: {  	[tilespmem:s20+$0x5000] =	vst v1  }
0x36: {  	v0 =	vld.idx.msk [tilespmem:v0+s2+$0x0], $0xffff  }
0x37: {  	_ =	sdelay $0x3  }
0x38: {  	s17 =	simm.s32 $0x4000;
	[tilespmem:s20+$0x6000] =	vst v0  }
0x39: {  	[hbm4b:s6+s11] =	stream.strided.scatter [tilespmem:s17], [sflag:$0x1], $0x4000, s12, s11, $0x38;
	[tilespmem:$0x8000] =	vst v63  }
0x3a: {  	_ =	swait.ge [sflag:s13], $0x4000  }
0x3b: {  	[sflag:s13] =	ssyncset.done $0x0  }
0x3c: {  	s18 =	simm.s32 $0x3000;
	[sflag:s13] =	ssyncadd.s32 $0xFFFFC000  }
0x3d: {  	[tilespmem:s18], [sflag:$0x1] =	stream.strided.gather [hbm4b:s7+s11], $0x1000, s12, s11, $0x38;
	[tilespmem:$0x8000] =	vst v63  }
0x3e: {  	_ =	swait.ge [sflag:s13], $0x1000  }
0x3f: {  	[sflag:s13] =	ssyncset.done $0x0  }
0x40: {  	[sflag:s13] =	ssyncadd.s32 $0xFFFFF000  }
0x41: {  	[tilespmem:s14], [sflag:$0x1] =	stream.strided.gather [hbm4b:s8+s11], $0x1000, s12, s11, $0x38;
	[tilespmem:$0x8000] =	vst v63  }
0x42: {  	_ =	swait.ge [sflag:s13], $0x1000  }
0x43: {  	[sflag:s13] =	ssyncset.done $0x0  }
0x44: {  	[sflag:s13] =	ssyncadd.s32 $0xFFFFF000  }
0x45: {  	v0 =	vld [tilespmem:s18+$0x0];
	_ =	sdelay $0x7  }
0x46: {  	v1 =	vld.idx.msk [tilespmem:v0+s2+$0x0], $0xffff  }
0x47: {  	v2 =	vadd.s32 $0x1000, v0;
	_ =	sdelay $0x3  }
0x48: {  	[tilespmem:s17+$0x0] =	vst v1  }
0x49: {  	v1 =	vld.idx.msk [tilespmem:v2+s2+$0x0], $0xffff  }
0x4a: {  	v0 =	vadd.s32 $0x2000, v0;
	_ =	sdelay $0x1  }
0x4b: {  	s19 =	simm.s32 $0x0  }
0x4c: {  	s20 =	sand.u32 $0xFF0, s19  }
0x4d: {  	[tilespmem:s20+$0x5000] =	vst v1  }
0x4e: {  	s19 =	simm.s32 $0x10;
	v0 =	vld.idx.msk [tilespmem:v0+s2+$0x0], $0xffff  }
.LBB2_4:
0x4f: {  	_ =	sdelay $0x3  }
0x50: {  	p0 =	sne.s32 s19, $0xFF0;
	s18 =	sadd.s32 $0x10, s18;
	s17 =	sadd.s32 $0x10, s17;
	[tilespmem:s20+$0x6000] =	vst v0  }
0x51: {  	s20 =	smov.u32 s19;
	s19 =	sadd.s32 $0x10, s19;
	v0 =	vld [tilespmem:s18+$0x0];
	_ =	sdelay $0x7  }
0x52: {  	v1 =	vld.idx.msk [tilespmem:v0+s2+$0x0], $0xffff;
	_ =	sdelay $0x1  }
0x53: {  	v2 =	vadd.s32 $0x1000, v0;
	_ =	sdelay $0x3  }
0x54: {  	[tilespmem:s17+$0x0] =	vst v1  }
0x55: {  	v1 =	vld.idx.msk [tilespmem:v2+s2+$0x0], $0xffff;
	_ =	sdelay $0x1  }
0x56: {  	v0 =	vadd.s32 $0x2000, v0  }
.Ltmp1:
0x57: {  	(pc) =	sbr.rel @p0 .LBB2_4-.Ltmp1, $4  }
0x58: {  	_ = 	snop  }
0x59: {  	s20 =	sand.u32 $0xFF0, s20  }
0x5a: {  	[tilespmem:s20+$0x5000] =	vst v1  }
0x5b: {  	v0 =	vld.idx.msk [tilespmem:v0+s2+$0x0], $0xffff  }
0x5c: {  	_ =	sdelay $0x1  }
0x5d: {  	s16 =	sadd.s32 $0x1, s16  }
0x5e: {  	p0 =	sne.s32 s16, s10  }
.Ltmp2:
0x5f: {  	[tilespmem:s20+$0x6000] =	vst v0;
	(pc) =	sbr.rel @p0 .LBB2_1-.Ltmp2, $4  }
0x60: {  	[hbm4b:s9+s11] =	stream.strided.scatter [tilespmem:s15], [sflag:$0x1], $0x4000, s12, s11, $0x38;
	[tilespmem:$0x8000] =	vst v63  }
0x61: {  	_ =	swait.ge [sflag:s13], $0x4000  }
0x62: {  	[sflag:s13] =	ssyncset.done $0x0  }
0x63: {  	[sflag:s13] =	ssyncadd.s32 $0xFFFFC000  }
0x64: {  	_ =	sfence.sel $0x180000  }
0x65: {  	[bflag:$0x0] =	sbarrier.arrive $0xFFFF  }
0x66: {  	p0 =	sne.s32 s0, $0x0;
	_ =	strace $0x9000004A  }
0x67: {  	s0 =	sadd.s32 @!p0 $0x100000, s1;
	[bflag:$0x2] =	sbarrier.arrive $0xFFFF  }
0x68: {  	[sflag:s0] =	ssyncadd.tile.s32 @!p0 $0x1;
	_ =	shalt  }
.Lfunc_end2:
_tile_overlayer_lowered:
.L_overlay_start_2:
0x69: {  	(tag) =	ssettag $0x2  }
0x6a: {  	s0 =	rddreg [dreg:$0x0];
	s2 =	stileid.u32  }
0x6b: {  	s1 =	rddreg [dreg:$0x1];
	p0 =	sne.s32 s2, $0x0  }
0x6c: {  	s3 =	rddreg [dreg:$0x2];
	[bflag:$0x3] =	sbarrier.arrive $0xFFFF;
	s2 =	simm.s32 @!p0 $0x1C01  }
0x6d: {  	[timem:s3], [sflag:s2] =	dma.local @!p0 [hbm:s0], s1  }
0x6e: {  	s0 =	simm.s32 @!p0 $0x1  }
0x6f: {  	_ =	swait.ge @!p0 [sflag:s0], s1  }
0x70: {  	s1 =	ssub.s32 @!p0 $0x0, s1;
	[sflag:s0] =	ssyncset.done @!p0 $0x0  }
0x71: {  	[sflag:s0] =	ssyncadd.s32 @!p0 s1  }
0x72: {  	[bflag:$0x3] =	sbarrier.arrive $0xFFFF  }
0x73: {  	_ =	shalt  }

// kernel: kernel.17.cloned.1.call-start
scs
__scs_entry_jumppad:
0x0: {  	(pc) =	sbr.rel $0x88, $3  }
0x1: {  	(tag) =	ssettag $0x0;
	lr =	simm.s32 $0x1  }
0x2: {  	[smem:$0x3F9A] =	sst lr;
	_ =	strace $0xD0000000  }
0x3: {  	_ = 	snop  }
0x4: {  	_ = 	snop  }
0x5: {  	_ = 	snop  }
0x6: {  	_ = 	snop  }
0x7: {  	_ = 	snop  }
__scs_overlays_trampoline_lowered:
0x8: {  	[smem:$0x3FA9] =	sst s0  }
0x9: {  	[smem:$0x3FAA] =	sst s1  }
0xa: {  	[smem:$0x3FAB] =	sst s2  }
0xb: {  	[smem:$0x3FAC] =	sst s3  }
0xc: {  	[smem:$0x3FAD] =	sst s4  }
0xd: {  	[smem:$0x3FAE] =	sst s5  }
0xe: {  	[smem:$0x3FAF] =	sst s6  }
0xf: {  	[smem:$0x3FB0] =	sst s7  }
0x10: {  	[smem:$0x3FB1] =	sst s8  }
0x11: {  	[smem:$0x3FB2] =	sst s9;
	s0 =	simm.s32 @!p0 $0x0  }
0x12: {  	s1 =	sld [smem:$0x3F98];
	s0 =	simm.s32 @p0 $0x1  }
0x13: {  	[smem:$0x3FB3] =	sst s0;
	s0 =	simm.s32 @!p1 $0x0  }
0x14: {  	s2 =	sld [smem:$0x3F97];
	s0 =	simm.s32 @p1 $0x1  }
0x15: {  	[smem:$0x3FB4] =	sst s0;
	s0 =	simm.s32 @!p2 $0x0  }
0x16: {  	s3 =	sld [smem:$0x3FDB];
	s0 =	simm.s32 @p2 $0x1  }
0x17: {  	s4 =	simm.s32 $0x1BF5;
	[smem:$0x3FB6] =	sst s0  }
0x18: {  	s0 =	sld [smem:$0x3F99];
	_ =	swait.ge [sflag:s4], $0x0  }
0x19: {  	s7 =	sld [smem:$0x3F9A]  }
0x1a: {  	s8 =	sadd.s32 $0xFFFFE003, lr  }
0x1b: {  	s9 =	sadd.s32 $0xFFFFFEF7, lr;
	s5 =	simm.s32 $0xFFFFFFFF;
	p2 =	slt.u32 s8, $0xFFFFF086  }
0x1c: {  	p1 =	slt.u32 s9, $0xF7A;
	s5 =	simm.s32 @!p2 $0x0  }
0x1d: {  	s5 =	simm.s32 @p1 $0x1;
	p0 =	seq.s32 s7, s2  }
0x1e: {  	s7 =	smul.u32 @!p0 $0xF7A, s2;
	p2 =	seq.s32 @!p0 s5, $0x0  }
0x1f: {  	s9 =	smul.u32 $0xF7A, s1;
	s8 =	simm.s32 @!p0 $0x1BF5;
	p2 =	por !p2, p0  }
0x20: {  	[sflag:s8] =	ssyncset.s32 @!p0 $0xFFFFF086;
	s6 =	sadd.s32 @!p0 s3, s7;
	s7 =	simm.s32 @!p0 $0x108  }
0x21: {  	s3 =	sadd.s32 s3, s9;
	s6 =	sadd.s32 @!p0 $0x88, s6;
	s7 =	simm.s32 @p2 $0x1082  }
0x22: {  	[simem:s7], [sflag:s8] =	dma.local @!p0 [hbm:s6], $0xF7A  }
0x23: {  	s9 =	sor.u32 $0xD0000000, s2;
	s6 =	simm.s32 $0x108;
	_ =	swait.ge @!p0 [sflag:s8], $0x0  }
0x24: {  	s3 =	sadd.s32 $0x88, s3;
	s6 =	simm.s32 @!p1 $0x1082;
	[sflag:s4] =	ssyncset.s32 $0xFFFFF086  }
0x25: {  	[simem:s6], [sflag:s4] =	dma.local [hbm:s3], $0xF7A  }
0x26: {  	[smem:$0x3F9A] =	sst s1;
	(tag) =	ssettag s2;
	_ =	strace s9  }
0x27: {  	s1 =	sld [smem:$0x3FAA]  }
0x28: {  	s2 =	sld [smem:$0x3FAB]  }
0x29: {  	s4 =	sld [smem:$0x3FAD]  }
0x2a: {  	p0 =	seq.s32 s5, $0x0;
	s5 =	sld [smem:$0x3FAE]  }
0x2b: {  	s6 =	sld [smem:$0x3FAF]  }
0x2c: {  	s7 =	sld [smem:$0x3FB0]  }
0x2d: {  	s3 =	simm.s32 $0x108;
	s8 =	sld [smem:$0x3FB1]  }
0x2e: {  	s3 =	simm.s32 @!p0 $0x1082;
	s9 =	sld [smem:$0x3FB2]  }
0x2f: {  	lr =	sadd.s32 s0, s3;
	s0 =	sld [smem:$0x3FA9]  }
0x30: {  	s3 =	sld [smem:$0x3FAC]  }
0x31: {  	[smem:$0x3FB5] =	sst s10  }
0x32: {  	s10 =	sld [smem:$0x3FB3];
	_ =	sdelay $0x3  }
0x33: {  	p0 =	seq.s32 s10, $0x1;
	s10 =	sld [smem:$0x3FB5];
	_ =	sdelay $0x3  }
0x34: {  	[smem:$0x3FB5] =	sst s10  }
0x35: {  	s10 =	sld [smem:$0x3FB4];
	_ =	sdelay $0x3  }
0x36: {  	p1 =	seq.s32 s10, $0x1;
	s10 =	sld [smem:$0x3FB5];
	_ =	sdelay $0x3  }
0x37: {  	[smem:$0x3FB5] =	sst s10  }
0x38: {  	s10 =	sld [smem:$0x3FB6]  }
0x39: {  	_ = 	snop;
	(pc) =	sbr.ind lr, $3  }
0x3a: {  	_ = 	snop  }
0x3b: {  	_ = 	snop  }
0x3c: {  	p2 =	seq.s32 s10, $0x1;
	s10 =	sld [smem:$0x3FB5]  }
0x3d: {  	_ =	shalt  }
0x3e: {  	_ =	shalt  }
0x3f: {  	_ =	shalt  }
0x40: {  	_ =	shalt  }
0x41: {  	_ =	shalt  }
0x42: {  	_ =	shalt  }
0x43: {  	_ =	shalt  }
0x44: {  	_ =	shalt  }
0x45: {  	_ =	shalt  }
0x46: {  	_ =	shalt  }
0x47: {  	_ =	shalt  }
0x48: {  	_ =	shalt  }
0x49: {  	_ =	shalt  }
0x4a: {  	_ =	shalt  }
0x4b: {  	_ =	shalt  }
0x4c: {  	_ =	shalt  }
0x4d: {  	_ =	shalt  }
0x4e: {  	_ =	shalt  }
0x4f: {  	_ =	shalt  }
0x50: {  	_ =	shalt  }
0x51: {  	_ =	shalt  }
0x52: {  	_ =	shalt  }
0x53: {  	_ =	shalt  }
0x54: {  	_ =	shalt  }
0x55: {  	_ =	shalt  }
0x56: {  	_ =	shalt  }
0x57: {  	_ =	shalt  }
0x58: {  	_ =	shalt  }
0x59: {  	_ =	shalt  }
0x5a: {  	_ =	shalt  }
0x5b: {  	_ =	shalt  }
0x5c: {  	_ =	shalt  }
0x5d: {  	_ =	shalt  }
0x5e: {  	_ =	shalt  }
0x5f: {  	_ =	shalt  }
0x60: {  	_ =	shalt  }
0x61: {  	_ =	shalt  }
0x62: {  	_ =	shalt  }
0x63: {  	_ =	shalt  }
0x64: {  	_ =	shalt  }
0x65: {  	_ =	shalt  }
0x66: {  	_ =	shalt  }
0x67: {  	_ =	shalt  }
0x68: {  	_ =	shalt  }
0x69: {  	_ =	shalt  }
0x6a: {  	_ =	shalt  }
0x6b: {  	_ =	shalt  }
0x6c: {  	_ =	shalt  }
0x6d: {  	_ =	shalt  }
0x6e: {  	_ =	shalt  }
0x6f: {  	_ =	shalt  }
0x70: {  	_ =	shalt  }
0x71: {  	_ =	shalt  }
0x72: {  	_ =	shalt  }
0x73: {  	_ =	shalt  }
0x74: {  	_ =	shalt  }
0x75: {  	_ =	shalt  }
0x76: {  	_ =	shalt  }
0x77: {  	_ =	shalt  }
0x78: {  	_ =	shalt  }
0x79: {  	_ =	shalt  }
0x7a: {  	_ =	shalt  }
0x7b: {  	_ =	shalt  }
0x7c: {  	_ =	shalt  }
0x7d: {  	_ =	shalt  }
0x7e: {  	_ =	shalt  }
0x7f: {  	_ =	shalt  }
0x80: {  	_ =	shalt  }
0x81: {  	_ =	shalt  }
0x82: {  	_ =	shalt  }
0x83: {  	_ =	shalt  }
0x84: {  	_ =	shalt  }
0x85: {  	_ =	shalt  }
0x86: {  	_ =	shalt  }
0x87: {  	_ =	shalt  }
.Lfunc_end0:
.L_simem_size_0:
called_computation.2_lowered:
.L_overlay_start_0:
0x88: {  	s2 =	sld [smem:$0x3FD9]  }
0x89: {  	s3 =	sld [smem:$0x3FFE];
	_ =	sdelay $0x1  }
0x8a: {  	s1 =	srdreg.scid  }
0x8b: {  	s0 =	sand.u32 $0x1, s1  }
0x8c: {  	s17 =	sshll.u32 s0, $0xA;
	s2 =	sadd.s32 s3, s2  }
0x8d: {  	s2 =	sadd.s32 s2, s17  }
0x8e: {  	[smem:$0x3FC1] =	sst s2  }
0x8f: {  	_ = 	snop  }
0x90: {  	s18 =	sld [smem:$0x3FC8]  }
0x91: {  	s4 =	sld [smem:$0x3FC7];
	(tm) =	ssettm $0x1  }
0x92: {  	s19 =	sld [smem:$0x3FFB];
	_ =	sdelay $0x3  }
0x93: {  	_ =	strace s19  }
0x94: {  	s2 =	sld [smem:$0x3FFC];
	_ =	sdelay $0x3  }
0x95: {  	_ =	strace s2  }
0x96: {  	s2 =	sld [smem:$0x3FFD];
	_ =	sdelay $0x3  }
0x97: {  	_ =	strace s2  }
0x98: {  	_ =	strace $0x8FFFFFFF  }
0x99: {  	s20 =	sld [smem:$0x3FDB];
	_ =	sdelay $0x1  }
0x9a: {  	s5 =	simm.s32 $_scs_section_size  }
0x9b: {  	s6 =	simm.s32 $_size__tile_overlayer_lowered;
	s7 =	simm.s32 $_tile_overlayer_lowered  }
0x9c: {  	s8 =	simm.s32 $0x1BFF;
	s21 =	sshll.u32 s7, $0x1;
	s5 =	sadd.s32 s5, s20  }
0x9d: {  	s22 =	simm.s32 $0x0;
	s6 =	sshll.u32 s6, $0x1;
	s7 =	sadd.s32 s21, s5  }
0x9e: {  	[timem:s22], [sflag:s8] =	dma.local [hbm:s7], s6  }
0x9f: {  	_ =	swait.ge [sflag:s8], s6  }
0xa0: {  	s6 =	ssub.s32 $0x0, s6;
	[sflag:s8] =	ssyncset.done $0x0  }
0xa1: {  	[sflag:s8] =	ssyncadd.s32 s6;
	_ =	sdelay $0x1  }
0xa2: {  	s23 =	simm.s32 $0x1B8B  }
0xa3: {  	_ =	swait.ge [sflag:s23], $0x1  }
0xa4: {  	[sflag:s23] =	ssyncset.done $0x0  }
0xa5: {  	[sflag:s23] =	ssyncadd.s32 $0xFFFFFFFF  }
0xa6: {  	s6 =	sld [smem:$0x0]  }
0xa7: {  	s7 =	sand.u32 $0xFFFFFFFE, s1  }
0xa8: {  	p0 =	sne.s32 s1, s7  }
0xa9: {  	s7 =	sshll.u32 @p0 s7, $0xE  }
0xaa: {  	s7 =	sadd.s32 @p0 $0x11B8D, s7;
	s8 =	sshll.u32 @p0 s6, $0x11  }
0xab: {  	s7 =	sor.u32 @p0 s8, s7  }
0xac: {  	[sflag:s7] =	ssyncadd.remote.s32 @p0 $0x1;
	_ =	sdelay $0x1  }
0xad: {  	s7 =	simm.s32 @p0 $0x1B8D  }
0xae: {  	_ =	swait.eq @p0 [sflag:s7], $0x1  }
0xaf: {  	[sflag:s7] =	ssyncadd.s32 @p0 $0xFFFFFFFF  }
0xb0: {  	s8 =	sshll.u32 @!p0 s1, $0xE  }
0xb1: {  	s8 =	sor.u32 @!p0 $0x4000, s8;
	s7 =	simm.s32 @!p0 $0x1B8D  }
0xb2: {  	s6 =	sshll.u32 @!p0 s6, $0x11;
	s8 =	sadd.s32 @!p0 $0x11B8D, s8;
	_ =	swait.eq @!p0 [sflag:s7], $0x1  }
0xb3: {  	s6 =	sor.u32 @!p0 s6, s8;
	[sflag:s7] =	ssyncadd.s32 @!p0 $0xFFFFFFFF  }
0xb4: {  	s25 =	simm.s32 $0x1B8E;
	s24 =	sld [smem:$0x3FFE];
	[sflag:s6] =	ssyncadd.remote.s32 @!p0 $0x1  }
0xb5: {  	s26 =	simm.s32 $execute0_lowered;
	[smem:$0x3FD2] =	sst s25  }
0xb6: {  	s7 =	sshll.u32 s26, $0x1;
	_ =	strace $0x8000004C;
	[dreg:$0x1] =	wrdreg $0xFFFFFFFF  }
0xb7: {  	s28 =	simm.s32 $_size_execute0_lowered;
	s5 =	sadd.s32 s5, s7;
	[dreg:$0x0] =	wrdreg $0x0  }
0xb8: {  	s7 =	sshll.u32 s28, $0x1;
	[dreg:$0x2] =	wrdreg s5  }
0xb9: {  	[dreg:$0x3] =	wrdreg s7  }
0xba: {  	[dreg:$0x4] =	wrdreg $0xC0  }
0xbb: {  	_ =	task [dreg:s22], $0x5FFFF  }
0xbc: {  	[dreg:$0x1] =	wrdreg $0xFFFFFFFF  }
0xbd: {  	[dreg:$0x0] =	wrdreg $0x60  }
0xbe: {  	[dreg:$0x2] =	wrdreg s24  }
0xbf: {  	[dreg:$0x3] =	wrdreg s18  }
0xc0: {  	[dreg:$0x4] =	wrdreg s4  }
0xc1: {  	[dreg:$0x5] =	wrdreg $0xB  }
0xc2: {  	_ =	task.clear_ibuf [dreg:s22], $0x6FFFF;
	_ =	strace $0x9000004C  }
0xc3: {  	s29 =	simm.s32 $0xB;
	_ =	strace $0x8000004E  }
0xc4: {  	_ =	swait.ge [sflag:s29], $0x1  }
0xc5: {  	[sflag:s29] =	ssyncadd.s32 $0xFFFFFFFF  }
0xc6: {  	_ =	strace $0x9000004E  }
0xc7: {  	_ =	sfence  }
0xc8: {  	s30 =	sld [smem:$0x0];
	_ =	sdelay $0x2  }
0xc9: {  	s31 =	sshll.u32 s1, $0xD;
	s1 =	sshrl.u32 s1, $0x2  }
0xca: {  	s4 =	sand.u32 $0x4000, s31;
	s1 =	sadd.s32 s1, s30  }
0xcb: {  	s0 =	sor.u32 s4, s0;
	s1 =	sshll.u32 s1, $0x11  }
0xcc: {  	s0 =	sor.u32 s1, s0  }
0xcd: {  	s0 =	sadd.s32 $0x8F2B, s0  }
0xce: {  	[sflag:s0] =	ssyncadd.remote.s32 $0x1  }
0xcf: {  	_ =	sfence.sel $0xFFFF  }
0xd0: {  	[dreg:$0x0] =	wrdreg $0xFFFFFFFF;
	(pc) =	sbr.abs _section_cstart, $3  }
0xd1: {  	[dreg:$0x1] =	wrdreg $0xFFFFFFFF  }
0xd2: {  	_ =	task.clear_ibuf [dreg:s22], $0x2FFFF;
	_ =	strace $0x9FFFFFFF  }
0xd3: {  	(tm) =	ssettm $0x7FFFFFFF  }
tec
execute0_lowered:
.L_overlay_start_1:
0x0: {  	(tag) =	ssettag $0x1  }
0x1: {  	s3 =	rddreg [dreg:$0x0]  }
0x2: {  	s7 =	rddreg [dreg:$0x1]  }
0x3: {  	s8 =	rddreg [dreg:$0x2]  }
0x4: {  	s0 =	rddreg [dreg:$0x3];
	s2 =	simm.s32 $0x0  }
0x5: {  	s1 =	stileid.u32;
	s6 =	srdreg.scid;
	s14 =	simm.s32 $0x7000  }
0x6: {  	s15 =	simm.s32 $0x4000;
	s16 =	simm.s32 $0x0;
	[smem:$0x7FF] =	sst s2  }
0x7: {  	s4 =	sshrl.u32 s1, $0x2;
	s6 =	sand.u32 $0x1, s6;
	s9 =	sshrl.u32 s1, $0x1  }
0x8: {  	s10 =	sadd.s32 $0x48000, s3;
	s12 =	sshll.u32 s1, $0x9;
	_ =	strace $0x8000004D  }
0x9: {  	s5 =	sshll.u32 s4, $0x4;
	s25 =	ssub.s32 $0x2, s6;
	s9 =	sand.u32 $0x1, s9  }
0xa: {  	s11 =	sshll.u32 s4, $0x10;
	s6 =	sshll.u32 s6, $0x8;
	s12 =	sand.u32 $0x200, s12  }
0xb: {  	s30 =	sshll.u32 s4, $0x12;
	s5 =	sadd.s32 s5, s3;
	s13 =	sshll.u32 s9, $0xF  }
0xc: {  	s26 =	sshrl.u32 s25, $0x1;
	s6 =	sor.u32 s6, s12;
	s9 =	sshll.u32 s9, $0x11  }
0xd: {  	s12 =	simm.s32 $0x400;
	s11 =	sor.u32 s11, s13;
	s28 =	ssub.s32 s25, s26  }
0xe: {  	s3 =	sadd.s32 $0x5000, s5;
	s9 =	sor.u32 s30, s9;
	s11 =	sor.u32 $0x80000, s11  }
0xf: {  	s31 =	sor.u32 $0x80, s6;
	s13 =	simm.s32 $0x1;
	s29 =	sor.u32 s6, s11  }
0x10: {  	s6 =	sor.u32 s6, s9;
	s11 =	sor.u32 s31, s11;
	s9 =	sor.u32 s31, s9  }
0x11: {  	s5 =	sshrl.u32 s29, $0x3;
	s6 =	sshrl.u32 s6, $0x3;
	s11 =	sshrl.u32 s11, $0x3  }
0x12: {  	s9 =	sshrl.u32 s9, $0x3;
	s4 =	sadd.s32 s7, s5;
	s5 =	sadd.s32 s8, s5  }
0x13: {  	s6 =	sadd.s32 s10, s6;
	s7 =	sadd.s32 s7, s11;
	s8 =	sadd.s32 s8, s11  }
0x14: {  	s9 =	sadd.s32 s10, s9;
	s10 =	smax.u32 s28, $0x1;
	s11 =	simm.s32 $0x80  }
.LBB2_1:
0x15: {  	[tilespmem:s2], [sflag:$0x1] =	stream.strided.gather [hbm4b:s3+s11], $0x3000, s12, s11, $0x38;
	[tilespmem:$0x8000] =	vst v63  }
0x16: {  	_ =	swait.ge [sflag:s13], $0x3000  }
0x17: {  	[sflag:s13] =	ssyncset.done $0x0  }
0x18: {  	s17 =	simm.s32 $0x3000;
	[sflag:s13] =	ssyncadd.s32 $0xFFFFD000  }
0x19: {  	[tilespmem:s17], [sflag:$0x1] =	stream.strided.gather [hbm4b:s4+s11], $0x1000, s12, s11, $0x38;
	[tilespmem:$0x8000] =	vst v63  }
0x1a: {  	_ =	swait.ge [sflag:s13], $0x1000  }
0x1b: {  	[sflag:s13] =	ssyncset.done $0x0  }
0x1c: {  	[sflag:s13] =	ssyncadd.s32 $0xFFFFF000  }
0x1d: {  	[tilespmem:s14], [sflag:$0x1] =	stream.strided.gather [hbm4b:s5+s11], $0x1000, s12, s11, $0x38;
	[tilespmem:$0x8000] =	vst v63  }
0x1e: {  	_ =	swait.ge [sflag:s13], $0x1000  }
0x1f: {  	[sflag:s13] =	ssyncset.done $0x0  }
0x20: {  	[sflag:s13] =	ssyncadd.s32 $0xFFFFF000  }
0x21: {  	v0 =	vld [tilespmem:s17+$0x0];
	_ =	sdelay $0x7  }
0x22: {  	v1 =	vld.idx.msk [tilespmem:v0+s2+$0x0], $0xffff  }
0x23: {  	v2 =	vadd.s32 $0x1000, v0;
	_ =	sdelay $0x3  }
0x24: {  	[tilespmem:s15+$0x0] =	vst v1  }
0x25: {  	v1 =	vld.idx.msk [tilespmem:v2+s2+$0x0], $0xffff  }
0x26: {  	v0 =	vadd.s32 $0x2000, v0;
	_ =	sdelay $0x2  }
0x27: {  	s20 =	sand.u32 $0xFF0, s2  }
0x28: {  	[tilespmem:s20+$0x5000] =	vst v1  }
0x29: {  	s18 =	simm.s32 $0x10;
	s19 =	simm.s32 $0x4000;
	v0 =	vld.idx.msk [tilespmem:v0+s2+$0x0], $0xffff  }
.LBB2_2:
0x2a: {  	_ =	sdelay $0x3  }
0x2b: {  	p0 =	sne.s32 s18, $0xFF0;
	s17 =	sadd.s32 $0x10, s17;
	s19 =	sadd.s32 $0x10, s19;
	[tilespmem:s20+$0x6000] =	vst v0  }
0x2c: {  	s20 =	smov.u32 s18;
	s18 =	sadd.s32 $0x10, s18;
	v0 =	vld [tilespmem:s17+$0x0];
	_ =	sdelay $0x7  }
0x2d: {  	v1 =	vld.idx.msk [tilespmem:v0+s2+$0x0], $0xffff;
	_ =	sdelay $0x1  }
0x2e: {  	v2 =	vadd.s32 $0x1000, v0;
	_ =	sdelay $0x3  }
0x2f: {  	[tilespmem:s19+$0x0] =	vst v1  }
0x30: {  	v1 =	vld.idx.msk [tilespmem:v2+s2+$0x0], $0xffff;
	_ =	sdelay $0x1  }
0x31: {  	v0 =	vadd.s32 $0x2000, v0  }
.Ltmp0:
0x32: {  	(pc) =	sbr.rel @p0 .LBB2_2-.Ltmp0, $4  }
0x33: {  	_ = 	snop  }
0x34: {  	s20 =	sand.u32 $0xFF0, s20  }
0x35: {  	[tilespmem:s20+$0x5000] =	vst v1  }
0x36: {  	v0 =	vld.idx.msk [tilespmem:v0+s2+$0x0], $0xffff  }
0x37: {  	_ =	sdelay $0x3  }
0x38: {  	s17 =	simm.s32 $0x4000;
	[tilespmem:s20+$0x6000] =	vst v0  }
0x39: {  	[hbm4b:s6+s11] =	stream.strided.scatter [tilespmem:s17], [sflag:$0x1], $0x4000, s12, s11, $0x38;
	[tilespmem:$0x8000] =	vst v63  }
0x3a: {  	_ =	swait.ge [sflag:s13], $0x4000  }
0x3b: {  	[sflag:s13] =	ssyncset.done $0x0  }
0x3c: {  	s18 =	simm.s32 $0x3000;
	[sflag:s13] =	ssyncadd.s32 $0xFFFFC000  }
0x3d: {  	[tilespmem:s18], [sflag:$0x1] =	stream.strided.gather [hbm4b:s7+s11], $0x1000, s12, s11, $0x38;
	[tilespmem:$0x8000] =	vst v63  }
0x3e: {  	_ =	swait.ge [sflag:s13], $0x1000  }
0x3f: {  	[sflag:s13] =	ssyncset.done $0x0  }
0x40: {  	[sflag:s13] =	ssyncadd.s32 $0xFFFFF000  }
0x41: {  	[tilespmem:s14], [sflag:$0x1] =	stream.strided.gather [hbm4b:s8+s11], $0x1000, s12, s11, $0x38;
	[tilespmem:$0x8000] =	vst v63  }
0x42: {  	_ =	swait.ge [sflag:s13], $0x1000  }
0x43: {  	[sflag:s13] =	ssyncset.done $0x0  }
0x44: {  	[sflag:s13] =	ssyncadd.s32 $0xFFFFF000  }
0x45: {  	v0 =	vld [tilespmem:s18+$0x0];
	_ =	sdelay $0x7  }
0x46: {  	v1 =	vld.idx.msk [tilespmem:v0+s2+$0x0], $0xffff  }
0x47: {  	v2 =	vadd.s32 $0x1000, v0;
	_ =	sdelay $0x3  }
0x48: {  	[tilespmem:s17+$0x0] =	vst v1  }
0x49: {  	v1 =	vld.idx.msk [tilespmem:v2+s2+$0x0], $0xffff  }
0x4a: {  	v0 =	vadd.s32 $0x2000, v0;
	_ =	sdelay $0x1  }
0x4b: {  	s19 =	simm.s32 $0x0  }
0x4c: {  	s20 =	sand.u32 $0xFF0, s19  }
0x4d: {  	[tilespmem:s20+$0x5000] =	vst v1  }
0x4e: {  	s19 =	simm.s32 $0x10;
	v0 =	vld.idx.msk [tilespmem:v0+s2+$0x0], $0xffff  }
.LBB2_4:
0x4f: {  	_ =	sdelay $0x3  }
0x50: {  	p0 =	sne.s32 s19, $0xFF0;
	s18 =	sadd.s32 $0x10, s18;
	s17 =	sadd.s32 $0x10, s17;
	[tilespmem:s20+$0x6000] =	vst v0  }
0x51: {  	s20 =	smov.u32 s19;
	s19 =	sadd.s32 $0x10, s19;
	v0 =	vld [tilespmem:s18+$0x0];
	_ =	sdelay $0x7  }
0x52: {  	v1 =	vld.idx.msk [tilespmem:v0+s2+$0x0], $0xffff;
	_ =	sdelay $0x1  }
0x53: {  	v2 =	vadd.s32 $0x1000, v0;
	_ =	sdelay $0x3  }
0x54: {  	[tilespmem:s17+$0x0] =	vst v1  }
0x55: {  	v1 =	vld.idx.msk [tilespmem:v2+s2+$0x0], $0xffff;
	_ =	sdelay $0x1  }
0x56: {  	v0 =	vadd.s32 $0x2000, v0  }
.Ltmp1:
0x57: {  	(pc) =	sbr.rel @p0 .LBB2_4-.Ltmp1, $4  }
0x58: {  	_ = 	snop  }
0x59: {  	s20 =	sand.u32 $0xFF0, s20  }
0x5a: {  	[tilespmem:s20+$0x5000] =	vst v1  }
0x5b: {  	v0 =	vld.idx.msk [tilespmem:v0+s2+$0x0], $0xffff  }
0x5c: {  	_ =	sdelay $0x1  }
0x5d: {  	s16 =	sadd.s32 $0x1, s16  }
0x5e: {  	p0 =	sne.s32 s16, s10  }
.Ltmp2:
0x5f: {  	[tilespmem:s20+$0x6000] =	vst v0;
	(pc) =	sbr.rel @p0 .LBB2_1-.Ltmp2, $4  }
0x60: {  	[hbm4b:s9+s11] =	stream.strided.scatter [tilespmem:s15], [sflag:$0x1], $0x4000, s12, s11, $0x38;
	[tilespmem:$0x8000] =	vst v63  }
0x61: {  	_ =	swait.ge [sflag:s13], $0x4000  }
0x62: {  	[sflag:s13] =	ssyncset.done $0x0  }
0x63: {  	[sflag:s13] =	ssyncadd.s32 $0xFFFFC000  }
0x64: {  	_ =	sfence.sel $0x180000  }
0x65: {  	[bflag:$0x0] =	sbarrier.arrive $0xFFFF  }
0x66: {  	p0 =	sne.s32 s1, $0x0;
	_ =	strace $0x9000004D  }
0x67: {  	s0 =	sadd.s32 @!p0 $0x100000, s0;
	[bflag:$0x2] =	sbarrier.arrive $0xFFFF  }
0x68: {  	[sflag:s0] =	ssyncadd.tile.s32 @!p0 $0x1;
	_ =	shalt  }
.Lfunc_end2:
_tile_overlayer_lowered:
.L_overlay_start_2:
0x69: {  	(tag) =	ssettag $0x2  }
0x6a: {  	s0 =	rddreg [dreg:$0x0];
	s2 =	stileid.u32  }
0x6b: {  	s1 =	rddreg [dreg:$0x1];
	p0 =	sne.s32 s2, $0x0  }
0x6c: {  	s3 =	rddreg [dreg:$0x2];
	[bflag:$0x3] =	sbarrier.arrive $0xFFFF;
	s2 =	simm.s32 @!p0 $0x1C01  }
0x6d: {  	[timem:s3], [sflag:s2] =	dma.local @!p0 [hbm:s0], s1  }
0x6e: {  	s0 =	simm.s32 @!p0 $0x1  }
0x6f: {  	_ =	swait.ge @!p0 [sflag:s0], s1  }
0x70: {  	s1 =	ssub.s32 @!p0 $0x0, s1;
	[sflag:s0] =	ssyncset.done @!p0 $0x0  }
0x71: {  	[sflag:s0] =	ssyncadd.s32 @!p0 s1  }
0x72: {  	[bflag:$0x3] =	sbarrier.arrive $0xFFFF  }
0x73: {  	_ =	shalt  }

// kernel: kernel.20.cloned.1.call-start
scs
__scs_entry_jumppad:
0x0: {  	(pc) =	sbr.rel $0x88, $3  }
0x1: {  	(tag) =	ssettag $0x0;
	lr =	simm.s32 $0x1  }
0x2: {  	[smem:$0x3F9A] =	sst lr;
	_ =	strace $0xD0000000  }
0x3: {  	_ = 	snop  }
0x4: {  	_ = 	snop  }
0x5: {  	_ = 	snop  }
0x6: {  	_ = 	snop  }
0x7: {  	_ = 	snop  }
__scs_overlays_trampoline_lowered:
0x8: {  	[smem:$0x3FA9] =	sst s0  }
0x9: {  	[smem:$0x3FAA] =	sst s1  }
0xa: {  	[smem:$0x3FAB] =	sst s2  }
0xb: {  	[smem:$0x3FAC] =	sst s3  }
0xc: {  	[smem:$0x3FAD] =	sst s4  }
0xd: {  	[smem:$0x3FAE] =	sst s5  }
0xe: {  	[smem:$0x3FAF] =	sst s6  }
0xf: {  	[smem:$0x3FB0] =	sst s7  }
0x10: {  	[smem:$0x3FB1] =	sst s8  }
0x11: {  	[smem:$0x3FB2] =	sst s9;
	s0 =	simm.s32 @!p0 $0x0  }
0x12: {  	s1 =	sld [smem:$0x3F98];
	s0 =	simm.s32 @p0 $0x1  }
0x13: {  	[smem:$0x3FB3] =	sst s0;
	s0 =	simm.s32 @!p1 $0x0  }
0x14: {  	s2 =	sld [smem:$0x3F97];
	s0 =	simm.s32 @p1 $0x1  }
0x15: {  	[smem:$0x3FB4] =	sst s0;
	s0 =	simm.s32 @!p2 $0x0  }
0x16: {  	s3 =	sld [smem:$0x3FDB];
	s0 =	simm.s32 @p2 $0x1  }
0x17: {  	s4 =	simm.s32 $0x1BF5;
	[smem:$0x3FB6] =	sst s0  }
0x18: {  	s0 =	sld [smem:$0x3F99];
	_ =	swait.ge [sflag:s4], $0x0  }
0x19: {  	s7 =	sld [smem:$0x3F9A]  }
0x1a: {  	s8 =	sadd.s32 $0xFFFFE003, lr  }
0x1b: {  	s9 =	sadd.s32 $0xFFFFFEF7, lr;
	s5 =	simm.s32 $0xFFFFFFFF;
	p2 =	slt.u32 s8, $0xFFFFF086  }
0x1c: {  	p1 =	slt.u32 s9, $0xF7A;
	s5 =	simm.s32 @!p2 $0x0  }
0x1d: {  	s5 =	simm.s32 @p1 $0x1;
	p0 =	seq.s32 s7, s2  }
0x1e: {  	s7 =	smul.u32 @!p0 $0xF7A, s2;
	p2 =	seq.s32 @!p0 s5, $0x0  }
0x1f: {  	s9 =	smul.u32 $0xF7A, s1;
	s8 =	simm.s32 @!p0 $0x1BF5;
	p2 =	por !p2, p0  }
0x20: {  	[sflag:s8] =	ssyncset.s32 @!p0 $0xFFFFF086;
	s6 =	sadd.s32 @!p0 s3, s7;
	s7 =	simm.s32 @!p0 $0x108  }
0x21: {  	s3 =	sadd.s32 s3, s9;
	s6 =	sadd.s32 @!p0 $0x88, s6;
	s7 =	simm.s32 @p2 $0x1082  }
0x22: {  	[simem:s7], [sflag:s8] =	dma.local @!p0 [hbm:s6], $0xF7A  }
0x23: {  	s9 =	sor.u32 $0xD0000000, s2;
	s6 =	simm.s32 $0x108;
	_ =	swait.ge @!p0 [sflag:s8], $0x0  }
0x24: {  	s3 =	sadd.s32 $0x88, s3;
	s6 =	simm.s32 @!p1 $0x1082;
	[sflag:s4] =	ssyncset.s32 $0xFFFFF086  }
0x25: {  	[simem:s6], [sflag:s4] =	dma.local [hbm:s3], $0xF7A  }
0x26: {  	[smem:$0x3F9A] =	sst s1;
	(tag) =	ssettag s2;
	_ =	strace s9  }
0x27: {  	s1 =	sld [smem:$0x3FAA]  }
0x28: {  	s2 =	sld [smem:$0x3FAB]  }
0x29: {  	s4 =	sld [smem:$0x3FAD]  }
0x2a: {  	p0 =	seq.s32 s5, $0x0;
	s5 =	sld [smem:$0x3FAE]  }
0x2b: {  	s6 =	sld [smem:$0x3FAF]  }
0x2c: {  	s7 =	sld [smem:$0x3FB0]  }
0x2d: {  	s3 =	simm.s32 $0x108;
	s8 =	sld [smem:$0x3FB1]  }
0x2e: {  	s3 =	simm.s32 @!p0 $0x1082;
	s9 =	sld [smem:$0x3FB2]  }
0x2f: {  	lr =	sadd.s32 s0, s3;
	s0 =	sld [smem:$0x3FA9]  }
0x30: {  	s3 =	sld [smem:$0x3FAC]  }
0x31: {  	[smem:$0x3FB5] =	sst s10  }
0x32: {  	s10 =	sld [smem:$0x3FB3];
	_ =	sdelay $0x3  }
0x33: {  	p0 =	seq.s32 s10, $0x1;
	s10 =	sld [smem:$0x3FB5];
	_ =	sdelay $0x3  }
0x34: {  	[smem:$0x3FB5] =	sst s10  }
0x35: {  	s10 =	sld [smem:$0x3FB4];
	_ =	sdelay $0x3  }
0x36: {  	p1 =	seq.s32 s10, $0x1;
	s10 =	sld [smem:$0x3FB5];
	_ =	sdelay $0x3  }
0x37: {  	[smem:$0x3FB5] =	sst s10  }
0x38: {  	s10 =	sld [smem:$0x3FB6]  }
0x39: {  	_ = 	snop;
	(pc) =	sbr.ind lr, $3  }
0x3a: {  	_ = 	snop  }
0x3b: {  	_ = 	snop  }
0x3c: {  	p2 =	seq.s32 s10, $0x1;
	s10 =	sld [smem:$0x3FB5]  }
0x3d: {  	_ =	shalt  }
0x3e: {  	_ =	shalt  }
0x3f: {  	_ =	shalt  }
0x40: {  	_ =	shalt  }
0x41: {  	_ =	shalt  }
0x42: {  	_ =	shalt  }
0x43: {  	_ =	shalt  }
0x44: {  	_ =	shalt  }
0x45: {  	_ =	shalt  }
0x46: {  	_ =	shalt  }
0x47: {  	_ =	shalt  }
0x48: {  	_ =	shalt  }
0x49: {  	_ =	shalt  }
0x4a: {  	_ =	shalt  }
0x4b: {  	_ =	shalt  }
0x4c: {  	_ =	shalt  }
0x4d: {  	_ =	shalt  }
0x4e: {  	_ =	shalt  }
0x4f: {  	_ =	shalt  }
0x50: {  	_ =	shalt  }
0x51: {  	_ =	shalt  }
0x52: {  	_ =	shalt  }
0x53: {  	_ =	shalt  }
0x54: {  	_ =	shalt  }
0x55: {  	_ =	shalt  }
0x56: {  	_ =	shalt  }
0x57: {  	_ =	shalt  }
0x58: {  	_ =	shalt  }
0x59: {  	_ =	shalt  }
0x5a: {  	_ =	shalt  }
0x5b: {  	_ =	shalt  }
0x5c: {  	_ =	shalt  }
0x5d: {  	_ =	shalt  }
0x5e: {  	_ =	shalt  }
0x5f: {  	_ =	shalt  }
0x60: {  	_ =	shalt  }
0x61: {  	_ =	shalt  }
0x62: {  	_ =	shalt  }
0x63: {  	_ =	shalt  }
0x64: {  	_ =	shalt  }
0x65: {  	_ =	shalt  }
0x66: {  	_ =	shalt  }
0x67: {  	_ =	shalt  }
0x68: {  	_ =	shalt  }
0x69: {  	_ =	shalt  }
0x6a: {  	_ =	shalt  }
0x6b: {  	_ =	shalt  }
0x6c: {  	_ =	shalt  }
0x6d: {  	_ =	shalt  }
0x6e: {  	_ =	shalt  }
0x6f: {  	_ =	shalt  }
0x70: {  	_ =	shalt  }
0x71: {  	_ =	shalt  }
0x72: {  	_ =	shalt  }
0x73: {  	_ =	shalt  }
0x74: {  	_ =	shalt  }
0x75: {  	_ =	shalt  }
0x76: {  	_ =	shalt  }
0x77: {  	_ =	shalt  }
0x78: {  	_ =	shalt  }
0x79: {  	_ =	shalt  }
0x7a: {  	_ =	shalt  }
0x7b: {  	_ =	shalt  }
0x7c: {  	_ =	shalt  }
0x7d: {  	_ =	shalt  }
0x7e: {  	_ =	shalt  }
0x7f: {  	_ =	shalt  }
0x80: {  	_ =	shalt  }
0x81: {  	_ =	shalt  }
0x82: {  	_ =	shalt  }
0x83: {  	_ =	shalt  }
0x84: {  	_ =	shalt  }
0x85: {  	_ =	shalt  }
0x86: {  	_ =	shalt  }
0x87: {  	_ =	shalt  }
.Lfunc_end0:
.L_simem_size_0:
called_computation.3_lowered:
.L_overlay_start_0:
0x88: {  	s2 =	sld [smem:$0x3FD9]  }
0x89: {  	s3 =	sld [smem:$0x3FFE];
	_ =	sdelay $0x1  }
0x8a: {  	s1 =	srdreg.scid  }
0x8b: {  	s0 =	sand.u32 $0x1, s1  }
0x8c: {  	s17 =	sshll.u32 s0, $0xA;
	s2 =	sadd.s32 s3, s2  }
0x8d: {  	s2 =	sadd.s32 s2, s17  }
0x8e: {  	[smem:$0x3FC1] =	sst s2  }
0x8f: {  	_ = 	snop  }
0x90: {  	s18 =	sld [smem:$0x3FC8]  }
0x91: {  	s4 =	sld [smem:$0x3FC7];
	(tm) =	ssettm $0x1  }
0x92: {  	s19 =	sld [smem:$0x3FFB];
	_ =	sdelay $0x3  }
0x93: {  	_ =	strace s19  }
0x94: {  	s2 =	sld [smem:$0x3FFC];
	_ =	sdelay $0x3  }
0x95: {  	_ =	strace s2  }
0x96: {  	s2 =	sld [smem:$0x3FFD];
	_ =	sdelay $0x3  }
0x97: {  	_ =	strace s2  }
0x98: {  	_ =	strace $0x8FFFFFFF  }
0x99: {  	s20 =	sld [smem:$0x3FDB];
	_ =	sdelay $0x1  }
0x9a: {  	s5 =	simm.s32 $_scs_section_size  }
0x9b: {  	s6 =	simm.s32 $_size__tile_overlayer_lowered;
	s7 =	simm.s32 $_tile_overlayer_lowered  }
0x9c: {  	s8 =	simm.s32 $0x1BFF;
	s21 =	sshll.u32 s7, $0x1;
	s5 =	sadd.s32 s5, s20  }
0x9d: {  	s22 =	simm.s32 $0x0;
	s6 =	sshll.u32 s6, $0x1;
	s7 =	sadd.s32 s21, s5  }
0x9e: {  	[timem:s22], [sflag:s8] =	dma.local [hbm:s7], s6  }
0x9f: {  	_ =	swait.ge [sflag:s8], s6  }
0xa0: {  	s6 =	ssub.s32 $0x0, s6;
	[sflag:s8] =	ssyncset.done $0x0  }
0xa1: {  	[sflag:s8] =	ssyncadd.s32 s6;
	_ =	sdelay $0x1  }
0xa2: {  	s23 =	simm.s32 $0x1B8B  }
0xa3: {  	_ =	swait.ge [sflag:s23], $0x1  }
0xa4: {  	[sflag:s23] =	ssyncset.done $0x0  }
0xa5: {  	[sflag:s23] =	ssyncadd.s32 $0xFFFFFFFF  }
0xa6: {  	s6 =	sld [smem:$0x0]  }
0xa7: {  	s7 =	sand.u32 $0xFFFFFFFE, s1  }
0xa8: {  	p0 =	sne.s32 s1, s7  }
0xa9: {  	s7 =	sshll.u32 @p0 s7, $0xE  }
0xaa: {  	s7 =	sadd.s32 @p0 $0x11B8D, s7;
	s8 =	sshll.u32 @p0 s6, $0x11  }
0xab: {  	s7 =	sor.u32 @p0 s8, s7  }
0xac: {  	[sflag:s7] =	ssyncadd.remote.s32 @p0 $0x1;
	_ =	sdelay $0x1  }
0xad: {  	s7 =	simm.s32 @p0 $0x1B8D  }
0xae: {  	_ =	swait.eq @p0 [sflag:s7], $0x1  }
0xaf: {  	[sflag:s7] =	ssyncadd.s32 @p0 $0xFFFFFFFF  }
0xb0: {  	s8 =	sshll.u32 @!p0 s1, $0xE  }
0xb1: {  	s8 =	sor.u32 @!p0 $0x4000, s8;
	s7 =	simm.s32 @!p0 $0x1B8D  }
0xb2: {  	s6 =	sshll.u32 @!p0 s6, $0x11;
	s8 =	sadd.s32 @!p0 $0x11B8D, s8;
	_ =	swait.eq @!p0 [sflag:s7], $0x1  }
0xb3: {  	s6 =	sor.u32 @!p0 s6, s8;
	[sflag:s7] =	ssyncadd.s32 @!p0 $0xFFFFFFFF  }
0xb4: {  	s25 =	simm.s32 $0x1B8E;
	s24 =	sld [smem:$0x3FFE];
	[sflag:s6] =	ssyncadd.remote.s32 @!p0 $0x1  }
0xb5: {  	s26 =	simm.s32 $execute0_lowered;
	[smem:$0x3FD2] =	sst s25  }
0xb6: {  	s7 =	sshll.u32 s26, $0x1;
	_ =	strace $0x8000004F;
	[dreg:$0x1] =	wrdreg $0xFFFFFFFF  }
0xb7: {  	s28 =	simm.s32 $_size_execute0_lowered;
	s5 =	sadd.s32 s5, s7;
	[dreg:$0x0] =	wrdreg $0x0  }
0xb8: {  	s7 =	sshll.u32 s28, $0x1;
	[dreg:$0x2] =	wrdreg s5  }
0xb9: {  	[dreg:$0x3] =	wrdreg s7  }
0xba: {  	[dreg:$0x4] =	wrdreg $0xC0  }
0xbb: {  	_ =	task [dreg:s22], $0x5FFFF  }
0xbc: {  	[dreg:$0x1] =	wrdreg $0xFFFFFFFF  }
0xbd: {  	[dreg:$0x0] =	wrdreg $0x60  }
0xbe: {  	[dreg:$0x2] =	wrdreg s24  }
0xbf: {  	[dreg:$0x3] =	wrdreg s18  }
0xc0: {  	[dreg:$0x4] =	wrdreg s4  }
0xc1: {  	[dreg:$0x5] =	wrdreg $0xC  }
0xc2: {  	_ =	task.clear_ibuf [dreg:s22], $0x6FFFF;
	_ =	strace $0x9000004F  }
0xc3: {  	s29 =	simm.s32 $0xC;
	_ =	strace $0x80000051  }
0xc4: {  	_ =	swait.ge [sflag:s29], $0x1  }
0xc5: {  	[sflag:s29] =	ssyncadd.s32 $0xFFFFFFFF  }
0xc6: {  	_ =	strace $0x90000051  }
0xc7: {  	_ =	sfence  }
0xc8: {  	s30 =	sld [smem:$0x0];
	_ =	sdelay $0x2  }
0xc9: {  	s31 =	sshll.u32 s1, $0xD;
	s1 =	sshrl.u32 s1, $0x2  }
0xca: {  	s4 =	sand.u32 $0x4000, s31;
	s1 =	sadd.s32 s1, s30  }
0xcb: {  	s0 =	sor.u32 s4, s0;
	s1 =	sshll.u32 s1, $0x11  }
0xcc: {  	s0 =	sor.u32 s1, s0  }
0xcd: {  	s0 =	sadd.s32 $0x8F2B, s0  }
0xce: {  	[sflag:s0] =	ssyncadd.remote.s32 $0x1  }
0xcf: {  	_ =	sfence.sel $0xFFFF  }
0xd0: {  	[dreg:$0x0] =	wrdreg $0xFFFFFFFF;
	(pc) =	sbr.abs _section_cstart, $3  }
0xd1: {  	[dreg:$0x1] =	wrdreg $0xFFFFFFFF  }
0xd2: {  	_ =	task.clear_ibuf [dreg:s22], $0x2FFFF;
	_ =	strace $0x9FFFFFFF  }
0xd3: {  	(tm) =	ssettm $0x7FFFFFFF  }
tec
execute0_lowered:
.L_overlay_start_1:
0x0: {  	(tag) =	ssettag $0x1  }
0x1: {  	s3 =	rddreg [dreg:$0x0]  }
0x2: {  	s7 =	rddreg [dreg:$0x1]  }
0x3: {  	s8 =	rddreg [dreg:$0x2]  }
0x4: {  	s0 =	stileid.u32;
	s1 =	rddreg [dreg:$0x3];
	s2 =	simm.s32 $0x0  }
0x5: {  	s9 =	srdreg.scid;
	s15 =	simm.s32 $0x4000;
	s16 =	simm.s32 $0x0  }
0x6: {  	s4 =	sshrl.u32 s0, $0x2;
	[smem:$0x7FF] =	sst s2;
	s9 =	sand.u32 $0x1, s9  }
0x7: {  	s10 =	sadd.s32 $0x68000, s3;
	s11 =	sshrl.u32 s0, $0x1;
	s12 =	sshll.u32 s0, $0x9  }
0x8: {  	s5 =	sor.u32 $0xC, s4;
	_ =	strace $0x80000050;
	s25 =	ssub.s32 $0x2, s9  }
0x9: {  	s11 =	sand.u32 $0x1, s11;
	s9 =	sshll.u32 s9, $0x8;
	s12 =	sand.u32 $0x200, s12  }
0xa: {  	s29 =	sshll.u32 s4, $0x12;
	s6 =	sshll.u32 s5, $0x4;
	s5 =	sshll.u32 s5, $0x10  }
0xb: {  	s13 =	sshll.u32 s11, $0xF;
	s14 =	sshrl.u32 s25, $0x1;
	s9 =	sor.u32 s9, s12  }
0xc: {  	s11 =	sshll.u32 s11, $0x11;
	s6 =	sand.u32 $0x70, s6;
	s26 =	sor.u32 s13, s5  }
0xd: {  	s28 =	ssub.s32 s25, s14;
	s30 =	sor.u32 $0x80, s9;
	s13 =	simm.s32 $0x1  }
0xe: {  	s14 =	simm.s32 $0x7000;
	s6 =	sadd.s32 s6, s3;
	s5 =	sor.u32 s9, s26  }
0xf: {  	s12 =	sor.u32 s30, s26;
	s3 =	sadd.s32 $0x5000, s6;
	s5 =	sshrl.u32 s5, $0x3  }
0x10: {  	s6 =	sor.u32 s29, s11;
	s12 =	sshrl.u32 s12, $0x3;
	s4 =	sadd.s32 s7, s5  }
0x11: {  	s5 =	sadd.s32 s8, s5;
	s9 =	sor.u32 s9, s6;
	s11 =	sor.u32 s30, s6  }
0x12: {  	s7 =	sadd.s32 s7, s12;
	s8 =	sadd.s32 s8, s12;
	s12 =	simm.s32 $0x400  }
0x13: {  	s9 =	sshrl.u32 s9, $0x3;
	s31 =	sshrl.u32 s11, $0x3;
	s11 =	simm.s32 $0x80  }
0x14: {  	s6 =	sadd.s32 s10, s9;
	s9 =	sadd.s32 s10, s31;
	s10 =	smax.u32 s28, $0x1  }
.LBB2_1:
0x15: {  	[tilespmem:s2], [sflag:$0x1] =	stream.strided.gather [hbm4b:s3+s11], $0x3000, s12, s11, $0x38;
	[tilespmem:$0x8000] =	vst v63  }
0x16: {  	_ =	swait.ge [sflag:s13], $0x3000  }
0x17: {  	[sflag:s13] =	ssyncset.done $0x0  }
0x18: {  	s17 =	simm.s32 $0x3000;
	[sflag:s13] =	ssyncadd.s32 $0xFFFFD000  }
0x19: {  	[tilespmem:s17], [sflag:$0x1] =	stream.strided.gather [hbm4b:s4+s11], $0x1000, s12, s11, $0x38;
	[tilespmem:$0x8000] =	vst v63  }
0x1a: {  	_ =	swait.ge [sflag:s13], $0x1000  }
0x1b: {  	[sflag:s13] =	ssyncset.done $0x0  }
0x1c: {  	[sflag:s13] =	ssyncadd.s32 $0xFFFFF000  }
0x1d: {  	[tilespmem:s14], [sflag:$0x1] =	stream.strided.gather [hbm4b:s5+s11], $0x1000, s12, s11, $0x38;
	[tilespmem:$0x8000] =	vst v63  }
0x1e: {  	_ =	swait.ge [sflag:s13], $0x1000  }
0x1f: {  	[sflag:s13] =	ssyncset.done $0x0  }
0x20: {  	[sflag:s13] =	ssyncadd.s32 $0xFFFFF000  }
0x21: {  	v0 =	vld [tilespmem:s17+$0x0];
	_ =	sdelay $0x7  }
0x22: {  	v1 =	vld.idx.msk [tilespmem:v0+s2+$0x0], $0xffff  }
0x23: {  	v2 =	vadd.s32 $0x1000, v0;
	_ =	sdelay $0x3  }
0x24: {  	[tilespmem:s15+$0x0] =	vst v1  }
0x25: {  	v1 =	vld.idx.msk [tilespmem:v2+s2+$0x0], $0xffff  }
0x26: {  	v0 =	vadd.s32 $0x2000, v0;
	_ =	sdelay $0x2  }
0x27: {  	s20 =	sand.u32 $0xFF0, s2  }
0x28: {  	[tilespmem:s20+$0x5000] =	vst v1  }
0x29: {  	s18 =	simm.s32 $0x10;
	s19 =	simm.s32 $0x4000;
	v0 =	vld.idx.msk [tilespmem:v0+s2+$0x0], $0xffff  }
.LBB2_2:
0x2a: {  	_ =	sdelay $0x3  }
0x2b: {  	p0 =	sne.s32 s18, $0xFF0;
	s17 =	sadd.s32 $0x10, s17;
	s19 =	sadd.s32 $0x10, s19;
	[tilespmem:s20+$0x6000] =	vst v0  }
0x2c: {  	s20 =	smov.u32 s18;
	s18 =	sadd.s32 $0x10, s18;
	v0 =	vld [tilespmem:s17+$0x0];
	_ =	sdelay $0x7  }
0x2d: {  	v1 =	vld.idx.msk [tilespmem:v0+s2+$0x0], $0xffff;
	_ =	sdelay $0x1  }
0x2e: {  	v2 =	vadd.s32 $0x1000, v0;
	_ =	sdelay $0x3  }
0x2f: {  	[tilespmem:s19+$0x0] =	vst v1  }
0x30: {  	v1 =	vld.idx.msk [tilespmem:v2+s2+$0x0], $0xffff;
	_ =	sdelay $0x1  }
0x31: {  	v0 =	vadd.s32 $0x2000, v0  }
.Ltmp0:
0x32: {  	(pc) =	sbr.rel @p0 .LBB2_2-.Ltmp0, $4  }
0x33: {  	_ = 	snop  }
0x34: {  	s20 =	sand.u32 $0xFF0, s20  }
0x35: {  	[tilespmem:s20+$0x5000] =	vst v1  }
0x36: {  	v0 =	vld.idx.msk [tilespmem:v0+s2+$0x0], $0xffff  }
0x37: {  	_ =	sdelay $0x3  }
0x38: {  	s17 =	simm.s32 $0x4000;
	[tilespmem:s20+$0x6000] =	vst v0  }
0x39: {  	[hbm4b:s6+s11] =	stream.strided.scatter [tilespmem:s17], [sflag:$0x1], $0x4000, s12, s11, $0x38;
	[tilespmem:$0x8000] =	vst v63  }
0x3a: {  	_ =	swait.ge [sflag:s13], $0x4000  }
0x3b: {  	[sflag:s13] =	ssyncset.done $0x0  }
0x3c: {  	s18 =	simm.s32 $0x3000;
	[sflag:s13] =	ssyncadd.s32 $0xFFFFC000  }
0x3d: {  	[tilespmem:s18], [sflag:$0x1] =	stream.strided.gather [hbm4b:s7+s11], $0x1000, s12, s11, $0x38;
	[tilespmem:$0x8000] =	vst v63  }
0x3e: {  	_ =	swait.ge [sflag:s13], $0x1000  }
0x3f: {  	[sflag:s13] =	ssyncset.done $0x0  }
0x40: {  	[sflag:s13] =	ssyncadd.s32 $0xFFFFF000  }
0x41: {  	[tilespmem:s14], [sflag:$0x1] =	stream.strided.gather [hbm4b:s8+s11], $0x1000, s12, s11, $0x38;
	[tilespmem:$0x8000] =	vst v63  }
0x42: {  	_ =	swait.ge [sflag:s13], $0x1000  }
0x43: {  	[sflag:s13] =	ssyncset.done $0x0  }
0x44: {  	[sflag:s13] =	ssyncadd.s32 $0xFFFFF000  }
0x45: {  	v0 =	vld [tilespmem:s18+$0x0];
	_ =	sdelay $0x7  }
0x46: {  	v1 =	vld.idx.msk [tilespmem:v0+s2+$0x0], $0xffff  }
0x47: {  	v2 =	vadd.s32 $0x1000, v0;
	_ =	sdelay $0x3  }
0x48: {  	[tilespmem:s17+$0x0] =	vst v1  }
0x49: {  	v1 =	vld.idx.msk [tilespmem:v2+s2+$0x0], $0xffff  }
0x4a: {  	v0 =	vadd.s32 $0x2000, v0;
	_ =	sdelay $0x1  }
0x4b: {  	s19 =	simm.s32 $0x0  }
0x4c: {  	s20 =	sand.u32 $0xFF0, s19  }
0x4d: {  	[tilespmem:s20+$0x5000] =	vst v1  }
0x4e: {  	s19 =	simm.s32 $0x10;
	v0 =	vld.idx.msk [tilespmem:v0+s2+$0x0], $0xffff  }
.LBB2_4:
0x4f: {  	_ =	sdelay $0x3  }
0x50: {  	p0 =	sne.s32 s19, $0xFF0;
	s18 =	sadd.s32 $0x10, s18;
	s17 =	sadd.s32 $0x10, s17;
	[tilespmem:s20+$0x6000] =	vst v0  }
0x51: {  	s20 =	smov.u32 s19;
	s19 =	sadd.s32 $0x10, s19;
	v0 =	vld [tilespmem:s18+$0x0];
	_ =	sdelay $0x7  }
0x52: {  	v1 =	vld.idx.msk [tilespmem:v0+s2+$0x0], $0xffff;
	_ =	sdelay $0x1  }
0x53: {  	v2 =	vadd.s32 $0x1000, v0;
	_ =	sdelay $0x3  }
0x54: {  	[tilespmem:s17+$0x0] =	vst v1  }
0x55: {  	v1 =	vld.idx.msk [tilespmem:v2+s2+$0x0], $0xffff;
	_ =	sdelay $0x1  }
0x56: {  	v0 =	vadd.s32 $0x2000, v0  }
.Ltmp1:
0x57: {  	(pc) =	sbr.rel @p0 .LBB2_4-.Ltmp1, $4  }
0x58: {  	_ = 	snop  }
0x59: {  	s20 =	sand.u32 $0xFF0, s20  }
0x5a: {  	[tilespmem:s20+$0x5000] =	vst v1  }
0x5b: {  	v0 =	vld.idx.msk [tilespmem:v0+s2+$0x0], $0xffff  }
0x5c: {  	_ =	sdelay $0x1  }
0x5d: {  	s16 =	sadd.s32 $0x1, s16  }
0x5e: {  	p0 =	sne.s32 s16, s10  }
.Ltmp2:
0x5f: {  	[tilespmem:s20+$0x6000] =	vst v0;
	(pc) =	sbr.rel @p0 .LBB2_1-.Ltmp2, $4  }
0x60: {  	[hbm4b:s9+s11] =	stream.strided.scatter [tilespmem:s15], [sflag:$0x1], $0x4000, s12, s11, $0x38;
	[tilespmem:$0x8000] =	vst v63  }
0x61: {  	_ =	swait.ge [sflag:s13], $0x4000  }
0x62: {  	[sflag:s13] =	ssyncset.done $0x0  }
0x63: {  	[sflag:s13] =	ssyncadd.s32 $0xFFFFC000  }
0x64: {  	_ =	sfence.sel $0x180000  }
0x65: {  	[bflag:$0x0] =	sbarrier.arrive $0xFFFF  }
0x66: {  	p0 =	sne.s32 s0, $0x0;
	_ =	strace $0x90000050  }
0x67: {  	s0 =	sadd.s32 @!p0 $0x100000, s1;
	[bflag:$0x2] =	sbarrier.arrive $0xFFFF  }
0x68: {  	[sflag:s0] =	ssyncadd.tile.s32 @!p0 $0x1;
	_ =	shalt  }
.Lfunc_end2:
_tile_overlayer_lowered:
.L_overlay_start_2:
0x69: {  	(tag) =	ssettag $0x2  }
0x6a: {  	s0 =	rddreg [dreg:$0x0];
	s2 =	stileid.u32  }
0x6b: {  	s1 =	rddreg [dreg:$0x1];
	p0 =	sne.s32 s2, $0x0  }
0x6c: {  	s3 =	rddreg [dreg:$0x2];
	[bflag:$0x3] =	sbarrier.arrive $0xFFFF;
	s2 =	simm.s32 @!p0 $0x1C01  }
0x6d: {  	[timem:s3], [sflag:s2] =	dma.local @!p0 [hbm:s0], s1  }
0x6e: {  	s0 =	simm.s32 @!p0 $0x1  }
0x6f: {  	_ =	swait.ge @!p0 [sflag:s0], s1  }
0x70: {  	s1 =	ssub.s32 @!p0 $0x0, s1;
	[sflag:s0] =	ssyncset.done @!p0 $0x0  }
0x71: {  	[sflag:s0] =	ssyncadd.s32 @!p0 s1  }
0x72: {  	[bflag:$0x3] =	sbarrier.arrive $0xFFFF  }
0x73: {  	_ =	shalt  }

</sc_bundles>
